<compile_context>
chip_gen: v7x
topology: tpu7x:2x2x1
jax: 0.10.2.dev20260603
libtpu: 0.0.44.dev20260713+nightly
codegen_flags: <defaults>
</compile_context>

<pallas_src>
import functools

import jax
import jax.numpy as jnp
from jax import lax
from jax.experimental import pallas as pl
from jax.experimental.pallas import tpu as pltpu
from jax.experimental.pallas import tpu_sc as plsc

EMB = 32
NROW = 1000000
NROWB = 999936
NTAIL = NROW - NROWB
BATCH = 16384
NUM_AGE = 7
NUM_GENDERS = 2
NUM_OCC = 21
NUM_GENRES = 18
HID = 128

_NC = 2
_NS = 16
_NW = _NC * _NS
_CHUNK = 128


_CP_STEPS = 42
_CP_L = NROWB // _CP_STEPS
_CP_R = 8 * _CP_L // 128
_TROW = 8 * NROWB


def _flatten_body(tblT_ref, out_ref):
    x = tblT_ref[...].reshape(8, _CP_L // 128, 128)
    out_ref[...] = x.swapaxes(0, 1).reshape(_CP_R, 128)


def _flatten(tableT):
    out = pl.pallas_call(
        _flatten_body,
        grid=(EMB // 8, _CP_STEPS),
        in_specs=[pl.BlockSpec((8, _CP_L), lambda tr, c: (tr, c))],
        out_specs=pl.BlockSpec(
            (_CP_R, 128), lambda tr, c: (tr * _CP_STEPS + c, 0)
        ),
        out_shape=jax.ShapeDtypeStruct((EMB * NROWB // 128, 128), jnp.float32),
    )(tableT)
    return out.reshape(EMB * NROWB)


def _gather_body(flat_hbm, idx_hbm, outT_hbm, idx_v, vals_v, sem):
    wid = lax.axis_index("s") * _NC + lax.axis_index("c")
    pltpu.sync_copy(idx_hbm.at[wid], idx_v)
    copies = [
        pltpu.async_copy(
            flat_hbm.at[idx_v.at[pl.ds(j * _CHUNK, _CHUNK)]],
            vals_v.at[pl.ds(j * _CHUNK, _CHUNK)],
            sem,
        )
        for j in range(BATCH // _CHUNK)
    ]
    for c in copies:
        c.wait()
    pltpu.sync_copy(vals_v, outT_hbm.at[wid])


def _movie_gather(flat, idx_elems):
    mesh = plsc.VectorSubcoreMesh(core_axis_name="c", subcore_axis_name="s")
    k = pl.kernel(
        _gather_body,
        mesh=mesh,
        out_type=jax.ShapeDtypeStruct((EMB, BATCH), jnp.float32),
        scratch_types=[
            pltpu.VMEM((BATCH,), jnp.int32),
            pltpu.VMEM((BATCH,), jnp.float32),
            pltpu.SemaphoreType.DMA,
        ],
    )
    return k(flat, idx_elems)


_B_BLK = 2048
_GRID = BATCH // _B_BLK


def _mlp_body(movT_ref, genT_ref, mvi_ref, age_ref, gdr_ref, occ_ref,
              tailt_ref, aget_ref, gdrt_ref, occt_ref, gw_ref, gb_ref,
              w1_ref, b1_ref, w2_ref, b2_ref, out_ref):
    f32 = jnp.float32
    W1 = w1_ref[...]
    Wa = W1[0:32]
    Wm = W1[32:64]
    Wg = W1[64:96]
    Wo = W1[96:128]
    Wgen = W1[128:160]

    def onehot_t(idx_row, n):
        iota = lax.broadcasted_iota(jnp.int32, (n, _B_BLK), 0)
        return (idx_row == iota).astype(f32)

    dot = functools.partial(jnp.dot, preferred_element_type=f32)

    def tdot(lhs_t, rhs):
        return lax.dot_general(
            lhs_t, rhs, (((0,), (0,)), ((), ())),
            preferred_element_type=f32,
        )

    mvi = mvi_ref[...]
    movT = jnp.where(mvi >= NROWB, 0.0, movT_ref[...])
    acc = tdot(movT, Wm)
    tail_iota = lax.broadcasted_iota(jnp.int32, (NTAIL, _B_BLK), 0)
    tail_oh = (mvi - NROWB == tail_iota).astype(f32)
    acc += tdot(tail_oh, dot(tailt_ref[...], Wm))
    acc += tdot(onehot_t(age_ref[...], NUM_AGE), dot(aget_ref[...], Wa))
    acc += tdot(onehot_t(gdr_ref[...], NUM_GENDERS), dot(gdrt_ref[...], Wg))
    acc += tdot(onehot_t(occ_ref[...], NUM_OCC), dot(occt_ref[...], Wo))
    acc += tdot(genT_ref[...], dot(gw_ref[...], Wgen))
    acc += dot(gb_ref[...], Wgen) + b1_ref[...]
    h = jnp.maximum(acc, 0.0)
    out_ref[...] = lax.dot_general(
        w2_ref[...], h, (((1,), (1,)), ((), ())),
        preferred_element_type=f32,
    ) + b2_ref[...]


def _mlp(movT, genresT, mvi_r, age_r, gdr_r, occ_r,
         tail_table, age_table, gender_table, occupation_table,
         genre_W, genre_b, fc1_W, fc1_b, fc2_W, fc2_b,
         interpret=False):
    row_spec = lambda d: pl.BlockSpec((d, _B_BLK), lambda i: (0, i))
    full_spec = lambda a, b: pl.BlockSpec((a, b), lambda i: (0, 0))
    out2 = pl.pallas_call(
        _mlp_body,
        grid=(_GRID,),
        in_specs=[
            row_spec(EMB),
            row_spec(NUM_GENRES),
            row_spec(1),
            row_spec(1),
            row_spec(1),
            row_spec(1),
            full_spec(NTAIL, EMB),
            full_spec(NUM_AGE, EMB),
            full_spec(NUM_GENDERS, EMB),
            full_spec(NUM_OCC, EMB),
            full_spec(NUM_GENRES, EMB),
            full_spec(1, EMB),
            full_spec(5 * EMB, HID),
            full_spec(1, HID),
            full_spec(1, HID),
            full_spec(1, 1),
        ],
        out_specs=pl.BlockSpec((1, _B_BLK), lambda i: (0, i)),
        out_shape=jax.ShapeDtypeStruct((1, BATCH), jnp.float32),
        interpret=interpret,
    )(movT, genresT, mvi_r, age_r, gdr_r, occ_r,
      tail_table, age_table, gender_table, occupation_table,
      genre_W, genre_b.reshape(1, EMB),
      fc1_W, fc1_b.reshape(1, HID), fc2_W.reshape(1, HID),
      fc2_b.reshape(1, 1))
    return out2.reshape(BATCH)


def kernel(age_group, movie, gender, occupation, genres,
           movie_table, gender_table, occupation_table, age_table,
           genre_W, genre_b, fc1_W, fc1_b, fc2_W, fc2_b):
    i32 = jnp.int32
    movie = movie.astype(i32)
    flat = _flatten(movie_table.T)
    movie_c = jnp.minimum(movie, NROWB - 1)
    dd = jnp.arange(EMB, dtype=i32)[:, None]
    jj = movie_c[None, :]
    idx_elems = ((dd // 8) * _TROW + (jj // _CP_L) * (8 * _CP_L)
                 + ((jj % _CP_L) // 128) * 1024
                 + (dd % 8) * 128 + (jj % 128))
    movT = _movie_gather(flat, idx_elems)
    tail_table = lax.slice(movie_table, (NROWB, 0), (NROW, EMB))
    return _mlp(
        movT,
        genres.astype(jnp.float32).T,
        movie.reshape(1, BATCH),
        age_group.astype(i32).reshape(1, BATCH),
        gender.astype(i32).reshape(1, BATCH),
        occupation.astype(i32).reshape(1, BATCH),
        tail_table, age_table, gender_table, occupation_table,
        genre_W, genre_b, fc1_W, fc1_b, fc2_W, fc2_b,
    )

# --- scband reference (transcript-rebuilt; emitter-appended) ---
"""Pipeline reference for scband-federated-recommender-29437705846842 (READ-ONLY COPY).

The authoritative reference and input builder live on the scoring server;
editing this copy changes nothing except your own understanding.
"""

import jax, jax.numpy as jnp
import numpy as np

EMB = 32
NUM_MOVIES = 1000000
NUM_GENDERS = 2
NUM_OCC = 21
NUM_GENRES = 18
NUM_AGE = 7
BATCH = 16384


def setup_inputs(seed: int = 0) -> dict:
    key = jax.random.key(seed)
    ks = jax.random.split(key, 16)
    age_group = jax.random.randint(ks[0], (BATCH,), 0, NUM_AGE, dtype=jnp.int64 if jax.config.jax_enable_x64 else jnp.int32)
    movie = jax.random.randint(ks[1], (BATCH,), 0, NUM_MOVIES, dtype=jnp.int64 if jax.config.jax_enable_x64 else jnp.int32)
    gender = jax.random.randint(ks[2], (BATCH,), 0, NUM_GENDERS, dtype=jnp.int64 if jax.config.jax_enable_x64 else jnp.int32)
    occupation = jax.random.randint(ks[3], (BATCH,), 0, NUM_OCC, dtype=jnp.int64 if jax.config.jax_enable_x64 else jnp.int32)
    genres = jax.random.uniform(ks[4], (BATCH, NUM_GENRES), dtype=jnp.float32)
    movie_table = jax.random.normal(ks[5], (NUM_MOVIES, EMB), dtype=jnp.float32)
    gender_table = jax.random.normal(ks[6], (NUM_GENDERS, EMB), dtype=jnp.float32)
    occupation_table = jax.random.normal(ks[7], (NUM_OCC, EMB), dtype=jnp.float32)
    age_table = jax.random.normal(ks[8], (NUM_AGE, EMB), dtype=jnp.float32)
    genre_W = jax.random.normal(ks[9], (NUM_GENRES, EMB), dtype=jnp.float32) * (1.0 / np.sqrt(NUM_GENRES))
    genre_b = jnp.zeros((EMB,), dtype=jnp.float32)
    fc1_W = jax.random.normal(ks[10], (EMB * 5, 128), dtype=jnp.float32) * (1.0 / np.sqrt(EMB * 5))
    fc1_b = jnp.zeros((128,), dtype=jnp.float32)
    fc2_W = jax.random.normal(ks[11], (128, 1), dtype=jnp.float32) * (1.0 / np.sqrt(128))
    fc2_b = jnp.zeros((1,), dtype=jnp.float32)
    return {
        "age_group": age_group, "movie": movie, "gender": gender,
        "occupation": occupation, "genres": genres,
        "movie_table": movie_table, "gender_table": gender_table,
        "occupation_table": occupation_table, "age_table": age_table,
        "genre_W": genre_W, "genre_b": genre_b,
        "fc1_W": fc1_W, "fc1_b": fc1_b, "fc2_W": fc2_W, "fc2_b": fc2_b,
    }


def reference(age_group, movie, gender, occupation, genres,
              movie_table, gender_table, occupation_table, age_table,
              genre_W, genre_b, fc1_W, fc1_b, fc2_W, fc2_b):
    movie_emb = jnp.take(movie_table, movie, axis=0)
    gender_emb = jnp.take(gender_table, gender, axis=0)
    occupation_emb = jnp.take(occupation_table, occupation, axis=0)
    age_emb = jnp.take(age_table, age_group, axis=0)
    genre_emb = genres.astype(jnp.float32) @ genre_W + genre_b
    x = jnp.concatenate([age_emb, movie_emb, gender_emb, occupation_emb, genre_emb], axis=-1)
    x = jax.nn.relu(x @ fc1_W + fc1_b)
    rating = x @ fc2_W + fc2_b
    return jnp.squeeze(rating, axis=-1)

if __name__ == "__main__":
    import jax
    _d = setup_inputs()
    print(jax.jit(kernel)(*tuple(_d.values())))

</pallas_src>

<mosaic_0001>
#map = affine_map<(d0, d1) -> (0)>
#map1 = affine_map<(d0, d1) -> (0, 0)>
module attributes {stable_mosaic.version = 14 : i64} {
  func.func @_gather_body(%arg0: i32, %arg1: i32, %arg2: memref<31997952xf32, #tpu.memory_space<hbm>>, %arg3: memref<32x16384xi32, #tpu.memory_space<hbm>>, %arg4: memref<32x16384xf32, #tpu.memory_space<hbm>>, %arg5: memref<16384xi32, #tpu.memory_space<vmem>>, %arg6: memref<16384xf32, #tpu.memory_space<vmem>>, %arg7: memref<!tpu.dma_semaphore, #tpu.memory_space<semaphore_mem>>) attributes {dimension_semantics = [#tpu.dimension_semantics<core_parallel>, #tpu.dimension_semantics<subcore_parallel>], iteration_bounds = array<i64: 2, 16>, scalar_prefetch = 0 : i64, scratch_operands = 3 : i64, tpu.core_type = #tpu.core_type<sc_vector_subcore>, window_params = [{transform_indices = #map}, {transform_indices = #map1}, {transform_indices = #map1}]} {
    %mul3A = arith.constant 2 : i32
    %mul3A_0 = arith.muli %arg1, %mul3A : i32
    %add3A = arith.addi %mul3A_0, %arg0 : i32
    "tpu.region"() ({
      %run_scoped3A = tpu.sem_alloc : memref<!tpu.dma_semaphore, #tpu.memory_space<semaphore_mem>>
      %dma_start3A_1535 = arith.constant 0 : i32
      %dma_start3A_1536 = tpu.memref_slice %arg3[%add3A, %dma_start3A_1535] : memref<32x16384xi32, #tpu.memory_space<hbm>> -> memref<1x16384xi32, #tpu.memory_space<hbm>>
      %dma_start3A_1537 = tpu.memref_squeeze %dma_start3A_1536 : memref<1x16384xi32, #tpu.memory_space<hbm>> -> memref<16384xi32, #tpu.memory_space<hbm>>
      %dma_start3A_1538 = arith.constant 0 : i32
      %dma_start3A_1539 = tpu.memref_slice %arg3[%add3A, %dma_start3A_1538] : memref<32x16384xi32, #tpu.memory_space<hbm>> -> memref<1x16384xi32, #tpu.memory_space<hbm>>
      %dma_start3A_1540 = tpu.memref_squeeze %dma_start3A_1539 : memref<1x16384xi32, #tpu.memory_space<hbm>> -> memref<16384xi32, #tpu.memory_space<hbm>>
      tpu.enqueue_dma source(%dma_start3A_1540 : memref<16384xi32, #tpu.memory_space<hbm>>) target(%arg5 : memref<16384xi32, #tpu.memory_space<vmem>>) target_semaphore(%run_scoped3A : memref<!tpu.dma_semaphore, #tpu.memory_space<semaphore_mem>>)
      %dma_wait3A_1541 = arith.constant 0 : i32
      %dma_wait3A_1542 = tpu.memref_slice %arg3[%add3A, %dma_wait3A_1541] : memref<32x16384xi32, #tpu.memory_space<hbm>> -> memref<1x16384xi32, #tpu.memory_space<hbm>>
      %dma_wait3A_1543 = tpu.memref_squeeze %dma_wait3A_1542 : memref<1x16384xi32, #tpu.memory_space<hbm>> -> memref<16384xi32, #tpu.memory_space<hbm>>
      %dma_wait3A_1544 = arith.constant 0 : i32
      %dma_wait3A_1545 = tpu.memref_slice %arg3[%add3A, %dma_wait3A_1544] : memref<32x16384xi32, #tpu.memory_space<hbm>> -> memref<1x16384xi32, #tpu.memory_space<hbm>>
      %dma_wait3A_1546 = tpu.memref_squeeze %dma_wait3A_1545 : memref<1x16384xi32, #tpu.memory_space<hbm>> -> memref<16384xi32, #tpu.memory_space<hbm>>
      tpu.wait_dma2 semaphore(%run_scoped3A : memref<!tpu.dma_semaphore, #tpu.memory_space<semaphore_mem>>) src(%dma_wait3A_1546 : memref<16384xi32, #tpu.memory_space<hbm>>) dst(%arg5 : memref<16384xi32, #tpu.memory_space<vmem>>)
      tpu.yield
    }) : () -> ()
    %dma_start3A = arith.constant 0 : i32
    %dma_start3A_1 = tpu.memref_slice %arg6[%dma_start3A] : memref<16384xf32, #tpu.memory_space<vmem>> -> memref<128xf32, #tpu.memory_space<vmem>>
    %dma_start3A_2 = arith.constant 0 : i32
    %dma_start3A_3 = tpu.memref_slice %arg5[%dma_start3A_2] : memref<16384xi32, #tpu.memory_space<vmem>> -> memref<128xi32, #tpu.memory_space<vmem>>
    %dma_start3A_4 = arith.constant 0 : i32
    %dma_start3A_5 = tpu.memref_slice %arg2[%dma_start3A_4] : memref<31997952xf32, #tpu.memory_space<hbm>> -> memref<31997952xf32, #tpu.memory_space<hbm>>
    tpu.enqueue_indirect_dma source(%dma_start3A_5 : memref<31997952xf32, #tpu.memory_space<hbm>>) target(%dma_start3A_1 : memref<128xf32, #tpu.memory_space<vmem>>) offsets(%dma_start3A_3 : memref<128xi32, #tpu.memory_space<vmem>>) semaphore(%arg7 : memref<!tpu.dma_semaphore, #tpu.memory_space<semaphore_mem>>)
    %dma_start3A_6 = arith.constant 128 : i32
    %dma_start3A_7 = tpu.memref_slice %arg6[%dma_start3A_6] : memref<16384xf32, #tpu.memory_space<vmem>> -> memref<128xf32, #tpu.memory_space<vmem>>
    %dma_start3A_8 = arith.constant 128 : i32
    %dma_start3A_9 = tpu.memref_slice %arg5[%dma_start3A_8] : memref<16384xi32, #tpu.memory_space<vmem>> -> memref<128xi32, #tpu.memory_space<vmem>>
    %dma_start3A_10 = arith.constant 0 : i32
    %dma_start3A_11 = tpu.memref_slice %arg2[%dma_start3A_10] : memref<31997952xf32, #tpu.memory_space<hbm>> -> memref<31997952xf32, #tpu.memory_space<hbm>>
    tpu.enqueue_indirect_dma source(%dma_start3A_11 : memref<31997952xf32, #tpu.memory_space<hbm>>) target(%dma_start3A_7 : memref<128xf32, #tpu.memory_space<vmem>>) offsets(%dma_start3A_9 : memref<128xi32, #tpu.memory_space<vmem>>) semaphore(%arg7 : memref<!tpu.dma_semaphore, #tpu.memory_space<semaphore_mem>>)
    %dma_start3A_12 = arith.constant 256 : i32
    %dma_start3A_13 = tpu.memref_slice %arg6[%dma_start3A_12] : memref<16384xf32, #tpu.memory_space<vmem>> -> memref<128xf32, #tpu.memory_space<vmem>>
    %dma_start3A_14 = arith.constant 256 : i32
    %dma_start3A_15 = tpu.memref_slice %arg5[%dma_start3A_14] : memref<16384xi32, #tpu.memory_space<vmem>> -> memref<128xi32, #tpu.memory_space<vmem>>
    %dma_start3A_16 = arith.constant 0 : i32
    %dma_start3A_17 = tpu.memref_slice %arg2[%dma_start3A_16] : memref<31997952xf32, #tpu.memory_space<hbm>> -> memref<31997952xf32, #tpu.memory_space<hbm>>
    tpu.enqueue_indirect_dma source(%dma_start3A_17 : memref<31997952xf32, #tpu.memory_space<hbm>>) target(%dma_start3A_13 : memref<128xf32, #tpu.memory_space<vmem>>) offsets(%dma_start3A_15 : memref<128xi32, #tpu.memory_space<vmem>>) semaphore(%arg7 : memref<!tpu.dma_semaphore, #tpu.memory_space<semaphore_mem>>)
    %dma_start3A_18 = arith.constant 384 : i32
    %dma_start3A_19 = tpu.memref_slice %arg6[%dma_start3A_18] : memref<16384xf32, #tpu.memory_space<vmem>> -> memref<128xf32, #tpu.memory_space<vmem>>
    %dma_start3A_20 = arith.constant 384 : i32
    %dma_start3A_21 = tpu.memref_slice %arg5[%dma_start3A_20] : memref<16384xi32, #tpu.memory_space<vmem>> -> memref<128xi32, #tpu.memory_space<vmem>>
    %dma_start3A_22 = arith.constant 0 : i32
    %dma_start3A_23 = tpu.memref_slice %arg2[%dma_start3A_22] : memref<31997952xf32, #tpu.memory_space<hbm>> -> memref<31997952xf32, #tpu.memory_space<hbm>>
    tpu.enqueue_indirect_dma source(%dma_start3A_23 : memref<31997952xf32, #tpu.memory_space<hbm>>) target(%dma_start3A_19 : memref<128xf32, #tpu.memory_space<vmem>>) offsets(%dma_start3A_21 : memref<128xi32, #tpu.memory_space<vmem>>) semaphore(%arg7 : memref<!tpu.dma_semaphore, #tpu.memory_space<semaphore_mem>>)
    %dma_start3A_24 = arith.constant 512 : i32
    %dma_start3A_25 = tpu.memref_slice %arg6[%dma_start3A_24] : memref<16384xf32, #tpu.memory_space<vmem>> -> memref<128xf32, #tpu.memory_space<vmem>>
    %dma_start3A_26 = arith.constant 512 : i32
    %dma_start3A_27 = tpu.memref_slice %arg5[%dma_start3A_26] : memref<16384xi32, #tpu.memory_space<vmem>> -> memref<128xi32, #tpu.memory_space<vmem>>
    %dma_start3A_28 = arith.constant 0 : i32
    %dma_start3A_29 = tpu.memref_slice %arg2[%dma_start3A_28] : memref<31997952xf32, #tpu.memory_space<hbm>> -> memref<31997952xf32, #tpu.memory_space<hbm>>
    tpu.enqueue_indirect_dma source(%dma_start3A_29 : memref<31997952xf32, #tpu.memory_space<hbm>>) target(%dma_start3A_25 : memref<128xf32, #tpu.memory_space<vmem>>) offsets(%dma_start3A_27 : memref<128xi32, #tpu.memory_space<vmem>>) semaphore(%arg7 : memref<!tpu.dma_semaphore, #tpu.memory_space<semaphore_mem>>)
    %dma_start3A_30 = arith.constant 640 : i32
    %dma_start3A_31 = tpu.memref_slice %arg6[%dma_start3A_30] : memref<16384xf32, #tpu.memory_space<vmem>> -> memref<128xf32, #tpu.memory_space<vmem>>
    %dma_start3A_32 = arith.constant 640 : i32
    %dma_start3A_33 = tpu.memref_slice %arg5[%dma_start3A_32] : memref<16384xi32, #tpu.memory_space<vmem>> -> memref<128xi32, #tpu.memory_space<vmem>>
    %dma_start3A_34 = arith.constant 0 : i32
    %dma_start3A_35 = tpu.memref_slice %arg2[%dma_start3A_34] : memref<31997952xf32, #tpu.memory_space<hbm>> -> memref<31997952xf32, #tpu.memory_space<hbm>>
    tpu.enqueue_indirect_dma source(%dma_start3A_35 : memref<31997952xf32, #tpu.memory_space<hbm>>) target(%dma_start3A_31 : memref<128xf32, #tpu.memory_space<vmem>>) offsets(%dma_start3A_33 : memref<128xi32, #tpu.memory_space<vmem>>) semaphore(%arg7 : memref<!tpu.dma_semaphore, #tpu.memory_space<semaphore_mem>>)
    %dma_start3A_36 = arith.constant 768 : i32
    %dma_start3A_37 = tpu.memref_slice %arg6[%dma_start3A_36] : memref<16384xf32, #tpu.memory_space<vmem>> -> memref<128xf32, #tpu.memory_space<vmem>>
    %dma_start3A_38 = arith.constant 768 : i32
    %dma_start3A_39 = tpu.memref_slice %arg5[%dma_start3A_38] : memref<16384xi32, #tpu.memory_space<vmem>> -> memref<128xi32, #tpu.memory_space<vmem>>
    %dma_start3A_40 = arith.constant 0 : i32
    %dma_start3A_41 = tpu.memref_slice %arg2[%dma_start3A_40] : memref<31997952xf32, #tpu.memory_space<hbm>> -> memref<31997952xf32, #tpu.memory_space<hbm>>
    tpu.enqueue_indirect_dma source(%dma_start3A_41 : memref<31997952xf32, #tpu.memory_space<hbm>>) target(%dma_start3A_37 : memref<128xf32, #tpu.memory_space<vmem>>) offsets(%dma_start3A_39 : memref<128xi32, #tpu.memory_space<vmem>>) semaphore(%arg7 : memref<!tpu.dma_semaphore, #tpu.memory_space<semaphore_mem>>)
    %dma_start3A_42 = arith.constant 896 : i32
    %dma_start3A_43 = tpu.memref_slice %arg6[%dma_start3A_42] : memref<16384xf32, #tpu.memory_space<vmem>> -> memref<128xf32, #tpu.memory_space<vmem>>
    %dma_start3A_44 = arith.constant 896 : i32
    %dma_start3A_45 = tpu.memref_slice %arg5[%dma_start3A_44] : memref<16384xi32, #tpu.memory_space<vmem>> -> memref<128xi32, #tpu.memory_space<vmem>>
    %dma_start3A_46 = arith.constant 0 : i32
    %dma_start3A_47 = tpu.memref_slice %arg2[%dma_start3A_46] : memref<31997952xf32, #tpu.memory_space<hbm>> -> memref<31997952xf32, #tpu.memory_space<hbm>>
    tpu.enqueue_indirect_dma source(%dma_start3A_47 : memref<31997952xf32, #tpu.memory_space<hbm>>) target(%dma_start3A_43 : memref<128xf32, #tpu.memory_space<vmem>>) offsets(%dma_start3A_45 : memref<128xi32, #tpu.memory_space<vmem>>) semaphore(%arg7 : memref<!tpu.dma_semaphore, #tpu.memory_space<semaphore_mem>>)
    %dma_start3A_48 = arith.constant 1024 : i32
    %dma_start3A_49 = tpu.memref_slice %arg6[%dma_start3A_48] : memref<16384xf32, #tpu.memory_space<vmem>> -> memref<128xf32, #tpu.memory_space<vmem>>
    %dma_start3A_50 = arith.constant 1024 : i32
    %dma_start3A_51 = tpu.memref_slice %arg5[%dma_start3A_50] : memref<16384xi32, #tpu.memory_space<vmem>> -> memref<128xi32, #tpu.memory_space<vmem>>
    %dma_start3A_52 = arith.constant 0 : i32
    %dma_start3A_53 = tpu.memref_slice %arg2[%dma_start3A_52] : memref<31997952xf32, #tpu.memory_space<hbm>> -> memref<31997952xf32, #tpu.memory_space<hbm>>
    tpu.enqueue_indirect_dma source(%dma_start3A_53 : memref<31997952xf32, #tpu.memory_space<hbm>>) target(%dma_start3A_49 : memref<128xf32, #tpu.memory_space<vmem>>) offsets(%dma_start3A_51 : memref<128xi32, #tpu.memory_space<vmem>>) semaphore(%arg7 : memref<!tpu.dma_semaphore, #tpu.memory_space<semaphore_mem>>)
    %dma_start3A_54 = arith.constant 1152 : i32
    %dma_start3A_55 = tpu.memref_slice %arg6[%dma_start3A_54] : memref<16384xf32, #tpu.memory_space<vmem>> -> memref<128xf32, #tpu.memory_space<vmem>>
    %dma_start3A_56 = arith.constant 1152 : i32
    %dma_start3A_57 = tpu.memref_slice %arg5[%dma_start3A_56] : memref<16384xi32, #tpu.memory_space<vmem>> -> memref<128xi32, #tpu.memory_space<vmem>>
    %dma_start3A_58 = arith.constant 0 : i32
    %dma_start3A_59 = tpu.memref_slice %arg2[%dma_start3A_58] : memref<31997952xf32, #tpu.memory_space<hbm>> -> memref<31997952xf32, #tpu.memory_space<hbm>>
    tpu.enqueue_indirect_dma source(%dma_start3A_59 : memref<31997952xf32, #tpu.memory_space<hbm>>) target(%dma_start3A_55 : memref<128xf32, #tpu.memory_space<vmem>>) offsets(%dma_start3A_57 : memref<128xi32, #tpu.memory_space<vmem>>) semaphore(%arg7 : memref<!tpu.dma_semaphore, #tpu.memory_space<semaphore_mem>>)
    %dma_start3A_60 = arith.constant 1280 : i32
    %dma_start3A_61 = tpu.memref_slice %arg6[%dma_start3A_60] : memref<16384xf32, #tpu.memory_space<vmem>> -> memref<128xf32, #tpu.memory_space<vmem>>
    %dma_start3A_62 = arith.constant 1280 : i32
    %dma_start3A_63 = tpu.memref_slice %arg5[%dma_start3A_62] : memref<16384xi32, #tpu.memory_space<vmem>> -> memref<128xi32, #tpu.memory_space<vmem>>
    %dma_start3A_64 = arith.constant 0 : i32
    %dma_start3A_65 = tpu.memref_slice %arg2[%dma_start3A_64] : memref<31997952xf32, #tpu.memory_space<hbm>> -> memref<31997952xf32, #tpu.memory_space<hbm>>
    tpu.enqueue_indirect_dma source(%dma_start3A_65 : memref<31997952xf32, #tpu.memory_space<hbm>>) target(%dma_start3A_61 : memref<128xf32, #tpu.memory_space<vmem>>) offsets(%dma_start3A_63 : memref<128xi32, #tpu.memory_space<vmem>>) semaphore(%arg7 : memref<!tpu.dma_semaphore, #tpu.memory_space<semaphore_mem>>)
    %dma_start3A_66 = arith.constant 1408 : i32
    %dma_start3A_67 = tpu.memref_slice %arg6[%dma_start3A_66] : memref<16384xf32, #tpu.memory_space<vmem>> -> memref<128xf32, #tpu.memory_space<vmem>>
    %dma_start3A_68 = arith.constant 1408 : i32
    %dma_start3A_69 = tpu.memref_slice %arg5[%dma_start3A_68] : memref<16384xi32, #tpu.memory_space<vmem>> -> memref<128xi32, #tpu.memory_space<vmem>>
    %dma_start3A_70 = arith.constant 0 : i32
    %dma_start3A_71 = tpu.memref_slice %arg2[%dma_start3A_70] : memref<31997952xf32, #tpu.memory_space<hbm>> -> memref<31997952xf32, #tpu.memory_space<hbm>>
    tpu.enqueue_indirect_dma source(%dma_start3A_71 : memref<31997952xf32, #tpu.memory_space<hbm>>) target(%dma_start3A_67 : memref<128xf32, #tpu.memory_space<vmem>>) offsets(%dma_start3A_69 : memref<128xi32, #tpu.memory_space<vmem>>) semaphore(%arg7 : memref<!tpu.dma_semaphore, #tpu.memory_space<semaphore_mem>>)
    %dma_start3A_72 = arith.constant 1536 : i32
    %dma_start3A_73 = tpu.memref_slice %arg6[%dma_start3A_72] : memref<16384xf32, #tpu.memory_space<vmem>> -> memref<128xf32, #tpu.memory_space<vmem>>
    %dma_start3A_74 = arith.constant 1536 : i32
    %dma_start3A_75 = tpu.memref_slice %arg5[%dma_start3A_74] : memref<16384xi32, #tpu.memory_space<vmem>> -> memref<128xi32, #tpu.memory_space<vmem>>
    %dma_start3A_76 = arith.constant 0 : i32
    %dma_start3A_77 = tpu.memref_slice %arg2[%dma_start3A_76] : memref<31997952xf32, #tpu.memory_space<hbm>> -> memref<31997952xf32, #tpu.memory_space<hbm>>
    tpu.enqueue_indirect_dma source(%dma_start3A_77 : memref<31997952xf32, #tpu.memory_space<hbm>>) target(%dma_start3A_73 : memref<128xf32, #tpu.memory_space<vmem>>) offsets(%dma_start3A_75 : memref<128xi32, #tpu.memory_space<vmem>>) semaphore(%arg7 : memref<!tpu.dma_semaphore, #tpu.memory_space<semaphore_mem>>)
    %dma_start3A_78 = arith.constant 1664 : i32
    %dma_start3A_79 = tpu.memref_slice %arg6[%dma_start3A_78] : memref<16384xf32, #tpu.memory_space<vmem>> -> memref<128xf32, #tpu.memory_space<vmem>>
    %dma_start3A_80 = arith.constant 1664 : i32
    %dma_start3A_81 = tpu.memref_slice %arg5[%dma_start3A_80] : memref<16384xi32, #tpu.memory_space<vmem>> -> memref<128xi32, #tpu.memory_space<vmem>>
    %dma_start3A_82 = arith.constant 0 : i32
    %dma_start3A_83 = tpu.memref_slice %arg2[%dma_start3A_82] : memref<31997952xf32, #tpu.memory_space<hbm>> -> memref<31997952xf32, #tpu.memory_space<hbm>>
    tpu.enqueue_indirect_dma source(%dma_start3A_83 : memref<31997952xf32, #tpu.memory_space<hbm>>) target(%dma_start3A_79 : memref<128xf32, #tpu.memory_space<vmem>>) offsets(%dma_start3A_81 : memref<128xi32, #tpu.memory_space<vmem>>) semaphore(%arg7 : memref<!tpu.dma_semaphore, #tpu.memory_space<semaphore_mem>>)
    %dma_start3A_84 = arith.constant 1792 : i32
    %dma_start3A_85 = tpu.memref_slice %arg6[%dma_start3A_84] : memref<16384xf32, #tpu.memory_space<vmem>> -> memref<128xf32, #tpu.memory_space<vmem>>
    %dma_start3A_86 = arith.constant 1792 : i32
    %dma_start3A_87 = tpu.memref_slice %arg5[%dma_start3A_86] : memref<16384xi32, #tpu.memory_space<vmem>> -> memref<128xi32, #tpu.memory_space<vmem>>
    %dma_start3A_88 = arith.constant 0 : i32
    %dma_start3A_89 = tpu.memref_slice %arg2[%dma_start3A_88] : memref<31997952xf32, #tpu.memory_space<hbm>> -> memref<31997952xf32, #tpu.memory_space<hbm>>
    tpu.enqueue_indirect_dma source(%dma_start3A_89 : memref<31997952xf32, #tpu.memory_space<hbm>>) target(%dma_start3A_85 : memref<128xf32, #tpu.memory_space<vmem>>) offsets(%dma_start3A_87 : memref<128xi32, #tpu.memory_space<vmem>>) semaphore(%arg7 : memref<!tpu.dma_semaphore, #tpu.memory_space<semaphore_mem>>)
    %dma_start3A_90 = arith.constant 1920 : i32
    %dma_start3A_91 = tpu.memref_slice %arg6[%dma_start3A_90] : memref<16384xf32, #tpu.memory_space<vmem>> -> memref<128xf32, #tpu.memory_space<vmem>>
    %dma_start3A_92 = arith.constant 1920 : i32
    %dma_start3A_93 = tpu.memref_slice %arg5[%dma_start3A_92] : memref<16384xi32, #tpu.memory_space<vmem>> -> memref<128xi32, #tpu.memory_space<vmem>>
    %dma_start3A_94 = arith.constant 0 : i32
    %dma_start3A_95 = tpu.memref_slice %arg2[%dma_start3A_94] : memref<31997952xf32, #tpu.memory_space<hbm>> -> memref<31997952xf32, #tpu.memory_space<hbm>>
    tpu.enqueue_indirect_dma source(%dma_start3A_95 : memref<31997952xf32, #tpu.memory_space<hbm>>) target(%dma_start3A_91 : memref<128xf32, #tpu.memory_space<vmem>>) offsets(%dma_start3A_93 : memref<128xi32, #tpu.memory_space<vmem>>) semaphore(%arg7 : memref<!tpu.dma_semaphore, #tpu.memory_space<semaphore_mem>>)
    %dma_start3A_96 = arith.constant 2048 : i32
    %dma_start3A_97 = tpu.memref_slice %arg6[%dma_start3A_96] : memref<16384xf32, #tpu.memory_space<vmem>> -> memref<128xf32, #tpu.memory_space<vmem>>
    %dma_start3A_98 = arith.constant 2048 : i32
    %dma_start3A_99 = tpu.memref_slice %arg5[%dma_start3A_98] : memref<16384xi32, #tpu.memory_space<vmem>> -> memref<128xi32, #tpu.memory_space<vmem>>
    %dma_start3A_100 = arith.constant 0 : i32
    %dma_start3A_101 = tpu.memref_slice %arg2[%dma_start3A_100] : memref<31997952xf32, #tpu.memory_space<hbm>> -> memref<31997952xf32, #tpu.memory_space<hbm>>
    tpu.enqueue_indirect_dma source(%dma_start3A_101 : memref<31997952xf32, #tpu.memory_space<hbm>>) target(%dma_start3A_97 : memref<128xf32, #tpu.memory_space<vmem>>) offsets(%dma_start3A_99 : memref<128xi32, #tpu.memory_space<vmem>>) semaphore(%arg7 : memref<!tpu.dma_semaphore, #tpu.memory_space<semaphore_mem>>)
    %dma_start3A_102 = arith.constant 2176 : i32
    %dma_start3A_103 = tpu.memref_slice %arg6[%dma_start3A_102] : memref<16384xf32, #tpu.memory_space<vmem>> -> memref<128xf32, #tpu.memory_space<vmem>>
    %dma_start3A_104 = arith.constant 2176 : i32
    %dma_start3A_105 = tpu.memref_slice %arg5[%dma_start3A_104] : memref<16384xi32, #tpu.memory_space<vmem>> -> memref<128xi32, #tpu.memory_space<vmem>>
    %dma_start3A_106 = arith.constant 0 : i32
    %dma_start3A_107 = tpu.memref_slice %arg2[%dma_start3A_106] : memref<31997952xf32, #tpu.memory_space<hbm>> -> memref<31997952xf32, #tpu.memory_space<hbm>>
    tpu.enqueue_indirect_dma source(%dma_start3A_107 : memref<31997952xf32, #tpu.memory_space<hbm>>) target(%dma_start3A_103 : memref<128xf32, #tpu.memory_space<vmem>>) offsets(%dma_start3A_105 : memref<128xi32, #tpu.memory_space<vmem>>) semaphore(%arg7 : memref<!tpu.dma_semaphore, #tpu.memory_space<semaphore_mem>>)
    %dma_start3A_108 = arith.constant 2304 : i32
    %dma_start3A_109 = tpu.memref_slice %arg6[%dma_start3A_108] : memref<16384xf32, #tpu.memory_space<vmem>> -> memref<128xf32, #tpu.memory_space<vmem>>
    %dma_start3A_110 = arith.constant 2304 : i32
    %dma_start3A_111 = tpu.memref_slice %arg5[%dma_start3A_110] : memref<16384xi32, #tpu.memory_space<vmem>> -> memref<128xi32, #tpu.memory_space<vmem>>
    %dma_start3A_112 = arith.constant 0 : i32
    %dma_start3A_113 = tpu.memref_slice %arg2[%dma_start3A_112] : memref<31997952xf32, #tpu.memory_space<hbm>> -> memref<31997952xf32, #tpu.memory_space<hbm>>
    tpu.enqueue_indirect_dma source(%dma_start3A_113 : memref<31997952xf32, #tpu.memory_space<hbm>>) target(%dma_start3A_109 : memref<128xf32, #tpu.memory_space<vmem>>) offsets(%dma_start3A_111 : memref<128xi32, #tpu.memory_space<vmem>>) semaphore(%arg7 : memref<!tpu.dma_semaphore, #tpu.memory_space<semaphore_mem>>)
    %dma_start3A_114 = arith.constant 2432 : i32
    %dma_start3A_115 = tpu.memref_slice %arg6[%dma_start3A_114] : memref<16384xf32, #tpu.memory_space<vmem>> -> memref<128xf32, #tpu.memory_space<vmem>>
    %dma_start3A_116 = arith.constant 2432 : i32
    %dma_start3A_117 = tpu.memref_slice %arg5[%dma_start3A_116] : memref<16384xi32, #tpu.memory_space<vmem>> -> memref<128xi32, #tpu.memory_space<vmem>>
    %dma_start3A_118 = arith.constant 0 : i32
    %dma_start3A_119 = tpu.memref_slice %arg2[%dma_start3A_118] : memref<31997952xf32, #tpu.memory_space<hbm>> -> memref<31997952xf32, #tpu.memory_space<hbm>>
    tpu.enqueue_indirect_dma source(%dma_start3A_119 : memref<31997952xf32, #tpu.memory_space<hbm>>) target(%dma_start3A_115 : memref<128xf32, #tpu.memory_space<vmem>>) offsets(%dma_start3A_117 : memref<128xi32, #tpu.memory_space<vmem>>) semaphore(%arg7 : memref<!tpu.dma_semaphore, #tpu.memory_space<semaphore_mem>>)
    %dma_start3A_120 = arith.constant 2560 : i32
    %dma_start3A_121 = tpu.memref_slice %arg6[%dma_start3A_120] : memref<16384xf32, #tpu.memory_space<vmem>> -> memref<128xf32, #tpu.memory_space<vmem>>
    %dma_start3A_122 = arith.constant 2560 : i32
    %dma_start3A_123 = tpu.memref_slice %arg5[%dma_start3A_122] : memref<16384xi32, #tpu.memory_space<vmem>> -> memref<128xi32, #tpu.memory_space<vmem>>
    %dma_start3A_124 = arith.constant 0 : i32
    %dma_start3A_125 = tpu.memref_slice %arg2[%dma_start3A_124] : memref<31997952xf32, #tpu.memory_space<hbm>> -> memref<31997952xf32, #tpu.memory_space<hbm>>
    tpu.enqueue_indirect_dma source(%dma_start3A_125 : memref<31997952xf32, #tpu.memory_space<hbm>>) target(%dma_start3A_121 : memref<128xf32, #tpu.memory_space<vmem>>) offsets(%dma_start3A_123 : memref<128xi32, #tpu.memory_space<vmem>>) semaphore(%arg7 : memref<!tpu.dma_semaphore, #tpu.memory_space<semaphore_mem>>)
    %dma_start3A_126 = arith.constant 2688 : i32
    %dma_start3A_127 = tpu.memref_slice %arg6[%dma_start3A_126] : memref<16384xf32, #tpu.memory_space<vmem>> -> memref<128xf32, #tpu.memory_space<vmem>>
    %dma_start3A_128 = arith.constant 2688 : i32
    %dma_start3A_129 = tpu.memref_slice %arg5[%dma_start3A_128] : memref<16384xi32, #tpu.memory_space<vmem>> -> memref<128xi32, #tpu.memory_space<vmem>>
    %dma_start3A_130 = arith.constant 0 : i32
    %dma_start3A_131 = tpu.memref_slice %arg2[%dma_start3A_130] : memref<31997952xf32, #tpu.memory_space<hbm>> -> memref<31997952xf32, #tpu.memory_space<hbm>>
    tpu.enqueue_indirect_dma source(%dma_start3A_131 : memref<31997952xf32, #tpu.memory_space<hbm>>) target(%dma_start3A_127 : memref<128xf32, #tpu.memory_space<vmem>>) offsets(%dma_start3A_129 : memref<128xi32, #tpu.memory_space<vmem>>) semaphore(%arg7 : memref<!tpu.dma_semaphore, #tpu.memory_space<semaphore_mem>>)
    %dma_start3A_132 = arith.constant 2816 : i32
    %dma_start3A_133 = tpu.memref_slice %arg6[%dma_start3A_132] : memref<16384xf32, #tpu.memory_space<vmem>> -> memref<128xf32, #tpu.memory_space<vmem>>
    %dma_start3A_134 = arith.constant 2816 : i32
    %dma_start3A_135 = tpu.memref_slice %arg5[%dma_start3A_134] : memref<16384xi32, #tpu.memory_space<vmem>> -> memref<128xi32, #tpu.memory_space<vmem>>
    %dma_start3A_136 = arith.constant 0 : i32
    %dma_start3A_137 = tpu.memref_slice %arg2[%dma_start3A_136] : memref<31997952xf32, #tpu.memory_space<hbm>> -> memref<31997952xf32, #tpu.memory_space<hbm>>
    tpu.enqueue_indirect_dma source(%dma_start3A_137 : memref<31997952xf32, #tpu.memory_space<hbm>>) target(%dma_start3A_133 : memref<128xf32, #tpu.memory_space<vmem>>) offsets(%dma_start3A_135 : memref<128xi32, #tpu.memory_space<vmem>>) semaphore(%arg7 : memref<!tpu.dma_semaphore, #tpu.memory_space<semaphore_mem>>)
    %dma_start3A_138 = arith.constant 2944 : i32
    %dma_start3A_139 = tpu.memref_slice %arg6[%dma_start3A_138] : memref<16384xf32, #tpu.memory_space<vmem>> -> memref<128xf32, #tpu.memory_space<vmem>>
    %dma_start3A_140 = arith.constant 2944 : i32
    %dma_start3A_141 = tpu.memref_slice %arg5[%dma_start3A_140] : memref<16384xi32, #tpu.memory_space<vmem>> -> memref<128xi32, #tpu.memory_space<vmem>>
    %dma_start3A_142 = arith.constant 0 : i32
    %dma_start3A_143 = tpu.memref_slice %arg2[%dma_start3A_142] : memref<31997952xf32, #tpu.memory_space<hbm>> -> memref<31997952xf32, #tpu.memory_space<hbm>>
    tpu.enqueue_indirect_dma source(%dma_start3A_143 : memref<31997952xf32, #tpu.memory_space<hbm>>) target(%dma_start3A_139 : memref<128xf32, #tpu.memory_space<vmem>>) offsets(%dma_start3A_141 : memref<128xi32, #tpu.memory_space<vmem>>) semaphore(%arg7 : memref<!tpu.dma_semaphore, #tpu.memory_space<semaphore_mem>>)
    %dma_start3A_144 = arith.constant 3072 : i32
    %dma_start3A_145 = tpu.memref_slice %arg6[%dma_start3A_144] : memref<16384xf32, #tpu.memory_space<vmem>> -> memref<128xf32, #tpu.memory_space<vmem>>
    %dma_start3A_146 = arith.constant 3072 : i32
    %dma_start3A_147 = tpu.memref_slice %arg5[%dma_start3A_146] : memref<16384xi32, #tpu.memory_space<vmem>> -> memref<128xi32, #tpu.memory_space<vmem>>
    %dma_start3A_148 = arith.constant 0 : i32
    %dma_start3A_149 = tpu.memref_slice %arg2[%dma_start3A_148] : memref<31997952xf32, #tpu.memory_space<hbm>> -> memref<31997952xf32, #tpu.memory_space<hbm>>
    tpu.enqueue_indirect_dma source(%dma_start3A_149 : memref<31997952xf32, #tpu.memory_space<hbm>>) target(%dma_start3A_145 : memref<128xf32, #tpu.memory_space<vmem>>) offsets(%dma_start3A_147 : memref<128xi32, #tpu.memory_space<vmem>>) semaphore(%arg7 : memref<!tpu.dma_semaphore, #tpu.memory_space<semaphore_mem>>)
    %dma_start3A_150 = arith.constant 3200 : i32
    %dma_start3A_151 = tpu.memref_slice %arg6[%dma_start3A_150] : memref<16384xf32, #tpu.memory_space<vmem>> -> memref<128xf32, #tpu.memory_space<vmem>>
    %dma_start3A_152 = arith.constant 3200 : i32
    %dma_start3A_153 = tpu.memref_slice %arg5[%dma_start3A_152] : memref<16384xi32, #tpu.memory_space<vmem>> -> memref<128xi32, #tpu.memory_space<vmem>>
    %dma_start3A_154 = arith.constant 0 : i32
    %dma_start3A_155 = tpu.memref_slice %arg2[%dma_start3A_154] : memref<31997952xf32, #tpu.memory_space<hbm>> -> memref<31997952xf32, #tpu.memory_space<hbm>>
    tpu.enqueue_indirect_dma source(%dma_start3A_155 : memref<31997952xf32, #tpu.memory_space<hbm>>) target(%dma_start3A_151 : memref<128xf32, #tpu.memory_space<vmem>>) offsets(%dma_start3A_153 : memref<128xi32, #tpu.memory_space<vmem>>) semaphore(%arg7 : memref<!tpu.dma_semaphore, #tpu.memory_space<semaphore_mem>>)
    %dma_start3A_156 = arith.constant 3328 : i32
    %dma_start3A_157 = tpu.memref_slice %arg6[%dma_start3A_156] : memref<16384xf32, #tpu.memory_space<vmem>> -> memref<128xf32, #tpu.memory_space<vmem>>
    %dma_start3A_158 = arith.constant 3328 : i32
    %dma_start3A_159 = tpu.memref_slice %arg5[%dma_start3A_158] : memref<16384xi32, #tpu.memory_space<vmem>> -> memref<128xi32, #tpu.memory_space<vmem>>
    %dma_start3A_160 = arith.constant 0 : i32
    %dma_start3A_161 = tpu.memref_slice %arg2[%dma_start3A_160] : memref<31997952xf32, #tpu.memory_space<hbm>> -> memref<31997952xf32, #tpu.memory_space<hbm>>
    tpu.enqueue_indirect_dma source(%dma_start3A_161 : memref<31997952xf32, #tpu.memory_space<hbm>>) target(%dma_start3A_157 : memref<128xf32, #tpu.memory_space<vmem>>) offsets(%dma_start3A_159 : memref<128xi32, #tpu.memory_space<vmem>>) semaphore(%arg7 : memref<!tpu.dma_semaphore, #tpu.memory_space<semaphore_mem>>)
    %dma_start3A_162 = arith.constant 3456 : i32
    %dma_start3A_163 = tpu.memref_slice %arg6[%dma_start3A_162] : memref<16384xf32, #tpu.memory_space<vmem>> -> memref<128xf32, #tpu.memory_space<vmem>>
    %dma_start3A_164 = arith.constant 3456 : i32
    %dma_start3A_165 = tpu.memref_slice %arg5[%dma_start3A_164] : memref<16384xi32, #tpu.memory_space<vmem>> -> memref<128xi32, #tpu.memory_space<vmem>>
    %dma_start3A_166 = arith.constant 0 : i32
    %dma_start3A_167 = tpu.memref_slice %arg2[%dma_start3A_166] : memref<31997952xf32, #tpu.memory_space<hbm>> -> memref<31997952xf32, #tpu.memory_space<hbm>>
    tpu.enqueue_indirect_dma source(%dma_start3A_167 : memref<31997952xf32, #tpu.memory_space<hbm>>) target(%dma_start3A_163 : memref<128xf32, #tpu.memory_space<vmem>>) offsets(%dma_start3A_165 : memref<128xi32, #tpu.memory_space<vmem>>) semaphore(%arg7 : memref<!tpu.dma_semaphore, #tpu.memory_space<semaphore_mem>>)
    %dma_start3A_168 = arith.constant 3584 : i32
    %dma_start3A_169 = tpu.memref_slice %arg6[%dma_start3A_168] : memref<16384xf32, #tpu.memory_space<vmem>> -> memref<128xf32, #tpu.memory_space<vmem>>
    %dma_start3A_170 = arith.constant 3584 : i32
    %dma_start3A_171 = tpu.memref_slice %arg5[%dma_start3A_170] : memref<16384xi32, #tpu.memory_space<vmem>> -> memref<128xi32, #tpu.memory_space<vmem>>
    %dma_start3A_172 = arith.constant 0 : i32
    %dma_start3A_173 = tpu.memref_slice %arg2[%dma_start3A_172] : memref<31997952xf32, #tpu.memory_space<hbm>> -> memref<31997952xf32, #tpu.memory_space<hbm>>
    tpu.enqueue_indirect_dma source(%dma_start3A_173 : memref<31997952xf32, #tpu.memory_space<hbm>>) target(%dma_start3A_169 : memref<128xf32, #tpu.memory_space<vmem>>) offsets(%dma_start3A_171 : memref<128xi32, #tpu.memory_space<vmem>>) semaphore(%arg7 : memref<!tpu.dma_semaphore, #tpu.memory_space<semaphore_mem>>)
    %dma_start3A_174 = arith.constant 3712 : i32
    %dma_start3A_175 = tpu.memref_slice %arg6[%dma_start3A_174] : memref<16384xf32, #tpu.memory_space<vmem>> -> memref<128xf32, #tpu.memory_space<vmem>>
    %dma_start3A_176 = arith.constant 3712 : i32
    %dma_start3A_177 = tpu.memref_slice %arg5[%dma_start3A_176] : memref<16384xi32, #tpu.memory_space<vmem>> -> memref<128xi32, #tpu.memory_space<vmem>>
    %dma_start3A_178 = arith.constant 0 : i32
    %dma_start3A_179 = tpu.memref_slice %arg2[%dma_start3A_178] : memref<31997952xf32, #tpu.memory_space<hbm>> -> memref<31997952xf32, #tpu.memory_space<hbm>>
    tpu.enqueue_indirect_dma source(%dma_start3A_179 : memref<31997952xf32, #tpu.memory_space<hbm>>) target(%dma_start3A_175 : memref<128xf32, #tpu.memory_space<vmem>>) offsets(%dma_start3A_177 : memref<128xi32, #tpu.memory_space<vmem>>) semaphore(%arg7 : memref<!tpu.dma_semaphore, #tpu.memory_space<semaphore_mem>>)
    %dma_start3A_180 = arith.constant 3840 : i32
    %dma_start3A_181 = tpu.memref_slice %arg6[%dma_start3A_180] : memref<16384xf32, #tpu.memory_space<vmem>> -> memref<128xf32, #tpu.memory_space<vmem>>
    %dma_start3A_182 = arith.constant 3840 : i32
    %dma_start3A_183 = tpu.memref_slice %arg5[%dma_start3A_182] : memref<16384xi32, #tpu.memory_space<vmem>> -> memref<128xi32, #tpu.memory_space<vmem>>
    %dma_start3A_184 = arith.constant 0 : i32
    %dma_start3A_185 = tpu.memref_slice %arg2[%dma_start3A_184] : memref<31997952xf32, #tpu.memory_space<hbm>> -> memref<31997952xf32, #tpu.memory_space<hbm>>
    tpu.enqueue_indirect_dma source(%dma_start3A_185 : memref<31997952xf32, #tpu.memory_space<hbm>>) target(%dma_start3A_181 : memref<128xf32, #tpu.memory_space<vmem>>) offsets(%dma_start3A_183 : memref<128xi32, #tpu.memory_space<vmem>>) semaphore(%arg7 : memref<!tpu.dma_semaphore, #tpu.memory_space<semaphore_mem>>)
    %dma_start3A_186 = arith.constant 3968 : i32
    %dma_start3A_187 = tpu.memref_slice %arg6[%dma_start3A_186] : memref<16384xf32, #tpu.memory_space<vmem>> -> memref<128xf32, #tpu.memory_space<vmem>>
    %dma_start3A_188 = arith.constant 3968 : i32
    %dma_start3A_189 = tpu.memref_slice %arg5[%dma_start3A_188] : memref<16384xi32, #tpu.memory_space<vmem>> -> memref<128xi32, #tpu.memory_space<vmem>>
    %dma_start3A_190 = arith.constant 0 : i32
    %dma_start3A_191 = tpu.memref_slice %arg2[%dma_start3A_190] : memref<31997952xf32, #tpu.memory_space<hbm>> -> memref<31997952xf32, #tpu.memory_space<hbm>>
    tpu.enqueue_indirect_dma source(%dma_start3A_191 : memref<31997952xf32, #tpu.memory_space<hbm>>) target(%dma_start3A_187 : memref<128xf32, #tpu.memory_space<vmem>>) offsets(%dma_start3A_189 : memref<128xi32, #tpu.memory_space<vmem>>) semaphore(%arg7 : memref<!tpu.dma_semaphore, #tpu.memory_space<semaphore_mem>>)
    %dma_start3A_192 = arith.constant 4096 : i32
    %dma_start3A_193 = tpu.memref_slice %arg6[%dma_start3A_192] : memref<16384xf32, #tpu.memory_space<vmem>> -> memref<128xf32, #tpu.memory_space<vmem>>
    %dma_start3A_194 = arith.constant 4096 : i32
    %dma_start3A_195 = tpu.memref_slice %arg5[%dma_start3A_194] : memref<16384xi32, #tpu.memory_space<vmem>> -> memref<128xi32, #tpu.memory_space<vmem>>
    %dma_start3A_196 = arith.constant 0 : i32
    %dma_start3A_197 = tpu.memref_slice %arg2[%dma_start3A_196] : memref<31997952xf32, #tpu.memory_space<hbm>> -> memref<31997952xf32, #tpu.memory_space<hbm>>
    tpu.enqueue_indirect_dma source(%dma_start3A_197 : memref<31997952xf32, #tpu.memory_space<hbm>>) target(%dma_start3A_193 : memref<128xf32, #tpu.memory_space<vmem>>) offsets(%dma_start3A_195 : memref<128xi32, #tpu.memory_space<vmem>>) semaphore(%arg7 : memref<!tpu.dma_semaphore, #tpu.memory_space<semaphore_mem>>)
    %dma_start3A_198 = arith.constant 4224 : i32
    %dma_start3A_199 = tpu.memref_slice %arg6[%dma_start3A_198] : memref<16384xf32, #tpu.memory_space<vmem>> -> memref<128xf32, #tpu.memory_space<vmem>>
    %dma_start3A_200 = arith.constant 4224 : i32
    %dma_start3A_201 = tpu.memref_slice %arg5[%dma_start3A_200] : memref<16384xi32, #tpu.memory_space<vmem>> -> memref<128xi32, #tpu.memory_space<vmem>>
    %dma_start3A_202 = arith.constant 0 : i32
    %dma_start3A_203 = tpu.memref_slice %arg2[%dma_start3A_202] : memref<31997952xf32, #tpu.memory_space<hbm>> -> memref<31997952xf32, #tpu.memory_space<hbm>>
    tpu.enqueue_indirect_dma source(%dma_start3A_203 : memref<31997952xf32, #tpu.memory_space<hbm>>) target(%dma_start3A_199 : memref<128xf32, #tpu.memory_space<vmem>>) offsets(%dma_start3A_201 : memref<128xi32, #tpu.memory_space<vmem>>) semaphore(%arg7 : memref<!tpu.dma_semaphore, #tpu.memory_space<semaphore_mem>>)
    %dma_start3A_204 = arith.constant 4352 : i32
    %dma_start3A_205 = tpu.memref_slice %arg6[%dma_start3A_204] : memref<16384xf32, #tpu.memory_space<vmem>> -> memref<128xf32, #tpu.memory_space<vmem>>
    %dma_start3A_206 = arith.constant 4352 : i32
    %dma_start3A_207 = tpu.memref_slice %arg5[%dma_start3A_206] : memref<16384xi32, #tpu.memory_space<vmem>> -> memref<128xi32, #tpu.memory_space<vmem>>
    %dma_start3A_208 = arith.constant 0 : i32
    %dma_start3A_209 = tpu.memref_slice %arg2[%dma_start3A_208] : memref<31997952xf32, #tpu.memory_space<hbm>> -> memref<31997952xf32, #tpu.memory_space<hbm>>
    tpu.enqueue_indirect_dma source(%dma_start3A_209 : memref<31997952xf32, #tpu.memory_space<hbm>>) target(%dma_start3A_205 : memref<128xf32, #tpu.memory_space<vmem>>) offsets(%dma_start3A_207 : memref<128xi32, #tpu.memory_space<vmem>>) semaphore(%arg7 : memref<!tpu.dma_semaphore, #tpu.memory_space<semaphore_mem>>)
    %dma_start3A_210 = arith.constant 4480 : i32
    %dma_start3A_211 = tpu.memref_slice %arg6[%dma_start3A_210] : memref<16384xf32, #tpu.memory_space<vmem>> -> memref<128xf32, #tpu.memory_space<vmem>>
    %dma_start3A_212 = arith.constant 4480 : i32
    %dma_start3A_213 = tpu.memref_slice %arg5[%dma_start3A_212] : memref<16384xi32, #tpu.memory_space<vmem>> -> memref<128xi32, #tpu.memory_space<vmem>>
    %dma_start3A_214 = arith.constant 0 : i32
    %dma_start3A_215 = tpu.memref_slice %arg2[%dma_start3A_214] : memref<31997952xf32, #tpu.memory_space<hbm>> -> memref<31997952xf32, #tpu.memory_space<hbm>>
    tpu.enqueue_indirect_dma source(%dma_start3A_215 : memref<31997952xf32, #tpu.memory_space<hbm>>) target(%dma_start3A_211 : memref<128xf32, #tpu.memory_space<vmem>>) offsets(%dma_start3A_213 : memref<128xi32, #tpu.memory_space<vmem>>) semaphore(%arg7 : memref<!tpu.dma_semaphore, #tpu.memory_space<semaphore_mem>>)
    %dma_start3A_216 = arith.constant 4608 : i32
    %dma_start3A_217 = tpu.memref_slice %arg6[%dma_start3A_216] : memref<16384xf32, #tpu.memory_space<vmem>> -> memref<128xf32, #tpu.memory_space<vmem>>
    %dma_start3A_218 = arith.constant 4608 : i32
    %dma_start3A_219 = tpu.memref_slice %arg5[%dma_start3A_218] : memref<16384xi32, #tpu.memory_space<vmem>> -> memref<128xi32, #tpu.memory_space<vmem>>
    %dma_start3A_220 = arith.constant 0 : i32
    %dma_start3A_221 = tpu.memref_slice %arg2[%dma_start3A_220] : memref<31997952xf32, #tpu.memory_space<hbm>> -> memref<31997952xf32, #tpu.memory_space<hbm>>
    tpu.enqueue_indirect_dma source(%dma_start3A_221 : memref<31997952xf32, #tpu.memory_space<hbm>>) target(%dma_start3A_217 : memref<128xf32, #tpu.memory_space<vmem>>) offsets(%dma_start3A_219 : memref<128xi32, #tpu.memory_space<vmem>>) semaphore(%arg7 : memref<!tpu.dma_semaphore, #tpu.memory_space<semaphore_mem>>)
    %dma_start3A_222 = arith.constant 4736 : i32
    %dma_start3A_223 = tpu.memref_slice %arg6[%dma_start3A_222] : memref<16384xf32, #tpu.memory_space<vmem>> -> memref<128xf32, #tpu.memory_space<vmem>>
    %dma_start3A_224 = arith.constant 4736 : i32
    %dma_start3A_225 = tpu.memref_slice %arg5[%dma_start3A_224] : memref<16384xi32, #tpu.memory_space<vmem>> -> memref<128xi32, #tpu.memory_space<vmem>>
    %dma_start3A_226 = arith.constant 0 : i32
    %dma_start3A_227 = tpu.memref_slice %arg2[%dma_start3A_226] : memref<31997952xf32, #tpu.memory_space<hbm>> -> memref<31997952xf32, #tpu.memory_space<hbm>>
    tpu.enqueue_indirect_dma source(%dma_start3A_227 : memref<31997952xf32, #tpu.memory_space<hbm>>) target(%dma_start3A_223 : memref<128xf32, #tpu.memory_space<vmem>>) offsets(%dma_start3A_225 : memref<128xi32, #tpu.memory_space<vmem>>) semaphore(%arg7 : memref<!tpu.dma_semaphore, #tpu.memory_space<semaphore_mem>>)
    %dma_start3A_228 = arith.constant 4864 : i32
    %dma_start3A_229 = tpu.memref_slice %arg6[%dma_start3A_228] : memref<16384xf32, #tpu.memory_space<vmem>> -> memref<128xf32, #tpu.memory_space<vmem>>
    %dma_start3A_230 = arith.constant 4864 : i32
    %dma_start3A_231 = tpu.memref_slice %arg5[%dma_start3A_230] : memref<16384xi32, #tpu.memory_space<vmem>> -> memref<128xi32, #tpu.memory_space<vmem>>
    %dma_start3A_232 = arith.constant 0 : i32
    %dma_start3A_233 = tpu.memref_slice %arg2[%dma_start3A_232] : memref<31997952xf32, #tpu.memory_space<hbm>> -> memref<31997952xf32, #tpu.memory_space<hbm>>
    tpu.enqueue_indirect_dma source(%dma_start3A_233 : memref<31997952xf32, #tpu.memory_space<hbm>>) target(%dma_start3A_229 : memref<128xf32, #tpu.memory_space<vmem>>) offsets(%dma_start3A_231 : memref<128xi32, #tpu.memory_space<vmem>>) semaphore(%arg7 : memref<!tpu.dma_semaphore, #tpu.memory_space<semaphore_mem>>)
    %dma_start3A_234 = arith.constant 4992 : i32
    %dma_start3A_235 = tpu.memref_slice %arg6[%dma_start3A_234] : memref<16384xf32, #tpu.memory_space<vmem>> -> memref<128xf32, #tpu.memory_space<vmem>>
    %dma_start3A_236 = arith.constant 4992 : i32
    %dma_start3A_237 = tpu.memref_slice %arg5[%dma_start3A_236] : memref<16384xi32, #tpu.memory_space<vmem>> -> memref<128xi32, #tpu.memory_space<vmem>>
    %dma_start3A_238 = arith.constant 0 : i32
    %dma_start3A_239 = tpu.memref_slice %arg2[%dma_start3A_238] : memref<31997952xf32, #tpu.memory_space<hbm>> -> memref<31997952xf32, #tpu.memory_space<hbm>>
    tpu.enqueue_indirect_dma source(%dma_start3A_239 : memref<31997952xf32, #tpu.memory_space<hbm>>) target(%dma_start3A_235 : memref<128xf32, #tpu.memory_space<vmem>>) offsets(%dma_start3A_237 : memref<128xi32, #tpu.memory_space<vmem>>) semaphore(%arg7 : memref<!tpu.dma_semaphore, #tpu.memory_space<semaphore_mem>>)
    %dma_start3A_240 = arith.constant 5120 : i32
    %dma_start3A_241 = tpu.memref_slice %arg6[%dma_start3A_240] : memref<16384xf32, #tpu.memory_space<vmem>> -> memref<128xf32, #tpu.memory_space<vmem>>
    %dma_start3A_242 = arith.constant 5120 : i32
    %dma_start3A_243 = tpu.memref_slice %arg5[%dma_start3A_242] : memref<16384xi32, #tpu.memory_space<vmem>> -> memref<128xi32, #tpu.memory_space<vmem>>
    %dma_start3A_244 = arith.constant 0 : i32
    %dma_start3A_245 = tpu.memref_slice %arg2[%dma_start3A_244] : memref<31997952xf32, #tpu.memory_space<hbm>> -> memref<31997952xf32, #tpu.memory_space<hbm>>
    tpu.enqueue_indirect_dma source(%dma_start3A_245 : memref<31997952xf32, #tpu.memory_space<hbm>>) target(%dma_start3A_241 : memref<128xf32, #tpu.memory_space<vmem>>) offsets(%dma_start3A_243 : memref<128xi32, #tpu.memory_space<vmem>>) semaphore(%arg7 : memref<!tpu.dma_semaphore, #tpu.memory_space<semaphore_mem>>)
    %dma_start3A_246 = arith.constant 5248 : i32
    %dma_start3A_247 = tpu.memref_slice %arg6[%dma_start3A_246] : memref<16384xf32, #tpu.memory_space<vmem>> -> memref<128xf32, #tpu.memory_space<vmem>>
    %dma_start3A_248 = arith.constant 5248 : i32
    %dma_start3A_249 = tpu.memref_slice %arg5[%dma_start3A_248] : memref<16384xi32, #tpu.memory_space<vmem>> -> memref<128xi32, #tpu.memory_space<vmem>>
    %dma_start3A_250 = arith.constant 0 : i32
    %dma_start3A_251 = tpu.memref_slice %arg2[%dma_start3A_250] : memref<31997952xf32, #tpu.memory_space<hbm>> -> memref<31997952xf32, #tpu.memory_space<hbm>>
    tpu.enqueue_indirect_dma source(%dma_start3A_251 : memref<31997952xf32, #tpu.memory_space<hbm>>) target(%dma_start3A_247 : memref<128xf32, #tpu.memory_space<vmem>>) offsets(%dma_start3A_249 : memref<128xi32, #tpu.memory_space<vmem>>) semaphore(%arg7 : memref<!tpu.dma_semaphore, #tpu.memory_space<semaphore_mem>>)
    %dma_start3A_252 = arith.constant 5376 : i32
    %dma_start3A_253 = tpu.memref_slice %arg6[%dma_start3A_252] : memref<16384xf32, #tpu.memory_space<vmem>> -> memref<128xf32, #tpu.memory_space<vmem>>
    %dma_start3A_254 = arith.constant 5376 : i32
    %dma_start3A_255 = tpu.memref_slice %arg5[%dma_start3A_254] : memref<16384xi32, #tpu.memory_space<vmem>> -> memref<128xi32, #tpu.memory_space<vmem>>
    %dma_start3A_256 = arith.constant 0 : i32
    %dma_start3A_257 = tpu.memref_slice %arg2[%dma_start3A_256] : memref<31997952xf32, #tpu.memory_space<hbm>> -> memref<31997952xf32, #tpu.memory_space<hbm>>
    tpu.enqueue_indirect_dma source(%dma_start3A_257 : memref<31997952xf32, #tpu.memory_space<hbm>>) target(%dma_start3A_253 : memref<128xf32, #tpu.memory_space<vmem>>) offsets(%dma_start3A_255 : memref<128xi32, #tpu.memory_space<vmem>>) semaphore(%arg7 : memref<!tpu.dma_semaphore, #tpu.memory_space<semaphore_mem>>)
    %dma_start3A_258 = arith.constant 5504 : i32
    %dma_start3A_259 = tpu.memref_slice %arg6[%dma_start3A_258] : memref<16384xf32, #tpu.memory_space<vmem>> -> memref<128xf32, #tpu.memory_space<vmem>>
    %dma_start3A_260 = arith.constant 5504 : i32
    %dma_start3A_261 = tpu.memref_slice %arg5[%dma_start3A_260] : memref<16384xi32, #tpu.memory_space<vmem>> -> memref<128xi32, #tpu.memory_space<vmem>>
    %dma_start3A_262 = arith.constant 0 : i32
    %dma_start3A_263 = tpu.memref_slice %arg2[%dma_start3A_262] : memref<31997952xf32, #tpu.memory_space<hbm>> -> memref<31997952xf32, #tpu.memory_space<hbm>>
    tpu.enqueue_indirect_dma source(%dma_start3A_263 : memref<31997952xf32, #tpu.memory_space<hbm>>) target(%dma_start3A_259 : memref<128xf32, #tpu.memory_space<vmem>>) offsets(%dma_start3A_261 : memref<128xi32, #tpu.memory_space<vmem>>) semaphore(%arg7 : memref<!tpu.dma_semaphore, #tpu.memory_space<semaphore_mem>>)
    %dma_start3A_264 = arith.constant 5632 : i32
    %dma_start3A_265 = tpu.memref_slice %arg6[%dma_start3A_264] : memref<16384xf32, #tpu.memory_space<vmem>> -> memref<128xf32, #tpu.memory_space<vmem>>
    %dma_start3A_266 = arith.constant 5632 : i32
    %dma_start3A_267 = tpu.memref_slice %arg5[%dma_start3A_266] : memref<16384xi32, #tpu.memory_space<vmem>> -> memref<128xi32, #tpu.memory_space<vmem>>
    %dma_start3A_268 = arith.constant 0 : i32
    %dma_start3A_269 = tpu.memref_slice %arg2[%dma_start3A_268] : memref<31997952xf32, #tpu.memory_space<hbm>> -> memref<31997952xf32, #tpu.memory_space<hbm>>
    tpu.enqueue_indirect_dma source(%dma_start3A_269 : memref<31997952xf32, #tpu.memory_space<hbm>>) target(%dma_start3A_265 : memref<128xf32, #tpu.memory_space<vmem>>) offsets(%dma_start3A_267 : memref<128xi32, #tpu.memory_space<vmem>>) semaphore(%arg7 : memref<!tpu.dma_semaphore, #tpu.memory_space<semaphore_mem>>)
    %dma_start3A_270 = arith.constant 5760 : i32
    %dma_start3A_271 = tpu.memref_slice %arg6[%dma_start3A_270] : memref<16384xf32, #tpu.memory_space<vmem>> -> memref<128xf32, #tpu.memory_space<vmem>>
    %dma_start3A_272 = arith.constant 5760 : i32
    %dma_start3A_273 = tpu.memref_slice %arg5[%dma_start3A_272] : memref<16384xi32, #tpu.memory_space<vmem>> -> memref<128xi32, #tpu.memory_space<vmem>>
    %dma_start3A_274 = arith.constant 0 : i32
    %dma_start3A_275 = tpu.memref_slice %arg2[%dma_start3A_274] : memref<31997952xf32, #tpu.memory_space<hbm>> -> memref<31997952xf32, #tpu.memory_space<hbm>>
    tpu.enqueue_indirect_dma source(%dma_start3A_275 : memref<31997952xf32, #tpu.memory_space<hbm>>) target(%dma_start3A_271 : memref<128xf32, #tpu.memory_space<vmem>>) offsets(%dma_start3A_273 : memref<128xi32, #tpu.memory_space<vmem>>) semaphore(%arg7 : memref<!tpu.dma_semaphore, #tpu.memory_space<semaphore_mem>>)
    %dma_start3A_276 = arith.constant 5888 : i32
    %dma_start3A_277 = tpu.memref_slice %arg6[%dma_start3A_276] : memref<16384xf32, #tpu.memory_space<vmem>> -> memref<128xf32, #tpu.memory_space<vmem>>
    %dma_start3A_278 = arith.constant 5888 : i32
    %dma_start3A_279 = tpu.memref_slice %arg5[%dma_start3A_278] : memref<16384xi32, #tpu.memory_space<vmem>> -> memref<128xi32, #tpu.memory_space<vmem>>
    %dma_start3A_280 = arith.constant 0 : i32
    %dma_start3A_281 = tpu.memref_slice %arg2[%dma_start3A_280] : memref<31997952xf32, #tpu.memory_space<hbm>> -> memref<31997952xf32, #tpu.memory_space<hbm>>
    tpu.enqueue_indirect_dma source(%dma_start3A_281 : memref<31997952xf32, #tpu.memory_space<hbm>>) target(%dma_start3A_277 : memref<128xf32, #tpu.memory_space<vmem>>) offsets(%dma_start3A_279 : memref<128xi32, #tpu.memory_space<vmem>>) semaphore(%arg7 : memref<!tpu.dma_semaphore, #tpu.memory_space<semaphore_mem>>)
    %dma_start3A_282 = arith.constant 6016 : i32
    %dma_start3A_283 = tpu.memref_slice %arg6[%dma_start3A_282] : memref<16384xf32, #tpu.memory_space<vmem>> -> memref<128xf32, #tpu.memory_space<vmem>>
    %dma_start3A_284 = arith.constant 6016 : i32
    %dma_start3A_285 = tpu.memref_slice %arg5[%dma_start3A_284] : memref<16384xi32, #tpu.memory_space<vmem>> -> memref<128xi32, #tpu.memory_space<vmem>>
    %dma_start3A_286 = arith.constant 0 : i32
    %dma_start3A_287 = tpu.memref_slice %arg2[%dma_start3A_286] : memref<31997952xf32, #tpu.memory_space<hbm>> -> memref<31997952xf32, #tpu.memory_space<hbm>>
    tpu.enqueue_indirect_dma source(%dma_start3A_287 : memref<31997952xf32, #tpu.memory_space<hbm>>) target(%dma_start3A_283 : memref<128xf32, #tpu.memory_space<vmem>>) offsets(%dma_start3A_285 : memref<128xi32, #tpu.memory_space<vmem>>) semaphore(%arg7 : memref<!tpu.dma_semaphore, #tpu.memory_space<semaphore_mem>>)
    %dma_start3A_288 = arith.constant 6144 : i32
    %dma_start3A_289 = tpu.memref_slice %arg6[%dma_start3A_288] : memref<16384xf32, #tpu.memory_space<vmem>> -> memref<128xf32, #tpu.memory_space<vmem>>
    %dma_start3A_290 = arith.constant 6144 : i32
    %dma_start3A_291 = tpu.memref_slice %arg5[%dma_start3A_290] : memref<16384xi32, #tpu.memory_space<vmem>> -> memref<128xi32, #tpu.memory_space<vmem>>
    %dma_start3A_292 = arith.constant 0 : i32
    %dma_start3A_293 = tpu.memref_slice %arg2[%dma_start3A_292] : memref<31997952xf32, #tpu.memory_space<hbm>> -> memref<31997952xf32, #tpu.memory_space<hbm>>
    tpu.enqueue_indirect_dma source(%dma_start3A_293 : memref<31997952xf32, #tpu.memory_space<hbm>>) target(%dma_start3A_289 : memref<128xf32, #tpu.memory_space<vmem>>) offsets(%dma_start3A_291 : memref<128xi32, #tpu.memory_space<vmem>>) semaphore(%arg7 : memref<!tpu.dma_semaphore, #tpu.memory_space<semaphore_mem>>)
    %dma_start3A_294 = arith.constant 6272 : i32
    %dma_start3A_295 = tpu.memref_slice %arg6[%dma_start3A_294] : memref<16384xf32, #tpu.memory_space<vmem>> -> memref<128xf32, #tpu.memory_space<vmem>>
    %dma_start3A_296 = arith.constant 6272 : i32
    %dma_start3A_297 = tpu.memref_slice %arg5[%dma_start3A_296] : memref<16384xi32, #tpu.memory_space<vmem>> -> memref<128xi32, #tpu.memory_space<vmem>>
    %dma_start3A_298 = arith.constant 0 : i32
    %dma_start3A_299 = tpu.memref_slice %arg2[%dma_start3A_298] : memref<31997952xf32, #tpu.memory_space<hbm>> -> memref<31997952xf32, #tpu.memory_space<hbm>>
    tpu.enqueue_indirect_dma source(%dma_start3A_299 : memref<31997952xf32, #tpu.memory_space<hbm>>) target(%dma_start3A_295 : memref<128xf32, #tpu.memory_space<vmem>>) offsets(%dma_start3A_297 : memref<128xi32, #tpu.memory_space<vmem>>) semaphore(%arg7 : memref<!tpu.dma_semaphore, #tpu.memory_space<semaphore_mem>>)
    %dma_start3A_300 = arith.constant 6400 : i32
    %dma_start3A_301 = tpu.memref_slice %arg6[%dma_start3A_300] : memref<16384xf32, #tpu.memory_space<vmem>> -> memref<128xf32, #tpu.memory_space<vmem>>
    %dma_start3A_302 = arith.constant 6400 : i32
    %dma_start3A_303 = tpu.memref_slice %arg5[%dma_start3A_302] : memref<16384xi32, #tpu.memory_space<vmem>> -> memref<128xi32, #tpu.memory_space<vmem>>
    %dma_start3A_304 = arith.constant 0 : i32
    %dma_start3A_305 = tpu.memref_slice %arg2[%dma_start3A_304] : memref<31997952xf32, #tpu.memory_space<hbm>> -> memref<31997952xf32, #tpu.memory_space<hbm>>
    tpu.enqueue_indirect_dma source(%dma_start3A_305 : memref<31997952xf32, #tpu.memory_space<hbm>>) target(%dma_start3A_301 : memref<128xf32, #tpu.memory_space<vmem>>) offsets(%dma_start3A_303 : memref<128xi32, #tpu.memory_space<vmem>>) semaphore(%arg7 : memref<!tpu.dma_semaphore, #tpu.memory_space<semaphore_mem>>)
    %dma_start3A_306 = arith.constant 6528 : i32
    %dma_start3A_307 = tpu.memref_slice %arg6[%dma_start3A_306] : memref<16384xf32, #tpu.memory_space<vmem>> -> memref<128xf32, #tpu.memory_space<vmem>>
    %dma_start3A_308 = arith.constant 6528 : i32
    %dma_start3A_309 = tpu.memref_slice %arg5[%dma_start3A_308] : memref<16384xi32, #tpu.memory_space<vmem>> -> memref<128xi32, #tpu.memory_space<vmem>>
    %dma_start3A_310 = arith.constant 0 : i32
    %dma_start3A_311 = tpu.memref_slice %arg2[%dma_start3A_310] : memref<31997952xf32, #tpu.memory_space<hbm>> -> memref<31997952xf32, #tpu.memory_space<hbm>>
    tpu.enqueue_indirect_dma source(%dma_start3A_311 : memref<31997952xf32, #tpu.memory_space<hbm>>) target(%dma_start3A_307 : memref<128xf32, #tpu.memory_space<vmem>>) offsets(%dma_start3A_309 : memref<128xi32, #tpu.memory_space<vmem>>) semaphore(%arg7 : memref<!tpu.dma_semaphore, #tpu.memory_space<semaphore_mem>>)
    %dma_start3A_312 = arith.constant 6656 : i32
    %dma_start3A_313 = tpu.memref_slice %arg6[%dma_start3A_312] : memref<16384xf32, #tpu.memory_space<vmem>> -> memref<128xf32, #tpu.memory_space<vmem>>
    %dma_start3A_314 = arith.constant 6656 : i32
    %dma_start3A_315 = tpu.memref_slice %arg5[%dma_start3A_314] : memref<16384xi32, #tpu.memory_space<vmem>> -> memref<128xi32, #tpu.memory_space<vmem>>
    %dma_start3A_316 = arith.constant 0 : i32
    %dma_start3A_317 = tpu.memref_slice %arg2[%dma_start3A_316] : memref<31997952xf32, #tpu.memory_space<hbm>> -> memref<31997952xf32, #tpu.memory_space<hbm>>
    tpu.enqueue_indirect_dma source(%dma_start3A_317 : memref<31997952xf32, #tpu.memory_space<hbm>>) target(%dma_start3A_313 : memref<128xf32, #tpu.memory_space<vmem>>) offsets(%dma_start3A_315 : memref<128xi32, #tpu.memory_space<vmem>>) semaphore(%arg7 : memref<!tpu.dma_semaphore, #tpu.memory_space<semaphore_mem>>)
    %dma_start3A_318 = arith.constant 6784 : i32
    %dma_start3A_319 = tpu.memref_slice %arg6[%dma_start3A_318] : memref<16384xf32, #tpu.memory_space<vmem>> -> memref<128xf32, #tpu.memory_space<vmem>>
    %dma_start3A_320 = arith.constant 6784 : i32
    %dma_start3A_321 = tpu.memref_slice %arg5[%dma_start3A_320] : memref<16384xi32, #tpu.memory_space<vmem>> -> memref<128xi32, #tpu.memory_space<vmem>>
    %dma_start3A_322 = arith.constant 0 : i32
    %dma_start3A_323 = tpu.memref_slice %arg2[%dma_start3A_322] : memref<31997952xf32, #tpu.memory_space<hbm>> -> memref<31997952xf32, #tpu.memory_space<hbm>>
    tpu.enqueue_indirect_dma source(%dma_start3A_323 : memref<31997952xf32, #tpu.memory_space<hbm>>) target(%dma_start3A_319 : memref<128xf32, #tpu.memory_space<vmem>>) offsets(%dma_start3A_321 : memref<128xi32, #tpu.memory_space<vmem>>) semaphore(%arg7 : memref<!tpu.dma_semaphore, #tpu.memory_space<semaphore_mem>>)
    %dma_start3A_324 = arith.constant 6912 : i32
    %dma_start3A_325 = tpu.memref_slice %arg6[%dma_start3A_324] : memref<16384xf32, #tpu.memory_space<vmem>> -> memref<128xf32, #tpu.memory_space<vmem>>
    %dma_start3A_326 = arith.constant 6912 : i32
    %dma_start3A_327 = tpu.memref_slice %arg5[%dma_start3A_326] : memref<16384xi32, #tpu.memory_space<vmem>> -> memref<128xi32, #tpu.memory_space<vmem>>
    %dma_start3A_328 = arith.constant 0 : i32
    %dma_start3A_329 = tpu.memref_slice %arg2[%dma_start3A_328] : memref<31997952xf32, #tpu.memory_space<hbm>> -> memref<31997952xf32, #tpu.memory_space<hbm>>
    tpu.enqueue_indirect_dma source(%dma_start3A_329 : memref<31997952xf32, #tpu.memory_space<hbm>>) target(%dma_start3A_325 : memref<128xf32, #tpu.memory_space<vmem>>) offsets(%dma_start3A_327 : memref<128xi32, #tpu.memory_space<vmem>>) semaphore(%arg7 : memref<!tpu.dma_semaphore, #tpu.memory_space<semaphore_mem>>)
    %dma_start3A_330 = arith.constant 7040 : i32
    %dma_start3A_331 = tpu.memref_slice %arg6[%dma_start3A_330] : memref<16384xf32, #tpu.memory_space<vmem>> -> memref<128xf32, #tpu.memory_space<vmem>>
    %dma_start3A_332 = arith.constant 7040 : i32
    %dma_start3A_333 = tpu.memref_slice %arg5[%dma_start3A_332] : memref<16384xi32, #tpu.memory_space<vmem>> -> memref<128xi32, #tpu.memory_space<vmem>>
    %dma_start3A_334 = arith.constant 0 : i32
    %dma_start3A_335 = tpu.memref_slice %arg2[%dma_start3A_334] : memref<31997952xf32, #tpu.memory_space<hbm>> -> memref<31997952xf32, #tpu.memory_space<hbm>>
    tpu.enqueue_indirect_dma source(%dma_start3A_335 : memref<31997952xf32, #tpu.memory_space<hbm>>) target(%dma_start3A_331 : memref<128xf32, #tpu.memory_space<vmem>>) offsets(%dma_start3A_333 : memref<128xi32, #tpu.memory_space<vmem>>) semaphore(%arg7 : memref<!tpu.dma_semaphore, #tpu.memory_space<semaphore_mem>>)
    %dma_start3A_336 = arith.constant 7168 : i32
    %dma_start3A_337 = tpu.memref_slice %arg6[%dma_start3A_336] : memref<16384xf32, #tpu.memory_space<vmem>> -> memref<128xf32, #tpu.memory_space<vmem>>
    %dma_start3A_338 = arith.constant 7168 : i32
    %dma_start3A_339 = tpu.memref_slice %arg5[%dma_start3A_338] : memref<16384xi32, #tpu.memory_space<vmem>> -> memref<128xi32, #tpu.memory_space<vmem>>
    %dma_start3A_340 = arith.constant 0 : i32
    %dma_start3A_341 = tpu.memref_slice %arg2[%dma_start3A_340] : memref<31997952xf32, #tpu.memory_space<hbm>> -> memref<31997952xf32, #tpu.memory_space<hbm>>
    tpu.enqueue_indirect_dma source(%dma_start3A_341 : memref<31997952xf32, #tpu.memory_space<hbm>>) target(%dma_start3A_337 : memref<128xf32, #tpu.memory_space<vmem>>) offsets(%dma_start3A_339 : memref<128xi32, #tpu.memory_space<vmem>>) semaphore(%arg7 : memref<!tpu.dma_semaphore, #tpu.memory_space<semaphore_mem>>)
    %dma_start3A_342 = arith.constant 7296 : i32
    %dma_start3A_343 = tpu.memref_slice %arg6[%dma_start3A_342] : memref<16384xf32, #tpu.memory_space<vmem>> -> memref<128xf32, #tpu.memory_space<vmem>>
    %dma_start3A_344 = arith.constant 7296 : i32
    %dma_start3A_345 = tpu.memref_slice %arg5[%dma_start3A_344] : memref<16384xi32, #tpu.memory_space<vmem>> -> memref<128xi32, #tpu.memory_space<vmem>>
    %dma_start3A_346 = arith.constant 0 : i32
    %dma_start3A_347 = tpu.memref_slice %arg2[%dma_start3A_346] : memref<31997952xf32, #tpu.memory_space<hbm>> -> memref<31997952xf32, #tpu.memory_space<hbm>>
    tpu.enqueue_indirect_dma source(%dma_start3A_347 : memref<31997952xf32, #tpu.memory_space<hbm>>) target(%dma_start3A_343 : memref<128xf32, #tpu.memory_space<vmem>>) offsets(%dma_start3A_345 : memref<128xi32, #tpu.memory_space<vmem>>) semaphore(%arg7 : memref<!tpu.dma_semaphore, #tpu.memory_space<semaphore_mem>>)
    %dma_start3A_348 = arith.constant 7424 : i32
    %dma_start3A_349 = tpu.memref_slice %arg6[%dma_start3A_348] : memref<16384xf32, #tpu.memory_space<vmem>> -> memref<128xf32, #tpu.memory_space<vmem>>
    %dma_start3A_350 = arith.constant 7424 : i32
    %dma_start3A_351 = tpu.memref_slice %arg5[%dma_start3A_350] : memref<16384xi32, #tpu.memory_space<vmem>> -> memref<128xi32, #tpu.memory_space<vmem>>
    %dma_start3A_352 = arith.constant 0 : i32
    %dma_start3A_353 = tpu.memref_slice %arg2[%dma_start3A_352] : memref<31997952xf32, #tpu.memory_space<hbm>> -> memref<31997952xf32, #tpu.memory_space<hbm>>
    tpu.enqueue_indirect_dma source(%dma_start3A_353 : memref<31997952xf32, #tpu.memory_space<hbm>>) target(%dma_start3A_349 : memref<128xf32, #tpu.memory_space<vmem>>) offsets(%dma_start3A_351 : memref<128xi32, #tpu.memory_space<vmem>>) semaphore(%arg7 : memref<!tpu.dma_semaphore, #tpu.memory_space<semaphore_mem>>)
    %dma_start3A_354 = arith.constant 7552 : i32
    %dma_start3A_355 = tpu.memref_slice %arg6[%dma_start3A_354] : memref<16384xf32, #tpu.memory_space<vmem>> -> memref<128xf32, #tpu.memory_space<vmem>>
    %dma_start3A_356 = arith.constant 7552 : i32
    %dma_start3A_357 = tpu.memref_slice %arg5[%dma_start3A_356] : memref<16384xi32, #tpu.memory_space<vmem>> -> memref<128xi32, #tpu.memory_space<vmem>>
    %dma_start3A_358 = arith.constant 0 : i32
    %dma_start3A_359 = tpu.memref_slice %arg2[%dma_start3A_358] : memref<31997952xf32, #tpu.memory_space<hbm>> -> memref<31997952xf32, #tpu.memory_space<hbm>>
    tpu.enqueue_indirect_dma source(%dma_start3A_359 : memref<31997952xf32, #tpu.memory_space<hbm>>) target(%dma_start3A_355 : memref<128xf32, #tpu.memory_space<vmem>>) offsets(%dma_start3A_357 : memref<128xi32, #tpu.memory_space<vmem>>) semaphore(%arg7 : memref<!tpu.dma_semaphore, #tpu.memory_space<semaphore_mem>>)
    %dma_start3A_360 = arith.constant 7680 : i32
    %dma_start3A_361 = tpu.memref_slice %arg6[%dma_start3A_360] : memref<16384xf32, #tpu.memory_space<vmem>> -> memref<128xf32, #tpu.memory_space<vmem>>
    %dma_start3A_362 = arith.constant 7680 : i32
    %dma_start3A_363 = tpu.memref_slice %arg5[%dma_start3A_362] : memref<16384xi32, #tpu.memory_space<vmem>> -> memref<128xi32, #tpu.memory_space<vmem>>
    %dma_start3A_364 = arith.constant 0 : i32
    %dma_start3A_365 = tpu.memref_slice %arg2[%dma_start3A_364] : memref<31997952xf32, #tpu.memory_space<hbm>> -> memref<31997952xf32, #tpu.memory_space<hbm>>
    tpu.enqueue_indirect_dma source(%dma_start3A_365 : memref<31997952xf32, #tpu.memory_space<hbm>>) target(%dma_start3A_361 : memref<128xf32, #tpu.memory_space<vmem>>) offsets(%dma_start3A_363 : memref<128xi32, #tpu.memory_space<vmem>>) semaphore(%arg7 : memref<!tpu.dma_semaphore, #tpu.memory_space<semaphore_mem>>)
    %dma_start3A_366 = arith.constant 7808 : i32
    %dma_start3A_367 = tpu.memref_slice %arg6[%dma_start3A_366] : memref<16384xf32, #tpu.memory_space<vmem>> -> memref<128xf32, #tpu.memory_space<vmem>>
    %dma_start3A_368 = arith.constant 7808 : i32
    %dma_start3A_369 = tpu.memref_slice %arg5[%dma_start3A_368] : memref<16384xi32, #tpu.memory_space<vmem>> -> memref<128xi32, #tpu.memory_space<vmem>>
    %dma_start3A_370 = arith.constant 0 : i32
    %dma_start3A_371 = tpu.memref_slice %arg2[%dma_start3A_370] : memref<31997952xf32, #tpu.memory_space<hbm>> -> memref<31997952xf32, #tpu.memory_space<hbm>>
    tpu.enqueue_indirect_dma source(%dma_start3A_371 : memref<31997952xf32, #tpu.memory_space<hbm>>) target(%dma_start3A_367 : memref<128xf32, #tpu.memory_space<vmem>>) offsets(%dma_start3A_369 : memref<128xi32, #tpu.memory_space<vmem>>) semaphore(%arg7 : memref<!tpu.dma_semaphore, #tpu.memory_space<semaphore_mem>>)
    %dma_start3A_372 = arith.constant 7936 : i32
    %dma_start3A_373 = tpu.memref_slice %arg6[%dma_start3A_372] : memref<16384xf32, #tpu.memory_space<vmem>> -> memref<128xf32, #tpu.memory_space<vmem>>
    %dma_start3A_374 = arith.constant 7936 : i32
    %dma_start3A_375 = tpu.memref_slice %arg5[%dma_start3A_374] : memref<16384xi32, #tpu.memory_space<vmem>> -> memref<128xi32, #tpu.memory_space<vmem>>
    %dma_start3A_376 = arith.constant 0 : i32
    %dma_start3A_377 = tpu.memref_slice %arg2[%dma_start3A_376] : memref<31997952xf32, #tpu.memory_space<hbm>> -> memref<31997952xf32, #tpu.memory_space<hbm>>
    tpu.enqueue_indirect_dma source(%dma_start3A_377 : memref<31997952xf32, #tpu.memory_space<hbm>>) target(%dma_start3A_373 : memref<128xf32, #tpu.memory_space<vmem>>) offsets(%dma_start3A_375 : memref<128xi32, #tpu.memory_space<vmem>>) semaphore(%arg7 : memref<!tpu.dma_semaphore, #tpu.memory_space<semaphore_mem>>)
    %dma_start3A_378 = arith.constant 8064 : i32
    %dma_start3A_379 = tpu.memref_slice %arg6[%dma_start3A_378] : memref<16384xf32, #tpu.memory_space<vmem>> -> memref<128xf32, #tpu.memory_space<vmem>>
    %dma_start3A_380 = arith.constant 8064 : i32
    %dma_start3A_381 = tpu.memref_slice %arg5[%dma_start3A_380] : memref<16384xi32, #tpu.memory_space<vmem>> -> memref<128xi32, #tpu.memory_space<vmem>>
    %dma_start3A_382 = arith.constant 0 : i32
    %dma_start3A_383 = tpu.memref_slice %arg2[%dma_start3A_382] : memref<31997952xf32, #tpu.memory_space<hbm>> -> memref<31997952xf32, #tpu.memory_space<hbm>>
    tpu.enqueue_indirect_dma source(%dma_start3A_383 : memref<31997952xf32, #tpu.memory_space<hbm>>) target(%dma_start3A_379 : memref<128xf32, #tpu.memory_space<vmem>>) offsets(%dma_start3A_381 : memref<128xi32, #tpu.memory_space<vmem>>) semaphore(%arg7 : memref<!tpu.dma_semaphore, #tpu.memory_space<semaphore_mem>>)
    %dma_start3A_384 = arith.constant 8192 : i32
    %dma_start3A_385 = tpu.memref_slice %arg6[%dma_start3A_384] : memref<16384xf32, #tpu.memory_space<vmem>> -> memref<128xf32, #tpu.memory_space<vmem>>
    %dma_start3A_386 = arith.constant 8192 : i32
    %dma_start3A_387 = tpu.memref_slice %arg5[%dma_start3A_386] : memref<16384xi32, #tpu.memory_space<vmem>> -> memref<128xi32, #tpu.memory_space<vmem>>
    %dma_start3A_388 = arith.constant 0 : i32
    %dma_start3A_389 = tpu.memref_slice %arg2[%dma_start3A_388] : memref<31997952xf32, #tpu.memory_space<hbm>> -> memref<31997952xf32, #tpu.memory_space<hbm>>
    tpu.enqueue_indirect_dma source(%dma_start3A_389 : memref<31997952xf32, #tpu.memory_space<hbm>>) target(%dma_start3A_385 : memref<128xf32, #tpu.memory_space<vmem>>) offsets(%dma_start3A_387 : memref<128xi32, #tpu.memory_space<vmem>>) semaphore(%arg7 : memref<!tpu.dma_semaphore, #tpu.memory_space<semaphore_mem>>)
    %dma_start3A_390 = arith.constant 8320 : i32
    %dma_start3A_391 = tpu.memref_slice %arg6[%dma_start3A_390] : memref<16384xf32, #tpu.memory_space<vmem>> -> memref<128xf32, #tpu.memory_space<vmem>>
    %dma_start3A_392 = arith.constant 8320 : i32
    %dma_start3A_393 = tpu.memref_slice %arg5[%dma_start3A_392] : memref<16384xi32, #tpu.memory_space<vmem>> -> memref<128xi32, #tpu.memory_space<vmem>>
    %dma_start3A_394 = arith.constant 0 : i32
    %dma_start3A_395 = tpu.memref_slice %arg2[%dma_start3A_394] : memref<31997952xf32, #tpu.memory_space<hbm>> -> memref<31997952xf32, #tpu.memory_space<hbm>>
    tpu.enqueue_indirect_dma source(%dma_start3A_395 : memref<31997952xf32, #tpu.memory_space<hbm>>) target(%dma_start3A_391 : memref<128xf32, #tpu.memory_space<vmem>>) offsets(%dma_start3A_393 : memref<128xi32, #tpu.memory_space<vmem>>) semaphore(%arg7 : memref<!tpu.dma_semaphore, #tpu.memory_space<semaphore_mem>>)
    %dma_start3A_396 = arith.constant 8448 : i32
    %dma_start3A_397 = tpu.memref_slice %arg6[%dma_start3A_396] : memref<16384xf32, #tpu.memory_space<vmem>> -> memref<128xf32, #tpu.memory_space<vmem>>
    %dma_start3A_398 = arith.constant 8448 : i32
    %dma_start3A_399 = tpu.memref_slice %arg5[%dma_start3A_398] : memref<16384xi32, #tpu.memory_space<vmem>> -> memref<128xi32, #tpu.memory_space<vmem>>
    %dma_start3A_400 = arith.constant 0 : i32
    %dma_start3A_401 = tpu.memref_slice %arg2[%dma_start3A_400] : memref<31997952xf32, #tpu.memory_space<hbm>> -> memref<31997952xf32, #tpu.memory_space<hbm>>
    tpu.enqueue_indirect_dma source(%dma_start3A_401 : memref<31997952xf32, #tpu.memory_space<hbm>>) target(%dma_start3A_397 : memref<128xf32, #tpu.memory_space<vmem>>) offsets(%dma_start3A_399 : memref<128xi32, #tpu.memory_space<vmem>>) semaphore(%arg7 : memref<!tpu.dma_semaphore, #tpu.memory_space<semaphore_mem>>)
    %dma_start3A_402 = arith.constant 8576 : i32
    %dma_start3A_403 = tpu.memref_slice %arg6[%dma_start3A_402] : memref<16384xf32, #tpu.memory_space<vmem>> -> memref<128xf32, #tpu.memory_space<vmem>>
    %dma_start3A_404 = arith.constant 8576 : i32
    %dma_start3A_405 = tpu.memref_slice %arg5[%dma_start3A_404] : memref<16384xi32, #tpu.memory_space<vmem>> -> memref<128xi32, #tpu.memory_space<vmem>>
    %dma_start3A_406 = arith.constant 0 : i32
    %dma_start3A_407 = tpu.memref_slice %arg2[%dma_start3A_406] : memref<31997952xf32, #tpu.memory_space<hbm>> -> memref<31997952xf32, #tpu.memory_space<hbm>>
    tpu.enqueue_indirect_dma source(%dma_start3A_407 : memref<31997952xf32, #tpu.memory_space<hbm>>) target(%dma_start3A_403 : memref<128xf32, #tpu.memory_space<vmem>>) offsets(%dma_start3A_405 : memref<128xi32, #tpu.memory_space<vmem>>) semaphore(%arg7 : memref<!tpu.dma_semaphore, #tpu.memory_space<semaphore_mem>>)
    %dma_start3A_408 = arith.constant 8704 : i32
    %dma_start3A_409 = tpu.memref_slice %arg6[%dma_start3A_408] : memref<16384xf32, #tpu.memory_space<vmem>> -> memref<128xf32, #tpu.memory_space<vmem>>
    %dma_start3A_410 = arith.constant 8704 : i32
    %dma_start3A_411 = tpu.memref_slice %arg5[%dma_start3A_410] : memref<16384xi32, #tpu.memory_space<vmem>> -> memref<128xi32, #tpu.memory_space<vmem>>
    %dma_start3A_412 = arith.constant 0 : i32
    %dma_start3A_413 = tpu.memref_slice %arg2[%dma_start3A_412] : memref<31997952xf32, #tpu.memory_space<hbm>> -> memref<31997952xf32, #tpu.memory_space<hbm>>
    tpu.enqueue_indirect_dma source(%dma_start3A_413 : memref<31997952xf32, #tpu.memory_space<hbm>>) target(%dma_start3A_409 : memref<128xf32, #tpu.memory_space<vmem>>) offsets(%dma_start3A_411 : memref<128xi32, #tpu.memory_space<vmem>>) semaphore(%arg7 : memref<!tpu.dma_semaphore, #tpu.memory_space<semaphore_mem>>)
    %dma_start3A_414 = arith.constant 8832 : i32
    %dma_start3A_415 = tpu.memref_slice %arg6[%dma_start3A_414] : memref<16384xf32, #tpu.memory_space<vmem>> -> memref<128xf32, #tpu.memory_space<vmem>>
    %dma_start3A_416 = arith.constant 8832 : i32
    %dma_start3A_417 = tpu.memref_slice %arg5[%dma_start3A_416] : memref<16384xi32, #tpu.memory_space<vmem>> -> memref<128xi32, #tpu.memory_space<vmem>>
    %dma_start3A_418 = arith.constant 0 : i32
    %dma_start3A_419 = tpu.memref_slice %arg2[%dma_start3A_418] : memref<31997952xf32, #tpu.memory_space<hbm>> -> memref<31997952xf32, #tpu.memory_space<hbm>>
    tpu.enqueue_indirect_dma source(%dma_start3A_419 : memref<31997952xf32, #tpu.memory_space<hbm>>) target(%dma_start3A_415 : memref<128xf32, #tpu.memory_space<vmem>>) offsets(%dma_start3A_417 : memref<128xi32, #tpu.memory_space<vmem>>) semaphore(%arg7 : memref<!tpu.dma_semaphore, #tpu.memory_space<semaphore_mem>>)
    %dma_start3A_420 = arith.constant 8960 : i32
    %dma_start3A_421 = tpu.memref_slice %arg6[%dma_start3A_420] : memref<16384xf32, #tpu.memory_space<vmem>> -> memref<128xf32, #tpu.memory_space<vmem>>
    %dma_start3A_422 = arith.constant 8960 : i32
    %dma_start3A_423 = tpu.memref_slice %arg5[%dma_start3A_422] : memref<16384xi32, #tpu.memory_space<vmem>> -> memref<128xi32, #tpu.memory_space<vmem>>
    %dma_start3A_424 = arith.constant 0 : i32
    %dma_start3A_425 = tpu.memref_slice %arg2[%dma_start3A_424] : memref<31997952xf32, #tpu.memory_space<hbm>> -> memref<31997952xf32, #tpu.memory_space<hbm>>
    tpu.enqueue_indirect_dma source(%dma_start3A_425 : memref<31997952xf32, #tpu.memory_space<hbm>>) target(%dma_start3A_421 : memref<128xf32, #tpu.memory_space<vmem>>) offsets(%dma_start3A_423 : memref<128xi32, #tpu.memory_space<vmem>>) semaphore(%arg7 : memref<!tpu.dma_semaphore, #tpu.memory_space<semaphore_mem>>)
    %dma_start3A_426 = arith.constant 9088 : i32
    %dma_start3A_427 = tpu.memref_slice %arg6[%dma_start3A_426] : memref<16384xf32, #tpu.memory_space<vmem>> -> memref<128xf32, #tpu.memory_space<vmem>>
    %dma_start3A_428 = arith.constant 9088 : i32
    %dma_start3A_429 = tpu.memref_slice %arg5[%dma_start3A_428] : memref<16384xi32, #tpu.memory_space<vmem>> -> memref<128xi32, #tpu.memory_space<vmem>>
    %dma_start3A_430 = arith.constant 0 : i32
    %dma_start3A_431 = tpu.memref_slice %arg2[%dma_start3A_430] : memref<31997952xf32, #tpu.memory_space<hbm>> -> memref<31997952xf32, #tpu.memory_space<hbm>>
    tpu.enqueue_indirect_dma source(%dma_start3A_431 : memref<31997952xf32, #tpu.memory_space<hbm>>) target(%dma_start3A_427 : memref<128xf32, #tpu.memory_space<vmem>>) offsets(%dma_start3A_429 : memref<128xi32, #tpu.memory_space<vmem>>) semaphore(%arg7 : memref<!tpu.dma_semaphore, #tpu.memory_space<semaphore_mem>>)
    %dma_start3A_432 = arith.constant 9216 : i32
    %dma_start3A_433 = tpu.memref_slice %arg6[%dma_start3A_432] : memref<16384xf32, #tpu.memory_space<vmem>> -> memref<128xf32, #tpu.memory_space<vmem>>
    %dma_start3A_434 = arith.constant 9216 : i32
    %dma_start3A_435 = tpu.memref_slice %arg5[%dma_start3A_434] : memref<16384xi32, #tpu.memory_space<vmem>> -> memref<128xi32, #tpu.memory_space<vmem>>
    %dma_start3A_436 = arith.constant 0 : i32
    %dma_start3A_437 = tpu.memref_slice %arg2[%dma_start3A_436] : memref<31997952xf32, #tpu.memory_space<hbm>> -> memref<31997952xf32, #tpu.memory_space<hbm>>
    tpu.enqueue_indirect_dma source(%dma_start3A_437 : memref<31997952xf32, #tpu.memory_space<hbm>>) target(%dma_start3A_433 : memref<128xf32, #tpu.memory_space<vmem>>) offsets(%dma_start3A_435 : memref<128xi32, #tpu.memory_space<vmem>>) semaphore(%arg7 : memref<!tpu.dma_semaphore, #tpu.memory_space<semaphore_mem>>)
    %dma_start3A_438 = arith.constant 9344 : i32
    %dma_start3A_439 = tpu.memref_slice %arg6[%dma_start3A_438] : memref<16384xf32, #tpu.memory_space<vmem>> -> memref<128xf32, #tpu.memory_space<vmem>>
    %dma_start3A_440 = arith.constant 9344 : i32
    %dma_start3A_441 = tpu.memref_slice %arg5[%dma_start3A_440] : memref<16384xi32, #tpu.memory_space<vmem>> -> memref<128xi32, #tpu.memory_space<vmem>>
    %dma_start3A_442 = arith.constant 0 : i32
    %dma_start3A_443 = tpu.memref_slice %arg2[%dma_start3A_442] : memref<31997952xf32, #tpu.memory_space<hbm>> -> memref<31997952xf32, #tpu.memory_space<hbm>>
    tpu.enqueue_indirect_dma source(%dma_start3A_443 : memref<31997952xf32, #tpu.memory_space<hbm>>) target(%dma_start3A_439 : memref<128xf32, #tpu.memory_space<vmem>>) offsets(%dma_start3A_441 : memref<128xi32, #tpu.memory_space<vmem>>) semaphore(%arg7 : memref<!tpu.dma_semaphore, #tpu.memory_space<semaphore_mem>>)
    %dma_start3A_444 = arith.constant 9472 : i32
    %dma_start3A_445 = tpu.memref_slice %arg6[%dma_start3A_444] : memref<16384xf32, #tpu.memory_space<vmem>> -> memref<128xf32, #tpu.memory_space<vmem>>
    %dma_start3A_446 = arith.constant 9472 : i32
    %dma_start3A_447 = tpu.memref_slice %arg5[%dma_start3A_446] : memref<16384xi32, #tpu.memory_space<vmem>> -> memref<128xi32, #tpu.memory_space<vmem>>
    %dma_start3A_448 = arith.constant 0 : i32
    %dma_start3A_449 = tpu.memref_slice %arg2[%dma_start3A_448] : memref<31997952xf32, #tpu.memory_space<hbm>> -> memref<31997952xf32, #tpu.memory_space<hbm>>
    tpu.enqueue_indirect_dma source(%dma_start3A_449 : memref<31997952xf32, #tpu.memory_space<hbm>>) target(%dma_start3A_445 : memref<128xf32, #tpu.memory_space<vmem>>) offsets(%dma_start3A_447 : memref<128xi32, #tpu.memory_space<vmem>>) semaphore(%arg7 : memref<!tpu.dma_semaphore, #tpu.memory_space<semaphore_mem>>)
    %dma_start3A_450 = arith.constant 9600 : i32
    %dma_start3A_451 = tpu.memref_slice %arg6[%dma_start3A_450] : memref<16384xf32, #tpu.memory_space<vmem>> -> memref<128xf32, #tpu.memory_space<vmem>>
    %dma_start3A_452 = arith.constant 9600 : i32
    %dma_start3A_453 = tpu.memref_slice %arg5[%dma_start3A_452] : memref<16384xi32, #tpu.memory_space<vmem>> -> memref<128xi32, #tpu.memory_space<vmem>>
    %dma_start3A_454 = arith.constant 0 : i32
    %dma_start3A_455 = tpu.memref_slice %arg2[%dma_start3A_454] : memref<31997952xf32, #tpu.memory_space<hbm>> -> memref<31997952xf32, #tpu.memory_space<hbm>>
    tpu.enqueue_indirect_dma source(%dma_start3A_455 : memref<31997952xf32, #tpu.memory_space<hbm>>) target(%dma_start3A_451 : memref<128xf32, #tpu.memory_space<vmem>>) offsets(%dma_start3A_453 : memref<128xi32, #tpu.memory_space<vmem>>) semaphore(%arg7 : memref<!tpu.dma_semaphore, #tpu.memory_space<semaphore_mem>>)
    %dma_start3A_456 = arith.constant 9728 : i32
    %dma_start3A_457 = tpu.memref_slice %arg6[%dma_start3A_456] : memref<16384xf32, #tpu.memory_space<vmem>> -> memref<128xf32, #tpu.memory_space<vmem>>
    %dma_start3A_458 = arith.constant 9728 : i32
    %dma_start3A_459 = tpu.memref_slice %arg5[%dma_start3A_458] : memref<16384xi32, #tpu.memory_space<vmem>> -> memref<128xi32, #tpu.memory_space<vmem>>
    %dma_start3A_460 = arith.constant 0 : i32
    %dma_start3A_461 = tpu.memref_slice %arg2[%dma_start3A_460] : memref<31997952xf32, #tpu.memory_space<hbm>> -> memref<31997952xf32, #tpu.memory_space<hbm>>
    tpu.enqueue_indirect_dma source(%dma_start3A_461 : memref<31997952xf32, #tpu.memory_space<hbm>>) target(%dma_start3A_457 : memref<128xf32, #tpu.memory_space<vmem>>) offsets(%dma_start3A_459 : memref<128xi32, #tpu.memory_space<vmem>>) semaphore(%arg7 : memref<!tpu.dma_semaphore, #tpu.memory_space<semaphore_mem>>)
    %dma_start3A_462 = arith.constant 9856 : i32
    %dma_start3A_463 = tpu.memref_slice %arg6[%dma_start3A_462] : memref<16384xf32, #tpu.memory_space<vmem>> -> memref<128xf32, #tpu.memory_space<vmem>>
    %dma_start3A_464 = arith.constant 9856 : i32
    %dma_start3A_465 = tpu.memref_slice %arg5[%dma_start3A_464] : memref<16384xi32, #tpu.memory_space<vmem>> -> memref<128xi32, #tpu.memory_space<vmem>>
    %dma_start3A_466 = arith.constant 0 : i32
    %dma_start3A_467 = tpu.memref_slice %arg2[%dma_start3A_466] : memref<31997952xf32, #tpu.memory_space<hbm>> -> memref<31997952xf32, #tpu.memory_space<hbm>>
    tpu.enqueue_indirect_dma source(%dma_start3A_467 : memref<31997952xf32, #tpu.memory_space<hbm>>) target(%dma_start3A_463 : memref<128xf32, #tpu.memory_space<vmem>>) offsets(%dma_start3A_465 : memref<128xi32, #tpu.memory_space<vmem>>) semaphore(%arg7 : memref<!tpu.dma_semaphore, #tpu.memory_space<semaphore_mem>>)
    %dma_start3A_468 = arith.constant 9984 : i32
    %dma_start3A_469 = tpu.memref_slice %arg6[%dma_start3A_468] : memref<16384xf32, #tpu.memory_space<vmem>> -> memref<128xf32, #tpu.memory_space<vmem>>
    %dma_start3A_470 = arith.constant 9984 : i32
    %dma_start3A_471 = tpu.memref_slice %arg5[%dma_start3A_470] : memref<16384xi32, #tpu.memory_space<vmem>> -> memref<128xi32, #tpu.memory_space<vmem>>
    %dma_start3A_472 = arith.constant 0 : i32
    %dma_start3A_473 = tpu.memref_slice %arg2[%dma_start3A_472] : memref<31997952xf32, #tpu.memory_space<hbm>> -> memref<31997952xf32, #tpu.memory_space<hbm>>
    tpu.enqueue_indirect_dma source(%dma_start3A_473 : memref<31997952xf32, #tpu.memory_space<hbm>>) target(%dma_start3A_469 : memref<128xf32, #tpu.memory_space<vmem>>) offsets(%dma_start3A_471 : memref<128xi32, #tpu.memory_space<vmem>>) semaphore(%arg7 : memref<!tpu.dma_semaphore, #tpu.memory_space<semaphore_mem>>)
    %dma_start3A_474 = arith.constant 10112 : i32
    %dma_start3A_475 = tpu.memref_slice %arg6[%dma_start3A_474] : memref<16384xf32, #tpu.memory_space<vmem>> -> memref<128xf32, #tpu.memory_space<vmem>>
    %dma_start3A_476 = arith.constant 10112 : i32
    %dma_start3A_477 = tpu.memref_slice %arg5[%dma_start3A_476] : memref<16384xi32, #tpu.memory_space<vmem>> -> memref<128xi32, #tpu.memory_space<vmem>>
    %dma_start3A_478 = arith.constant 0 : i32
    %dma_start3A_479 = tpu.memref_slice %arg2[%dma_start3A_478] : memref<31997952xf32, #tpu.memory_space<hbm>> -> memref<31997952xf32, #tpu.memory_space<hbm>>
    tpu.enqueue_indirect_dma source(%dma_start3A_479 : memref<31997952xf32, #tpu.memory_space<hbm>>) target(%dma_start3A_475 : memref<128xf32, #tpu.memory_space<vmem>>) offsets(%dma_start3A_477 : memref<128xi32, #tpu.memory_space<vmem>>) semaphore(%arg7 : memref<!tpu.dma_semaphore, #tpu.memory_space<semaphore_mem>>)
    %dma_start3A_480 = arith.constant 10240 : i32
    %dma_start3A_481 = tpu.memref_slice %arg6[%dma_start3A_480] : memref<16384xf32, #tpu.memory_space<vmem>> -> memref<128xf32, #tpu.memory_space<vmem>>
    %dma_start3A_482 = arith.constant 10240 : i32
    %dma_start3A_483 = tpu.memref_slice %arg5[%dma_start3A_482] : memref<16384xi32, #tpu.memory_space<vmem>> -> memref<128xi32, #tpu.memory_space<vmem>>
    %dma_start3A_484 = arith.constant 0 : i32
    %dma_start3A_485 = tpu.memref_slice %arg2[%dma_start3A_484] : memref<31997952xf32, #tpu.memory_space<hbm>> -> memref<31997952xf32, #tpu.memory_space<hbm>>
    tpu.enqueue_indirect_dma source(%dma_start3A_485 : memref<31997952xf32, #tpu.memory_space<hbm>>) target(%dma_start3A_481 : memref<128xf32, #tpu.memory_space<vmem>>) offsets(%dma_start3A_483 : memref<128xi32, #tpu.memory_space<vmem>>) semaphore(%arg7 : memref<!tpu.dma_semaphore, #tpu.memory_space<semaphore_mem>>)
    %dma_start3A_486 = arith.constant 10368 : i32
    %dma_start3A_487 = tpu.memref_slice %arg6[%dma_start3A_486] : memref<16384xf32, #tpu.memory_space<vmem>> -> memref<128xf32, #tpu.memory_space<vmem>>
    %dma_start3A_488 = arith.constant 10368 : i32
    %dma_start3A_489 = tpu.memref_slice %arg5[%dma_start3A_488] : memref<16384xi32, #tpu.memory_space<vmem>> -> memref<128xi32, #tpu.memory_space<vmem>>
    %dma_start3A_490 = arith.constant 0 : i32
    %dma_start3A_491 = tpu.memref_slice %arg2[%dma_start3A_490] : memref<31997952xf32, #tpu.memory_space<hbm>> -> memref<31997952xf32, #tpu.memory_space<hbm>>
    tpu.enqueue_indirect_dma source(%dma_start3A_491 : memref<31997952xf32, #tpu.memory_space<hbm>>) target(%dma_start3A_487 : memref<128xf32, #tpu.memory_space<vmem>>) offsets(%dma_start3A_489 : memref<128xi32, #tpu.memory_space<vmem>>) semaphore(%arg7 : memref<!tpu.dma_semaphore, #tpu.memory_space<semaphore_mem>>)
    %dma_start3A_492 = arith.constant 10496 : i32
    %dma_start3A_493 = tpu.memref_slice %arg6[%dma_start3A_492] : memref<16384xf32, #tpu.memory_space<vmem>> -> memref<128xf32, #tpu.memory_space<vmem>>
    %dma_start3A_494 = arith.constant 10496 : i32
    %dma_start3A_495 = tpu.memref_slice %arg5[%dma_start3A_494] : memref<16384xi32, #tpu.memory_space<vmem>> -> memref<128xi32, #tpu.memory_space<vmem>>
    %dma_start3A_496 = arith.constant 0 : i32
    %dma_start3A_497 = tpu.memref_slice %arg2[%dma_start3A_496] : memref<31997952xf32, #tpu.memory_space<hbm>> -> memref<31997952xf32, #tpu.memory_space<hbm>>
    tpu.enqueue_indirect_dma source(%dma_start3A_497 : memref<31997952xf32, #tpu.memory_space<hbm>>) target(%dma_start3A_493 : memref<128xf32, #tpu.memory_space<vmem>>) offsets(%dma_start3A_495 : memref<128xi32, #tpu.memory_space<vmem>>) semaphore(%arg7 : memref<!tpu.dma_semaphore, #tpu.memory_space<semaphore_mem>>)
    %dma_start3A_498 = arith.constant 10624 : i32
    %dma_start3A_499 = tpu.memref_slice %arg6[%dma_start3A_498] : memref<16384xf32, #tpu.memory_space<vmem>> -> memref<128xf32, #tpu.memory_space<vmem>>
    %dma_start3A_500 = arith.constant 10624 : i32
    %dma_start3A_501 = tpu.memref_slice %arg5[%dma_start3A_500] : memref<16384xi32, #tpu.memory_space<vmem>> -> memref<128xi32, #tpu.memory_space<vmem>>
    %dma_start3A_502 = arith.constant 0 : i32
    %dma_start3A_503 = tpu.memref_slice %arg2[%dma_start3A_502] : memref<31997952xf32, #tpu.memory_space<hbm>> -> memref<31997952xf32, #tpu.memory_space<hbm>>
    tpu.enqueue_indirect_dma source(%dma_start3A_503 : memref<31997952xf32, #tpu.memory_space<hbm>>) target(%dma_start3A_499 : memref<128xf32, #tpu.memory_space<vmem>>) offsets(%dma_start3A_501 : memref<128xi32, #tpu.memory_space<vmem>>) semaphore(%arg7 : memref<!tpu.dma_semaphore, #tpu.memory_space<semaphore_mem>>)
    %dma_start3A_504 = arith.constant 10752 : i32
    %dma_start3A_505 = tpu.memref_slice %arg6[%dma_start3A_504] : memref<16384xf32, #tpu.memory_space<vmem>> -> memref<128xf32, #tpu.memory_space<vmem>>
    %dma_start3A_506 = arith.constant 10752 : i32
    %dma_start3A_507 = tpu.memref_slice %arg5[%dma_start3A_506] : memref<16384xi32, #tpu.memory_space<vmem>> -> memref<128xi32, #tpu.memory_space<vmem>>
    %dma_start3A_508 = arith.constant 0 : i32
    %dma_start3A_509 = tpu.memref_slice %arg2[%dma_start3A_508] : memref<31997952xf32, #tpu.memory_space<hbm>> -> memref<31997952xf32, #tpu.memory_space<hbm>>
    tpu.enqueue_indirect_dma source(%dma_start3A_509 : memref<31997952xf32, #tpu.memory_space<hbm>>) target(%dma_start3A_505 : memref<128xf32, #tpu.memory_space<vmem>>) offsets(%dma_start3A_507 : memref<128xi32, #tpu.memory_space<vmem>>) semaphore(%arg7 : memref<!tpu.dma_semaphore, #tpu.memory_space<semaphore_mem>>)
    %dma_start3A_510 = arith.constant 10880 : i32
    %dma_start3A_511 = tpu.memref_slice %arg6[%dma_start3A_510] : memref<16384xf32, #tpu.memory_space<vmem>> -> memref<128xf32, #tpu.memory_space<vmem>>
    %dma_start3A_512 = arith.constant 10880 : i32
    %dma_start3A_513 = tpu.memref_slice %arg5[%dma_start3A_512] : memref<16384xi32, #tpu.memory_space<vmem>> -> memref<128xi32, #tpu.memory_space<vmem>>
    %dma_start3A_514 = arith.constant 0 : i32
    %dma_start3A_515 = tpu.memref_slice %arg2[%dma_start3A_514] : memref<31997952xf32, #tpu.memory_space<hbm>> -> memref<31997952xf32, #tpu.memory_space<hbm>>
    tpu.enqueue_indirect_dma source(%dma_start3A_515 : memref<31997952xf32, #tpu.memory_space<hbm>>) target(%dma_start3A_511 : memref<128xf32, #tpu.memory_space<vmem>>) offsets(%dma_start3A_513 : memref<128xi32, #tpu.memory_space<vmem>>) semaphore(%arg7 : memref<!tpu.dma_semaphore, #tpu.memory_space<semaphore_mem>>)
    %dma_start3A_516 = arith.constant 11008 : i32
    %dma_start3A_517 = tpu.memref_slice %arg6[%dma_start3A_516] : memref<16384xf32, #tpu.memory_space<vmem>> -> memref<128xf32, #tpu.memory_space<vmem>>
    %dma_start3A_518 = arith.constant 11008 : i32
    %dma_start3A_519 = tpu.memref_slice %arg5[%dma_start3A_518] : memref<16384xi32, #tpu.memory_space<vmem>> -> memref<128xi32, #tpu.memory_space<vmem>>
    %dma_start3A_520 = arith.constant 0 : i32
    %dma_start3A_521 = tpu.memref_slice %arg2[%dma_start3A_520] : memref<31997952xf32, #tpu.memory_space<hbm>> -> memref<31997952xf32, #tpu.memory_space<hbm>>
    tpu.enqueue_indirect_dma source(%dma_start3A_521 : memref<31997952xf32, #tpu.memory_space<hbm>>) target(%dma_start3A_517 : memref<128xf32, #tpu.memory_space<vmem>>) offsets(%dma_start3A_519 : memref<128xi32, #tpu.memory_space<vmem>>) semaphore(%arg7 : memref<!tpu.dma_semaphore, #tpu.memory_space<semaphore_mem>>)
    %dma_start3A_522 = arith.constant 11136 : i32
    %dma_start3A_523 = tpu.memref_slice %arg6[%dma_start3A_522] : memref<16384xf32, #tpu.memory_space<vmem>> -> memref<128xf32, #tpu.memory_space<vmem>>
    %dma_start3A_524 = arith.constant 11136 : i32
    %dma_start3A_525 = tpu.memref_slice %arg5[%dma_start3A_524] : memref<16384xi32, #tpu.memory_space<vmem>> -> memref<128xi32, #tpu.memory_space<vmem>>
    %dma_start3A_526 = arith.constant 0 : i32
    %dma_start3A_527 = tpu.memref_slice %arg2[%dma_start3A_526] : memref<31997952xf32, #tpu.memory_space<hbm>> -> memref<31997952xf32, #tpu.memory_space<hbm>>
    tpu.enqueue_indirect_dma source(%dma_start3A_527 : memref<31997952xf32, #tpu.memory_space<hbm>>) target(%dma_start3A_523 : memref<128xf32, #tpu.memory_space<vmem>>) offsets(%dma_start3A_525 : memref<128xi32, #tpu.memory_space<vmem>>) semaphore(%arg7 : memref<!tpu.dma_semaphore, #tpu.memory_space<semaphore_mem>>)
    %dma_start3A_528 = arith.constant 11264 : i32
    %dma_start3A_529 = tpu.memref_slice %arg6[%dma_start3A_528] : memref<16384xf32, #tpu.memory_space<vmem>> -> memref<128xf32, #tpu.memory_space<vmem>>
    %dma_start3A_530 = arith.constant 11264 : i32
    %dma_start3A_531 = tpu.memref_slice %arg5[%dma_start3A_530] : memref<16384xi32, #tpu.memory_space<vmem>> -> memref<128xi32, #tpu.memory_space<vmem>>
    %dma_start3A_532 = arith.constant 0 : i32
    %dma_start3A_533 = tpu.memref_slice %arg2[%dma_start3A_532] : memref<31997952xf32, #tpu.memory_space<hbm>> -> memref<31997952xf32, #tpu.memory_space<hbm>>
    tpu.enqueue_indirect_dma source(%dma_start3A_533 : memref<31997952xf32, #tpu.memory_space<hbm>>) target(%dma_start3A_529 : memref<128xf32, #tpu.memory_space<vmem>>) offsets(%dma_start3A_531 : memref<128xi32, #tpu.memory_space<vmem>>) semaphore(%arg7 : memref<!tpu.dma_semaphore, #tpu.memory_space<semaphore_mem>>)
    %dma_start3A_534 = arith.constant 11392 : i32
    %dma_start3A_535 = tpu.memref_slice %arg6[%dma_start3A_534] : memref<16384xf32, #tpu.memory_space<vmem>> -> memref<128xf32, #tpu.memory_space<vmem>>
    %dma_start3A_536 = arith.constant 11392 : i32
    %dma_start3A_537 = tpu.memref_slice %arg5[%dma_start3A_536] : memref<16384xi32, #tpu.memory_space<vmem>> -> memref<128xi32, #tpu.memory_space<vmem>>
    %dma_start3A_538 = arith.constant 0 : i32
    %dma_start3A_539 = tpu.memref_slice %arg2[%dma_start3A_538] : memref<31997952xf32, #tpu.memory_space<hbm>> -> memref<31997952xf32, #tpu.memory_space<hbm>>
    tpu.enqueue_indirect_dma source(%dma_start3A_539 : memref<31997952xf32, #tpu.memory_space<hbm>>) target(%dma_start3A_535 : memref<128xf32, #tpu.memory_space<vmem>>) offsets(%dma_start3A_537 : memref<128xi32, #tpu.memory_space<vmem>>) semaphore(%arg7 : memref<!tpu.dma_semaphore, #tpu.memory_space<semaphore_mem>>)
    %dma_start3A_540 = arith.constant 11520 : i32
    %dma_start3A_541 = tpu.memref_slice %arg6[%dma_start3A_540] : memref<16384xf32, #tpu.memory_space<vmem>> -> memref<128xf32, #tpu.memory_space<vmem>>
    %dma_start3A_542 = arith.constant 11520 : i32
    %dma_start3A_543 = tpu.memref_slice %arg5[%dma_start3A_542] : memref<16384xi32, #tpu.memory_space<vmem>> -> memref<128xi32, #tpu.memory_space<vmem>>
    %dma_start3A_544 = arith.constant 0 : i32
    %dma_start3A_545 = tpu.memref_slice %arg2[%dma_start3A_544] : memref<31997952xf32, #tpu.memory_space<hbm>> -> memref<31997952xf32, #tpu.memory_space<hbm>>
    tpu.enqueue_indirect_dma source(%dma_start3A_545 : memref<31997952xf32, #tpu.memory_space<hbm>>) target(%dma_start3A_541 : memref<128xf32, #tpu.memory_space<vmem>>) offsets(%dma_start3A_543 : memref<128xi32, #tpu.memory_space<vmem>>) semaphore(%arg7 : memref<!tpu.dma_semaphore, #tpu.memory_space<semaphore_mem>>)
    %dma_start3A_546 = arith.constant 11648 : i32
    %dma_start3A_547 = tpu.memref_slice %arg6[%dma_start3A_546] : memref<16384xf32, #tpu.memory_space<vmem>> -> memref<128xf32, #tpu.memory_space<vmem>>
    %dma_start3A_548 = arith.constant 11648 : i32
    %dma_start3A_549 = tpu.memref_slice %arg5[%dma_start3A_548] : memref<16384xi32, #tpu.memory_space<vmem>> -> memref<128xi32, #tpu.memory_space<vmem>>
    %dma_start3A_550 = arith.constant 0 : i32
    %dma_start3A_551 = tpu.memref_slice %arg2[%dma_start3A_550] : memref<31997952xf32, #tpu.memory_space<hbm>> -> memref<31997952xf32, #tpu.memory_space<hbm>>
    tpu.enqueue_indirect_dma source(%dma_start3A_551 : memref<31997952xf32, #tpu.memory_space<hbm>>) target(%dma_start3A_547 : memref<128xf32, #tpu.memory_space<vmem>>) offsets(%dma_start3A_549 : memref<128xi32, #tpu.memory_space<vmem>>) semaphore(%arg7 : memref<!tpu.dma_semaphore, #tpu.memory_space<semaphore_mem>>)
    %dma_start3A_552 = arith.constant 11776 : i32
    %dma_start3A_553 = tpu.memref_slice %arg6[%dma_start3A_552] : memref<16384xf32, #tpu.memory_space<vmem>> -> memref<128xf32, #tpu.memory_space<vmem>>
    %dma_start3A_554 = arith.constant 11776 : i32
    %dma_start3A_555 = tpu.memref_slice %arg5[%dma_start3A_554] : memref<16384xi32, #tpu.memory_space<vmem>> -> memref<128xi32, #tpu.memory_space<vmem>>
    %dma_start3A_556 = arith.constant 0 : i32
    %dma_start3A_557 = tpu.memref_slice %arg2[%dma_start3A_556] : memref<31997952xf32, #tpu.memory_space<hbm>> -> memref<31997952xf32, #tpu.memory_space<hbm>>
    tpu.enqueue_indirect_dma source(%dma_start3A_557 : memref<31997952xf32, #tpu.memory_space<hbm>>) target(%dma_start3A_553 : memref<128xf32, #tpu.memory_space<vmem>>) offsets(%dma_start3A_555 : memref<128xi32, #tpu.memory_space<vmem>>) semaphore(%arg7 : memref<!tpu.dma_semaphore, #tpu.memory_space<semaphore_mem>>)
    %dma_start3A_558 = arith.constant 11904 : i32
    %dma_start3A_559 = tpu.memref_slice %arg6[%dma_start3A_558] : memref<16384xf32, #tpu.memory_space<vmem>> -> memref<128xf32, #tpu.memory_space<vmem>>
    %dma_start3A_560 = arith.constant 11904 : i32
    %dma_start3A_561 = tpu.memref_slice %arg5[%dma_start3A_560] : memref<16384xi32, #tpu.memory_space<vmem>> -> memref<128xi32, #tpu.memory_space<vmem>>
    %dma_start3A_562 = arith.constant 0 : i32
    %dma_start3A_563 = tpu.memref_slice %arg2[%dma_start3A_562] : memref<31997952xf32, #tpu.memory_space<hbm>> -> memref<31997952xf32, #tpu.memory_space<hbm>>
    tpu.enqueue_indirect_dma source(%dma_start3A_563 : memref<31997952xf32, #tpu.memory_space<hbm>>) target(%dma_start3A_559 : memref<128xf32, #tpu.memory_space<vmem>>) offsets(%dma_start3A_561 : memref<128xi32, #tpu.memory_space<vmem>>) semaphore(%arg7 : memref<!tpu.dma_semaphore, #tpu.memory_space<semaphore_mem>>)
    %dma_start3A_564 = arith.constant 12032 : i32
    %dma_start3A_565 = tpu.memref_slice %arg6[%dma_start3A_564] : memref<16384xf32, #tpu.memory_space<vmem>> -> memref<128xf32, #tpu.memory_space<vmem>>
    %dma_start3A_566 = arith.constant 12032 : i32
    %dma_start3A_567 = tpu.memref_slice %arg5[%dma_start3A_566] : memref<16384xi32, #tpu.memory_space<vmem>> -> memref<128xi32, #tpu.memory_space<vmem>>
    %dma_start3A_568 = arith.constant 0 : i32
    %dma_start3A_569 = tpu.memref_slice %arg2[%dma_start3A_568] : memref<31997952xf32, #tpu.memory_space<hbm>> -> memref<31997952xf32, #tpu.memory_space<hbm>>
    tpu.enqueue_indirect_dma source(%dma_start3A_569 : memref<31997952xf32, #tpu.memory_space<hbm>>) target(%dma_start3A_565 : memref<128xf32, #tpu.memory_space<vmem>>) offsets(%dma_start3A_567 : memref<128xi32, #tpu.memory_space<vmem>>) semaphore(%arg7 : memref<!tpu.dma_semaphore, #tpu.memory_space<semaphore_mem>>)
    %dma_start3A_570 = arith.constant 12160 : i32
    %dma_start3A_571 = tpu.memref_slice %arg6[%dma_start3A_570] : memref<16384xf32, #tpu.memory_space<vmem>> -> memref<128xf32, #tpu.memory_space<vmem>>
    %dma_start3A_572 = arith.constant 12160 : i32
    %dma_start3A_573 = tpu.memref_slice %arg5[%dma_start3A_572] : memref<16384xi32, #tpu.memory_space<vmem>> -> memref<128xi32, #tpu.memory_space<vmem>>
    %dma_start3A_574 = arith.constant 0 : i32
    %dma_start3A_575 = tpu.memref_slice %arg2[%dma_start3A_574] : memref<31997952xf32, #tpu.memory_space<hbm>> -> memref<31997952xf32, #tpu.memory_space<hbm>>
    tpu.enqueue_indirect_dma source(%dma_start3A_575 : memref<31997952xf32, #tpu.memory_space<hbm>>) target(%dma_start3A_571 : memref<128xf32, #tpu.memory_space<vmem>>) offsets(%dma_start3A_573 : memref<128xi32, #tpu.memory_space<vmem>>) semaphore(%arg7 : memref<!tpu.dma_semaphore, #tpu.memory_space<semaphore_mem>>)
    %dma_start3A_576 = arith.constant 12288 : i32
    %dma_start3A_577 = tpu.memref_slice %arg6[%dma_start3A_576] : memref<16384xf32, #tpu.memory_space<vmem>> -> memref<128xf32, #tpu.memory_space<vmem>>
    %dma_start3A_578 = arith.constant 12288 : i32
    %dma_start3A_579 = tpu.memref_slice %arg5[%dma_start3A_578] : memref<16384xi32, #tpu.memory_space<vmem>> -> memref<128xi32, #tpu.memory_space<vmem>>
    %dma_start3A_580 = arith.constant 0 : i32
    %dma_start3A_581 = tpu.memref_slice %arg2[%dma_start3A_580] : memref<31997952xf32, #tpu.memory_space<hbm>> -> memref<31997952xf32, #tpu.memory_space<hbm>>
    tpu.enqueue_indirect_dma source(%dma_start3A_581 : memref<31997952xf32, #tpu.memory_space<hbm>>) target(%dma_start3A_577 : memref<128xf32, #tpu.memory_space<vmem>>) offsets(%dma_start3A_579 : memref<128xi32, #tpu.memory_space<vmem>>) semaphore(%arg7 : memref<!tpu.dma_semaphore, #tpu.memory_space<semaphore_mem>>)
    %dma_start3A_582 = arith.constant 12416 : i32
    %dma_start3A_583 = tpu.memref_slice %arg6[%dma_start3A_582] : memref<16384xf32, #tpu.memory_space<vmem>> -> memref<128xf32, #tpu.memory_space<vmem>>
    %dma_start3A_584 = arith.constant 12416 : i32
    %dma_start3A_585 = tpu.memref_slice %arg5[%dma_start3A_584] : memref<16384xi32, #tpu.memory_space<vmem>> -> memref<128xi32, #tpu.memory_space<vmem>>
    %dma_start3A_586 = arith.constant 0 : i32
    %dma_start3A_587 = tpu.memref_slice %arg2[%dma_start3A_586] : memref<31997952xf32, #tpu.memory_space<hbm>> -> memref<31997952xf32, #tpu.memory_space<hbm>>
    tpu.enqueue_indirect_dma source(%dma_start3A_587 : memref<31997952xf32, #tpu.memory_space<hbm>>) target(%dma_start3A_583 : memref<128xf32, #tpu.memory_space<vmem>>) offsets(%dma_start3A_585 : memref<128xi32, #tpu.memory_space<vmem>>) semaphore(%arg7 : memref<!tpu.dma_semaphore, #tpu.memory_space<semaphore_mem>>)
    %dma_start3A_588 = arith.constant 12544 : i32
    %dma_start3A_589 = tpu.memref_slice %arg6[%dma_start3A_588] : memref<16384xf32, #tpu.memory_space<vmem>> -> memref<128xf32, #tpu.memory_space<vmem>>
    %dma_start3A_590 = arith.constant 12544 : i32
    %dma_start3A_591 = tpu.memref_slice %arg5[%dma_start3A_590] : memref<16384xi32, #tpu.memory_space<vmem>> -> memref<128xi32, #tpu.memory_space<vmem>>
    %dma_start3A_592 = arith.constant 0 : i32
    %dma_start3A_593 = tpu.memref_slice %arg2[%dma_start3A_592] : memref<31997952xf32, #tpu.memory_space<hbm>> -> memref<31997952xf32, #tpu.memory_space<hbm>>
    tpu.enqueue_indirect_dma source(%dma_start3A_593 : memref<31997952xf32, #tpu.memory_space<hbm>>) target(%dma_start3A_589 : memref<128xf32, #tpu.memory_space<vmem>>) offsets(%dma_start3A_591 : memref<128xi32, #tpu.memory_space<vmem>>) semaphore(%arg7 : memref<!tpu.dma_semaphore, #tpu.memory_space<semaphore_mem>>)
    %dma_start3A_594 = arith.constant 12672 : i32
    %dma_start3A_595 = tpu.memref_slice %arg6[%dma_start3A_594] : memref<16384xf32, #tpu.memory_space<vmem>> -> memref<128xf32, #tpu.memory_space<vmem>>
    %dma_start3A_596 = arith.constant 12672 : i32
    %dma_start3A_597 = tpu.memref_slice %arg5[%dma_start3A_596] : memref<16384xi32, #tpu.memory_space<vmem>> -> memref<128xi32, #tpu.memory_space<vmem>>
    %dma_start3A_598 = arith.constant 0 : i32
    %dma_start3A_599 = tpu.memref_slice %arg2[%dma_start3A_598] : memref<31997952xf32, #tpu.memory_space<hbm>> -> memref<31997952xf32, #tpu.memory_space<hbm>>
    tpu.enqueue_indirect_dma source(%dma_start3A_599 : memref<31997952xf32, #tpu.memory_space<hbm>>) target(%dma_start3A_595 : memref<128xf32, #tpu.memory_space<vmem>>) offsets(%dma_start3A_597 : memref<128xi32, #tpu.memory_space<vmem>>) semaphore(%arg7 : memref<!tpu.dma_semaphore, #tpu.memory_space<semaphore_mem>>)
    %dma_start3A_600 = arith.constant 12800 : i32
    %dma_start3A_601 = tpu.memref_slice %arg6[%dma_start3A_600] : memref<16384xf32, #tpu.memory_space<vmem>> -> memref<128xf32, #tpu.memory_space<vmem>>
    %dma_start3A_602 = arith.constant 12800 : i32
    %dma_start3A_603 = tpu.memref_slice %arg5[%dma_start3A_602] : memref<16384xi32, #tpu.memory_space<vmem>> -> memref<128xi32, #tpu.memory_space<vmem>>
    %dma_start3A_604 = arith.constant 0 : i32
    %dma_start3A_605 = tpu.memref_slice %arg2[%dma_start3A_604] : memref<31997952xf32, #tpu.memory_space<hbm>> -> memref<31997952xf32, #tpu.memory_space<hbm>>
    tpu.enqueue_indirect_dma source(%dma_start3A_605 : memref<31997952xf32, #tpu.memory_space<hbm>>) target(%dma_start3A_601 : memref<128xf32, #tpu.memory_space<vmem>>) offsets(%dma_start3A_603 : memref<128xi32, #tpu.memory_space<vmem>>) semaphore(%arg7 : memref<!tpu.dma_semaphore, #tpu.memory_space<semaphore_mem>>)
    %dma_start3A_606 = arith.constant 12928 : i32
    %dma_start3A_607 = tpu.memref_slice %arg6[%dma_start3A_606] : memref<16384xf32, #tpu.memory_space<vmem>> -> memref<128xf32, #tpu.memory_space<vmem>>
    %dma_start3A_608 = arith.constant 12928 : i32
    %dma_start3A_609 = tpu.memref_slice %arg5[%dma_start3A_608] : memref<16384xi32, #tpu.memory_space<vmem>> -> memref<128xi32, #tpu.memory_space<vmem>>
    %dma_start3A_610 = arith.constant 0 : i32
    %dma_start3A_611 = tpu.memref_slice %arg2[%dma_start3A_610] : memref<31997952xf32, #tpu.memory_space<hbm>> -> memref<31997952xf32, #tpu.memory_space<hbm>>
    tpu.enqueue_indirect_dma source(%dma_start3A_611 : memref<31997952xf32, #tpu.memory_space<hbm>>) target(%dma_start3A_607 : memref<128xf32, #tpu.memory_space<vmem>>) offsets(%dma_start3A_609 : memref<128xi32, #tpu.memory_space<vmem>>) semaphore(%arg7 : memref<!tpu.dma_semaphore, #tpu.memory_space<semaphore_mem>>)
    %dma_start3A_612 = arith.constant 13056 : i32
    %dma_start3A_613 = tpu.memref_slice %arg6[%dma_start3A_612] : memref<16384xf32, #tpu.memory_space<vmem>> -> memref<128xf32, #tpu.memory_space<vmem>>
    %dma_start3A_614 = arith.constant 13056 : i32
    %dma_start3A_615 = tpu.memref_slice %arg5[%dma_start3A_614] : memref<16384xi32, #tpu.memory_space<vmem>> -> memref<128xi32, #tpu.memory_space<vmem>>
    %dma_start3A_616 = arith.constant 0 : i32
    %dma_start3A_617 = tpu.memref_slice %arg2[%dma_start3A_616] : memref<31997952xf32, #tpu.memory_space<hbm>> -> memref<31997952xf32, #tpu.memory_space<hbm>>
    tpu.enqueue_indirect_dma source(%dma_start3A_617 : memref<31997952xf32, #tpu.memory_space<hbm>>) target(%dma_start3A_613 : memref<128xf32, #tpu.memory_space<vmem>>) offsets(%dma_start3A_615 : memref<128xi32, #tpu.memory_space<vmem>>) semaphore(%arg7 : memref<!tpu.dma_semaphore, #tpu.memory_space<semaphore_mem>>)
    %dma_start3A_618 = arith.constant 13184 : i32
    %dma_start3A_619 = tpu.memref_slice %arg6[%dma_start3A_618] : memref<16384xf32, #tpu.memory_space<vmem>> -> memref<128xf32, #tpu.memory_space<vmem>>
    %dma_start3A_620 = arith.constant 13184 : i32
    %dma_start3A_621 = tpu.memref_slice %arg5[%dma_start3A_620] : memref<16384xi32, #tpu.memory_space<vmem>> -> memref<128xi32, #tpu.memory_space<vmem>>
    %dma_start3A_622 = arith.constant 0 : i32
    %dma_start3A_623 = tpu.memref_slice %arg2[%dma_start3A_622] : memref<31997952xf32, #tpu.memory_space<hbm>> -> memref<31997952xf32, #tpu.memory_space<hbm>>
    tpu.enqueue_indirect_dma source(%dma_start3A_623 : memref<31997952xf32, #tpu.memory_space<hbm>>) target(%dma_start3A_619 : memref<128xf32, #tpu.memory_space<vmem>>) offsets(%dma_start3A_621 : memref<128xi32, #tpu.memory_space<vmem>>) semaphore(%arg7 : memref<!tpu.dma_semaphore, #tpu.memory_space<semaphore_mem>>)
    %dma_start3A_624 = arith.constant 13312 : i32
    %dma_start3A_625 = tpu.memref_slice %arg6[%dma_start3A_624] : memref<16384xf32, #tpu.memory_space<vmem>> -> memref<128xf32, #tpu.memory_space<vmem>>
    %dma_start3A_626 = arith.constant 13312 : i32
    %dma_start3A_627 = tpu.memref_slice %arg5[%dma_start3A_626] : memref<16384xi32, #tpu.memory_space<vmem>> -> memref<128xi32, #tpu.memory_space<vmem>>
    %dma_start3A_628 = arith.constant 0 : i32
    %dma_start3A_629 = tpu.memref_slice %arg2[%dma_start3A_628] : memref<31997952xf32, #tpu.memory_space<hbm>> -> memref<31997952xf32, #tpu.memory_space<hbm>>
    tpu.enqueue_indirect_dma source(%dma_start3A_629 : memref<31997952xf32, #tpu.memory_space<hbm>>) target(%dma_start3A_625 : memref<128xf32, #tpu.memory_space<vmem>>) offsets(%dma_start3A_627 : memref<128xi32, #tpu.memory_space<vmem>>) semaphore(%arg7 : memref<!tpu.dma_semaphore, #tpu.memory_space<semaphore_mem>>)
    %dma_start3A_630 = arith.constant 13440 : i32
    %dma_start3A_631 = tpu.memref_slice %arg6[%dma_start3A_630] : memref<16384xf32, #tpu.memory_space<vmem>> -> memref<128xf32, #tpu.memory_space<vmem>>
    %dma_start3A_632 = arith.constant 13440 : i32
    %dma_start3A_633 = tpu.memref_slice %arg5[%dma_start3A_632] : memref<16384xi32, #tpu.memory_space<vmem>> -> memref<128xi32, #tpu.memory_space<vmem>>
    %dma_start3A_634 = arith.constant 0 : i32
    %dma_start3A_635 = tpu.memref_slice %arg2[%dma_start3A_634] : memref<31997952xf32, #tpu.memory_space<hbm>> -> memref<31997952xf32, #tpu.memory_space<hbm>>
    tpu.enqueue_indirect_dma source(%dma_start3A_635 : memref<31997952xf32, #tpu.memory_space<hbm>>) target(%dma_start3A_631 : memref<128xf32, #tpu.memory_space<vmem>>) offsets(%dma_start3A_633 : memref<128xi32, #tpu.memory_space<vmem>>) semaphore(%arg7 : memref<!tpu.dma_semaphore, #tpu.memory_space<semaphore_mem>>)
    %dma_start3A_636 = arith.constant 13568 : i32
    %dma_start3A_637 = tpu.memref_slice %arg6[%dma_start3A_636] : memref<16384xf32, #tpu.memory_space<vmem>> -> memref<128xf32, #tpu.memory_space<vmem>>
    %dma_start3A_638 = arith.constant 13568 : i32
    %dma_start3A_639 = tpu.memref_slice %arg5[%dma_start3A_638] : memref<16384xi32, #tpu.memory_space<vmem>> -> memref<128xi32, #tpu.memory_space<vmem>>
    %dma_start3A_640 = arith.constant 0 : i32
    %dma_start3A_641 = tpu.memref_slice %arg2[%dma_start3A_640] : memref<31997952xf32, #tpu.memory_space<hbm>> -> memref<31997952xf32, #tpu.memory_space<hbm>>
    tpu.enqueue_indirect_dma source(%dma_start3A_641 : memref<31997952xf32, #tpu.memory_space<hbm>>) target(%dma_start3A_637 : memref<128xf32, #tpu.memory_space<vmem>>) offsets(%dma_start3A_639 : memref<128xi32, #tpu.memory_space<vmem>>) semaphore(%arg7 : memref<!tpu.dma_semaphore, #tpu.memory_space<semaphore_mem>>)
    %dma_start3A_642 = arith.constant 13696 : i32
    %dma_start3A_643 = tpu.memref_slice %arg6[%dma_start3A_642] : memref<16384xf32, #tpu.memory_space<vmem>> -> memref<128xf32, #tpu.memory_space<vmem>>
    %dma_start3A_644 = arith.constant 13696 : i32
    %dma_start3A_645 = tpu.memref_slice %arg5[%dma_start3A_644] : memref<16384xi32, #tpu.memory_space<vmem>> -> memref<128xi32, #tpu.memory_space<vmem>>
    %dma_start3A_646 = arith.constant 0 : i32
    %dma_start3A_647 = tpu.memref_slice %arg2[%dma_start3A_646] : memref<31997952xf32, #tpu.memory_space<hbm>> -> memref<31997952xf32, #tpu.memory_space<hbm>>
    tpu.enqueue_indirect_dma source(%dma_start3A_647 : memref<31997952xf32, #tpu.memory_space<hbm>>) target(%dma_start3A_643 : memref<128xf32, #tpu.memory_space<vmem>>) offsets(%dma_start3A_645 : memref<128xi32, #tpu.memory_space<vmem>>) semaphore(%arg7 : memref<!tpu.dma_semaphore, #tpu.memory_space<semaphore_mem>>)
    %dma_start3A_648 = arith.constant 13824 : i32
    %dma_start3A_649 = tpu.memref_slice %arg6[%dma_start3A_648] : memref<16384xf32, #tpu.memory_space<vmem>> -> memref<128xf32, #tpu.memory_space<vmem>>
    %dma_start3A_650 = arith.constant 13824 : i32
    %dma_start3A_651 = tpu.memref_slice %arg5[%dma_start3A_650] : memref<16384xi32, #tpu.memory_space<vmem>> -> memref<128xi32, #tpu.memory_space<vmem>>
    %dma_start3A_652 = arith.constant 0 : i32
    %dma_start3A_653 = tpu.memref_slice %arg2[%dma_start3A_652] : memref<31997952xf32, #tpu.memory_space<hbm>> -> memref<31997952xf32, #tpu.memory_space<hbm>>
    tpu.enqueue_indirect_dma source(%dma_start3A_653 : memref<31997952xf32, #tpu.memory_space<hbm>>) target(%dma_start3A_649 : memref<128xf32, #tpu.memory_space<vmem>>) offsets(%dma_start3A_651 : memref<128xi32, #tpu.memory_space<vmem>>) semaphore(%arg7 : memref<!tpu.dma_semaphore, #tpu.memory_space<semaphore_mem>>)
    %dma_start3A_654 = arith.constant 13952 : i32
    %dma_start3A_655 = tpu.memref_slice %arg6[%dma_start3A_654] : memref<16384xf32, #tpu.memory_space<vmem>> -> memref<128xf32, #tpu.memory_space<vmem>>
    %dma_start3A_656 = arith.constant 13952 : i32
    %dma_start3A_657 = tpu.memref_slice %arg5[%dma_start3A_656] : memref<16384xi32, #tpu.memory_space<vmem>> -> memref<128xi32, #tpu.memory_space<vmem>>
    %dma_start3A_658 = arith.constant 0 : i32
    %dma_start3A_659 = tpu.memref_slice %arg2[%dma_start3A_658] : memref<31997952xf32, #tpu.memory_space<hbm>> -> memref<31997952xf32, #tpu.memory_space<hbm>>
    tpu.enqueue_indirect_dma source(%dma_start3A_659 : memref<31997952xf32, #tpu.memory_space<hbm>>) target(%dma_start3A_655 : memref<128xf32, #tpu.memory_space<vmem>>) offsets(%dma_start3A_657 : memref<128xi32, #tpu.memory_space<vmem>>) semaphore(%arg7 : memref<!tpu.dma_semaphore, #tpu.memory_space<semaphore_mem>>)
    %dma_start3A_660 = arith.constant 14080 : i32
    %dma_start3A_661 = tpu.memref_slice %arg6[%dma_start3A_660] : memref<16384xf32, #tpu.memory_space<vmem>> -> memref<128xf32, #tpu.memory_space<vmem>>
    %dma_start3A_662 = arith.constant 14080 : i32
    %dma_start3A_663 = tpu.memref_slice %arg5[%dma_start3A_662] : memref<16384xi32, #tpu.memory_space<vmem>> -> memref<128xi32, #tpu.memory_space<vmem>>
    %dma_start3A_664 = arith.constant 0 : i32
    %dma_start3A_665 = tpu.memref_slice %arg2[%dma_start3A_664] : memref<31997952xf32, #tpu.memory_space<hbm>> -> memref<31997952xf32, #tpu.memory_space<hbm>>
    tpu.enqueue_indirect_dma source(%dma_start3A_665 : memref<31997952xf32, #tpu.memory_space<hbm>>) target(%dma_start3A_661 : memref<128xf32, #tpu.memory_space<vmem>>) offsets(%dma_start3A_663 : memref<128xi32, #tpu.memory_space<vmem>>) semaphore(%arg7 : memref<!tpu.dma_semaphore, #tpu.memory_space<semaphore_mem>>)
    %dma_start3A_666 = arith.constant 14208 : i32
    %dma_start3A_667 = tpu.memref_slice %arg6[%dma_start3A_666] : memref<16384xf32, #tpu.memory_space<vmem>> -> memref<128xf32, #tpu.memory_space<vmem>>
    %dma_start3A_668 = arith.constant 14208 : i32
    %dma_start3A_669 = tpu.memref_slice %arg5[%dma_start3A_668] : memref<16384xi32, #tpu.memory_space<vmem>> -> memref<128xi32, #tpu.memory_space<vmem>>
    %dma_start3A_670 = arith.constant 0 : i32
    %dma_start3A_671 = tpu.memref_slice %arg2[%dma_start3A_670] : memref<31997952xf32, #tpu.memory_space<hbm>> -> memref<31997952xf32, #tpu.memory_space<hbm>>
    tpu.enqueue_indirect_dma source(%dma_start3A_671 : memref<31997952xf32, #tpu.memory_space<hbm>>) target(%dma_start3A_667 : memref<128xf32, #tpu.memory_space<vmem>>) offsets(%dma_start3A_669 : memref<128xi32, #tpu.memory_space<vmem>>) semaphore(%arg7 : memref<!tpu.dma_semaphore, #tpu.memory_space<semaphore_mem>>)
    %dma_start3A_672 = arith.constant 14336 : i32
    %dma_start3A_673 = tpu.memref_slice %arg6[%dma_start3A_672] : memref<16384xf32, #tpu.memory_space<vmem>> -> memref<128xf32, #tpu.memory_space<vmem>>
    %dma_start3A_674 = arith.constant 14336 : i32
    %dma_start3A_675 = tpu.memref_slice %arg5[%dma_start3A_674] : memref<16384xi32, #tpu.memory_space<vmem>> -> memref<128xi32, #tpu.memory_space<vmem>>
    %dma_start3A_676 = arith.constant 0 : i32
    %dma_start3A_677 = tpu.memref_slice %arg2[%dma_start3A_676] : memref<31997952xf32, #tpu.memory_space<hbm>> -> memref<31997952xf32, #tpu.memory_space<hbm>>
    tpu.enqueue_indirect_dma source(%dma_start3A_677 : memref<31997952xf32, #tpu.memory_space<hbm>>) target(%dma_start3A_673 : memref<128xf32, #tpu.memory_space<vmem>>) offsets(%dma_start3A_675 : memref<128xi32, #tpu.memory_space<vmem>>) semaphore(%arg7 : memref<!tpu.dma_semaphore, #tpu.memory_space<semaphore_mem>>)
    %dma_start3A_678 = arith.constant 14464 : i32
    %dma_start3A_679 = tpu.memref_slice %arg6[%dma_start3A_678] : memref<16384xf32, #tpu.memory_space<vmem>> -> memref<128xf32, #tpu.memory_space<vmem>>
    %dma_start3A_680 = arith.constant 14464 : i32
    %dma_start3A_681 = tpu.memref_slice %arg5[%dma_start3A_680] : memref<16384xi32, #tpu.memory_space<vmem>> -> memref<128xi32, #tpu.memory_space<vmem>>
    %dma_start3A_682 = arith.constant 0 : i32
    %dma_start3A_683 = tpu.memref_slice %arg2[%dma_start3A_682] : memref<31997952xf32, #tpu.memory_space<hbm>> -> memref<31997952xf32, #tpu.memory_space<hbm>>
    tpu.enqueue_indirect_dma source(%dma_start3A_683 : memref<31997952xf32, #tpu.memory_space<hbm>>) target(%dma_start3A_679 : memref<128xf32, #tpu.memory_space<vmem>>) offsets(%dma_start3A_681 : memref<128xi32, #tpu.memory_space<vmem>>) semaphore(%arg7 : memref<!tpu.dma_semaphore, #tpu.memory_space<semaphore_mem>>)
    %dma_start3A_684 = arith.constant 14592 : i32
    %dma_start3A_685 = tpu.memref_slice %arg6[%dma_start3A_684] : memref<16384xf32, #tpu.memory_space<vmem>> -> memref<128xf32, #tpu.memory_space<vmem>>
    %dma_start3A_686 = arith.constant 14592 : i32
    %dma_start3A_687 = tpu.memref_slice %arg5[%dma_start3A_686] : memref<16384xi32, #tpu.memory_space<vmem>> -> memref<128xi32, #tpu.memory_space<vmem>>
    %dma_start3A_688 = arith.constant 0 : i32
    %dma_start3A_689 = tpu.memref_slice %arg2[%dma_start3A_688] : memref<31997952xf32, #tpu.memory_space<hbm>> -> memref<31997952xf32, #tpu.memory_space<hbm>>
    tpu.enqueue_indirect_dma source(%dma_start3A_689 : memref<31997952xf32, #tpu.memory_space<hbm>>) target(%dma_start3A_685 : memref<128xf32, #tpu.memory_space<vmem>>) offsets(%dma_start3A_687 : memref<128xi32, #tpu.memory_space<vmem>>) semaphore(%arg7 : memref<!tpu.dma_semaphore, #tpu.memory_space<semaphore_mem>>)
    %dma_start3A_690 = arith.constant 14720 : i32
    %dma_start3A_691 = tpu.memref_slice %arg6[%dma_start3A_690] : memref<16384xf32, #tpu.memory_space<vmem>> -> memref<128xf32, #tpu.memory_space<vmem>>
    %dma_start3A_692 = arith.constant 14720 : i32
    %dma_start3A_693 = tpu.memref_slice %arg5[%dma_start3A_692] : memref<16384xi32, #tpu.memory_space<vmem>> -> memref<128xi32, #tpu.memory_space<vmem>>
    %dma_start3A_694 = arith.constant 0 : i32
    %dma_start3A_695 = tpu.memref_slice %arg2[%dma_start3A_694] : memref<31997952xf32, #tpu.memory_space<hbm>> -> memref<31997952xf32, #tpu.memory_space<hbm>>
    tpu.enqueue_indirect_dma source(%dma_start3A_695 : memref<31997952xf32, #tpu.memory_space<hbm>>) target(%dma_start3A_691 : memref<128xf32, #tpu.memory_space<vmem>>) offsets(%dma_start3A_693 : memref<128xi32, #tpu.memory_space<vmem>>) semaphore(%arg7 : memref<!tpu.dma_semaphore, #tpu.memory_space<semaphore_mem>>)
    %dma_start3A_696 = arith.constant 14848 : i32
    %dma_start3A_697 = tpu.memref_slice %arg6[%dma_start3A_696] : memref<16384xf32, #tpu.memory_space<vmem>> -> memref<128xf32, #tpu.memory_space<vmem>>
    %dma_start3A_698 = arith.constant 14848 : i32
    %dma_start3A_699 = tpu.memref_slice %arg5[%dma_start3A_698] : memref<16384xi32, #tpu.memory_space<vmem>> -> memref<128xi32, #tpu.memory_space<vmem>>
    %dma_start3A_700 = arith.constant 0 : i32
    %dma_start3A_701 = tpu.memref_slice %arg2[%dma_start3A_700] : memref<31997952xf32, #tpu.memory_space<hbm>> -> memref<31997952xf32, #tpu.memory_space<hbm>>
    tpu.enqueue_indirect_dma source(%dma_start3A_701 : memref<31997952xf32, #tpu.memory_space<hbm>>) target(%dma_start3A_697 : memref<128xf32, #tpu.memory_space<vmem>>) offsets(%dma_start3A_699 : memref<128xi32, #tpu.memory_space<vmem>>) semaphore(%arg7 : memref<!tpu.dma_semaphore, #tpu.memory_space<semaphore_mem>>)
    %dma_start3A_702 = arith.constant 14976 : i32
    %dma_start3A_703 = tpu.memref_slice %arg6[%dma_start3A_702] : memref<16384xf32, #tpu.memory_space<vmem>> -> memref<128xf32, #tpu.memory_space<vmem>>
    %dma_start3A_704 = arith.constant 14976 : i32
    %dma_start3A_705 = tpu.memref_slice %arg5[%dma_start3A_704] : memref<16384xi32, #tpu.memory_space<vmem>> -> memref<128xi32, #tpu.memory_space<vmem>>
    %dma_start3A_706 = arith.constant 0 : i32
    %dma_start3A_707 = tpu.memref_slice %arg2[%dma_start3A_706] : memref<31997952xf32, #tpu.memory_space<hbm>> -> memref<31997952xf32, #tpu.memory_space<hbm>>
    tpu.enqueue_indirect_dma source(%dma_start3A_707 : memref<31997952xf32, #tpu.memory_space<hbm>>) target(%dma_start3A_703 : memref<128xf32, #tpu.memory_space<vmem>>) offsets(%dma_start3A_705 : memref<128xi32, #tpu.memory_space<vmem>>) semaphore(%arg7 : memref<!tpu.dma_semaphore, #tpu.memory_space<semaphore_mem>>)
    %dma_start3A_708 = arith.constant 15104 : i32
    %dma_start3A_709 = tpu.memref_slice %arg6[%dma_start3A_708] : memref<16384xf32, #tpu.memory_space<vmem>> -> memref<128xf32, #tpu.memory_space<vmem>>
    %dma_start3A_710 = arith.constant 15104 : i32
    %dma_start3A_711 = tpu.memref_slice %arg5[%dma_start3A_710] : memref<16384xi32, #tpu.memory_space<vmem>> -> memref<128xi32, #tpu.memory_space<vmem>>
    %dma_start3A_712 = arith.constant 0 : i32
    %dma_start3A_713 = tpu.memref_slice %arg2[%dma_start3A_712] : memref<31997952xf32, #tpu.memory_space<hbm>> -> memref<31997952xf32, #tpu.memory_space<hbm>>
    tpu.enqueue_indirect_dma source(%dma_start3A_713 : memref<31997952xf32, #tpu.memory_space<hbm>>) target(%dma_start3A_709 : memref<128xf32, #tpu.memory_space<vmem>>) offsets(%dma_start3A_711 : memref<128xi32, #tpu.memory_space<vmem>>) semaphore(%arg7 : memref<!tpu.dma_semaphore, #tpu.memory_space<semaphore_mem>>)
    %dma_start3A_714 = arith.constant 15232 : i32
    %dma_start3A_715 = tpu.memref_slice %arg6[%dma_start3A_714] : memref<16384xf32, #tpu.memory_space<vmem>> -> memref<128xf32, #tpu.memory_space<vmem>>
    %dma_start3A_716 = arith.constant 15232 : i32
    %dma_start3A_717 = tpu.memref_slice %arg5[%dma_start3A_716] : memref<16384xi32, #tpu.memory_space<vmem>> -> memref<128xi32, #tpu.memory_space<vmem>>
    %dma_start3A_718 = arith.constant 0 : i32
    %dma_start3A_719 = tpu.memref_slice %arg2[%dma_start3A_718] : memref<31997952xf32, #tpu.memory_space<hbm>> -> memref<31997952xf32, #tpu.memory_space<hbm>>
    tpu.enqueue_indirect_dma source(%dma_start3A_719 : memref<31997952xf32, #tpu.memory_space<hbm>>) target(%dma_start3A_715 : memref<128xf32, #tpu.memory_space<vmem>>) offsets(%dma_start3A_717 : memref<128xi32, #tpu.memory_space<vmem>>) semaphore(%arg7 : memref<!tpu.dma_semaphore, #tpu.memory_space<semaphore_mem>>)
    %dma_start3A_720 = arith.constant 15360 : i32
    %dma_start3A_721 = tpu.memref_slice %arg6[%dma_start3A_720] : memref<16384xf32, #tpu.memory_space<vmem>> -> memref<128xf32, #tpu.memory_space<vmem>>
    %dma_start3A_722 = arith.constant 15360 : i32
    %dma_start3A_723 = tpu.memref_slice %arg5[%dma_start3A_722] : memref<16384xi32, #tpu.memory_space<vmem>> -> memref<128xi32, #tpu.memory_space<vmem>>
    %dma_start3A_724 = arith.constant 0 : i32
    %dma_start3A_725 = tpu.memref_slice %arg2[%dma_start3A_724] : memref<31997952xf32, #tpu.memory_space<hbm>> -> memref<31997952xf32, #tpu.memory_space<hbm>>
    tpu.enqueue_indirect_dma source(%dma_start3A_725 : memref<31997952xf32, #tpu.memory_space<hbm>>) target(%dma_start3A_721 : memref<128xf32, #tpu.memory_space<vmem>>) offsets(%dma_start3A_723 : memref<128xi32, #tpu.memory_space<vmem>>) semaphore(%arg7 : memref<!tpu.dma_semaphore, #tpu.memory_space<semaphore_mem>>)
    %dma_start3A_726 = arith.constant 15488 : i32
    %dma_start3A_727 = tpu.memref_slice %arg6[%dma_start3A_726] : memref<16384xf32, #tpu.memory_space<vmem>> -> memref<128xf32, #tpu.memory_space<vmem>>
    %dma_start3A_728 = arith.constant 15488 : i32
    %dma_start3A_729 = tpu.memref_slice %arg5[%dma_start3A_728] : memref<16384xi32, #tpu.memory_space<vmem>> -> memref<128xi32, #tpu.memory_space<vmem>>
    %dma_start3A_730 = arith.constant 0 : i32
    %dma_start3A_731 = tpu.memref_slice %arg2[%dma_start3A_730] : memref<31997952xf32, #tpu.memory_space<hbm>> -> memref<31997952xf32, #tpu.memory_space<hbm>>
    tpu.enqueue_indirect_dma source(%dma_start3A_731 : memref<31997952xf32, #tpu.memory_space<hbm>>) target(%dma_start3A_727 : memref<128xf32, #tpu.memory_space<vmem>>) offsets(%dma_start3A_729 : memref<128xi32, #tpu.memory_space<vmem>>) semaphore(%arg7 : memref<!tpu.dma_semaphore, #tpu.memory_space<semaphore_mem>>)
    %dma_start3A_732 = arith.constant 15616 : i32
    %dma_start3A_733 = tpu.memref_slice %arg6[%dma_start3A_732] : memref<16384xf32, #tpu.memory_space<vmem>> -> memref<128xf32, #tpu.memory_space<vmem>>
    %dma_start3A_734 = arith.constant 15616 : i32
    %dma_start3A_735 = tpu.memref_slice %arg5[%dma_start3A_734] : memref<16384xi32, #tpu.memory_space<vmem>> -> memref<128xi32, #tpu.memory_space<vmem>>
    %dma_start3A_736 = arith.constant 0 : i32
    %dma_start3A_737 = tpu.memref_slice %arg2[%dma_start3A_736] : memref<31997952xf32, #tpu.memory_space<hbm>> -> memref<31997952xf32, #tpu.memory_space<hbm>>
    tpu.enqueue_indirect_dma source(%dma_start3A_737 : memref<31997952xf32, #tpu.memory_space<hbm>>) target(%dma_start3A_733 : memref<128xf32, #tpu.memory_space<vmem>>) offsets(%dma_start3A_735 : memref<128xi32, #tpu.memory_space<vmem>>) semaphore(%arg7 : memref<!tpu.dma_semaphore, #tpu.memory_space<semaphore_mem>>)
    %dma_start3A_738 = arith.constant 15744 : i32
    %dma_start3A_739 = tpu.memref_slice %arg6[%dma_start3A_738] : memref<16384xf32, #tpu.memory_space<vmem>> -> memref<128xf32, #tpu.memory_space<vmem>>
    %dma_start3A_740 = arith.constant 15744 : i32
    %dma_start3A_741 = tpu.memref_slice %arg5[%dma_start3A_740] : memref<16384xi32, #tpu.memory_space<vmem>> -> memref<128xi32, #tpu.memory_space<vmem>>
    %dma_start3A_742 = arith.constant 0 : i32
    %dma_start3A_743 = tpu.memref_slice %arg2[%dma_start3A_742] : memref<31997952xf32, #tpu.memory_space<hbm>> -> memref<31997952xf32, #tpu.memory_space<hbm>>
    tpu.enqueue_indirect_dma source(%dma_start3A_743 : memref<31997952xf32, #tpu.memory_space<hbm>>) target(%dma_start3A_739 : memref<128xf32, #tpu.memory_space<vmem>>) offsets(%dma_start3A_741 : memref<128xi32, #tpu.memory_space<vmem>>) semaphore(%arg7 : memref<!tpu.dma_semaphore, #tpu.memory_space<semaphore_mem>>)
    %dma_start3A_744 = arith.constant 15872 : i32
    %dma_start3A_745 = tpu.memref_slice %arg6[%dma_start3A_744] : memref<16384xf32, #tpu.memory_space<vmem>> -> memref<128xf32, #tpu.memory_space<vmem>>
    %dma_start3A_746 = arith.constant 15872 : i32
    %dma_start3A_747 = tpu.memref_slice %arg5[%dma_start3A_746] : memref<16384xi32, #tpu.memory_space<vmem>> -> memref<128xi32, #tpu.memory_space<vmem>>
    %dma_start3A_748 = arith.constant 0 : i32
    %dma_start3A_749 = tpu.memref_slice %arg2[%dma_start3A_748] : memref<31997952xf32, #tpu.memory_space<hbm>> -> memref<31997952xf32, #tpu.memory_space<hbm>>
    tpu.enqueue_indirect_dma source(%dma_start3A_749 : memref<31997952xf32, #tpu.memory_space<hbm>>) target(%dma_start3A_745 : memref<128xf32, #tpu.memory_space<vmem>>) offsets(%dma_start3A_747 : memref<128xi32, #tpu.memory_space<vmem>>) semaphore(%arg7 : memref<!tpu.dma_semaphore, #tpu.memory_space<semaphore_mem>>)
    %dma_start3A_750 = arith.constant 16000 : i32
    %dma_start3A_751 = tpu.memref_slice %arg6[%dma_start3A_750] : memref<16384xf32, #tpu.memory_space<vmem>> -> memref<128xf32, #tpu.memory_space<vmem>>
    %dma_start3A_752 = arith.constant 16000 : i32
    %dma_start3A_753 = tpu.memref_slice %arg5[%dma_start3A_752] : memref<16384xi32, #tpu.memory_space<vmem>> -> memref<128xi32, #tpu.memory_space<vmem>>
    %dma_start3A_754 = arith.constant 0 : i32
    %dma_start3A_755 = tpu.memref_slice %arg2[%dma_start3A_754] : memref<31997952xf32, #tpu.memory_space<hbm>> -> memref<31997952xf32, #tpu.memory_space<hbm>>
    tpu.enqueue_indirect_dma source(%dma_start3A_755 : memref<31997952xf32, #tpu.memory_space<hbm>>) target(%dma_start3A_751 : memref<128xf32, #tpu.memory_space<vmem>>) offsets(%dma_start3A_753 : memref<128xi32, #tpu.memory_space<vmem>>) semaphore(%arg7 : memref<!tpu.dma_semaphore, #tpu.memory_space<semaphore_mem>>)
    %dma_start3A_756 = arith.constant 16128 : i32
    %dma_start3A_757 = tpu.memref_slice %arg6[%dma_start3A_756] : memref<16384xf32, #tpu.memory_space<vmem>> -> memref<128xf32, #tpu.memory_space<vmem>>
    %dma_start3A_758 = arith.constant 16128 : i32
    %dma_start3A_759 = tpu.memref_slice %arg5[%dma_start3A_758] : memref<16384xi32, #tpu.memory_space<vmem>> -> memref<128xi32, #tpu.memory_space<vmem>>
    %dma_start3A_760 = arith.constant 0 : i32
    %dma_start3A_761 = tpu.memref_slice %arg2[%dma_start3A_760] : memref<31997952xf32, #tpu.memory_space<hbm>> -> memref<31997952xf32, #tpu.memory_space<hbm>>
    tpu.enqueue_indirect_dma source(%dma_start3A_761 : memref<31997952xf32, #tpu.memory_space<hbm>>) target(%dma_start3A_757 : memref<128xf32, #tpu.memory_space<vmem>>) offsets(%dma_start3A_759 : memref<128xi32, #tpu.memory_space<vmem>>) semaphore(%arg7 : memref<!tpu.dma_semaphore, #tpu.memory_space<semaphore_mem>>)
    %dma_start3A_762 = arith.constant 16256 : i32
    %dma_start3A_763 = tpu.memref_slice %arg6[%dma_start3A_762] : memref<16384xf32, #tpu.memory_space<vmem>> -> memref<128xf32, #tpu.memory_space<vmem>>
    %dma_start3A_764 = arith.constant 16256 : i32
    %dma_start3A_765 = tpu.memref_slice %arg5[%dma_start3A_764] : memref<16384xi32, #tpu.memory_space<vmem>> -> memref<128xi32, #tpu.memory_space<vmem>>
    %dma_start3A_766 = arith.constant 0 : i32
    %dma_start3A_767 = tpu.memref_slice %arg2[%dma_start3A_766] : memref<31997952xf32, #tpu.memory_space<hbm>> -> memref<31997952xf32, #tpu.memory_space<hbm>>
    tpu.enqueue_indirect_dma source(%dma_start3A_767 : memref<31997952xf32, #tpu.memory_space<hbm>>) target(%dma_start3A_763 : memref<128xf32, #tpu.memory_space<vmem>>) offsets(%dma_start3A_765 : memref<128xi32, #tpu.memory_space<vmem>>) semaphore(%arg7 : memref<!tpu.dma_semaphore, #tpu.memory_space<semaphore_mem>>)
    %dma_wait3A = arith.constant 0 : i32
    %dma_wait3A_768 = tpu.memref_slice %arg6[%dma_wait3A] : memref<16384xf32, #tpu.memory_space<vmem>> -> memref<128xf32, #tpu.memory_space<vmem>>
    %dma_wait3A_769 = arith.constant 0 : i32
    %dma_wait3A_770 = tpu.memref_slice %arg5[%dma_wait3A_769] : memref<16384xi32, #tpu.memory_space<vmem>> -> memref<128xi32, #tpu.memory_space<vmem>>
    %dma_wait3A_771 = arith.constant 0 : i32
    %dma_wait3A_772 = tpu.memref_slice %arg2[%dma_wait3A_771] : memref<31997952xf32, #tpu.memory_space<hbm>> -> memref<31997952xf32, #tpu.memory_space<hbm>>
    tpu.wait_indirect_dma semaphore(%arg7 : memref<!tpu.dma_semaphore, #tpu.memory_space<semaphore_mem>>) src(%dma_wait3A_772 : memref<31997952xf32, #tpu.memory_space<hbm>>) dst(%dma_wait3A_768 : memref<128xf32, #tpu.memory_space<vmem>>)
    %dma_wait3A_773 = arith.constant 128 : i32
    %dma_wait3A_774 = tpu.memref_slice %arg6[%dma_wait3A_773] : memref<16384xf32, #tpu.memory_space<vmem>> -> memref<128xf32, #tpu.memory_space<vmem>>
    %dma_wait3A_775 = arith.constant 128 : i32
    %dma_wait3A_776 = tpu.memref_slice %arg5[%dma_wait3A_775] : memref<16384xi32, #tpu.memory_space<vmem>> -> memref<128xi32, #tpu.memory_space<vmem>>
    %dma_wait3A_777 = arith.constant 0 : i32
    %dma_wait3A_778 = tpu.memref_slice %arg2[%dma_wait3A_777] : memref<31997952xf32, #tpu.memory_space<hbm>> -> memref<31997952xf32, #tpu.memory_space<hbm>>
    tpu.wait_indirect_dma semaphore(%arg7 : memref<!tpu.dma_semaphore, #tpu.memory_space<semaphore_mem>>) src(%dma_wait3A_778 : memref<31997952xf32, #tpu.memory_space<hbm>>) dst(%dma_wait3A_774 : memref<128xf32, #tpu.memory_space<vmem>>)
    %dma_wait3A_779 = arith.constant 256 : i32
    %dma_wait3A_780 = tpu.memref_slice %arg6[%dma_wait3A_779] : memref<16384xf32, #tpu.memory_space<vmem>> -> memref<128xf32, #tpu.memory_space<vmem>>
    %dma_wait3A_781 = arith.constant 256 : i32
    %dma_wait3A_782 = tpu.memref_slice %arg5[%dma_wait3A_781] : memref<16384xi32, #tpu.memory_space<vmem>> -> memref<128xi32, #tpu.memory_space<vmem>>
    %dma_wait3A_783 = arith.constant 0 : i32
    %dma_wait3A_784 = tpu.memref_slice %arg2[%dma_wait3A_783] : memref<31997952xf32, #tpu.memory_space<hbm>> -> memref<31997952xf32, #tpu.memory_space<hbm>>
    tpu.wait_indirect_dma semaphore(%arg7 : memref<!tpu.dma_semaphore, #tpu.memory_space<semaphore_mem>>) src(%dma_wait3A_784 : memref<31997952xf32, #tpu.memory_space<hbm>>) dst(%dma_wait3A_780 : memref<128xf32, #tpu.memory_space<vmem>>)
    %dma_wait3A_785 = arith.constant 384 : i32
    %dma_wait3A_786 = tpu.memref_slice %arg6[%dma_wait3A_785] : memref<16384xf32, #tpu.memory_space<vmem>> -> memref<128xf32, #tpu.memory_space<vmem>>
    %dma_wait3A_787 = arith.constant 384 : i32
    %dma_wait3A_788 = tpu.memref_slice %arg5[%dma_wait3A_787] : memref<16384xi32, #tpu.memory_space<vmem>> -> memref<128xi32, #tpu.memory_space<vmem>>
    %dma_wait3A_789 = arith.constant 0 : i32
    %dma_wait3A_790 = tpu.memref_slice %arg2[%dma_wait3A_789] : memref<31997952xf32, #tpu.memory_space<hbm>> -> memref<31997952xf32, #tpu.memory_space<hbm>>
    tpu.wait_indirect_dma semaphore(%arg7 : memref<!tpu.dma_semaphore, #tpu.memory_space<semaphore_mem>>) src(%dma_wait3A_790 : memref<31997952xf32, #tpu.memory_space<hbm>>) dst(%dma_wait3A_786 : memref<128xf32, #tpu.memory_space<vmem>>)
    %dma_wait3A_791 = arith.constant 512 : i32
    %dma_wait3A_792 = tpu.memref_slice %arg6[%dma_wait3A_791] : memref<16384xf32, #tpu.memory_space<vmem>> -> memref<128xf32, #tpu.memory_space<vmem>>
    %dma_wait3A_793 = arith.constant 512 : i32
    %dma_wait3A_794 = tpu.memref_slice %arg5[%dma_wait3A_793] : memref<16384xi32, #tpu.memory_space<vmem>> -> memref<128xi32, #tpu.memory_space<vmem>>
    %dma_wait3A_795 = arith.constant 0 : i32
    %dma_wait3A_796 = tpu.memref_slice %arg2[%dma_wait3A_795] : memref<31997952xf32, #tpu.memory_space<hbm>> -> memref<31997952xf32, #tpu.memory_space<hbm>>
    tpu.wait_indirect_dma semaphore(%arg7 : memref<!tpu.dma_semaphore, #tpu.memory_space<semaphore_mem>>) src(%dma_wait3A_796 : memref<31997952xf32, #tpu.memory_space<hbm>>) dst(%dma_wait3A_792 : memref<128xf32, #tpu.memory_space<vmem>>)
    %dma_wait3A_797 = arith.constant 640 : i32
    %dma_wait3A_798 = tpu.memref_slice %arg6[%dma_wait3A_797] : memref<16384xf32, #tpu.memory_space<vmem>> -> memref<128xf32, #tpu.memory_space<vmem>>
    %dma_wait3A_799 = arith.constant 640 : i32
    %dma_wait3A_800 = tpu.memref_slice %arg5[%dma_wait3A_799] : memref<16384xi32, #tpu.memory_space<vmem>> -> memref<128xi32, #tpu.memory_space<vmem>>
    %dma_wait3A_801 = arith.constant 0 : i32
    %dma_wait3A_802 = tpu.memref_slice %arg2[%dma_wait3A_801] : memref<31997952xf32, #tpu.memory_space<hbm>> -> memref<31997952xf32, #tpu.memory_space<hbm>>
    tpu.wait_indirect_dma semaphore(%arg7 : memref<!tpu.dma_semaphore, #tpu.memory_space<semaphore_mem>>) src(%dma_wait3A_802 : memref<31997952xf32, #tpu.memory_space<hbm>>) dst(%dma_wait3A_798 : memref<128xf32, #tpu.memory_space<vmem>>)
    %dma_wait3A_803 = arith.constant 768 : i32
    %dma_wait3A_804 = tpu.memref_slice %arg6[%dma_wait3A_803] : memref<16384xf32, #tpu.memory_space<vmem>> -> memref<128xf32, #tpu.memory_space<vmem>>
    %dma_wait3A_805 = arith.constant 768 : i32
    %dma_wait3A_806 = tpu.memref_slice %arg5[%dma_wait3A_805] : memref<16384xi32, #tpu.memory_space<vmem>> -> memref<128xi32, #tpu.memory_space<vmem>>
    %dma_wait3A_807 = arith.constant 0 : i32
    %dma_wait3A_808 = tpu.memref_slice %arg2[%dma_wait3A_807] : memref<31997952xf32, #tpu.memory_space<hbm>> -> memref<31997952xf32, #tpu.memory_space<hbm>>
    tpu.wait_indirect_dma semaphore(%arg7 : memref<!tpu.dma_semaphore, #tpu.memory_space<semaphore_mem>>) src(%dma_wait3A_808 : memref<31997952xf32, #tpu.memory_space<hbm>>) dst(%dma_wait3A_804 : memref<128xf32, #tpu.memory_space<vmem>>)
    %dma_wait3A_809 = arith.constant 896 : i32
    %dma_wait3A_810 = tpu.memref_slice %arg6[%dma_wait3A_809] : memref<16384xf32, #tpu.memory_space<vmem>> -> memref<128xf32, #tpu.memory_space<vmem>>
    %dma_wait3A_811 = arith.constant 896 : i32
    %dma_wait3A_812 = tpu.memref_slice %arg5[%dma_wait3A_811] : memref<16384xi32, #tpu.memory_space<vmem>> -> memref<128xi32, #tpu.memory_space<vmem>>
    %dma_wait3A_813 = arith.constant 0 : i32
    %dma_wait3A_814 = tpu.memref_slice %arg2[%dma_wait3A_813] : memref<31997952xf32, #tpu.memory_space<hbm>> -> memref<31997952xf32, #tpu.memory_space<hbm>>
    tpu.wait_indirect_dma semaphore(%arg7 : memref<!tpu.dma_semaphore, #tpu.memory_space<semaphore_mem>>) src(%dma_wait3A_814 : memref<31997952xf32, #tpu.memory_space<hbm>>) dst(%dma_wait3A_810 : memref<128xf32, #tpu.memory_space<vmem>>)
    %dma_wait3A_815 = arith.constant 1024 : i32
    %dma_wait3A_816 = tpu.memref_slice %arg6[%dma_wait3A_815] : memref<16384xf32, #tpu.memory_space<vmem>> -> memref<128xf32, #tpu.memory_space<vmem>>
    %dma_wait3A_817 = arith.constant 1024 : i32
    %dma_wait3A_818 = tpu.memref_slice %arg5[%dma_wait3A_817] : memref<16384xi32, #tpu.memory_space<vmem>> -> memref<128xi32, #tpu.memory_space<vmem>>
    %dma_wait3A_819 = arith.constant 0 : i32
    %dma_wait3A_820 = tpu.memref_slice %arg2[%dma_wait3A_819] : memref<31997952xf32, #tpu.memory_space<hbm>> -> memref<31997952xf32, #tpu.memory_space<hbm>>
    tpu.wait_indirect_dma semaphore(%arg7 : memref<!tpu.dma_semaphore, #tpu.memory_space<semaphore_mem>>) src(%dma_wait3A_820 : memref<31997952xf32, #tpu.memory_space<hbm>>) dst(%dma_wait3A_816 : memref<128xf32, #tpu.memory_space<vmem>>)
    %dma_wait3A_821 = arith.constant 1152 : i32
    %dma_wait3A_822 = tpu.memref_slice %arg6[%dma_wait3A_821] : memref<16384xf32, #tpu.memory_space<vmem>> -> memref<128xf32, #tpu.memory_space<vmem>>
    %dma_wait3A_823 = arith.constant 1152 : i32
    %dma_wait3A_824 = tpu.memref_slice %arg5[%dma_wait3A_823] : memref<16384xi32, #tpu.memory_space<vmem>> -> memref<128xi32, #tpu.memory_space<vmem>>
    %dma_wait3A_825 = arith.constant 0 : i32
    %dma_wait3A_826 = tpu.memref_slice %arg2[%dma_wait3A_825] : memref<31997952xf32, #tpu.memory_space<hbm>> -> memref<31997952xf32, #tpu.memory_space<hbm>>
    tpu.wait_indirect_dma semaphore(%arg7 : memref<!tpu.dma_semaphore, #tpu.memory_space<semaphore_mem>>) src(%dma_wait3A_826 : memref<31997952xf32, #tpu.memory_space<hbm>>) dst(%dma_wait3A_822 : memref<128xf32, #tpu.memory_space<vmem>>)
    %dma_wait3A_827 = arith.constant 1280 : i32
    %dma_wait3A_828 = tpu.memref_slice %arg6[%dma_wait3A_827] : memref<16384xf32, #tpu.memory_space<vmem>> -> memref<128xf32, #tpu.memory_space<vmem>>
    %dma_wait3A_829 = arith.constant 1280 : i32
    %dma_wait3A_830 = tpu.memref_slice %arg5[%dma_wait3A_829] : memref<16384xi32, #tpu.memory_space<vmem>> -> memref<128xi32, #tpu.memory_space<vmem>>
    %dma_wait3A_831 = arith.constant 0 : i32
    %dma_wait3A_832 = tpu.memref_slice %arg2[%dma_wait3A_831] : memref<31997952xf32, #tpu.memory_space<hbm>> -> memref<31997952xf32, #tpu.memory_space<hbm>>
    tpu.wait_indirect_dma semaphore(%arg7 : memref<!tpu.dma_semaphore, #tpu.memory_space<semaphore_mem>>) src(%dma_wait3A_832 : memref<31997952xf32, #tpu.memory_space<hbm>>) dst(%dma_wait3A_828 : memref<128xf32, #tpu.memory_space<vmem>>)
    %dma_wait3A_833 = arith.constant 1408 : i32
    %dma_wait3A_834 = tpu.memref_slice %arg6[%dma_wait3A_833] : memref<16384xf32, #tpu.memory_space<vmem>> -> memref<128xf32, #tpu.memory_space<vmem>>
    %dma_wait3A_835 = arith.constant 1408 : i32
    %dma_wait3A_836 = tpu.memref_slice %arg5[%dma_wait3A_835] : memref<16384xi32, #tpu.memory_space<vmem>> -> memref<128xi32, #tpu.memory_space<vmem>>
    %dma_wait3A_837 = arith.constant 0 : i32
    %dma_wait3A_838 = tpu.memref_slice %arg2[%dma_wait3A_837] : memref<31997952xf32, #tpu.memory_space<hbm>> -> memref<31997952xf32, #tpu.memory_space<hbm>>
    tpu.wait_indirect_dma semaphore(%arg7 : memref<!tpu.dma_semaphore, #tpu.memory_space<semaphore_mem>>) src(%dma_wait3A_838 : memref<31997952xf32, #tpu.memory_space<hbm>>) dst(%dma_wait3A_834 : memref<128xf32, #tpu.memory_space<vmem>>)
    %dma_wait3A_839 = arith.constant 1536 : i32
    %dma_wait3A_840 = tpu.memref_slice %arg6[%dma_wait3A_839] : memref<16384xf32, #tpu.memory_space<vmem>> -> memref<128xf32, #tpu.memory_space<vmem>>
    %dma_wait3A_841 = arith.constant 1536 : i32
    %dma_wait3A_842 = tpu.memref_slice %arg5[%dma_wait3A_841] : memref<16384xi32, #tpu.memory_space<vmem>> -> memref<128xi32, #tpu.memory_space<vmem>>
    %dma_wait3A_843 = arith.constant 0 : i32
    %dma_wait3A_844 = tpu.memref_slice %arg2[%dma_wait3A_843] : memref<31997952xf32, #tpu.memory_space<hbm>> -> memref<31997952xf32, #tpu.memory_space<hbm>>
    tpu.wait_indirect_dma semaphore(%arg7 : memref<!tpu.dma_semaphore, #tpu.memory_space<semaphore_mem>>) src(%dma_wait3A_844 : memref<31997952xf32, #tpu.memory_space<hbm>>) dst(%dma_wait3A_840 : memref<128xf32, #tpu.memory_space<vmem>>)
    %dma_wait3A_845 = arith.constant 1664 : i32
    %dma_wait3A_846 = tpu.memref_slice %arg6[%dma_wait3A_845] : memref<16384xf32, #tpu.memory_space<vmem>> -> memref<128xf32, #tpu.memory_space<vmem>>
    %dma_wait3A_847 = arith.constant 1664 : i32
    %dma_wait3A_848 = tpu.memref_slice %arg5[%dma_wait3A_847] : memref<16384xi32, #tpu.memory_space<vmem>> -> memref<128xi32, #tpu.memory_space<vmem>>
    %dma_wait3A_849 = arith.constant 0 : i32
    %dma_wait3A_850 = tpu.memref_slice %arg2[%dma_wait3A_849] : memref<31997952xf32, #tpu.memory_space<hbm>> -> memref<31997952xf32, #tpu.memory_space<hbm>>
    tpu.wait_indirect_dma semaphore(%arg7 : memref<!tpu.dma_semaphore, #tpu.memory_space<semaphore_mem>>) src(%dma_wait3A_850 : memref<31997952xf32, #tpu.memory_space<hbm>>) dst(%dma_wait3A_846 : memref<128xf32, #tpu.memory_space<vmem>>)
    %dma_wait3A_851 = arith.constant 1792 : i32
    %dma_wait3A_852 = tpu.memref_slice %arg6[%dma_wait3A_851] : memref<16384xf32, #tpu.memory_space<vmem>> -> memref<128xf32, #tpu.memory_space<vmem>>
    %dma_wait3A_853 = arith.constant 1792 : i32
    %dma_wait3A_854 = tpu.memref_slice %arg5[%dma_wait3A_853] : memref<16384xi32, #tpu.memory_space<vmem>> -> memref<128xi32, #tpu.memory_space<vmem>>
    %dma_wait3A_855 = arith.constant 0 : i32
    %dma_wait3A_856 = tpu.memref_slice %arg2[%dma_wait3A_855] : memref<31997952xf32, #tpu.memory_space<hbm>> -> memref<31997952xf32, #tpu.memory_space<hbm>>
    tpu.wait_indirect_dma semaphore(%arg7 : memref<!tpu.dma_semaphore, #tpu.memory_space<semaphore_mem>>) src(%dma_wait3A_856 : memref<31997952xf32, #tpu.memory_space<hbm>>) dst(%dma_wait3A_852 : memref<128xf32, #tpu.memory_space<vmem>>)
    %dma_wait3A_857 = arith.constant 1920 : i32
    %dma_wait3A_858 = tpu.memref_slice %arg6[%dma_wait3A_857] : memref<16384xf32, #tpu.memory_space<vmem>> -> memref<128xf32, #tpu.memory_space<vmem>>
    %dma_wait3A_859 = arith.constant 1920 : i32
    %dma_wait3A_860 = tpu.memref_slice %arg5[%dma_wait3A_859] : memref<16384xi32, #tpu.memory_space<vmem>> -> memref<128xi32, #tpu.memory_space<vmem>>
    %dma_wait3A_861 = arith.constant 0 : i32
    %dma_wait3A_862 = tpu.memref_slice %arg2[%dma_wait3A_861] : memref<31997952xf32, #tpu.memory_space<hbm>> -> memref<31997952xf32, #tpu.memory_space<hbm>>
    tpu.wait_indirect_dma semaphore(%arg7 : memref<!tpu.dma_semaphore, #tpu.memory_space<semaphore_mem>>) src(%dma_wait3A_862 : memref<31997952xf32, #tpu.memory_space<hbm>>) dst(%dma_wait3A_858 : memref<128xf32, #tpu.memory_space<vmem>>)
    %dma_wait3A_863 = arith.constant 2048 : i32
    %dma_wait3A_864 = tpu.memref_slice %arg6[%dma_wait3A_863] : memref<16384xf32, #tpu.memory_space<vmem>> -> memref<128xf32, #tpu.memory_space<vmem>>
    %dma_wait3A_865 = arith.constant 2048 : i32
    %dma_wait3A_866 = tpu.memref_slice %arg5[%dma_wait3A_865] : memref<16384xi32, #tpu.memory_space<vmem>> -> memref<128xi32, #tpu.memory_space<vmem>>
    %dma_wait3A_867 = arith.constant 0 : i32
    %dma_wait3A_868 = tpu.memref_slice %arg2[%dma_wait3A_867] : memref<31997952xf32, #tpu.memory_space<hbm>> -> memref<31997952xf32, #tpu.memory_space<hbm>>
    tpu.wait_indirect_dma semaphore(%arg7 : memref<!tpu.dma_semaphore, #tpu.memory_space<semaphore_mem>>) src(%dma_wait3A_868 : memref<31997952xf32, #tpu.memory_space<hbm>>) dst(%dma_wait3A_864 : memref<128xf32, #tpu.memory_space<vmem>>)
    %dma_wait3A_869 = arith.constant 2176 : i32
    %dma_wait3A_870 = tpu.memref_slice %arg6[%dma_wait3A_869] : memref<16384xf32, #tpu.memory_space<vmem>> -> memref<128xf32, #tpu.memory_space<vmem>>
    %dma_wait3A_871 = arith.constant 2176 : i32
    %dma_wait3A_872 = tpu.memref_slice %arg5[%dma_wait3A_871] : memref<16384xi32, #tpu.memory_space<vmem>> -> memref<128xi32, #tpu.memory_space<vmem>>
    %dma_wait3A_873 = arith.constant 0 : i32
    %dma_wait3A_874 = tpu.memref_slice %arg2[%dma_wait3A_873] : memref<31997952xf32, #tpu.memory_space<hbm>> -> memref<31997952xf32, #tpu.memory_space<hbm>>
    tpu.wait_indirect_dma semaphore(%arg7 : memref<!tpu.dma_semaphore, #tpu.memory_space<semaphore_mem>>) src(%dma_wait3A_874 : memref<31997952xf32, #tpu.memory_space<hbm>>) dst(%dma_wait3A_870 : memref<128xf32, #tpu.memory_space<vmem>>)
    %dma_wait3A_875 = arith.constant 2304 : i32
    %dma_wait3A_876 = tpu.memref_slice %arg6[%dma_wait3A_875] : memref<16384xf32, #tpu.memory_space<vmem>> -> memref<128xf32, #tpu.memory_space<vmem>>
    %dma_wait3A_877 = arith.constant 2304 : i32
    %dma_wait3A_878 = tpu.memref_slice %arg5[%dma_wait3A_877] : memref<16384xi32, #tpu.memory_space<vmem>> -> memref<128xi32, #tpu.memory_space<vmem>>
    %dma_wait3A_879 = arith.constant 0 : i32
    %dma_wait3A_880 = tpu.memref_slice %arg2[%dma_wait3A_879] : memref<31997952xf32, #tpu.memory_space<hbm>> -> memref<31997952xf32, #tpu.memory_space<hbm>>
    tpu.wait_indirect_dma semaphore(%arg7 : memref<!tpu.dma_semaphore, #tpu.memory_space<semaphore_mem>>) src(%dma_wait3A_880 : memref<31997952xf32, #tpu.memory_space<hbm>>) dst(%dma_wait3A_876 : memref<128xf32, #tpu.memory_space<vmem>>)
    %dma_wait3A_881 = arith.constant 2432 : i32
    %dma_wait3A_882 = tpu.memref_slice %arg6[%dma_wait3A_881] : memref<16384xf32, #tpu.memory_space<vmem>> -> memref<128xf32, #tpu.memory_space<vmem>>
    %dma_wait3A_883 = arith.constant 2432 : i32
    %dma_wait3A_884 = tpu.memref_slice %arg5[%dma_wait3A_883] : memref<16384xi32, #tpu.memory_space<vmem>> -> memref<128xi32, #tpu.memory_space<vmem>>
    %dma_wait3A_885 = arith.constant 0 : i32
    %dma_wait3A_886 = tpu.memref_slice %arg2[%dma_wait3A_885] : memref<31997952xf32, #tpu.memory_space<hbm>> -> memref<31997952xf32, #tpu.memory_space<hbm>>
    tpu.wait_indirect_dma semaphore(%arg7 : memref<!tpu.dma_semaphore, #tpu.memory_space<semaphore_mem>>) src(%dma_wait3A_886 : memref<31997952xf32, #tpu.memory_space<hbm>>) dst(%dma_wait3A_882 : memref<128xf32, #tpu.memory_space<vmem>>)
    %dma_wait3A_887 = arith.constant 2560 : i32
    %dma_wait3A_888 = tpu.memref_slice %arg6[%dma_wait3A_887] : memref<16384xf32, #tpu.memory_space<vmem>> -> memref<128xf32, #tpu.memory_space<vmem>>
    %dma_wait3A_889 = arith.constant 2560 : i32
    %dma_wait3A_890 = tpu.memref_slice %arg5[%dma_wait3A_889] : memref<16384xi32, #tpu.memory_space<vmem>> -> memref<128xi32, #tpu.memory_space<vmem>>
    %dma_wait3A_891 = arith.constant 0 : i32
    %dma_wait3A_892 = tpu.memref_slice %arg2[%dma_wait3A_891] : memref<31997952xf32, #tpu.memory_space<hbm>> -> memref<31997952xf32, #tpu.memory_space<hbm>>
    tpu.wait_indirect_dma semaphore(%arg7 : memref<!tpu.dma_semaphore, #tpu.memory_space<semaphore_mem>>) src(%dma_wait3A_892 : memref<31997952xf32, #tpu.memory_space<hbm>>) dst(%dma_wait3A_888 : memref<128xf32, #tpu.memory_space<vmem>>)
    %dma_wait3A_893 = arith.constant 2688 : i32
    %dma_wait3A_894 = tpu.memref_slice %arg6[%dma_wait3A_893] : memref<16384xf32, #tpu.memory_space<vmem>> -> memref<128xf32, #tpu.memory_space<vmem>>
    %dma_wait3A_895 = arith.constant 2688 : i32
    %dma_wait3A_896 = tpu.memref_slice %arg5[%dma_wait3A_895] : memref<16384xi32, #tpu.memory_space<vmem>> -> memref<128xi32, #tpu.memory_space<vmem>>
    %dma_wait3A_897 = arith.constant 0 : i32
    %dma_wait3A_898 = tpu.memref_slice %arg2[%dma_wait3A_897] : memref<31997952xf32, #tpu.memory_space<hbm>> -> memref<31997952xf32, #tpu.memory_space<hbm>>
    tpu.wait_indirect_dma semaphore(%arg7 : memref<!tpu.dma_semaphore, #tpu.memory_space<semaphore_mem>>) src(%dma_wait3A_898 : memref<31997952xf32, #tpu.memory_space<hbm>>) dst(%dma_wait3A_894 : memref<128xf32, #tpu.memory_space<vmem>>)
    %dma_wait3A_899 = arith.constant 2816 : i32
    %dma_wait3A_900 = tpu.memref_slice %arg6[%dma_wait3A_899] : memref<16384xf32, #tpu.memory_space<vmem>> -> memref<128xf32, #tpu.memory_space<vmem>>
    %dma_wait3A_901 = arith.constant 2816 : i32
    %dma_wait3A_902 = tpu.memref_slice %arg5[%dma_wait3A_901] : memref<16384xi32, #tpu.memory_space<vmem>> -> memref<128xi32, #tpu.memory_space<vmem>>
    %dma_wait3A_903 = arith.constant 0 : i32
    %dma_wait3A_904 = tpu.memref_slice %arg2[%dma_wait3A_903] : memref<31997952xf32, #tpu.memory_space<hbm>> -> memref<31997952xf32, #tpu.memory_space<hbm>>
    tpu.wait_indirect_dma semaphore(%arg7 : memref<!tpu.dma_semaphore, #tpu.memory_space<semaphore_mem>>) src(%dma_wait3A_904 : memref<31997952xf32, #tpu.memory_space<hbm>>) dst(%dma_wait3A_900 : memref<128xf32, #tpu.memory_space<vmem>>)
    %dma_wait3A_905 = arith.constant 2944 : i32
    %dma_wait3A_906 = tpu.memref_slice %arg6[%dma_wait3A_905] : memref<16384xf32, #tpu.memory_space<vmem>> -> memref<128xf32, #tpu.memory_space<vmem>>
    %dma_wait3A_907 = arith.constant 2944 : i32
    %dma_wait3A_908 = tpu.memref_slice %arg5[%dma_wait3A_907] : memref<16384xi32, #tpu.memory_space<vmem>> -> memref<128xi32, #tpu.memory_space<vmem>>
    %dma_wait3A_909 = arith.constant 0 : i32
    %dma_wait3A_910 = tpu.memref_slice %arg2[%dma_wait3A_909] : memref<31997952xf32, #tpu.memory_space<hbm>> -> memref<31997952xf32, #tpu.memory_space<hbm>>
    tpu.wait_indirect_dma semaphore(%arg7 : memref<!tpu.dma_semaphore, #tpu.memory_space<semaphore_mem>>) src(%dma_wait3A_910 : memref<31997952xf32, #tpu.memory_space<hbm>>) dst(%dma_wait3A_906 : memref<128xf32, #tpu.memory_space<vmem>>)
    %dma_wait3A_911 = arith.constant 3072 : i32
    %dma_wait3A_912 = tpu.memref_slice %arg6[%dma_wait3A_911] : memref<16384xf32, #tpu.memory_space<vmem>> -> memref<128xf32, #tpu.memory_space<vmem>>
    %dma_wait3A_913 = arith.constant 3072 : i32
    %dma_wait3A_914 = tpu.memref_slice %arg5[%dma_wait3A_913] : memref<16384xi32, #tpu.memory_space<vmem>> -> memref<128xi32, #tpu.memory_space<vmem>>
    %dma_wait3A_915 = arith.constant 0 : i32
    %dma_wait3A_916 = tpu.memref_slice %arg2[%dma_wait3A_915] : memref<31997952xf32, #tpu.memory_space<hbm>> -> memref<31997952xf32, #tpu.memory_space<hbm>>
    tpu.wait_indirect_dma semaphore(%arg7 : memref<!tpu.dma_semaphore, #tpu.memory_space<semaphore_mem>>) src(%dma_wait3A_916 : memref<31997952xf32, #tpu.memory_space<hbm>>) dst(%dma_wait3A_912 : memref<128xf32, #tpu.memory_space<vmem>>)
    %dma_wait3A_917 = arith.constant 3200 : i32
    %dma_wait3A_918 = tpu.memref_slice %arg6[%dma_wait3A_917] : memref<16384xf32, #tpu.memory_space<vmem>> -> memref<128xf32, #tpu.memory_space<vmem>>
    %dma_wait3A_919 = arith.constant 3200 : i32
    %dma_wait3A_920 = tpu.memref_slice %arg5[%dma_wait3A_919] : memref<16384xi32, #tpu.memory_space<vmem>> -> memref<128xi32, #tpu.memory_space<vmem>>
    %dma_wait3A_921 = arith.constant 0 : i32
    %dma_wait3A_922 = tpu.memref_slice %arg2[%dma_wait3A_921] : memref<31997952xf32, #tpu.memory_space<hbm>> -> memref<31997952xf32, #tpu.memory_space<hbm>>
    tpu.wait_indirect_dma semaphore(%arg7 : memref<!tpu.dma_semaphore, #tpu.memory_space<semaphore_mem>>) src(%dma_wait3A_922 : memref<31997952xf32, #tpu.memory_space<hbm>>) dst(%dma_wait3A_918 : memref<128xf32, #tpu.memory_space<vmem>>)
    %dma_wait3A_923 = arith.constant 3328 : i32
    %dma_wait3A_924 = tpu.memref_slice %arg6[%dma_wait3A_923] : memref<16384xf32, #tpu.memory_space<vmem>> -> memref<128xf32, #tpu.memory_space<vmem>>
    %dma_wait3A_925 = arith.constant 3328 : i32
    %dma_wait3A_926 = tpu.memref_slice %arg5[%dma_wait3A_925] : memref<16384xi32, #tpu.memory_space<vmem>> -> memref<128xi32, #tpu.memory_space<vmem>>
    %dma_wait3A_927 = arith.constant 0 : i32
    %dma_wait3A_928 = tpu.memref_slice %arg2[%dma_wait3A_927] : memref<31997952xf32, #tpu.memory_space<hbm>> -> memref<31997952xf32, #tpu.memory_space<hbm>>
    tpu.wait_indirect_dma semaphore(%arg7 : memref<!tpu.dma_semaphore, #tpu.memory_space<semaphore_mem>>) src(%dma_wait3A_928 : memref<31997952xf32, #tpu.memory_space<hbm>>) dst(%dma_wait3A_924 : memref<128xf32, #tpu.memory_space<vmem>>)
    %dma_wait3A_929 = arith.constant 3456 : i32
    %dma_wait3A_930 = tpu.memref_slice %arg6[%dma_wait3A_929] : memref<16384xf32, #tpu.memory_space<vmem>> -> memref<128xf32, #tpu.memory_space<vmem>>
    %dma_wait3A_931 = arith.constant 3456 : i32
    %dma_wait3A_932 = tpu.memref_slice %arg5[%dma_wait3A_931] : memref<16384xi32, #tpu.memory_space<vmem>> -> memref<128xi32, #tpu.memory_space<vmem>>
    %dma_wait3A_933 = arith.constant 0 : i32
    %dma_wait3A_934 = tpu.memref_slice %arg2[%dma_wait3A_933] : memref<31997952xf32, #tpu.memory_space<hbm>> -> memref<31997952xf32, #tpu.memory_space<hbm>>
    tpu.wait_indirect_dma semaphore(%arg7 : memref<!tpu.dma_semaphore, #tpu.memory_space<semaphore_mem>>) src(%dma_wait3A_934 : memref<31997952xf32, #tpu.memory_space<hbm>>) dst(%dma_wait3A_930 : memref<128xf32, #tpu.memory_space<vmem>>)
    %dma_wait3A_935 = arith.constant 3584 : i32
    %dma_wait3A_936 = tpu.memref_slice %arg6[%dma_wait3A_935] : memref<16384xf32, #tpu.memory_space<vmem>> -> memref<128xf32, #tpu.memory_space<vmem>>
    %dma_wait3A_937 = arith.constant 3584 : i32
    %dma_wait3A_938 = tpu.memref_slice %arg5[%dma_wait3A_937] : memref<16384xi32, #tpu.memory_space<vmem>> -> memref<128xi32, #tpu.memory_space<vmem>>
    %dma_wait3A_939 = arith.constant 0 : i32
    %dma_wait3A_940 = tpu.memref_slice %arg2[%dma_wait3A_939] : memref<31997952xf32, #tpu.memory_space<hbm>> -> memref<31997952xf32, #tpu.memory_space<hbm>>
    tpu.wait_indirect_dma semaphore(%arg7 : memref<!tpu.dma_semaphore, #tpu.memory_space<semaphore_mem>>) src(%dma_wait3A_940 : memref<31997952xf32, #tpu.memory_space<hbm>>) dst(%dma_wait3A_936 : memref<128xf32, #tpu.memory_space<vmem>>)
    %dma_wait3A_941 = arith.constant 3712 : i32
    %dma_wait3A_942 = tpu.memref_slice %arg6[%dma_wait3A_941] : memref<16384xf32, #tpu.memory_space<vmem>> -> memref<128xf32, #tpu.memory_space<vmem>>
    %dma_wait3A_943 = arith.constant 3712 : i32
    %dma_wait3A_944 = tpu.memref_slice %arg5[%dma_wait3A_943] : memref<16384xi32, #tpu.memory_space<vmem>> -> memref<128xi32, #tpu.memory_space<vmem>>
    %dma_wait3A_945 = arith.constant 0 : i32
    %dma_wait3A_946 = tpu.memref_slice %arg2[%dma_wait3A_945] : memref<31997952xf32, #tpu.memory_space<hbm>> -> memref<31997952xf32, #tpu.memory_space<hbm>>
    tpu.wait_indirect_dma semaphore(%arg7 : memref<!tpu.dma_semaphore, #tpu.memory_space<semaphore_mem>>) src(%dma_wait3A_946 : memref<31997952xf32, #tpu.memory_space<hbm>>) dst(%dma_wait3A_942 : memref<128xf32, #tpu.memory_space<vmem>>)
    %dma_wait3A_947 = arith.constant 3840 : i32
    %dma_wait3A_948 = tpu.memref_slice %arg6[%dma_wait3A_947] : memref<16384xf32, #tpu.memory_space<vmem>> -> memref<128xf32, #tpu.memory_space<vmem>>
    %dma_wait3A_949 = arith.constant 3840 : i32
    %dma_wait3A_950 = tpu.memref_slice %arg5[%dma_wait3A_949] : memref<16384xi32, #tpu.memory_space<vmem>> -> memref<128xi32, #tpu.memory_space<vmem>>
    %dma_wait3A_951 = arith.constant 0 : i32
    %dma_wait3A_952 = tpu.memref_slice %arg2[%dma_wait3A_951] : memref<31997952xf32, #tpu.memory_space<hbm>> -> memref<31997952xf32, #tpu.memory_space<hbm>>
    tpu.wait_indirect_dma semaphore(%arg7 : memref<!tpu.dma_semaphore, #tpu.memory_space<semaphore_mem>>) src(%dma_wait3A_952 : memref<31997952xf32, #tpu.memory_space<hbm>>) dst(%dma_wait3A_948 : memref<128xf32, #tpu.memory_space<vmem>>)
    %dma_wait3A_953 = arith.constant 3968 : i32
    %dma_wait3A_954 = tpu.memref_slice %arg6[%dma_wait3A_953] : memref<16384xf32, #tpu.memory_space<vmem>> -> memref<128xf32, #tpu.memory_space<vmem>>
    %dma_wait3A_955 = arith.constant 3968 : i32
    %dma_wait3A_956 = tpu.memref_slice %arg5[%dma_wait3A_955] : memref<16384xi32, #tpu.memory_space<vmem>> -> memref<128xi32, #tpu.memory_space<vmem>>
    %dma_wait3A_957 = arith.constant 0 : i32
    %dma_wait3A_958 = tpu.memref_slice %arg2[%dma_wait3A_957] : memref<31997952xf32, #tpu.memory_space<hbm>> -> memref<31997952xf32, #tpu.memory_space<hbm>>
    tpu.wait_indirect_dma semaphore(%arg7 : memref<!tpu.dma_semaphore, #tpu.memory_space<semaphore_mem>>) src(%dma_wait3A_958 : memref<31997952xf32, #tpu.memory_space<hbm>>) dst(%dma_wait3A_954 : memref<128xf32, #tpu.memory_space<vmem>>)
    %dma_wait3A_959 = arith.constant 4096 : i32
    %dma_wait3A_960 = tpu.memref_slice %arg6[%dma_wait3A_959] : memref<16384xf32, #tpu.memory_space<vmem>> -> memref<128xf32, #tpu.memory_space<vmem>>
    %dma_wait3A_961 = arith.constant 4096 : i32
    %dma_wait3A_962 = tpu.memref_slice %arg5[%dma_wait3A_961] : memref<16384xi32, #tpu.memory_space<vmem>> -> memref<128xi32, #tpu.memory_space<vmem>>
    %dma_wait3A_963 = arith.constant 0 : i32
    %dma_wait3A_964 = tpu.memref_slice %arg2[%dma_wait3A_963] : memref<31997952xf32, #tpu.memory_space<hbm>> -> memref<31997952xf32, #tpu.memory_space<hbm>>
    tpu.wait_indirect_dma semaphore(%arg7 : memref<!tpu.dma_semaphore, #tpu.memory_space<semaphore_mem>>) src(%dma_wait3A_964 : memref<31997952xf32, #tpu.memory_space<hbm>>) dst(%dma_wait3A_960 : memref<128xf32, #tpu.memory_space<vmem>>)
    %dma_wait3A_965 = arith.constant 4224 : i32
    %dma_wait3A_966 = tpu.memref_slice %arg6[%dma_wait3A_965] : memref<16384xf32, #tpu.memory_space<vmem>> -> memref<128xf32, #tpu.memory_space<vmem>>
    %dma_wait3A_967 = arith.constant 4224 : i32
    %dma_wait3A_968 = tpu.memref_slice %arg5[%dma_wait3A_967] : memref<16384xi32, #tpu.memory_space<vmem>> -> memref<128xi32, #tpu.memory_space<vmem>>
    %dma_wait3A_969 = arith.constant 0 : i32
    %dma_wait3A_970 = tpu.memref_slice %arg2[%dma_wait3A_969] : memref<31997952xf32, #tpu.memory_space<hbm>> -> memref<31997952xf32, #tpu.memory_space<hbm>>
    tpu.wait_indirect_dma semaphore(%arg7 : memref<!tpu.dma_semaphore, #tpu.memory_space<semaphore_mem>>) src(%dma_wait3A_970 : memref<31997952xf32, #tpu.memory_space<hbm>>) dst(%dma_wait3A_966 : memref<128xf32, #tpu.memory_space<vmem>>)
    %dma_wait3A_971 = arith.constant 4352 : i32
    %dma_wait3A_972 = tpu.memref_slice %arg6[%dma_wait3A_971] : memref<16384xf32, #tpu.memory_space<vmem>> -> memref<128xf32, #tpu.memory_space<vmem>>
    %dma_wait3A_973 = arith.constant 4352 : i32
    %dma_wait3A_974 = tpu.memref_slice %arg5[%dma_wait3A_973] : memref<16384xi32, #tpu.memory_space<vmem>> -> memref<128xi32, #tpu.memory_space<vmem>>
    %dma_wait3A_975 = arith.constant 0 : i32
    %dma_wait3A_976 = tpu.memref_slice %arg2[%dma_wait3A_975] : memref<31997952xf32, #tpu.memory_space<hbm>> -> memref<31997952xf32, #tpu.memory_space<hbm>>
    tpu.wait_indirect_dma semaphore(%arg7 : memref<!tpu.dma_semaphore, #tpu.memory_space<semaphore_mem>>) src(%dma_wait3A_976 : memref<31997952xf32, #tpu.memory_space<hbm>>) dst(%dma_wait3A_972 : memref<128xf32, #tpu.memory_space<vmem>>)
    %dma_wait3A_977 = arith.constant 4480 : i32
    %dma_wait3A_978 = tpu.memref_slice %arg6[%dma_wait3A_977] : memref<16384xf32, #tpu.memory_space<vmem>> -> memref<128xf32, #tpu.memory_space<vmem>>
    %dma_wait3A_979 = arith.constant 4480 : i32
    %dma_wait3A_980 = tpu.memref_slice %arg5[%dma_wait3A_979] : memref<16384xi32, #tpu.memory_space<vmem>> -> memref<128xi32, #tpu.memory_space<vmem>>
    %dma_wait3A_981 = arith.constant 0 : i32
    %dma_wait3A_982 = tpu.memref_slice %arg2[%dma_wait3A_981] : memref<31997952xf32, #tpu.memory_space<hbm>> -> memref<31997952xf32, #tpu.memory_space<hbm>>
    tpu.wait_indirect_dma semaphore(%arg7 : memref<!tpu.dma_semaphore, #tpu.memory_space<semaphore_mem>>) src(%dma_wait3A_982 : memref<31997952xf32, #tpu.memory_space<hbm>>) dst(%dma_wait3A_978 : memref<128xf32, #tpu.memory_space<vmem>>)
    %dma_wait3A_983 = arith.constant 4608 : i32
    %dma_wait3A_984 = tpu.memref_slice %arg6[%dma_wait3A_983] : memref<16384xf32, #tpu.memory_space<vmem>> -> memref<128xf32, #tpu.memory_space<vmem>>
    %dma_wait3A_985 = arith.constant 4608 : i32
    %dma_wait3A_986 = tpu.memref_slice %arg5[%dma_wait3A_985] : memref<16384xi32, #tpu.memory_space<vmem>> -> memref<128xi32, #tpu.memory_space<vmem>>
    %dma_wait3A_987 = arith.constant 0 : i32
    %dma_wait3A_988 = tpu.memref_slice %arg2[%dma_wait3A_987] : memref<31997952xf32, #tpu.memory_space<hbm>> -> memref<31997952xf32, #tpu.memory_space<hbm>>
    tpu.wait_indirect_dma semaphore(%arg7 : memref<!tpu.dma_semaphore, #tpu.memory_space<semaphore_mem>>) src(%dma_wait3A_988 : memref<31997952xf32, #tpu.memory_space<hbm>>) dst(%dma_wait3A_984 : memref<128xf32, #tpu.memory_space<vmem>>)
    %dma_wait3A_989 = arith.constant 4736 : i32
    %dma_wait3A_990 = tpu.memref_slice %arg6[%dma_wait3A_989] : memref<16384xf32, #tpu.memory_space<vmem>> -> memref<128xf32, #tpu.memory_space<vmem>>
    %dma_wait3A_991 = arith.constant 4736 : i32
    %dma_wait3A_992 = tpu.memref_slice %arg5[%dma_wait3A_991] : memref<16384xi32, #tpu.memory_space<vmem>> -> memref<128xi32, #tpu.memory_space<vmem>>
    %dma_wait3A_993 = arith.constant 0 : i32
    %dma_wait3A_994 = tpu.memref_slice %arg2[%dma_wait3A_993] : memref<31997952xf32, #tpu.memory_space<hbm>> -> memref<31997952xf32, #tpu.memory_space<hbm>>
    tpu.wait_indirect_dma semaphore(%arg7 : memref<!tpu.dma_semaphore, #tpu.memory_space<semaphore_mem>>) src(%dma_wait3A_994 : memref<31997952xf32, #tpu.memory_space<hbm>>) dst(%dma_wait3A_990 : memref<128xf32, #tpu.memory_space<vmem>>)
    %dma_wait3A_995 = arith.constant 4864 : i32
    %dma_wait3A_996 = tpu.memref_slice %arg6[%dma_wait3A_995] : memref<16384xf32, #tpu.memory_space<vmem>> -> memref<128xf32, #tpu.memory_space<vmem>>
    %dma_wait3A_997 = arith.constant 4864 : i32
    %dma_wait3A_998 = tpu.memref_slice %arg5[%dma_wait3A_997] : memref<16384xi32, #tpu.memory_space<vmem>> -> memref<128xi32, #tpu.memory_space<vmem>>
    %dma_wait3A_999 = arith.constant 0 : i32
    %dma_wait3A_1000 = tpu.memref_slice %arg2[%dma_wait3A_999] : memref<31997952xf32, #tpu.memory_space<hbm>> -> memref<31997952xf32, #tpu.memory_space<hbm>>
    tpu.wait_indirect_dma semaphore(%arg7 : memref<!tpu.dma_semaphore, #tpu.memory_space<semaphore_mem>>) src(%dma_wait3A_1000 : memref<31997952xf32, #tpu.memory_space<hbm>>) dst(%dma_wait3A_996 : memref<128xf32, #tpu.memory_space<vmem>>)
    %dma_wait3A_1001 = arith.constant 4992 : i32
    %dma_wait3A_1002 = tpu.memref_slice %arg6[%dma_wait3A_1001] : memref<16384xf32, #tpu.memory_space<vmem>> -> memref<128xf32, #tpu.memory_space<vmem>>
    %dma_wait3A_1003 = arith.constant 4992 : i32
    %dma_wait3A_1004 = tpu.memref_slice %arg5[%dma_wait3A_1003] : memref<16384xi32, #tpu.memory_space<vmem>> -> memref<128xi32, #tpu.memory_space<vmem>>
    %dma_wait3A_1005 = arith.constant 0 : i32
    %dma_wait3A_1006 = tpu.memref_slice %arg2[%dma_wait3A_1005] : memref<31997952xf32, #tpu.memory_space<hbm>> -> memref<31997952xf32, #tpu.memory_space<hbm>>
    tpu.wait_indirect_dma semaphore(%arg7 : memref<!tpu.dma_semaphore, #tpu.memory_space<semaphore_mem>>) src(%dma_wait3A_1006 : memref<31997952xf32, #tpu.memory_space<hbm>>) dst(%dma_wait3A_1002 : memref<128xf32, #tpu.memory_space<vmem>>)
    %dma_wait3A_1007 = arith.constant 5120 : i32
    %dma_wait3A_1008 = tpu.memref_slice %arg6[%dma_wait3A_1007] : memref<16384xf32, #tpu.memory_space<vmem>> -> memref<128xf32, #tpu.memory_space<vmem>>
    %dma_wait3A_1009 = arith.constant 5120 : i32
    %dma_wait3A_1010 = tpu.memref_slice %arg5[%dma_wait3A_1009] : memref<16384xi32, #tpu.memory_space<vmem>> -> memref<128xi32, #tpu.memory_space<vmem>>
    %dma_wait3A_1011 = arith.constant 0 : i32
    %dma_wait3A_1012 = tpu.memref_slice %arg2[%dma_wait3A_1011] : memref<31997952xf32, #tpu.memory_space<hbm>> -> memref<31997952xf32, #tpu.memory_space<hbm>>
    tpu.wait_indirect_dma semaphore(%arg7 : memref<!tpu.dma_semaphore, #tpu.memory_space<semaphore_mem>>) src(%dma_wait3A_1012 : memref<31997952xf32, #tpu.memory_space<hbm>>) dst(%dma_wait3A_1008 : memref<128xf32, #tpu.memory_space<vmem>>)
    %dma_wait3A_1013 = arith.constant 5248 : i32
    %dma_wait3A_1014 = tpu.memref_slice %arg6[%dma_wait3A_1013] : memref<16384xf32, #tpu.memory_space<vmem>> -> memref<128xf32, #tpu.memory_space<vmem>>
    %dma_wait3A_1015 = arith.constant 5248 : i32
    %dma_wait3A_1016 = tpu.memref_slice %arg5[%dma_wait3A_1015] : memref<16384xi32, #tpu.memory_space<vmem>> -> memref<128xi32, #tpu.memory_space<vmem>>
    %dma_wait3A_1017 = arith.constant 0 : i32
    %dma_wait3A_1018 = tpu.memref_slice %arg2[%dma_wait3A_1017] : memref<31997952xf32, #tpu.memory_space<hbm>> -> memref<31997952xf32, #tpu.memory_space<hbm>>
    tpu.wait_indirect_dma semaphore(%arg7 : memref<!tpu.dma_semaphore, #tpu.memory_space<semaphore_mem>>) src(%dma_wait3A_1018 : memref<31997952xf32, #tpu.memory_space<hbm>>) dst(%dma_wait3A_1014 : memref<128xf32, #tpu.memory_space<vmem>>)
    %dma_wait3A_1019 = arith.constant 5376 : i32
    %dma_wait3A_1020 = tpu.memref_slice %arg6[%dma_wait3A_1019] : memref<16384xf32, #tpu.memory_space<vmem>> -> memref<128xf32, #tpu.memory_space<vmem>>
    %dma_wait3A_1021 = arith.constant 5376 : i32
    %dma_wait3A_1022 = tpu.memref_slice %arg5[%dma_wait3A_1021] : memref<16384xi32, #tpu.memory_space<vmem>> -> memref<128xi32, #tpu.memory_space<vmem>>
    %dma_wait3A_1023 = arith.constant 0 : i32
    %dma_wait3A_1024 = tpu.memref_slice %arg2[%dma_wait3A_1023] : memref<31997952xf32, #tpu.memory_space<hbm>> -> memref<31997952xf32, #tpu.memory_space<hbm>>
    tpu.wait_indirect_dma semaphore(%arg7 : memref<!tpu.dma_semaphore, #tpu.memory_space<semaphore_mem>>) src(%dma_wait3A_1024 : memref<31997952xf32, #tpu.memory_space<hbm>>) dst(%dma_wait3A_1020 : memref<128xf32, #tpu.memory_space<vmem>>)
    %dma_wait3A_1025 = arith.constant 5504 : i32
    %dma_wait3A_1026 = tpu.memref_slice %arg6[%dma_wait3A_1025] : memref<16384xf32, #tpu.memory_space<vmem>> -> memref<128xf32, #tpu.memory_space<vmem>>
    %dma_wait3A_1027 = arith.constant 5504 : i32
    %dma_wait3A_1028 = tpu.memref_slice %arg5[%dma_wait3A_1027] : memref<16384xi32, #tpu.memory_space<vmem>> -> memref<128xi32, #tpu.memory_space<vmem>>
    %dma_wait3A_1029 = arith.constant 0 : i32
    %dma_wait3A_1030 = tpu.memref_slice %arg2[%dma_wait3A_1029] : memref<31997952xf32, #tpu.memory_space<hbm>> -> memref<31997952xf32, #tpu.memory_space<hbm>>
    tpu.wait_indirect_dma semaphore(%arg7 : memref<!tpu.dma_semaphore, #tpu.memory_space<semaphore_mem>>) src(%dma_wait3A_1030 : memref<31997952xf32, #tpu.memory_space<hbm>>) dst(%dma_wait3A_1026 : memref<128xf32, #tpu.memory_space<vmem>>)
    %dma_wait3A_1031 = arith.constant 5632 : i32
    %dma_wait3A_1032 = tpu.memref_slice %arg6[%dma_wait3A_1031] : memref<16384xf32, #tpu.memory_space<vmem>> -> memref<128xf32, #tpu.memory_space<vmem>>
    %dma_wait3A_1033 = arith.constant 5632 : i32
    %dma_wait3A_1034 = tpu.memref_slice %arg5[%dma_wait3A_1033] : memref<16384xi32, #tpu.memory_space<vmem>> -> memref<128xi32, #tpu.memory_space<vmem>>
    %dma_wait3A_1035 = arith.constant 0 : i32
    %dma_wait3A_1036 = tpu.memref_slice %arg2[%dma_wait3A_1035] : memref<31997952xf32, #tpu.memory_space<hbm>> -> memref<31997952xf32, #tpu.memory_space<hbm>>
    tpu.wait_indirect_dma semaphore(%arg7 : memref<!tpu.dma_semaphore, #tpu.memory_space<semaphore_mem>>) src(%dma_wait3A_1036 : memref<31997952xf32, #tpu.memory_space<hbm>>) dst(%dma_wait3A_1032 : memref<128xf32, #tpu.memory_space<vmem>>)
    %dma_wait3A_1037 = arith.constant 5760 : i32
    %dma_wait3A_1038 = tpu.memref_slice %arg6[%dma_wait3A_1037] : memref<16384xf32, #tpu.memory_space<vmem>> -> memref<128xf32, #tpu.memory_space<vmem>>
    %dma_wait3A_1039 = arith.constant 5760 : i32
    %dma_wait3A_1040 = tpu.memref_slice %arg5[%dma_wait3A_1039] : memref<16384xi32, #tpu.memory_space<vmem>> -> memref<128xi32, #tpu.memory_space<vmem>>
    %dma_wait3A_1041 = arith.constant 0 : i32
    %dma_wait3A_1042 = tpu.memref_slice %arg2[%dma_wait3A_1041] : memref<31997952xf32, #tpu.memory_space<hbm>> -> memref<31997952xf32, #tpu.memory_space<hbm>>
    tpu.wait_indirect_dma semaphore(%arg7 : memref<!tpu.dma_semaphore, #tpu.memory_space<semaphore_mem>>) src(%dma_wait3A_1042 : memref<31997952xf32, #tpu.memory_space<hbm>>) dst(%dma_wait3A_1038 : memref<128xf32, #tpu.memory_space<vmem>>)
    %dma_wait3A_1043 = arith.constant 5888 : i32
    %dma_wait3A_1044 = tpu.memref_slice %arg6[%dma_wait3A_1043] : memref<16384xf32, #tpu.memory_space<vmem>> -> memref<128xf32, #tpu.memory_space<vmem>>
    %dma_wait3A_1045 = arith.constant 5888 : i32
    %dma_wait3A_1046 = tpu.memref_slice %arg5[%dma_wait3A_1045] : memref<16384xi32, #tpu.memory_space<vmem>> -> memref<128xi32, #tpu.memory_space<vmem>>
    %dma_wait3A_1047 = arith.constant 0 : i32
    %dma_wait3A_1048 = tpu.memref_slice %arg2[%dma_wait3A_1047] : memref<31997952xf32, #tpu.memory_space<hbm>> -> memref<31997952xf32, #tpu.memory_space<hbm>>
    tpu.wait_indirect_dma semaphore(%arg7 : memref<!tpu.dma_semaphore, #tpu.memory_space<semaphore_mem>>) src(%dma_wait3A_1048 : memref<31997952xf32, #tpu.memory_space<hbm>>) dst(%dma_wait3A_1044 : memref<128xf32, #tpu.memory_space<vmem>>)
    %dma_wait3A_1049 = arith.constant 6016 : i32
    %dma_wait3A_1050 = tpu.memref_slice %arg6[%dma_wait3A_1049] : memref<16384xf32, #tpu.memory_space<vmem>> -> memref<128xf32, #tpu.memory_space<vmem>>
    %dma_wait3A_1051 = arith.constant 6016 : i32
    %dma_wait3A_1052 = tpu.memref_slice %arg5[%dma_wait3A_1051] : memref<16384xi32, #tpu.memory_space<vmem>> -> memref<128xi32, #tpu.memory_space<vmem>>
    %dma_wait3A_1053 = arith.constant 0 : i32
    %dma_wait3A_1054 = tpu.memref_slice %arg2[%dma_wait3A_1053] : memref<31997952xf32, #tpu.memory_space<hbm>> -> memref<31997952xf32, #tpu.memory_space<hbm>>
    tpu.wait_indirect_dma semaphore(%arg7 : memref<!tpu.dma_semaphore, #tpu.memory_space<semaphore_mem>>) src(%dma_wait3A_1054 : memref<31997952xf32, #tpu.memory_space<hbm>>) dst(%dma_wait3A_1050 : memref<128xf32, #tpu.memory_space<vmem>>)
    %dma_wait3A_1055 = arith.constant 6144 : i32
    %dma_wait3A_1056 = tpu.memref_slice %arg6[%dma_wait3A_1055] : memref<16384xf32, #tpu.memory_space<vmem>> -> memref<128xf32, #tpu.memory_space<vmem>>
    %dma_wait3A_1057 = arith.constant 6144 : i32
    %dma_wait3A_1058 = tpu.memref_slice %arg5[%dma_wait3A_1057] : memref<16384xi32, #tpu.memory_space<vmem>> -> memref<128xi32, #tpu.memory_space<vmem>>
    %dma_wait3A_1059 = arith.constant 0 : i32
    %dma_wait3A_1060 = tpu.memref_slice %arg2[%dma_wait3A_1059] : memref<31997952xf32, #tpu.memory_space<hbm>> -> memref<31997952xf32, #tpu.memory_space<hbm>>
    tpu.wait_indirect_dma semaphore(%arg7 : memref<!tpu.dma_semaphore, #tpu.memory_space<semaphore_mem>>) src(%dma_wait3A_1060 : memref<31997952xf32, #tpu.memory_space<hbm>>) dst(%dma_wait3A_1056 : memref<128xf32, #tpu.memory_space<vmem>>)
    %dma_wait3A_1061 = arith.constant 6272 : i32
    %dma_wait3A_1062 = tpu.memref_slice %arg6[%dma_wait3A_1061] : memref<16384xf32, #tpu.memory_space<vmem>> -> memref<128xf32, #tpu.memory_space<vmem>>
    %dma_wait3A_1063 = arith.constant 6272 : i32
    %dma_wait3A_1064 = tpu.memref_slice %arg5[%dma_wait3A_1063] : memref<16384xi32, #tpu.memory_space<vmem>> -> memref<128xi32, #tpu.memory_space<vmem>>
    %dma_wait3A_1065 = arith.constant 0 : i32
    %dma_wait3A_1066 = tpu.memref_slice %arg2[%dma_wait3A_1065] : memref<31997952xf32, #tpu.memory_space<hbm>> -> memref<31997952xf32, #tpu.memory_space<hbm>>
    tpu.wait_indirect_dma semaphore(%arg7 : memref<!tpu.dma_semaphore, #tpu.memory_space<semaphore_mem>>) src(%dma_wait3A_1066 : memref<31997952xf32, #tpu.memory_space<hbm>>) dst(%dma_wait3A_1062 : memref<128xf32, #tpu.memory_space<vmem>>)
    %dma_wait3A_1067 = arith.constant 6400 : i32
    %dma_wait3A_1068 = tpu.memref_slice %arg6[%dma_wait3A_1067] : memref<16384xf32, #tpu.memory_space<vmem>> -> memref<128xf32, #tpu.memory_space<vmem>>
    %dma_wait3A_1069 = arith.constant 6400 : i32
    %dma_wait3A_1070 = tpu.memref_slice %arg5[%dma_wait3A_1069] : memref<16384xi32, #tpu.memory_space<vmem>> -> memref<128xi32, #tpu.memory_space<vmem>>
    %dma_wait3A_1071 = arith.constant 0 : i32
    %dma_wait3A_1072 = tpu.memref_slice %arg2[%dma_wait3A_1071] : memref<31997952xf32, #tpu.memory_space<hbm>> -> memref<31997952xf32, #tpu.memory_space<hbm>>
    tpu.wait_indirect_dma semaphore(%arg7 : memref<!tpu.dma_semaphore, #tpu.memory_space<semaphore_mem>>) src(%dma_wait3A_1072 : memref<31997952xf32, #tpu.memory_space<hbm>>) dst(%dma_wait3A_1068 : memref<128xf32, #tpu.memory_space<vmem>>)
    %dma_wait3A_1073 = arith.constant 6528 : i32
    %dma_wait3A_1074 = tpu.memref_slice %arg6[%dma_wait3A_1073] : memref<16384xf32, #tpu.memory_space<vmem>> -> memref<128xf32, #tpu.memory_space<vmem>>
    %dma_wait3A_1075 = arith.constant 6528 : i32
    %dma_wait3A_1076 = tpu.memref_slice %arg5[%dma_wait3A_1075] : memref<16384xi32, #tpu.memory_space<vmem>> -> memref<128xi32, #tpu.memory_space<vmem>>
    %dma_wait3A_1077 = arith.constant 0 : i32
    %dma_wait3A_1078 = tpu.memref_slice %arg2[%dma_wait3A_1077] : memref<31997952xf32, #tpu.memory_space<hbm>> -> memref<31997952xf32, #tpu.memory_space<hbm>>
    tpu.wait_indirect_dma semaphore(%arg7 : memref<!tpu.dma_semaphore, #tpu.memory_space<semaphore_mem>>) src(%dma_wait3A_1078 : memref<31997952xf32, #tpu.memory_space<hbm>>) dst(%dma_wait3A_1074 : memref<128xf32, #tpu.memory_space<vmem>>)
    %dma_wait3A_1079 = arith.constant 6656 : i32
    %dma_wait3A_1080 = tpu.memref_slice %arg6[%dma_wait3A_1079] : memref<16384xf32, #tpu.memory_space<vmem>> -> memref<128xf32, #tpu.memory_space<vmem>>
    %dma_wait3A_1081 = arith.constant 6656 : i32
    %dma_wait3A_1082 = tpu.memref_slice %arg5[%dma_wait3A_1081] : memref<16384xi32, #tpu.memory_space<vmem>> -> memref<128xi32, #tpu.memory_space<vmem>>
    %dma_wait3A_1083 = arith.constant 0 : i32
    %dma_wait3A_1084 = tpu.memref_slice %arg2[%dma_wait3A_1083] : memref<31997952xf32, #tpu.memory_space<hbm>> -> memref<31997952xf32, #tpu.memory_space<hbm>>
    tpu.wait_indirect_dma semaphore(%arg7 : memref<!tpu.dma_semaphore, #tpu.memory_space<semaphore_mem>>) src(%dma_wait3A_1084 : memref<31997952xf32, #tpu.memory_space<hbm>>) dst(%dma_wait3A_1080 : memref<128xf32, #tpu.memory_space<vmem>>)
    %dma_wait3A_1085 = arith.constant 6784 : i32
    %dma_wait3A_1086 = tpu.memref_slice %arg6[%dma_wait3A_1085] : memref<16384xf32, #tpu.memory_space<vmem>> -> memref<128xf32, #tpu.memory_space<vmem>>
    %dma_wait3A_1087 = arith.constant 6784 : i32
    %dma_wait3A_1088 = tpu.memref_slice %arg5[%dma_wait3A_1087] : memref<16384xi32, #tpu.memory_space<vmem>> -> memref<128xi32, #tpu.memory_space<vmem>>
    %dma_wait3A_1089 = arith.constant 0 : i32
    %dma_wait3A_1090 = tpu.memref_slice %arg2[%dma_wait3A_1089] : memref<31997952xf32, #tpu.memory_space<hbm>> -> memref<31997952xf32, #tpu.memory_space<hbm>>
    tpu.wait_indirect_dma semaphore(%arg7 : memref<!tpu.dma_semaphore, #tpu.memory_space<semaphore_mem>>) src(%dma_wait3A_1090 : memref<31997952xf32, #tpu.memory_space<hbm>>) dst(%dma_wait3A_1086 : memref<128xf32, #tpu.memory_space<vmem>>)
    %dma_wait3A_1091 = arith.constant 6912 : i32
    %dma_wait3A_1092 = tpu.memref_slice %arg6[%dma_wait3A_1091] : memref<16384xf32, #tpu.memory_space<vmem>> -> memref<128xf32, #tpu.memory_space<vmem>>
    %dma_wait3A_1093 = arith.constant 6912 : i32
    %dma_wait3A_1094 = tpu.memref_slice %arg5[%dma_wait3A_1093] : memref<16384xi32, #tpu.memory_space<vmem>> -> memref<128xi32, #tpu.memory_space<vmem>>
    %dma_wait3A_1095 = arith.constant 0 : i32
    %dma_wait3A_1096 = tpu.memref_slice %arg2[%dma_wait3A_1095] : memref<31997952xf32, #tpu.memory_space<hbm>> -> memref<31997952xf32, #tpu.memory_space<hbm>>
    tpu.wait_indirect_dma semaphore(%arg7 : memref<!tpu.dma_semaphore, #tpu.memory_space<semaphore_mem>>) src(%dma_wait3A_1096 : memref<31997952xf32, #tpu.memory_space<hbm>>) dst(%dma_wait3A_1092 : memref<128xf32, #tpu.memory_space<vmem>>)
    %dma_wait3A_1097 = arith.constant 7040 : i32
    %dma_wait3A_1098 = tpu.memref_slice %arg6[%dma_wait3A_1097] : memref<16384xf32, #tpu.memory_space<vmem>> -> memref<128xf32, #tpu.memory_space<vmem>>
    %dma_wait3A_1099 = arith.constant 7040 : i32
    %dma_wait3A_1100 = tpu.memref_slice %arg5[%dma_wait3A_1099] : memref<16384xi32, #tpu.memory_space<vmem>> -> memref<128xi32, #tpu.memory_space<vmem>>
    %dma_wait3A_1101 = arith.constant 0 : i32
    %dma_wait3A_1102 = tpu.memref_slice %arg2[%dma_wait3A_1101] : memref<31997952xf32, #tpu.memory_space<hbm>> -> memref<31997952xf32, #tpu.memory_space<hbm>>
    tpu.wait_indirect_dma semaphore(%arg7 : memref<!tpu.dma_semaphore, #tpu.memory_space<semaphore_mem>>) src(%dma_wait3A_1102 : memref<31997952xf32, #tpu.memory_space<hbm>>) dst(%dma_wait3A_1098 : memref<128xf32, #tpu.memory_space<vmem>>)
    %dma_wait3A_1103 = arith.constant 7168 : i32
    %dma_wait3A_1104 = tpu.memref_slice %arg6[%dma_wait3A_1103] : memref<16384xf32, #tpu.memory_space<vmem>> -> memref<128xf32, #tpu.memory_space<vmem>>
    %dma_wait3A_1105 = arith.constant 7168 : i32
    %dma_wait3A_1106 = tpu.memref_slice %arg5[%dma_wait3A_1105] : memref<16384xi32, #tpu.memory_space<vmem>> -> memref<128xi32, #tpu.memory_space<vmem>>
    %dma_wait3A_1107 = arith.constant 0 : i32
    %dma_wait3A_1108 = tpu.memref_slice %arg2[%dma_wait3A_1107] : memref<31997952xf32, #tpu.memory_space<hbm>> -> memref<31997952xf32, #tpu.memory_space<hbm>>
    tpu.wait_indirect_dma semaphore(%arg7 : memref<!tpu.dma_semaphore, #tpu.memory_space<semaphore_mem>>) src(%dma_wait3A_1108 : memref<31997952xf32, #tpu.memory_space<hbm>>) dst(%dma_wait3A_1104 : memref<128xf32, #tpu.memory_space<vmem>>)
    %dma_wait3A_1109 = arith.constant 7296 : i32
    %dma_wait3A_1110 = tpu.memref_slice %arg6[%dma_wait3A_1109] : memref<16384xf32, #tpu.memory_space<vmem>> -> memref<128xf32, #tpu.memory_space<vmem>>
    %dma_wait3A_1111 = arith.constant 7296 : i32
    %dma_wait3A_1112 = tpu.memref_slice %arg5[%dma_wait3A_1111] : memref<16384xi32, #tpu.memory_space<vmem>> -> memref<128xi32, #tpu.memory_space<vmem>>
    %dma_wait3A_1113 = arith.constant 0 : i32
    %dma_wait3A_1114 = tpu.memref_slice %arg2[%dma_wait3A_1113] : memref<31997952xf32, #tpu.memory_space<hbm>> -> memref<31997952xf32, #tpu.memory_space<hbm>>
    tpu.wait_indirect_dma semaphore(%arg7 : memref<!tpu.dma_semaphore, #tpu.memory_space<semaphore_mem>>) src(%dma_wait3A_1114 : memref<31997952xf32, #tpu.memory_space<hbm>>) dst(%dma_wait3A_1110 : memref<128xf32, #tpu.memory_space<vmem>>)
    %dma_wait3A_1115 = arith.constant 7424 : i32
    %dma_wait3A_1116 = tpu.memref_slice %arg6[%dma_wait3A_1115] : memref<16384xf32, #tpu.memory_space<vmem>> -> memref<128xf32, #tpu.memory_space<vmem>>
    %dma_wait3A_1117 = arith.constant 7424 : i32
    %dma_wait3A_1118 = tpu.memref_slice %arg5[%dma_wait3A_1117] : memref<16384xi32, #tpu.memory_space<vmem>> -> memref<128xi32, #tpu.memory_space<vmem>>
    %dma_wait3A_1119 = arith.constant 0 : i32
    %dma_wait3A_1120 = tpu.memref_slice %arg2[%dma_wait3A_1119] : memref<31997952xf32, #tpu.memory_space<hbm>> -> memref<31997952xf32, #tpu.memory_space<hbm>>
    tpu.wait_indirect_dma semaphore(%arg7 : memref<!tpu.dma_semaphore, #tpu.memory_space<semaphore_mem>>) src(%dma_wait3A_1120 : memref<31997952xf32, #tpu.memory_space<hbm>>) dst(%dma_wait3A_1116 : memref<128xf32, #tpu.memory_space<vmem>>)
    %dma_wait3A_1121 = arith.constant 7552 : i32
    %dma_wait3A_1122 = tpu.memref_slice %arg6[%dma_wait3A_1121] : memref<16384xf32, #tpu.memory_space<vmem>> -> memref<128xf32, #tpu.memory_space<vmem>>
    %dma_wait3A_1123 = arith.constant 7552 : i32
    %dma_wait3A_1124 = tpu.memref_slice %arg5[%dma_wait3A_1123] : memref<16384xi32, #tpu.memory_space<vmem>> -> memref<128xi32, #tpu.memory_space<vmem>>
    %dma_wait3A_1125 = arith.constant 0 : i32
    %dma_wait3A_1126 = tpu.memref_slice %arg2[%dma_wait3A_1125] : memref<31997952xf32, #tpu.memory_space<hbm>> -> memref<31997952xf32, #tpu.memory_space<hbm>>
    tpu.wait_indirect_dma semaphore(%arg7 : memref<!tpu.dma_semaphore, #tpu.memory_space<semaphore_mem>>) src(%dma_wait3A_1126 : memref<31997952xf32, #tpu.memory_space<hbm>>) dst(%dma_wait3A_1122 : memref<128xf32, #tpu.memory_space<vmem>>)
    %dma_wait3A_1127 = arith.constant 7680 : i32
    %dma_wait3A_1128 = tpu.memref_slice %arg6[%dma_wait3A_1127] : memref<16384xf32, #tpu.memory_space<vmem>> -> memref<128xf32, #tpu.memory_space<vmem>>
    %dma_wait3A_1129 = arith.constant 7680 : i32
    %dma_wait3A_1130 = tpu.memref_slice %arg5[%dma_wait3A_1129] : memref<16384xi32, #tpu.memory_space<vmem>> -> memref<128xi32, #tpu.memory_space<vmem>>
    %dma_wait3A_1131 = arith.constant 0 : i32
    %dma_wait3A_1132 = tpu.memref_slice %arg2[%dma_wait3A_1131] : memref<31997952xf32, #tpu.memory_space<hbm>> -> memref<31997952xf32, #tpu.memory_space<hbm>>
    tpu.wait_indirect_dma semaphore(%arg7 : memref<!tpu.dma_semaphore, #tpu.memory_space<semaphore_mem>>) src(%dma_wait3A_1132 : memref<31997952xf32, #tpu.memory_space<hbm>>) dst(%dma_wait3A_1128 : memref<128xf32, #tpu.memory_space<vmem>>)
    %dma_wait3A_1133 = arith.constant 7808 : i32
    %dma_wait3A_1134 = tpu.memref_slice %arg6[%dma_wait3A_1133] : memref<16384xf32, #tpu.memory_space<vmem>> -> memref<128xf32, #tpu.memory_space<vmem>>
    %dma_wait3A_1135 = arith.constant 7808 : i32
    %dma_wait3A_1136 = tpu.memref_slice %arg5[%dma_wait3A_1135] : memref<16384xi32, #tpu.memory_space<vmem>> -> memref<128xi32, #tpu.memory_space<vmem>>
    %dma_wait3A_1137 = arith.constant 0 : i32
    %dma_wait3A_1138 = tpu.memref_slice %arg2[%dma_wait3A_1137] : memref<31997952xf32, #tpu.memory_space<hbm>> -> memref<31997952xf32, #tpu.memory_space<hbm>>
    tpu.wait_indirect_dma semaphore(%arg7 : memref<!tpu.dma_semaphore, #tpu.memory_space<semaphore_mem>>) src(%dma_wait3A_1138 : memref<31997952xf32, #tpu.memory_space<hbm>>) dst(%dma_wait3A_1134 : memref<128xf32, #tpu.memory_space<vmem>>)
    %dma_wait3A_1139 = arith.constant 7936 : i32
    %dma_wait3A_1140 = tpu.memref_slice %arg6[%dma_wait3A_1139] : memref<16384xf32, #tpu.memory_space<vmem>> -> memref<128xf32, #tpu.memory_space<vmem>>
    %dma_wait3A_1141 = arith.constant 7936 : i32
    %dma_wait3A_1142 = tpu.memref_slice %arg5[%dma_wait3A_1141] : memref<16384xi32, #tpu.memory_space<vmem>> -> memref<128xi32, #tpu.memory_space<vmem>>
    %dma_wait3A_1143 = arith.constant 0 : i32
    %dma_wait3A_1144 = tpu.memref_slice %arg2[%dma_wait3A_1143] : memref<31997952xf32, #tpu.memory_space<hbm>> -> memref<31997952xf32, #tpu.memory_space<hbm>>
    tpu.wait_indirect_dma semaphore(%arg7 : memref<!tpu.dma_semaphore, #tpu.memory_space<semaphore_mem>>) src(%dma_wait3A_1144 : memref<31997952xf32, #tpu.memory_space<hbm>>) dst(%dma_wait3A_1140 : memref<128xf32, #tpu.memory_space<vmem>>)
    %dma_wait3A_1145 = arith.constant 8064 : i32
    %dma_wait3A_1146 = tpu.memref_slice %arg6[%dma_wait3A_1145] : memref<16384xf32, #tpu.memory_space<vmem>> -> memref<128xf32, #tpu.memory_space<vmem>>
    %dma_wait3A_1147 = arith.constant 8064 : i32
    %dma_wait3A_1148 = tpu.memref_slice %arg5[%dma_wait3A_1147] : memref<16384xi32, #tpu.memory_space<vmem>> -> memref<128xi32, #tpu.memory_space<vmem>>
    %dma_wait3A_1149 = arith.constant 0 : i32
    %dma_wait3A_1150 = tpu.memref_slice %arg2[%dma_wait3A_1149] : memref<31997952xf32, #tpu.memory_space<hbm>> -> memref<31997952xf32, #tpu.memory_space<hbm>>
    tpu.wait_indirect_dma semaphore(%arg7 : memref<!tpu.dma_semaphore, #tpu.memory_space<semaphore_mem>>) src(%dma_wait3A_1150 : memref<31997952xf32, #tpu.memory_space<hbm>>) dst(%dma_wait3A_1146 : memref<128xf32, #tpu.memory_space<vmem>>)
    %dma_wait3A_1151 = arith.constant 8192 : i32
    %dma_wait3A_1152 = tpu.memref_slice %arg6[%dma_wait3A_1151] : memref<16384xf32, #tpu.memory_space<vmem>> -> memref<128xf32, #tpu.memory_space<vmem>>
    %dma_wait3A_1153 = arith.constant 8192 : i32
    %dma_wait3A_1154 = tpu.memref_slice %arg5[%dma_wait3A_1153] : memref<16384xi32, #tpu.memory_space<vmem>> -> memref<128xi32, #tpu.memory_space<vmem>>
    %dma_wait3A_1155 = arith.constant 0 : i32
    %dma_wait3A_1156 = tpu.memref_slice %arg2[%dma_wait3A_1155] : memref<31997952xf32, #tpu.memory_space<hbm>> -> memref<31997952xf32, #tpu.memory_space<hbm>>
    tpu.wait_indirect_dma semaphore(%arg7 : memref<!tpu.dma_semaphore, #tpu.memory_space<semaphore_mem>>) src(%dma_wait3A_1156 : memref<31997952xf32, #tpu.memory_space<hbm>>) dst(%dma_wait3A_1152 : memref<128xf32, #tpu.memory_space<vmem>>)
    %dma_wait3A_1157 = arith.constant 8320 : i32
    %dma_wait3A_1158 = tpu.memref_slice %arg6[%dma_wait3A_1157] : memref<16384xf32, #tpu.memory_space<vmem>> -> memref<128xf32, #tpu.memory_space<vmem>>
    %dma_wait3A_1159 = arith.constant 8320 : i32
    %dma_wait3A_1160 = tpu.memref_slice %arg5[%dma_wait3A_1159] : memref<16384xi32, #tpu.memory_space<vmem>> -> memref<128xi32, #tpu.memory_space<vmem>>
    %dma_wait3A_1161 = arith.constant 0 : i32
    %dma_wait3A_1162 = tpu.memref_slice %arg2[%dma_wait3A_1161] : memref<31997952xf32, #tpu.memory_space<hbm>> -> memref<31997952xf32, #tpu.memory_space<hbm>>
    tpu.wait_indirect_dma semaphore(%arg7 : memref<!tpu.dma_semaphore, #tpu.memory_space<semaphore_mem>>) src(%dma_wait3A_1162 : memref<31997952xf32, #tpu.memory_space<hbm>>) dst(%dma_wait3A_1158 : memref<128xf32, #tpu.memory_space<vmem>>)
    %dma_wait3A_1163 = arith.constant 8448 : i32
    %dma_wait3A_1164 = tpu.memref_slice %arg6[%dma_wait3A_1163] : memref<16384xf32, #tpu.memory_space<vmem>> -> memref<128xf32, #tpu.memory_space<vmem>>
    %dma_wait3A_1165 = arith.constant 8448 : i32
    %dma_wait3A_1166 = tpu.memref_slice %arg5[%dma_wait3A_1165] : memref<16384xi32, #tpu.memory_space<vmem>> -> memref<128xi32, #tpu.memory_space<vmem>>
    %dma_wait3A_1167 = arith.constant 0 : i32
    %dma_wait3A_1168 = tpu.memref_slice %arg2[%dma_wait3A_1167] : memref<31997952xf32, #tpu.memory_space<hbm>> -> memref<31997952xf32, #tpu.memory_space<hbm>>
    tpu.wait_indirect_dma semaphore(%arg7 : memref<!tpu.dma_semaphore, #tpu.memory_space<semaphore_mem>>) src(%dma_wait3A_1168 : memref<31997952xf32, #tpu.memory_space<hbm>>) dst(%dma_wait3A_1164 : memref<128xf32, #tpu.memory_space<vmem>>)
    %dma_wait3A_1169 = arith.constant 8576 : i32
    %dma_wait3A_1170 = tpu.memref_slice %arg6[%dma_wait3A_1169] : memref<16384xf32, #tpu.memory_space<vmem>> -> memref<128xf32, #tpu.memory_space<vmem>>
    %dma_wait3A_1171 = arith.constant 8576 : i32
    %dma_wait3A_1172 = tpu.memref_slice %arg5[%dma_wait3A_1171] : memref<16384xi32, #tpu.memory_space<vmem>> -> memref<128xi32, #tpu.memory_space<vmem>>
    %dma_wait3A_1173 = arith.constant 0 : i32
    %dma_wait3A_1174 = tpu.memref_slice %arg2[%dma_wait3A_1173] : memref<31997952xf32, #tpu.memory_space<hbm>> -> memref<31997952xf32, #tpu.memory_space<hbm>>
    tpu.wait_indirect_dma semaphore(%arg7 : memref<!tpu.dma_semaphore, #tpu.memory_space<semaphore_mem>>) src(%dma_wait3A_1174 : memref<31997952xf32, #tpu.memory_space<hbm>>) dst(%dma_wait3A_1170 : memref<128xf32, #tpu.memory_space<vmem>>)
    %dma_wait3A_1175 = arith.constant 8704 : i32
    %dma_wait3A_1176 = tpu.memref_slice %arg6[%dma_wait3A_1175] : memref<16384xf32, #tpu.memory_space<vmem>> -> memref<128xf32, #tpu.memory_space<vmem>>
    %dma_wait3A_1177 = arith.constant 8704 : i32
    %dma_wait3A_1178 = tpu.memref_slice %arg5[%dma_wait3A_1177] : memref<16384xi32, #tpu.memory_space<vmem>> -> memref<128xi32, #tpu.memory_space<vmem>>
    %dma_wait3A_1179 = arith.constant 0 : i32
    %dma_wait3A_1180 = tpu.memref_slice %arg2[%dma_wait3A_1179] : memref<31997952xf32, #tpu.memory_space<hbm>> -> memref<31997952xf32, #tpu.memory_space<hbm>>
    tpu.wait_indirect_dma semaphore(%arg7 : memref<!tpu.dma_semaphore, #tpu.memory_space<semaphore_mem>>) src(%dma_wait3A_1180 : memref<31997952xf32, #tpu.memory_space<hbm>>) dst(%dma_wait3A_1176 : memref<128xf32, #tpu.memory_space<vmem>>)
    %dma_wait3A_1181 = arith.constant 8832 : i32
    %dma_wait3A_1182 = tpu.memref_slice %arg6[%dma_wait3A_1181] : memref<16384xf32, #tpu.memory_space<vmem>> -> memref<128xf32, #tpu.memory_space<vmem>>
    %dma_wait3A_1183 = arith.constant 8832 : i32
    %dma_wait3A_1184 = tpu.memref_slice %arg5[%dma_wait3A_1183] : memref<16384xi32, #tpu.memory_space<vmem>> -> memref<128xi32, #tpu.memory_space<vmem>>
    %dma_wait3A_1185 = arith.constant 0 : i32
    %dma_wait3A_1186 = tpu.memref_slice %arg2[%dma_wait3A_1185] : memref<31997952xf32, #tpu.memory_space<hbm>> -> memref<31997952xf32, #tpu.memory_space<hbm>>
    tpu.wait_indirect_dma semaphore(%arg7 : memref<!tpu.dma_semaphore, #tpu.memory_space<semaphore_mem>>) src(%dma_wait3A_1186 : memref<31997952xf32, #tpu.memory_space<hbm>>) dst(%dma_wait3A_1182 : memref<128xf32, #tpu.memory_space<vmem>>)
    %dma_wait3A_1187 = arith.constant 8960 : i32
    %dma_wait3A_1188 = tpu.memref_slice %arg6[%dma_wait3A_1187] : memref<16384xf32, #tpu.memory_space<vmem>> -> memref<128xf32, #tpu.memory_space<vmem>>
    %dma_wait3A_1189 = arith.constant 8960 : i32
    %dma_wait3A_1190 = tpu.memref_slice %arg5[%dma_wait3A_1189] : memref<16384xi32, #tpu.memory_space<vmem>> -> memref<128xi32, #tpu.memory_space<vmem>>
    %dma_wait3A_1191 = arith.constant 0 : i32
    %dma_wait3A_1192 = tpu.memref_slice %arg2[%dma_wait3A_1191] : memref<31997952xf32, #tpu.memory_space<hbm>> -> memref<31997952xf32, #tpu.memory_space<hbm>>
    tpu.wait_indirect_dma semaphore(%arg7 : memref<!tpu.dma_semaphore, #tpu.memory_space<semaphore_mem>>) src(%dma_wait3A_1192 : memref<31997952xf32, #tpu.memory_space<hbm>>) dst(%dma_wait3A_1188 : memref<128xf32, #tpu.memory_space<vmem>>)
    %dma_wait3A_1193 = arith.constant 9088 : i32
    %dma_wait3A_1194 = tpu.memref_slice %arg6[%dma_wait3A_1193] : memref<16384xf32, #tpu.memory_space<vmem>> -> memref<128xf32, #tpu.memory_space<vmem>>
    %dma_wait3A_1195 = arith.constant 9088 : i32
    %dma_wait3A_1196 = tpu.memref_slice %arg5[%dma_wait3A_1195] : memref<16384xi32, #tpu.memory_space<vmem>> -> memref<128xi32, #tpu.memory_space<vmem>>
    %dma_wait3A_1197 = arith.constant 0 : i32
    %dma_wait3A_1198 = tpu.memref_slice %arg2[%dma_wait3A_1197] : memref<31997952xf32, #tpu.memory_space<hbm>> -> memref<31997952xf32, #tpu.memory_space<hbm>>
    tpu.wait_indirect_dma semaphore(%arg7 : memref<!tpu.dma_semaphore, #tpu.memory_space<semaphore_mem>>) src(%dma_wait3A_1198 : memref<31997952xf32, #tpu.memory_space<hbm>>) dst(%dma_wait3A_1194 : memref<128xf32, #tpu.memory_space<vmem>>)
    %dma_wait3A_1199 = arith.constant 9216 : i32
    %dma_wait3A_1200 = tpu.memref_slice %arg6[%dma_wait3A_1199] : memref<16384xf32, #tpu.memory_space<vmem>> -> memref<128xf32, #tpu.memory_space<vmem>>
    %dma_wait3A_1201 = arith.constant 9216 : i32
    %dma_wait3A_1202 = tpu.memref_slice %arg5[%dma_wait3A_1201] : memref<16384xi32, #tpu.memory_space<vmem>> -> memref<128xi32, #tpu.memory_space<vmem>>
    %dma_wait3A_1203 = arith.constant 0 : i32
    %dma_wait3A_1204 = tpu.memref_slice %arg2[%dma_wait3A_1203] : memref<31997952xf32, #tpu.memory_space<hbm>> -> memref<31997952xf32, #tpu.memory_space<hbm>>
    tpu.wait_indirect_dma semaphore(%arg7 : memref<!tpu.dma_semaphore, #tpu.memory_space<semaphore_mem>>) src(%dma_wait3A_1204 : memref<31997952xf32, #tpu.memory_space<hbm>>) dst(%dma_wait3A_1200 : memref<128xf32, #tpu.memory_space<vmem>>)
    %dma_wait3A_1205 = arith.constant 9344 : i32
    %dma_wait3A_1206 = tpu.memref_slice %arg6[%dma_wait3A_1205] : memref<16384xf32, #tpu.memory_space<vmem>> -> memref<128xf32, #tpu.memory_space<vmem>>
    %dma_wait3A_1207 = arith.constant 9344 : i32
    %dma_wait3A_1208 = tpu.memref_slice %arg5[%dma_wait3A_1207] : memref<16384xi32, #tpu.memory_space<vmem>> -> memref<128xi32, #tpu.memory_space<vmem>>
    %dma_wait3A_1209 = arith.constant 0 : i32
    %dma_wait3A_1210 = tpu.memref_slice %arg2[%dma_wait3A_1209] : memref<31997952xf32, #tpu.memory_space<hbm>> -> memref<31997952xf32, #tpu.memory_space<hbm>>
    tpu.wait_indirect_dma semaphore(%arg7 : memref<!tpu.dma_semaphore, #tpu.memory_space<semaphore_mem>>) src(%dma_wait3A_1210 : memref<31997952xf32, #tpu.memory_space<hbm>>) dst(%dma_wait3A_1206 : memref<128xf32, #tpu.memory_space<vmem>>)
    %dma_wait3A_1211 = arith.constant 9472 : i32
    %dma_wait3A_1212 = tpu.memref_slice %arg6[%dma_wait3A_1211] : memref<16384xf32, #tpu.memory_space<vmem>> -> memref<128xf32, #tpu.memory_space<vmem>>
    %dma_wait3A_1213 = arith.constant 9472 : i32
    %dma_wait3A_1214 = tpu.memref_slice %arg5[%dma_wait3A_1213] : memref<16384xi32, #tpu.memory_space<vmem>> -> memref<128xi32, #tpu.memory_space<vmem>>
    %dma_wait3A_1215 = arith.constant 0 : i32
    %dma_wait3A_1216 = tpu.memref_slice %arg2[%dma_wait3A_1215] : memref<31997952xf32, #tpu.memory_space<hbm>> -> memref<31997952xf32, #tpu.memory_space<hbm>>
    tpu.wait_indirect_dma semaphore(%arg7 : memref<!tpu.dma_semaphore, #tpu.memory_space<semaphore_mem>>) src(%dma_wait3A_1216 : memref<31997952xf32, #tpu.memory_space<hbm>>) dst(%dma_wait3A_1212 : memref<128xf32, #tpu.memory_space<vmem>>)
    %dma_wait3A_1217 = arith.constant 9600 : i32
    %dma_wait3A_1218 = tpu.memref_slice %arg6[%dma_wait3A_1217] : memref<16384xf32, #tpu.memory_space<vmem>> -> memref<128xf32, #tpu.memory_space<vmem>>
    %dma_wait3A_1219 = arith.constant 9600 : i32
    %dma_wait3A_1220 = tpu.memref_slice %arg5[%dma_wait3A_1219] : memref<16384xi32, #tpu.memory_space<vmem>> -> memref<128xi32, #tpu.memory_space<vmem>>
    %dma_wait3A_1221 = arith.constant 0 : i32
    %dma_wait3A_1222 = tpu.memref_slice %arg2[%dma_wait3A_1221] : memref<31997952xf32, #tpu.memory_space<hbm>> -> memref<31997952xf32, #tpu.memory_space<hbm>>
    tpu.wait_indirect_dma semaphore(%arg7 : memref<!tpu.dma_semaphore, #tpu.memory_space<semaphore_mem>>) src(%dma_wait3A_1222 : memref<31997952xf32, #tpu.memory_space<hbm>>) dst(%dma_wait3A_1218 : memref<128xf32, #tpu.memory_space<vmem>>)
    %dma_wait3A_1223 = arith.constant 9728 : i32
    %dma_wait3A_1224 = tpu.memref_slice %arg6[%dma_wait3A_1223] : memref<16384xf32, #tpu.memory_space<vmem>> -> memref<128xf32, #tpu.memory_space<vmem>>
    %dma_wait3A_1225 = arith.constant 9728 : i32
    %dma_wait3A_1226 = tpu.memref_slice %arg5[%dma_wait3A_1225] : memref<16384xi32, #tpu.memory_space<vmem>> -> memref<128xi32, #tpu.memory_space<vmem>>
    %dma_wait3A_1227 = arith.constant 0 : i32
    %dma_wait3A_1228 = tpu.memref_slice %arg2[%dma_wait3A_1227] : memref<31997952xf32, #tpu.memory_space<hbm>> -> memref<31997952xf32, #tpu.memory_space<hbm>>
    tpu.wait_indirect_dma semaphore(%arg7 : memref<!tpu.dma_semaphore, #tpu.memory_space<semaphore_mem>>) src(%dma_wait3A_1228 : memref<31997952xf32, #tpu.memory_space<hbm>>) dst(%dma_wait3A_1224 : memref<128xf32, #tpu.memory_space<vmem>>)
    %dma_wait3A_1229 = arith.constant 9856 : i32
    %dma_wait3A_1230 = tpu.memref_slice %arg6[%dma_wait3A_1229] : memref<16384xf32, #tpu.memory_space<vmem>> -> memref<128xf32, #tpu.memory_space<vmem>>
    %dma_wait3A_1231 = arith.constant 9856 : i32
    %dma_wait3A_1232 = tpu.memref_slice %arg5[%dma_wait3A_1231] : memref<16384xi32, #tpu.memory_space<vmem>> -> memref<128xi32, #tpu.memory_space<vmem>>
    %dma_wait3A_1233 = arith.constant 0 : i32
    %dma_wait3A_1234 = tpu.memref_slice %arg2[%dma_wait3A_1233] : memref<31997952xf32, #tpu.memory_space<hbm>> -> memref<31997952xf32, #tpu.memory_space<hbm>>
    tpu.wait_indirect_dma semaphore(%arg7 : memref<!tpu.dma_semaphore, #tpu.memory_space<semaphore_mem>>) src(%dma_wait3A_1234 : memref<31997952xf32, #tpu.memory_space<hbm>>) dst(%dma_wait3A_1230 : memref<128xf32, #tpu.memory_space<vmem>>)
    %dma_wait3A_1235 = arith.constant 9984 : i32
    %dma_wait3A_1236 = tpu.memref_slice %arg6[%dma_wait3A_1235] : memref<16384xf32, #tpu.memory_space<vmem>> -> memref<128xf32, #tpu.memory_space<vmem>>
    %dma_wait3A_1237 = arith.constant 9984 : i32
    %dma_wait3A_1238 = tpu.memref_slice %arg5[%dma_wait3A_1237] : memref<16384xi32, #tpu.memory_space<vmem>> -> memref<128xi32, #tpu.memory_space<vmem>>
    %dma_wait3A_1239 = arith.constant 0 : i32
    %dma_wait3A_1240 = tpu.memref_slice %arg2[%dma_wait3A_1239] : memref<31997952xf32, #tpu.memory_space<hbm>> -> memref<31997952xf32, #tpu.memory_space<hbm>>
    tpu.wait_indirect_dma semaphore(%arg7 : memref<!tpu.dma_semaphore, #tpu.memory_space<semaphore_mem>>) src(%dma_wait3A_1240 : memref<31997952xf32, #tpu.memory_space<hbm>>) dst(%dma_wait3A_1236 : memref<128xf32, #tpu.memory_space<vmem>>)
    %dma_wait3A_1241 = arith.constant 10112 : i32
    %dma_wait3A_1242 = tpu.memref_slice %arg6[%dma_wait3A_1241] : memref<16384xf32, #tpu.memory_space<vmem>> -> memref<128xf32, #tpu.memory_space<vmem>>
    %dma_wait3A_1243 = arith.constant 10112 : i32
    %dma_wait3A_1244 = tpu.memref_slice %arg5[%dma_wait3A_1243] : memref<16384xi32, #tpu.memory_space<vmem>> -> memref<128xi32, #tpu.memory_space<vmem>>
    %dma_wait3A_1245 = arith.constant 0 : i32
    %dma_wait3A_1246 = tpu.memref_slice %arg2[%dma_wait3A_1245] : memref<31997952xf32, #tpu.memory_space<hbm>> -> memref<31997952xf32, #tpu.memory_space<hbm>>
    tpu.wait_indirect_dma semaphore(%arg7 : memref<!tpu.dma_semaphore, #tpu.memory_space<semaphore_mem>>) src(%dma_wait3A_1246 : memref<31997952xf32, #tpu.memory_space<hbm>>) dst(%dma_wait3A_1242 : memref<128xf32, #tpu.memory_space<vmem>>)
    %dma_wait3A_1247 = arith.constant 10240 : i32
    %dma_wait3A_1248 = tpu.memref_slice %arg6[%dma_wait3A_1247] : memref<16384xf32, #tpu.memory_space<vmem>> -> memref<128xf32, #tpu.memory_space<vmem>>
    %dma_wait3A_1249 = arith.constant 10240 : i32
    %dma_wait3A_1250 = tpu.memref_slice %arg5[%dma_wait3A_1249] : memref<16384xi32, #tpu.memory_space<vmem>> -> memref<128xi32, #tpu.memory_space<vmem>>
    %dma_wait3A_1251 = arith.constant 0 : i32
    %dma_wait3A_1252 = tpu.memref_slice %arg2[%dma_wait3A_1251] : memref<31997952xf32, #tpu.memory_space<hbm>> -> memref<31997952xf32, #tpu.memory_space<hbm>>
    tpu.wait_indirect_dma semaphore(%arg7 : memref<!tpu.dma_semaphore, #tpu.memory_space<semaphore_mem>>) src(%dma_wait3A_1252 : memref<31997952xf32, #tpu.memory_space<hbm>>) dst(%dma_wait3A_1248 : memref<128xf32, #tpu.memory_space<vmem>>)
    %dma_wait3A_1253 = arith.constant 10368 : i32
    %dma_wait3A_1254 = tpu.memref_slice %arg6[%dma_wait3A_1253] : memref<16384xf32, #tpu.memory_space<vmem>> -> memref<128xf32, #tpu.memory_space<vmem>>
    %dma_wait3A_1255 = arith.constant 10368 : i32
    %dma_wait3A_1256 = tpu.memref_slice %arg5[%dma_wait3A_1255] : memref<16384xi32, #tpu.memory_space<vmem>> -> memref<128xi32, #tpu.memory_space<vmem>>
    %dma_wait3A_1257 = arith.constant 0 : i32
    %dma_wait3A_1258 = tpu.memref_slice %arg2[%dma_wait3A_1257] : memref<31997952xf32, #tpu.memory_space<hbm>> -> memref<31997952xf32, #tpu.memory_space<hbm>>
    tpu.wait_indirect_dma semaphore(%arg7 : memref<!tpu.dma_semaphore, #tpu.memory_space<semaphore_mem>>) src(%dma_wait3A_1258 : memref<31997952xf32, #tpu.memory_space<hbm>>) dst(%dma_wait3A_1254 : memref<128xf32, #tpu.memory_space<vmem>>)
    %dma_wait3A_1259 = arith.constant 10496 : i32
    %dma_wait3A_1260 = tpu.memref_slice %arg6[%dma_wait3A_1259] : memref<16384xf32, #tpu.memory_space<vmem>> -> memref<128xf32, #tpu.memory_space<vmem>>
    %dma_wait3A_1261 = arith.constant 10496 : i32
    %dma_wait3A_1262 = tpu.memref_slice %arg5[%dma_wait3A_1261] : memref<16384xi32, #tpu.memory_space<vmem>> -> memref<128xi32, #tpu.memory_space<vmem>>
    %dma_wait3A_1263 = arith.constant 0 : i32
    %dma_wait3A_1264 = tpu.memref_slice %arg2[%dma_wait3A_1263] : memref<31997952xf32, #tpu.memory_space<hbm>> -> memref<31997952xf32, #tpu.memory_space<hbm>>
    tpu.wait_indirect_dma semaphore(%arg7 : memref<!tpu.dma_semaphore, #tpu.memory_space<semaphore_mem>>) src(%dma_wait3A_1264 : memref<31997952xf32, #tpu.memory_space<hbm>>) dst(%dma_wait3A_1260 : memref<128xf32, #tpu.memory_space<vmem>>)
    %dma_wait3A_1265 = arith.constant 10624 : i32
    %dma_wait3A_1266 = tpu.memref_slice %arg6[%dma_wait3A_1265] : memref<16384xf32, #tpu.memory_space<vmem>> -> memref<128xf32, #tpu.memory_space<vmem>>
    %dma_wait3A_1267 = arith.constant 10624 : i32
    %dma_wait3A_1268 = tpu.memref_slice %arg5[%dma_wait3A_1267] : memref<16384xi32, #tpu.memory_space<vmem>> -> memref<128xi32, #tpu.memory_space<vmem>>
    %dma_wait3A_1269 = arith.constant 0 : i32
    %dma_wait3A_1270 = tpu.memref_slice %arg2[%dma_wait3A_1269] : memref<31997952xf32, #tpu.memory_space<hbm>> -> memref<31997952xf32, #tpu.memory_space<hbm>>
    tpu.wait_indirect_dma semaphore(%arg7 : memref<!tpu.dma_semaphore, #tpu.memory_space<semaphore_mem>>) src(%dma_wait3A_1270 : memref<31997952xf32, #tpu.memory_space<hbm>>) dst(%dma_wait3A_1266 : memref<128xf32, #tpu.memory_space<vmem>>)
    %dma_wait3A_1271 = arith.constant 10752 : i32
    %dma_wait3A_1272 = tpu.memref_slice %arg6[%dma_wait3A_1271] : memref<16384xf32, #tpu.memory_space<vmem>> -> memref<128xf32, #tpu.memory_space<vmem>>
    %dma_wait3A_1273 = arith.constant 10752 : i32
    %dma_wait3A_1274 = tpu.memref_slice %arg5[%dma_wait3A_1273] : memref<16384xi32, #tpu.memory_space<vmem>> -> memref<128xi32, #tpu.memory_space<vmem>>
    %dma_wait3A_1275 = arith.constant 0 : i32
    %dma_wait3A_1276 = tpu.memref_slice %arg2[%dma_wait3A_1275] : memref<31997952xf32, #tpu.memory_space<hbm>> -> memref<31997952xf32, #tpu.memory_space<hbm>>
    tpu.wait_indirect_dma semaphore(%arg7 : memref<!tpu.dma_semaphore, #tpu.memory_space<semaphore_mem>>) src(%dma_wait3A_1276 : memref<31997952xf32, #tpu.memory_space<hbm>>) dst(%dma_wait3A_1272 : memref<128xf32, #tpu.memory_space<vmem>>)
    %dma_wait3A_1277 = arith.constant 10880 : i32
    %dma_wait3A_1278 = tpu.memref_slice %arg6[%dma_wait3A_1277] : memref<16384xf32, #tpu.memory_space<vmem>> -> memref<128xf32, #tpu.memory_space<vmem>>
    %dma_wait3A_1279 = arith.constant 10880 : i32
    %dma_wait3A_1280 = tpu.memref_slice %arg5[%dma_wait3A_1279] : memref<16384xi32, #tpu.memory_space<vmem>> -> memref<128xi32, #tpu.memory_space<vmem>>
    %dma_wait3A_1281 = arith.constant 0 : i32
    %dma_wait3A_1282 = tpu.memref_slice %arg2[%dma_wait3A_1281] : memref<31997952xf32, #tpu.memory_space<hbm>> -> memref<31997952xf32, #tpu.memory_space<hbm>>
    tpu.wait_indirect_dma semaphore(%arg7 : memref<!tpu.dma_semaphore, #tpu.memory_space<semaphore_mem>>) src(%dma_wait3A_1282 : memref<31997952xf32, #tpu.memory_space<hbm>>) dst(%dma_wait3A_1278 : memref<128xf32, #tpu.memory_space<vmem>>)
    %dma_wait3A_1283 = arith.constant 11008 : i32
    %dma_wait3A_1284 = tpu.memref_slice %arg6[%dma_wait3A_1283] : memref<16384xf32, #tpu.memory_space<vmem>> -> memref<128xf32, #tpu.memory_space<vmem>>
    %dma_wait3A_1285 = arith.constant 11008 : i32
    %dma_wait3A_1286 = tpu.memref_slice %arg5[%dma_wait3A_1285] : memref<16384xi32, #tpu.memory_space<vmem>> -> memref<128xi32, #tpu.memory_space<vmem>>
    %dma_wait3A_1287 = arith.constant 0 : i32
    %dma_wait3A_1288 = tpu.memref_slice %arg2[%dma_wait3A_1287] : memref<31997952xf32, #tpu.memory_space<hbm>> -> memref<31997952xf32, #tpu.memory_space<hbm>>
    tpu.wait_indirect_dma semaphore(%arg7 : memref<!tpu.dma_semaphore, #tpu.memory_space<semaphore_mem>>) src(%dma_wait3A_1288 : memref<31997952xf32, #tpu.memory_space<hbm>>) dst(%dma_wait3A_1284 : memref<128xf32, #tpu.memory_space<vmem>>)
    %dma_wait3A_1289 = arith.constant 11136 : i32
    %dma_wait3A_1290 = tpu.memref_slice %arg6[%dma_wait3A_1289] : memref<16384xf32, #tpu.memory_space<vmem>> -> memref<128xf32, #tpu.memory_space<vmem>>
    %dma_wait3A_1291 = arith.constant 11136 : i32
    %dma_wait3A_1292 = tpu.memref_slice %arg5[%dma_wait3A_1291] : memref<16384xi32, #tpu.memory_space<vmem>> -> memref<128xi32, #tpu.memory_space<vmem>>
    %dma_wait3A_1293 = arith.constant 0 : i32
    %dma_wait3A_1294 = tpu.memref_slice %arg2[%dma_wait3A_1293] : memref<31997952xf32, #tpu.memory_space<hbm>> -> memref<31997952xf32, #tpu.memory_space<hbm>>
    tpu.wait_indirect_dma semaphore(%arg7 : memref<!tpu.dma_semaphore, #tpu.memory_space<semaphore_mem>>) src(%dma_wait3A_1294 : memref<31997952xf32, #tpu.memory_space<hbm>>) dst(%dma_wait3A_1290 : memref<128xf32, #tpu.memory_space<vmem>>)
    %dma_wait3A_1295 = arith.constant 11264 : i32
    %dma_wait3A_1296 = tpu.memref_slice %arg6[%dma_wait3A_1295] : memref<16384xf32, #tpu.memory_space<vmem>> -> memref<128xf32, #tpu.memory_space<vmem>>
    %dma_wait3A_1297 = arith.constant 11264 : i32
    %dma_wait3A_1298 = tpu.memref_slice %arg5[%dma_wait3A_1297] : memref<16384xi32, #tpu.memory_space<vmem>> -> memref<128xi32, #tpu.memory_space<vmem>>
    %dma_wait3A_1299 = arith.constant 0 : i32
    %dma_wait3A_1300 = tpu.memref_slice %arg2[%dma_wait3A_1299] : memref<31997952xf32, #tpu.memory_space<hbm>> -> memref<31997952xf32, #tpu.memory_space<hbm>>
    tpu.wait_indirect_dma semaphore(%arg7 : memref<!tpu.dma_semaphore, #tpu.memory_space<semaphore_mem>>) src(%dma_wait3A_1300 : memref<31997952xf32, #tpu.memory_space<hbm>>) dst(%dma_wait3A_1296 : memref<128xf32, #tpu.memory_space<vmem>>)
    %dma_wait3A_1301 = arith.constant 11392 : i32
    %dma_wait3A_1302 = tpu.memref_slice %arg6[%dma_wait3A_1301] : memref<16384xf32, #tpu.memory_space<vmem>> -> memref<128xf32, #tpu.memory_space<vmem>>
    %dma_wait3A_1303 = arith.constant 11392 : i32
    %dma_wait3A_1304 = tpu.memref_slice %arg5[%dma_wait3A_1303] : memref<16384xi32, #tpu.memory_space<vmem>> -> memref<128xi32, #tpu.memory_space<vmem>>
    %dma_wait3A_1305 = arith.constant 0 : i32
    %dma_wait3A_1306 = tpu.memref_slice %arg2[%dma_wait3A_1305] : memref<31997952xf32, #tpu.memory_space<hbm>> -> memref<31997952xf32, #tpu.memory_space<hbm>>
    tpu.wait_indirect_dma semaphore(%arg7 : memref<!tpu.dma_semaphore, #tpu.memory_space<semaphore_mem>>) src(%dma_wait3A_1306 : memref<31997952xf32, #tpu.memory_space<hbm>>) dst(%dma_wait3A_1302 : memref<128xf32, #tpu.memory_space<vmem>>)
    %dma_wait3A_1307 = arith.constant 11520 : i32
    %dma_wait3A_1308 = tpu.memref_slice %arg6[%dma_wait3A_1307] : memref<16384xf32, #tpu.memory_space<vmem>> -> memref<128xf32, #tpu.memory_space<vmem>>
    %dma_wait3A_1309 = arith.constant 11520 : i32
    %dma_wait3A_1310 = tpu.memref_slice %arg5[%dma_wait3A_1309] : memref<16384xi32, #tpu.memory_space<vmem>> -> memref<128xi32, #tpu.memory_space<vmem>>
    %dma_wait3A_1311 = arith.constant 0 : i32
    %dma_wait3A_1312 = tpu.memref_slice %arg2[%dma_wait3A_1311] : memref<31997952xf32, #tpu.memory_space<hbm>> -> memref<31997952xf32, #tpu.memory_space<hbm>>
    tpu.wait_indirect_dma semaphore(%arg7 : memref<!tpu.dma_semaphore, #tpu.memory_space<semaphore_mem>>) src(%dma_wait3A_1312 : memref<31997952xf32, #tpu.memory_space<hbm>>) dst(%dma_wait3A_1308 : memref<128xf32, #tpu.memory_space<vmem>>)
    %dma_wait3A_1313 = arith.constant 11648 : i32
    %dma_wait3A_1314 = tpu.memref_slice %arg6[%dma_wait3A_1313] : memref<16384xf32, #tpu.memory_space<vmem>> -> memref<128xf32, #tpu.memory_space<vmem>>
    %dma_wait3A_1315 = arith.constant 11648 : i32
    %dma_wait3A_1316 = tpu.memref_slice %arg5[%dma_wait3A_1315] : memref<16384xi32, #tpu.memory_space<vmem>> -> memref<128xi32, #tpu.memory_space<vmem>>
    %dma_wait3A_1317 = arith.constant 0 : i32
    %dma_wait3A_1318 = tpu.memref_slice %arg2[%dma_wait3A_1317] : memref<31997952xf32, #tpu.memory_space<hbm>> -> memref<31997952xf32, #tpu.memory_space<hbm>>
    tpu.wait_indirect_dma semaphore(%arg7 : memref<!tpu.dma_semaphore, #tpu.memory_space<semaphore_mem>>) src(%dma_wait3A_1318 : memref<31997952xf32, #tpu.memory_space<hbm>>) dst(%dma_wait3A_1314 : memref<128xf32, #tpu.memory_space<vmem>>)
    %dma_wait3A_1319 = arith.constant 11776 : i32
    %dma_wait3A_1320 = tpu.memref_slice %arg6[%dma_wait3A_1319] : memref<16384xf32, #tpu.memory_space<vmem>> -> memref<128xf32, #tpu.memory_space<vmem>>
    %dma_wait3A_1321 = arith.constant 11776 : i32
    %dma_wait3A_1322 = tpu.memref_slice %arg5[%dma_wait3A_1321] : memref<16384xi32, #tpu.memory_space<vmem>> -> memref<128xi32, #tpu.memory_space<vmem>>
    %dma_wait3A_1323 = arith.constant 0 : i32
    %dma_wait3A_1324 = tpu.memref_slice %arg2[%dma_wait3A_1323] : memref<31997952xf32, #tpu.memory_space<hbm>> -> memref<31997952xf32, #tpu.memory_space<hbm>>
    tpu.wait_indirect_dma semaphore(%arg7 : memref<!tpu.dma_semaphore, #tpu.memory_space<semaphore_mem>>) src(%dma_wait3A_1324 : memref<31997952xf32, #tpu.memory_space<hbm>>) dst(%dma_wait3A_1320 : memref<128xf32, #tpu.memory_space<vmem>>)
    %dma_wait3A_1325 = arith.constant 11904 : i32
    %dma_wait3A_1326 = tpu.memref_slice %arg6[%dma_wait3A_1325] : memref<16384xf32, #tpu.memory_space<vmem>> -> memref<128xf32, #tpu.memory_space<vmem>>
    %dma_wait3A_1327 = arith.constant 11904 : i32
    %dma_wait3A_1328 = tpu.memref_slice %arg5[%dma_wait3A_1327] : memref<16384xi32, #tpu.memory_space<vmem>> -> memref<128xi32, #tpu.memory_space<vmem>>
    %dma_wait3A_1329 = arith.constant 0 : i32
    %dma_wait3A_1330 = tpu.memref_slice %arg2[%dma_wait3A_1329] : memref<31997952xf32, #tpu.memory_space<hbm>> -> memref<31997952xf32, #tpu.memory_space<hbm>>
    tpu.wait_indirect_dma semaphore(%arg7 : memref<!tpu.dma_semaphore, #tpu.memory_space<semaphore_mem>>) src(%dma_wait3A_1330 : memref<31997952xf32, #tpu.memory_space<hbm>>) dst(%dma_wait3A_1326 : memref<128xf32, #tpu.memory_space<vmem>>)
    %dma_wait3A_1331 = arith.constant 12032 : i32
    %dma_wait3A_1332 = tpu.memref_slice %arg6[%dma_wait3A_1331] : memref<16384xf32, #tpu.memory_space<vmem>> -> memref<128xf32, #tpu.memory_space<vmem>>
    %dma_wait3A_1333 = arith.constant 12032 : i32
    %dma_wait3A_1334 = tpu.memref_slice %arg5[%dma_wait3A_1333] : memref<16384xi32, #tpu.memory_space<vmem>> -> memref<128xi32, #tpu.memory_space<vmem>>
    %dma_wait3A_1335 = arith.constant 0 : i32
    %dma_wait3A_1336 = tpu.memref_slice %arg2[%dma_wait3A_1335] : memref<31997952xf32, #tpu.memory_space<hbm>> -> memref<31997952xf32, #tpu.memory_space<hbm>>
    tpu.wait_indirect_dma semaphore(%arg7 : memref<!tpu.dma_semaphore, #tpu.memory_space<semaphore_mem>>) src(%dma_wait3A_1336 : memref<31997952xf32, #tpu.memory_space<hbm>>) dst(%dma_wait3A_1332 : memref<128xf32, #tpu.memory_space<vmem>>)
    %dma_wait3A_1337 = arith.constant 12160 : i32
    %dma_wait3A_1338 = tpu.memref_slice %arg6[%dma_wait3A_1337] : memref<16384xf32, #tpu.memory_space<vmem>> -> memref<128xf32, #tpu.memory_space<vmem>>
    %dma_wait3A_1339 = arith.constant 12160 : i32
    %dma_wait3A_1340 = tpu.memref_slice %arg5[%dma_wait3A_1339] : memref<16384xi32, #tpu.memory_space<vmem>> -> memref<128xi32, #tpu.memory_space<vmem>>
    %dma_wait3A_1341 = arith.constant 0 : i32
    %dma_wait3A_1342 = tpu.memref_slice %arg2[%dma_wait3A_1341] : memref<31997952xf32, #tpu.memory_space<hbm>> -> memref<31997952xf32, #tpu.memory_space<hbm>>
    tpu.wait_indirect_dma semaphore(%arg7 : memref<!tpu.dma_semaphore, #tpu.memory_space<semaphore_mem>>) src(%dma_wait3A_1342 : memref<31997952xf32, #tpu.memory_space<hbm>>) dst(%dma_wait3A_1338 : memref<128xf32, #tpu.memory_space<vmem>>)
    %dma_wait3A_1343 = arith.constant 12288 : i32
    %dma_wait3A_1344 = tpu.memref_slice %arg6[%dma_wait3A_1343] : memref<16384xf32, #tpu.memory_space<vmem>> -> memref<128xf32, #tpu.memory_space<vmem>>
    %dma_wait3A_1345 = arith.constant 12288 : i32
    %dma_wait3A_1346 = tpu.memref_slice %arg5[%dma_wait3A_1345] : memref<16384xi32, #tpu.memory_space<vmem>> -> memref<128xi32, #tpu.memory_space<vmem>>
    %dma_wait3A_1347 = arith.constant 0 : i32
    %dma_wait3A_1348 = tpu.memref_slice %arg2[%dma_wait3A_1347] : memref<31997952xf32, #tpu.memory_space<hbm>> -> memref<31997952xf32, #tpu.memory_space<hbm>>
    tpu.wait_indirect_dma semaphore(%arg7 : memref<!tpu.dma_semaphore, #tpu.memory_space<semaphore_mem>>) src(%dma_wait3A_1348 : memref<31997952xf32, #tpu.memory_space<hbm>>) dst(%dma_wait3A_1344 : memref<128xf32, #tpu.memory_space<vmem>>)
    %dma_wait3A_1349 = arith.constant 12416 : i32
    %dma_wait3A_1350 = tpu.memref_slice %arg6[%dma_wait3A_1349] : memref<16384xf32, #tpu.memory_space<vmem>> -> memref<128xf32, #tpu.memory_space<vmem>>
    %dma_wait3A_1351 = arith.constant 12416 : i32
    %dma_wait3A_1352 = tpu.memref_slice %arg5[%dma_wait3A_1351] : memref<16384xi32, #tpu.memory_space<vmem>> -> memref<128xi32, #tpu.memory_space<vmem>>
    %dma_wait3A_1353 = arith.constant 0 : i32
    %dma_wait3A_1354 = tpu.memref_slice %arg2[%dma_wait3A_1353] : memref<31997952xf32, #tpu.memory_space<hbm>> -> memref<31997952xf32, #tpu.memory_space<hbm>>
    tpu.wait_indirect_dma semaphore(%arg7 : memref<!tpu.dma_semaphore, #tpu.memory_space<semaphore_mem>>) src(%dma_wait3A_1354 : memref<31997952xf32, #tpu.memory_space<hbm>>) dst(%dma_wait3A_1350 : memref<128xf32, #tpu.memory_space<vmem>>)
    %dma_wait3A_1355 = arith.constant 12544 : i32
    %dma_wait3A_1356 = tpu.memref_slice %arg6[%dma_wait3A_1355] : memref<16384xf32, #tpu.memory_space<vmem>> -> memref<128xf32, #tpu.memory_space<vmem>>
    %dma_wait3A_1357 = arith.constant 12544 : i32
    %dma_wait3A_1358 = tpu.memref_slice %arg5[%dma_wait3A_1357] : memref<16384xi32, #tpu.memory_space<vmem>> -> memref<128xi32, #tpu.memory_space<vmem>>
    %dma_wait3A_1359 = arith.constant 0 : i32
    %dma_wait3A_1360 = tpu.memref_slice %arg2[%dma_wait3A_1359] : memref<31997952xf32, #tpu.memory_space<hbm>> -> memref<31997952xf32, #tpu.memory_space<hbm>>
    tpu.wait_indirect_dma semaphore(%arg7 : memref<!tpu.dma_semaphore, #tpu.memory_space<semaphore_mem>>) src(%dma_wait3A_1360 : memref<31997952xf32, #tpu.memory_space<hbm>>) dst(%dma_wait3A_1356 : memref<128xf32, #tpu.memory_space<vmem>>)
    %dma_wait3A_1361 = arith.constant 12672 : i32
    %dma_wait3A_1362 = tpu.memref_slice %arg6[%dma_wait3A_1361] : memref<16384xf32, #tpu.memory_space<vmem>> -> memref<128xf32, #tpu.memory_space<vmem>>
    %dma_wait3A_1363 = arith.constant 12672 : i32
    %dma_wait3A_1364 = tpu.memref_slice %arg5[%dma_wait3A_1363] : memref<16384xi32, #tpu.memory_space<vmem>> -> memref<128xi32, #tpu.memory_space<vmem>>
    %dma_wait3A_1365 = arith.constant 0 : i32
    %dma_wait3A_1366 = tpu.memref_slice %arg2[%dma_wait3A_1365] : memref<31997952xf32, #tpu.memory_space<hbm>> -> memref<31997952xf32, #tpu.memory_space<hbm>>
    tpu.wait_indirect_dma semaphore(%arg7 : memref<!tpu.dma_semaphore, #tpu.memory_space<semaphore_mem>>) src(%dma_wait3A_1366 : memref<31997952xf32, #tpu.memory_space<hbm>>) dst(%dma_wait3A_1362 : memref<128xf32, #tpu.memory_space<vmem>>)
    %dma_wait3A_1367 = arith.constant 12800 : i32
    %dma_wait3A_1368 = tpu.memref_slice %arg6[%dma_wait3A_1367] : memref<16384xf32, #tpu.memory_space<vmem>> -> memref<128xf32, #tpu.memory_space<vmem>>
    %dma_wait3A_1369 = arith.constant 12800 : i32
    %dma_wait3A_1370 = tpu.memref_slice %arg5[%dma_wait3A_1369] : memref<16384xi32, #tpu.memory_space<vmem>> -> memref<128xi32, #tpu.memory_space<vmem>>
    %dma_wait3A_1371 = arith.constant 0 : i32
    %dma_wait3A_1372 = tpu.memref_slice %arg2[%dma_wait3A_1371] : memref<31997952xf32, #tpu.memory_space<hbm>> -> memref<31997952xf32, #tpu.memory_space<hbm>>
    tpu.wait_indirect_dma semaphore(%arg7 : memref<!tpu.dma_semaphore, #tpu.memory_space<semaphore_mem>>) src(%dma_wait3A_1372 : memref<31997952xf32, #tpu.memory_space<hbm>>) dst(%dma_wait3A_1368 : memref<128xf32, #tpu.memory_space<vmem>>)
    %dma_wait3A_1373 = arith.constant 12928 : i32
    %dma_wait3A_1374 = tpu.memref_slice %arg6[%dma_wait3A_1373] : memref<16384xf32, #tpu.memory_space<vmem>> -> memref<128xf32, #tpu.memory_space<vmem>>
    %dma_wait3A_1375 = arith.constant 12928 : i32
    %dma_wait3A_1376 = tpu.memref_slice %arg5[%dma_wait3A_1375] : memref<16384xi32, #tpu.memory_space<vmem>> -> memref<128xi32, #tpu.memory_space<vmem>>
    %dma_wait3A_1377 = arith.constant 0 : i32
    %dma_wait3A_1378 = tpu.memref_slice %arg2[%dma_wait3A_1377] : memref<31997952xf32, #tpu.memory_space<hbm>> -> memref<31997952xf32, #tpu.memory_space<hbm>>
    tpu.wait_indirect_dma semaphore(%arg7 : memref<!tpu.dma_semaphore, #tpu.memory_space<semaphore_mem>>) src(%dma_wait3A_1378 : memref<31997952xf32, #tpu.memory_space<hbm>>) dst(%dma_wait3A_1374 : memref<128xf32, #tpu.memory_space<vmem>>)
    %dma_wait3A_1379 = arith.constant 13056 : i32
    %dma_wait3A_1380 = tpu.memref_slice %arg6[%dma_wait3A_1379] : memref<16384xf32, #tpu.memory_space<vmem>> -> memref<128xf32, #tpu.memory_space<vmem>>
    %dma_wait3A_1381 = arith.constant 13056 : i32
    %dma_wait3A_1382 = tpu.memref_slice %arg5[%dma_wait3A_1381] : memref<16384xi32, #tpu.memory_space<vmem>> -> memref<128xi32, #tpu.memory_space<vmem>>
    %dma_wait3A_1383 = arith.constant 0 : i32
    %dma_wait3A_1384 = tpu.memref_slice %arg2[%dma_wait3A_1383] : memref<31997952xf32, #tpu.memory_space<hbm>> -> memref<31997952xf32, #tpu.memory_space<hbm>>
    tpu.wait_indirect_dma semaphore(%arg7 : memref<!tpu.dma_semaphore, #tpu.memory_space<semaphore_mem>>) src(%dma_wait3A_1384 : memref<31997952xf32, #tpu.memory_space<hbm>>) dst(%dma_wait3A_1380 : memref<128xf32, #tpu.memory_space<vmem>>)
    %dma_wait3A_1385 = arith.constant 13184 : i32
    %dma_wait3A_1386 = tpu.memref_slice %arg6[%dma_wait3A_1385] : memref<16384xf32, #tpu.memory_space<vmem>> -> memref<128xf32, #tpu.memory_space<vmem>>
    %dma_wait3A_1387 = arith.constant 13184 : i32
    %dma_wait3A_1388 = tpu.memref_slice %arg5[%dma_wait3A_1387] : memref<16384xi32, #tpu.memory_space<vmem>> -> memref<128xi32, #tpu.memory_space<vmem>>
    %dma_wait3A_1389 = arith.constant 0 : i32
    %dma_wait3A_1390 = tpu.memref_slice %arg2[%dma_wait3A_1389] : memref<31997952xf32, #tpu.memory_space<hbm>> -> memref<31997952xf32, #tpu.memory_space<hbm>>
    tpu.wait_indirect_dma semaphore(%arg7 : memref<!tpu.dma_semaphore, #tpu.memory_space<semaphore_mem>>) src(%dma_wait3A_1390 : memref<31997952xf32, #tpu.memory_space<hbm>>) dst(%dma_wait3A_1386 : memref<128xf32, #tpu.memory_space<vmem>>)
    %dma_wait3A_1391 = arith.constant 13312 : i32
    %dma_wait3A_1392 = tpu.memref_slice %arg6[%dma_wait3A_1391] : memref<16384xf32, #tpu.memory_space<vmem>> -> memref<128xf32, #tpu.memory_space<vmem>>
    %dma_wait3A_1393 = arith.constant 13312 : i32
    %dma_wait3A_1394 = tpu.memref_slice %arg5[%dma_wait3A_1393] : memref<16384xi32, #tpu.memory_space<vmem>> -> memref<128xi32, #tpu.memory_space<vmem>>
    %dma_wait3A_1395 = arith.constant 0 : i32
    %dma_wait3A_1396 = tpu.memref_slice %arg2[%dma_wait3A_1395] : memref<31997952xf32, #tpu.memory_space<hbm>> -> memref<31997952xf32, #tpu.memory_space<hbm>>
    tpu.wait_indirect_dma semaphore(%arg7 : memref<!tpu.dma_semaphore, #tpu.memory_space<semaphore_mem>>) src(%dma_wait3A_1396 : memref<31997952xf32, #tpu.memory_space<hbm>>) dst(%dma_wait3A_1392 : memref<128xf32, #tpu.memory_space<vmem>>)
    %dma_wait3A_1397 = arith.constant 13440 : i32
    %dma_wait3A_1398 = tpu.memref_slice %arg6[%dma_wait3A_1397] : memref<16384xf32, #tpu.memory_space<vmem>> -> memref<128xf32, #tpu.memory_space<vmem>>
    %dma_wait3A_1399 = arith.constant 13440 : i32
    %dma_wait3A_1400 = tpu.memref_slice %arg5[%dma_wait3A_1399] : memref<16384xi32, #tpu.memory_space<vmem>> -> memref<128xi32, #tpu.memory_space<vmem>>
    %dma_wait3A_1401 = arith.constant 0 : i32
    %dma_wait3A_1402 = tpu.memref_slice %arg2[%dma_wait3A_1401] : memref<31997952xf32, #tpu.memory_space<hbm>> -> memref<31997952xf32, #tpu.memory_space<hbm>>
    tpu.wait_indirect_dma semaphore(%arg7 : memref<!tpu.dma_semaphore, #tpu.memory_space<semaphore_mem>>) src(%dma_wait3A_1402 : memref<31997952xf32, #tpu.memory_space<hbm>>) dst(%dma_wait3A_1398 : memref<128xf32, #tpu.memory_space<vmem>>)
    %dma_wait3A_1403 = arith.constant 13568 : i32
    %dma_wait3A_1404 = tpu.memref_slice %arg6[%dma_wait3A_1403] : memref<16384xf32, #tpu.memory_space<vmem>> -> memref<128xf32, #tpu.memory_space<vmem>>
    %dma_wait3A_1405 = arith.constant 13568 : i32
    %dma_wait3A_1406 = tpu.memref_slice %arg5[%dma_wait3A_1405] : memref<16384xi32, #tpu.memory_space<vmem>> -> memref<128xi32, #tpu.memory_space<vmem>>
    %dma_wait3A_1407 = arith.constant 0 : i32
    %dma_wait3A_1408 = tpu.memref_slice %arg2[%dma_wait3A_1407] : memref<31997952xf32, #tpu.memory_space<hbm>> -> memref<31997952xf32, #tpu.memory_space<hbm>>
    tpu.wait_indirect_dma semaphore(%arg7 : memref<!tpu.dma_semaphore, #tpu.memory_space<semaphore_mem>>) src(%dma_wait3A_1408 : memref<31997952xf32, #tpu.memory_space<hbm>>) dst(%dma_wait3A_1404 : memref<128xf32, #tpu.memory_space<vmem>>)
    %dma_wait3A_1409 = arith.constant 13696 : i32
    %dma_wait3A_1410 = tpu.memref_slice %arg6[%dma_wait3A_1409] : memref<16384xf32, #tpu.memory_space<vmem>> -> memref<128xf32, #tpu.memory_space<vmem>>
    %dma_wait3A_1411 = arith.constant 13696 : i32
    %dma_wait3A_1412 = tpu.memref_slice %arg5[%dma_wait3A_1411] : memref<16384xi32, #tpu.memory_space<vmem>> -> memref<128xi32, #tpu.memory_space<vmem>>
    %dma_wait3A_1413 = arith.constant 0 : i32
    %dma_wait3A_1414 = tpu.memref_slice %arg2[%dma_wait3A_1413] : memref<31997952xf32, #tpu.memory_space<hbm>> -> memref<31997952xf32, #tpu.memory_space<hbm>>
    tpu.wait_indirect_dma semaphore(%arg7 : memref<!tpu.dma_semaphore, #tpu.memory_space<semaphore_mem>>) src(%dma_wait3A_1414 : memref<31997952xf32, #tpu.memory_space<hbm>>) dst(%dma_wait3A_1410 : memref<128xf32, #tpu.memory_space<vmem>>)
    %dma_wait3A_1415 = arith.constant 13824 : i32
    %dma_wait3A_1416 = tpu.memref_slice %arg6[%dma_wait3A_1415] : memref<16384xf32, #tpu.memory_space<vmem>> -> memref<128xf32, #tpu.memory_space<vmem>>
    %dma_wait3A_1417 = arith.constant 13824 : i32
    %dma_wait3A_1418 = tpu.memref_slice %arg5[%dma_wait3A_1417] : memref<16384xi32, #tpu.memory_space<vmem>> -> memref<128xi32, #tpu.memory_space<vmem>>
    %dma_wait3A_1419 = arith.constant 0 : i32
    %dma_wait3A_1420 = tpu.memref_slice %arg2[%dma_wait3A_1419] : memref<31997952xf32, #tpu.memory_space<hbm>> -> memref<31997952xf32, #tpu.memory_space<hbm>>
    tpu.wait_indirect_dma semaphore(%arg7 : memref<!tpu.dma_semaphore, #tpu.memory_space<semaphore_mem>>) src(%dma_wait3A_1420 : memref<31997952xf32, #tpu.memory_space<hbm>>) dst(%dma_wait3A_1416 : memref<128xf32, #tpu.memory_space<vmem>>)
    %dma_wait3A_1421 = arith.constant 13952 : i32
    %dma_wait3A_1422 = tpu.memref_slice %arg6[%dma_wait3A_1421] : memref<16384xf32, #tpu.memory_space<vmem>> -> memref<128xf32, #tpu.memory_space<vmem>>
    %dma_wait3A_1423 = arith.constant 13952 : i32
    %dma_wait3A_1424 = tpu.memref_slice %arg5[%dma_wait3A_1423] : memref<16384xi32, #tpu.memory_space<vmem>> -> memref<128xi32, #tpu.memory_space<vmem>>
    %dma_wait3A_1425 = arith.constant 0 : i32
    %dma_wait3A_1426 = tpu.memref_slice %arg2[%dma_wait3A_1425] : memref<31997952xf32, #tpu.memory_space<hbm>> -> memref<31997952xf32, #tpu.memory_space<hbm>>
    tpu.wait_indirect_dma semaphore(%arg7 : memref<!tpu.dma_semaphore, #tpu.memory_space<semaphore_mem>>) src(%dma_wait3A_1426 : memref<31997952xf32, #tpu.memory_space<hbm>>) dst(%dma_wait3A_1422 : memref<128xf32, #tpu.memory_space<vmem>>)
    %dma_wait3A_1427 = arith.constant 14080 : i32
    %dma_wait3A_1428 = tpu.memref_slice %arg6[%dma_wait3A_1427] : memref<16384xf32, #tpu.memory_space<vmem>> -> memref<128xf32, #tpu.memory_space<vmem>>
    %dma_wait3A_1429 = arith.constant 14080 : i32
    %dma_wait3A_1430 = tpu.memref_slice %arg5[%dma_wait3A_1429] : memref<16384xi32, #tpu.memory_space<vmem>> -> memref<128xi32, #tpu.memory_space<vmem>>
    %dma_wait3A_1431 = arith.constant 0 : i32
    %dma_wait3A_1432 = tpu.memref_slice %arg2[%dma_wait3A_1431] : memref<31997952xf32, #tpu.memory_space<hbm>> -> memref<31997952xf32, #tpu.memory_space<hbm>>
    tpu.wait_indirect_dma semaphore(%arg7 : memref<!tpu.dma_semaphore, #tpu.memory_space<semaphore_mem>>) src(%dma_wait3A_1432 : memref<31997952xf32, #tpu.memory_space<hbm>>) dst(%dma_wait3A_1428 : memref<128xf32, #tpu.memory_space<vmem>>)
    %dma_wait3A_1433 = arith.constant 14208 : i32
    %dma_wait3A_1434 = tpu.memref_slice %arg6[%dma_wait3A_1433] : memref<16384xf32, #tpu.memory_space<vmem>> -> memref<128xf32, #tpu.memory_space<vmem>>
    %dma_wait3A_1435 = arith.constant 14208 : i32
    %dma_wait3A_1436 = tpu.memref_slice %arg5[%dma_wait3A_1435] : memref<16384xi32, #tpu.memory_space<vmem>> -> memref<128xi32, #tpu.memory_space<vmem>>
    %dma_wait3A_1437 = arith.constant 0 : i32
    %dma_wait3A_1438 = tpu.memref_slice %arg2[%dma_wait3A_1437] : memref<31997952xf32, #tpu.memory_space<hbm>> -> memref<31997952xf32, #tpu.memory_space<hbm>>
    tpu.wait_indirect_dma semaphore(%arg7 : memref<!tpu.dma_semaphore, #tpu.memory_space<semaphore_mem>>) src(%dma_wait3A_1438 : memref<31997952xf32, #tpu.memory_space<hbm>>) dst(%dma_wait3A_1434 : memref<128xf32, #tpu.memory_space<vmem>>)
    %dma_wait3A_1439 = arith.constant 14336 : i32
    %dma_wait3A_1440 = tpu.memref_slice %arg6[%dma_wait3A_1439] : memref<16384xf32, #tpu.memory_space<vmem>> -> memref<128xf32, #tpu.memory_space<vmem>>
    %dma_wait3A_1441 = arith.constant 14336 : i32
    %dma_wait3A_1442 = tpu.memref_slice %arg5[%dma_wait3A_1441] : memref<16384xi32, #tpu.memory_space<vmem>> -> memref<128xi32, #tpu.memory_space<vmem>>
    %dma_wait3A_1443 = arith.constant 0 : i32
    %dma_wait3A_1444 = tpu.memref_slice %arg2[%dma_wait3A_1443] : memref<31997952xf32, #tpu.memory_space<hbm>> -> memref<31997952xf32, #tpu.memory_space<hbm>>
    tpu.wait_indirect_dma semaphore(%arg7 : memref<!tpu.dma_semaphore, #tpu.memory_space<semaphore_mem>>) src(%dma_wait3A_1444 : memref<31997952xf32, #tpu.memory_space<hbm>>) dst(%dma_wait3A_1440 : memref<128xf32, #tpu.memory_space<vmem>>)
    %dma_wait3A_1445 = arith.constant 14464 : i32
    %dma_wait3A_1446 = tpu.memref_slice %arg6[%dma_wait3A_1445] : memref<16384xf32, #tpu.memory_space<vmem>> -> memref<128xf32, #tpu.memory_space<vmem>>
    %dma_wait3A_1447 = arith.constant 14464 : i32
    %dma_wait3A_1448 = tpu.memref_slice %arg5[%dma_wait3A_1447] : memref<16384xi32, #tpu.memory_space<vmem>> -> memref<128xi32, #tpu.memory_space<vmem>>
    %dma_wait3A_1449 = arith.constant 0 : i32
    %dma_wait3A_1450 = tpu.memref_slice %arg2[%dma_wait3A_1449] : memref<31997952xf32, #tpu.memory_space<hbm>> -> memref<31997952xf32, #tpu.memory_space<hbm>>
    tpu.wait_indirect_dma semaphore(%arg7 : memref<!tpu.dma_semaphore, #tpu.memory_space<semaphore_mem>>) src(%dma_wait3A_1450 : memref<31997952xf32, #tpu.memory_space<hbm>>) dst(%dma_wait3A_1446 : memref<128xf32, #tpu.memory_space<vmem>>)
    %dma_wait3A_1451 = arith.constant 14592 : i32
    %dma_wait3A_1452 = tpu.memref_slice %arg6[%dma_wait3A_1451] : memref<16384xf32, #tpu.memory_space<vmem>> -> memref<128xf32, #tpu.memory_space<vmem>>
    %dma_wait3A_1453 = arith.constant 14592 : i32
    %dma_wait3A_1454 = tpu.memref_slice %arg5[%dma_wait3A_1453] : memref<16384xi32, #tpu.memory_space<vmem>> -> memref<128xi32, #tpu.memory_space<vmem>>
    %dma_wait3A_1455 = arith.constant 0 : i32
    %dma_wait3A_1456 = tpu.memref_slice %arg2[%dma_wait3A_1455] : memref<31997952xf32, #tpu.memory_space<hbm>> -> memref<31997952xf32, #tpu.memory_space<hbm>>
    tpu.wait_indirect_dma semaphore(%arg7 : memref<!tpu.dma_semaphore, #tpu.memory_space<semaphore_mem>>) src(%dma_wait3A_1456 : memref<31997952xf32, #tpu.memory_space<hbm>>) dst(%dma_wait3A_1452 : memref<128xf32, #tpu.memory_space<vmem>>)
    %dma_wait3A_1457 = arith.constant 14720 : i32
    %dma_wait3A_1458 = tpu.memref_slice %arg6[%dma_wait3A_1457] : memref<16384xf32, #tpu.memory_space<vmem>> -> memref<128xf32, #tpu.memory_space<vmem>>
    %dma_wait3A_1459 = arith.constant 14720 : i32
    %dma_wait3A_1460 = tpu.memref_slice %arg5[%dma_wait3A_1459] : memref<16384xi32, #tpu.memory_space<vmem>> -> memref<128xi32, #tpu.memory_space<vmem>>
    %dma_wait3A_1461 = arith.constant 0 : i32
    %dma_wait3A_1462 = tpu.memref_slice %arg2[%dma_wait3A_1461] : memref<31997952xf32, #tpu.memory_space<hbm>> -> memref<31997952xf32, #tpu.memory_space<hbm>>
    tpu.wait_indirect_dma semaphore(%arg7 : memref<!tpu.dma_semaphore, #tpu.memory_space<semaphore_mem>>) src(%dma_wait3A_1462 : memref<31997952xf32, #tpu.memory_space<hbm>>) dst(%dma_wait3A_1458 : memref<128xf32, #tpu.memory_space<vmem>>)
    %dma_wait3A_1463 = arith.constant 14848 : i32
    %dma_wait3A_1464 = tpu.memref_slice %arg6[%dma_wait3A_1463] : memref<16384xf32, #tpu.memory_space<vmem>> -> memref<128xf32, #tpu.memory_space<vmem>>
    %dma_wait3A_1465 = arith.constant 14848 : i32
    %dma_wait3A_1466 = tpu.memref_slice %arg5[%dma_wait3A_1465] : memref<16384xi32, #tpu.memory_space<vmem>> -> memref<128xi32, #tpu.memory_space<vmem>>
    %dma_wait3A_1467 = arith.constant 0 : i32
    %dma_wait3A_1468 = tpu.memref_slice %arg2[%dma_wait3A_1467] : memref<31997952xf32, #tpu.memory_space<hbm>> -> memref<31997952xf32, #tpu.memory_space<hbm>>
    tpu.wait_indirect_dma semaphore(%arg7 : memref<!tpu.dma_semaphore, #tpu.memory_space<semaphore_mem>>) src(%dma_wait3A_1468 : memref<31997952xf32, #tpu.memory_space<hbm>>) dst(%dma_wait3A_1464 : memref<128xf32, #tpu.memory_space<vmem>>)
    %dma_wait3A_1469 = arith.constant 14976 : i32
    %dma_wait3A_1470 = tpu.memref_slice %arg6[%dma_wait3A_1469] : memref<16384xf32, #tpu.memory_space<vmem>> -> memref<128xf32, #tpu.memory_space<vmem>>
    %dma_wait3A_1471 = arith.constant 14976 : i32
    %dma_wait3A_1472 = tpu.memref_slice %arg5[%dma_wait3A_1471] : memref<16384xi32, #tpu.memory_space<vmem>> -> memref<128xi32, #tpu.memory_space<vmem>>
    %dma_wait3A_1473 = arith.constant 0 : i32
    %dma_wait3A_1474 = tpu.memref_slice %arg2[%dma_wait3A_1473] : memref<31997952xf32, #tpu.memory_space<hbm>> -> memref<31997952xf32, #tpu.memory_space<hbm>>
    tpu.wait_indirect_dma semaphore(%arg7 : memref<!tpu.dma_semaphore, #tpu.memory_space<semaphore_mem>>) src(%dma_wait3A_1474 : memref<31997952xf32, #tpu.memory_space<hbm>>) dst(%dma_wait3A_1470 : memref<128xf32, #tpu.memory_space<vmem>>)
    %dma_wait3A_1475 = arith.constant 15104 : i32
    %dma_wait3A_1476 = tpu.memref_slice %arg6[%dma_wait3A_1475] : memref<16384xf32, #tpu.memory_space<vmem>> -> memref<128xf32, #tpu.memory_space<vmem>>
    %dma_wait3A_1477 = arith.constant 15104 : i32
    %dma_wait3A_1478 = tpu.memref_slice %arg5[%dma_wait3A_1477] : memref<16384xi32, #tpu.memory_space<vmem>> -> memref<128xi32, #tpu.memory_space<vmem>>
    %dma_wait3A_1479 = arith.constant 0 : i32
    %dma_wait3A_1480 = tpu.memref_slice %arg2[%dma_wait3A_1479] : memref<31997952xf32, #tpu.memory_space<hbm>> -> memref<31997952xf32, #tpu.memory_space<hbm>>
    tpu.wait_indirect_dma semaphore(%arg7 : memref<!tpu.dma_semaphore, #tpu.memory_space<semaphore_mem>>) src(%dma_wait3A_1480 : memref<31997952xf32, #tpu.memory_space<hbm>>) dst(%dma_wait3A_1476 : memref<128xf32, #tpu.memory_space<vmem>>)
    %dma_wait3A_1481 = arith.constant 15232 : i32
    %dma_wait3A_1482 = tpu.memref_slice %arg6[%dma_wait3A_1481] : memref<16384xf32, #tpu.memory_space<vmem>> -> memref<128xf32, #tpu.memory_space<vmem>>
    %dma_wait3A_1483 = arith.constant 15232 : i32
    %dma_wait3A_1484 = tpu.memref_slice %arg5[%dma_wait3A_1483] : memref<16384xi32, #tpu.memory_space<vmem>> -> memref<128xi32, #tpu.memory_space<vmem>>
    %dma_wait3A_1485 = arith.constant 0 : i32
    %dma_wait3A_1486 = tpu.memref_slice %arg2[%dma_wait3A_1485] : memref<31997952xf32, #tpu.memory_space<hbm>> -> memref<31997952xf32, #tpu.memory_space<hbm>>
    tpu.wait_indirect_dma semaphore(%arg7 : memref<!tpu.dma_semaphore, #tpu.memory_space<semaphore_mem>>) src(%dma_wait3A_1486 : memref<31997952xf32, #tpu.memory_space<hbm>>) dst(%dma_wait3A_1482 : memref<128xf32, #tpu.memory_space<vmem>>)
    %dma_wait3A_1487 = arith.constant 15360 : i32
    %dma_wait3A_1488 = tpu.memref_slice %arg6[%dma_wait3A_1487] : memref<16384xf32, #tpu.memory_space<vmem>> -> memref<128xf32, #tpu.memory_space<vmem>>
    %dma_wait3A_1489 = arith.constant 15360 : i32
    %dma_wait3A_1490 = tpu.memref_slice %arg5[%dma_wait3A_1489] : memref<16384xi32, #tpu.memory_space<vmem>> -> memref<128xi32, #tpu.memory_space<vmem>>
    %dma_wait3A_1491 = arith.constant 0 : i32
    %dma_wait3A_1492 = tpu.memref_slice %arg2[%dma_wait3A_1491] : memref<31997952xf32, #tpu.memory_space<hbm>> -> memref<31997952xf32, #tpu.memory_space<hbm>>
    tpu.wait_indirect_dma semaphore(%arg7 : memref<!tpu.dma_semaphore, #tpu.memory_space<semaphore_mem>>) src(%dma_wait3A_1492 : memref<31997952xf32, #tpu.memory_space<hbm>>) dst(%dma_wait3A_1488 : memref<128xf32, #tpu.memory_space<vmem>>)
    %dma_wait3A_1493 = arith.constant 15488 : i32
    %dma_wait3A_1494 = tpu.memref_slice %arg6[%dma_wait3A_1493] : memref<16384xf32, #tpu.memory_space<vmem>> -> memref<128xf32, #tpu.memory_space<vmem>>
    %dma_wait3A_1495 = arith.constant 15488 : i32
    %dma_wait3A_1496 = tpu.memref_slice %arg5[%dma_wait3A_1495] : memref<16384xi32, #tpu.memory_space<vmem>> -> memref<128xi32, #tpu.memory_space<vmem>>
    %dma_wait3A_1497 = arith.constant 0 : i32
    %dma_wait3A_1498 = tpu.memref_slice %arg2[%dma_wait3A_1497] : memref<31997952xf32, #tpu.memory_space<hbm>> -> memref<31997952xf32, #tpu.memory_space<hbm>>
    tpu.wait_indirect_dma semaphore(%arg7 : memref<!tpu.dma_semaphore, #tpu.memory_space<semaphore_mem>>) src(%dma_wait3A_1498 : memref<31997952xf32, #tpu.memory_space<hbm>>) dst(%dma_wait3A_1494 : memref<128xf32, #tpu.memory_space<vmem>>)
    %dma_wait3A_1499 = arith.constant 15616 : i32
    %dma_wait3A_1500 = tpu.memref_slice %arg6[%dma_wait3A_1499] : memref<16384xf32, #tpu.memory_space<vmem>> -> memref<128xf32, #tpu.memory_space<vmem>>
    %dma_wait3A_1501 = arith.constant 15616 : i32
    %dma_wait3A_1502 = tpu.memref_slice %arg5[%dma_wait3A_1501] : memref<16384xi32, #tpu.memory_space<vmem>> -> memref<128xi32, #tpu.memory_space<vmem>>
    %dma_wait3A_1503 = arith.constant 0 : i32
    %dma_wait3A_1504 = tpu.memref_slice %arg2[%dma_wait3A_1503] : memref<31997952xf32, #tpu.memory_space<hbm>> -> memref<31997952xf32, #tpu.memory_space<hbm>>
    tpu.wait_indirect_dma semaphore(%arg7 : memref<!tpu.dma_semaphore, #tpu.memory_space<semaphore_mem>>) src(%dma_wait3A_1504 : memref<31997952xf32, #tpu.memory_space<hbm>>) dst(%dma_wait3A_1500 : memref<128xf32, #tpu.memory_space<vmem>>)
    %dma_wait3A_1505 = arith.constant 15744 : i32
    %dma_wait3A_1506 = tpu.memref_slice %arg6[%dma_wait3A_1505] : memref<16384xf32, #tpu.memory_space<vmem>> -> memref<128xf32, #tpu.memory_space<vmem>>
    %dma_wait3A_1507 = arith.constant 15744 : i32
    %dma_wait3A_1508 = tpu.memref_slice %arg5[%dma_wait3A_1507] : memref<16384xi32, #tpu.memory_space<vmem>> -> memref<128xi32, #tpu.memory_space<vmem>>
    %dma_wait3A_1509 = arith.constant 0 : i32
    %dma_wait3A_1510 = tpu.memref_slice %arg2[%dma_wait3A_1509] : memref<31997952xf32, #tpu.memory_space<hbm>> -> memref<31997952xf32, #tpu.memory_space<hbm>>
    tpu.wait_indirect_dma semaphore(%arg7 : memref<!tpu.dma_semaphore, #tpu.memory_space<semaphore_mem>>) src(%dma_wait3A_1510 : memref<31997952xf32, #tpu.memory_space<hbm>>) dst(%dma_wait3A_1506 : memref<128xf32, #tpu.memory_space<vmem>>)
    %dma_wait3A_1511 = arith.constant 15872 : i32
    %dma_wait3A_1512 = tpu.memref_slice %arg6[%dma_wait3A_1511] : memref<16384xf32, #tpu.memory_space<vmem>> -> memref<128xf32, #tpu.memory_space<vmem>>
    %dma_wait3A_1513 = arith.constant 15872 : i32
    %dma_wait3A_1514 = tpu.memref_slice %arg5[%dma_wait3A_1513] : memref<16384xi32, #tpu.memory_space<vmem>> -> memref<128xi32, #tpu.memory_space<vmem>>
    %dma_wait3A_1515 = arith.constant 0 : i32
    %dma_wait3A_1516 = tpu.memref_slice %arg2[%dma_wait3A_1515] : memref<31997952xf32, #tpu.memory_space<hbm>> -> memref<31997952xf32, #tpu.memory_space<hbm>>
    tpu.wait_indirect_dma semaphore(%arg7 : memref<!tpu.dma_semaphore, #tpu.memory_space<semaphore_mem>>) src(%dma_wait3A_1516 : memref<31997952xf32, #tpu.memory_space<hbm>>) dst(%dma_wait3A_1512 : memref<128xf32, #tpu.memory_space<vmem>>)
    %dma_wait3A_1517 = arith.constant 16000 : i32
    %dma_wait3A_1518 = tpu.memref_slice %arg6[%dma_wait3A_1517] : memref<16384xf32, #tpu.memory_space<vmem>> -> memref<128xf32, #tpu.memory_space<vmem>>
    %dma_wait3A_1519 = arith.constant 16000 : i32
    %dma_wait3A_1520 = tpu.memref_slice %arg5[%dma_wait3A_1519] : memref<16384xi32, #tpu.memory_space<vmem>> -> memref<128xi32, #tpu.memory_space<vmem>>
    %dma_wait3A_1521 = arith.constant 0 : i32
    %dma_wait3A_1522 = tpu.memref_slice %arg2[%dma_wait3A_1521] : memref<31997952xf32, #tpu.memory_space<hbm>> -> memref<31997952xf32, #tpu.memory_space<hbm>>
    tpu.wait_indirect_dma semaphore(%arg7 : memref<!tpu.dma_semaphore, #tpu.memory_space<semaphore_mem>>) src(%dma_wait3A_1522 : memref<31997952xf32, #tpu.memory_space<hbm>>) dst(%dma_wait3A_1518 : memref<128xf32, #tpu.memory_space<vmem>>)
    %dma_wait3A_1523 = arith.constant 16128 : i32
    %dma_wait3A_1524 = tpu.memref_slice %arg6[%dma_wait3A_1523] : memref<16384xf32, #tpu.memory_space<vmem>> -> memref<128xf32, #tpu.memory_space<vmem>>
    %dma_wait3A_1525 = arith.constant 16128 : i32
    %dma_wait3A_1526 = tpu.memref_slice %arg5[%dma_wait3A_1525] : memref<16384xi32, #tpu.memory_space<vmem>> -> memref<128xi32, #tpu.memory_space<vmem>>
    %dma_wait3A_1527 = arith.constant 0 : i32
    %dma_wait3A_1528 = tpu.memref_slice %arg2[%dma_wait3A_1527] : memref<31997952xf32, #tpu.memory_space<hbm>> -> memref<31997952xf32, #tpu.memory_space<hbm>>
    tpu.wait_indirect_dma semaphore(%arg7 : memref<!tpu.dma_semaphore, #tpu.memory_space<semaphore_mem>>) src(%dma_wait3A_1528 : memref<31997952xf32, #tpu.memory_space<hbm>>) dst(%dma_wait3A_1524 : memref<128xf32, #tpu.memory_space<vmem>>)
    %dma_wait3A_1529 = arith.constant 16256 : i32
    %dma_wait3A_1530 = tpu.memref_slice %arg6[%dma_wait3A_1529] : memref<16384xf32, #tpu.memory_space<vmem>> -> memref<128xf32, #tpu.memory_space<vmem>>
    %dma_wait3A_1531 = arith.constant 16256 : i32
    %dma_wait3A_1532 = tpu.memref_slice %arg5[%dma_wait3A_1531] : memref<16384xi32, #tpu.memory_space<vmem>> -> memref<128xi32, #tpu.memory_space<vmem>>
    %dma_wait3A_1533 = arith.constant 0 : i32
    %dma_wait3A_1534 = tpu.memref_slice %arg2[%dma_wait3A_1533] : memref<31997952xf32, #tpu.memory_space<hbm>> -> memref<31997952xf32, #tpu.memory_space<hbm>>
    tpu.wait_indirect_dma semaphore(%arg7 : memref<!tpu.dma_semaphore, #tpu.memory_space<semaphore_mem>>) src(%dma_wait3A_1534 : memref<31997952xf32, #tpu.memory_space<hbm>>) dst(%dma_wait3A_1530 : memref<128xf32, #tpu.memory_space<vmem>>)
    "tpu.region"() ({
      %run_scoped3A = tpu.sem_alloc : memref<!tpu.dma_semaphore, #tpu.memory_space<semaphore_mem>>
      %dma_start3A_1535 = arith.constant 0 : i32
      %dma_start3A_1536 = tpu.memref_slice %arg4[%add3A, %dma_start3A_1535] : memref<32x16384xf32, #tpu.memory_space<hbm>> -> memref<1x16384xf32, #tpu.memory_space<hbm>>
      %dma_start3A_1537 = tpu.memref_squeeze %dma_start3A_1536 : memref<1x16384xf32, #tpu.memory_space<hbm>> -> memref<16384xf32, #tpu.memory_space<hbm>>
      %dma_start3A_1538 = arith.constant 0 : i32
      %dma_start3A_1539 = tpu.memref_slice %arg4[%add3A, %dma_start3A_1538] : memref<32x16384xf32, #tpu.memory_space<hbm>> -> memref<1x16384xf32, #tpu.memory_space<hbm>>
      %dma_start3A_1540 = tpu.memref_squeeze %dma_start3A_1539 : memref<1x16384xf32, #tpu.memory_space<hbm>> -> memref<16384xf32, #tpu.memory_space<hbm>>
      tpu.enqueue_dma source(%arg6 : memref<16384xf32, #tpu.memory_space<vmem>>) target(%dma_start3A_1540 : memref<16384xf32, #tpu.memory_space<hbm>>) target_semaphore(%run_scoped3A : memref<!tpu.dma_semaphore, #tpu.memory_space<semaphore_mem>>)
      %dma_wait3A_1541 = arith.constant 0 : i32
      %dma_wait3A_1542 = tpu.memref_slice %arg4[%add3A, %dma_wait3A_1541] : memref<32x16384xf32, #tpu.memory_space<hbm>> -> memref<1x16384xf32, #tpu.memory_space<hbm>>
      %dma_wait3A_1543 = tpu.memref_squeeze %dma_wait3A_1542 : memref<1x16384xf32, #tpu.memory_space<hbm>> -> memref<16384xf32, #tpu.memory_space<hbm>>
      %dma_wait3A_1544 = arith.constant 0 : i32
      %dma_wait3A_1545 = tpu.memref_slice %arg4[%add3A, %dma_wait3A_1544] : memref<32x16384xf32, #tpu.memory_space<hbm>> -> memref<1x16384xf32, #tpu.memory_space<hbm>>
      %dma_wait3A_1546 = tpu.memref_squeeze %dma_wait3A_1545 : memref<1x16384xf32, #tpu.memory_space<hbm>> -> memref<16384xf32, #tpu.memory_space<hbm>>
      tpu.wait_dma2 semaphore(%run_scoped3A : memref<!tpu.dma_semaphore, #tpu.memory_space<semaphore_mem>>) src(%arg6 : memref<16384xf32, #tpu.memory_space<vmem>>) dst(%dma_wait3A_1546 : memref<16384xf32, #tpu.memory_space<hbm>>)
      tpu.yield
    }) : () -> ()
    return
  }
}

module attributes {stable_mosaic.version = 14 : i64} {
  func.func @_flatten_body(%arg0: i32, %arg1: i32, %arg2: memref<8x23808xf32, #tpu.memory_space<vmem>>, %arg3: memref<1488x128xf32, #tpu.memory_space<vmem>>) attributes {dimension_semantics = [#tpu.dimension_semantics<arbitrary>, #tpu.dimension_semantics<arbitrary>], iteration_bounds = array<i64: 4, 42>, scalar_prefetch = 0 : i64, scratch_operands = 0 : i64, tpu.core_type = #tpu.core_type<tc>, window_params = [{transform_indices = @transform_0, window_bounds = array<i64: 8, 23808>}, {transform_indices = @transform_1, window_bounds = array<i64: 1488, 128>}]} {
    %get3A = arith.constant 0 : index
    %get3A_0 = arith.constant 0 : index
    %get3A_1 = vector.load %arg2[%get3A, %get3A_0] : memref<8x23808xf32, #tpu.memory_space<vmem>>, vector<8x23808xf32>
    %reshape3A = vector.shape_cast %get3A_1 : vector<8x23808xf32> to vector<8x186x128xf32>
    %transpose3A = tpu.transpose %reshape3A, [1, 0, 2] : vector<8x186x128xf32> -> vector<186x8x128xf32>
    %reshape3A_2 = vector.shape_cast %transpose3A : vector<186x8x128xf32> to vector<1488x128xf32>
    %swap3A = arith.constant 0 : index
    %swap3A_3 = arith.constant 0 : index
    %swap3A_4 = vector.load %arg3[%swap3A, %swap3A_3] : memref<1488x128xf32, #tpu.memory_space<vmem>>, vector<1488x128xf32>
    tpu.vector_store %arg3[%swap3A, %swap3A_3], %reshape3A_2 {strides = array<i32>} : memref<1488x128xf32, #tpu.memory_space<vmem>>, vector<1488x128xf32>,
    return
  }
  func.func @transform_0(%arg0: i32, %arg1: i32) -> (i32, i32) {
    %c0_i32 = arith.constant 0 : i32
    return %arg0, %arg1 : i32, i32
  }
  func.func @transform_1(%arg0: i32, %arg1: i32) -> (i32, i32) {
    %mul3A = arith.constant 42 : i32
    %mul3A_0 = arith.muli %arg0, %mul3A : i32
    %add3A = arith.addi %mul3A_0, %arg1 : i32
    %c0_i32 = arith.constant 0 : i32
    %c0_i32_1 = arith.constant 0 : i32
    return %add3A, %c0_i32 : i32, i32
  }
}

module attributes {stable_mosaic.version = 14 : i64} {
  func.func @_mlp_body(%arg0: i32, %arg1: memref<32x2048xf32, #tpu.memory_space<vmem>>, %arg2: memref<18x2048xf32, #tpu.memory_space<vmem>>, %arg3: memref<1x2048xi32, #tpu.memory_space<vmem>>, %arg4: memref<1x2048xi32, #tpu.memory_space<vmem>>, %arg5: memref<1x2048xi32, #tpu.memory_space<vmem>>, %arg6: memref<1x2048xi32, #tpu.memory_space<vmem>>, %arg7: memref<64x32xf32, #tpu.memory_space<vmem>>, %arg8: memref<7x32xf32, #tpu.memory_space<vmem>>, %arg9: memref<2x32xf32, #tpu.memory_space<vmem>>, %arg10: memref<21x32xf32, #tpu.memory_space<vmem>>, %arg11: memref<18x32xf32, #tpu.memory_space<vmem>>, %arg12: memref<1x32xf32, #tpu.memory_space<vmem>>, %arg13: memref<160x128xf32, #tpu.memory_space<vmem>>, %arg14: memref<1x128xf32, #tpu.memory_space<vmem>>, %arg15: memref<1x128xf32, #tpu.memory_space<vmem>>, %arg16: memref<1x1xf32, #tpu.memory_space<vmem>>, %arg17: memref<1x2048xf32, #tpu.memory_space<vmem>>) attributes {dimension_semantics = [#tpu.dimension_semantics<arbitrary>], iteration_bounds = array<i64: 8>, scalar_prefetch = 0 : i64, scratch_operands = 0 : i64, tpu.core_type = #tpu.core_type<tc>, window_params = [{transform_indices = @transform_0, window_bounds = array<i64: 32, 2048>}, {transform_indices = @transform_1, window_bounds = array<i64: 18, 2048>}, {transform_indices = @transform_2, window_bounds = array<i64: 1, 2048>}, {transform_indices = @transform_3, window_bounds = array<i64: 1, 2048>}, {transform_indices = @transform_4, window_bounds = array<i64: 1, 2048>}, {transform_indices = @transform_5, window_bounds = array<i64: 1, 2048>}, {pipeline_mode = #tpu.pipeline_mode<synchronous>, transform_indices = @transform_6, window_bounds = array<i64: 64, 32>}, {pipeline_mode = #tpu.pipeline_mode<synchronous>, transform_indices = @transform_7, window_bounds = array<i64: 7, 32>}, {pipeline_mode = #tpu.pipeline_mode<synchronous>, transform_indices = @transform_8, window_bounds = array<i64: 2, 32>}, {pipeline_mode = #tpu.pipeline_mode<synchronous>, transform_indices = @transform_9, window_bounds = array<i64: 21, 32>}, {pipeline_mode = #tpu.pipeline_mode<synchronous>, transform_indices = @transform_10, window_bounds = array<i64: 18, 32>}, {pipeline_mode = #tpu.pipeline_mode<synchronous>, transform_indices = @transform_11, window_bounds = array<i64: 1, 32>}, {pipeline_mode = #tpu.pipeline_mode<synchronous>, transform_indices = @transform_12, window_bounds = array<i64: 160, 128>}, {pipeline_mode = #tpu.pipeline_mode<synchronous>, transform_indices = @transform_13, window_bounds = array<i64: 1, 128>}, {pipeline_mode = #tpu.pipeline_mode<synchronous>, transform_indices = @transform_14, window_bounds = array<i64: 1, 128>}, {pipeline_mode = #tpu.pipeline_mode<synchronous>, transform_indices = @transform_15, window_bounds = array<i64: 1, 1>}, {transform_indices = @transform_16, window_bounds = array<i64: 1, 2048>}]} {
    %get3A = arith.constant 0 : index
    %get3A_0 = arith.constant 0 : index
    %get3A_1 = vector.load %arg13[%get3A, %get3A_0] : memref<160x128xf32, #tpu.memory_space<vmem>>, vector<160x128xf32>
    %slice3A = vector.extract_strided_slice %get3A_1 {offsets = [0, 0], sizes = [32, 128], strides = [1, 1]} : vector<160x128xf32> to vector<32x128xf32>
    %slice3A_2 = vector.extract_strided_slice %get3A_1 {offsets = [32, 0], sizes = [32, 128], strides = [1, 1]} : vector<160x128xf32> to vector<32x128xf32>
    %slice3A_3 = vector.extract_strided_slice %get3A_1 {offsets = [64, 0], sizes = [32, 128], strides = [1, 1]} : vector<160x128xf32> to vector<32x128xf32>
    %slice3A_4 = vector.extract_strided_slice %get3A_1 {offsets = [96, 0], sizes = [32, 128], strides = [1, 1]} : vector<160x128xf32> to vector<32x128xf32>
    %slice3A_5 = vector.extract_strided_slice %get3A_1 {offsets = [128, 0], sizes = [32, 128], strides = [1, 1]} : vector<160x128xf32> to vector<32x128xf32>
    %get3A_6 = arith.constant 0 : index
    %get3A_7 = arith.constant 0 : index
    %get3A_8 = vector.load %arg3[%get3A_6, %get3A_7] : memref<1x2048xi32, #tpu.memory_space<vmem>>, vector<1x2048xi32>
    %ge3A = arith.constant 999936 : i32
    %ge3A_9 = vector.broadcast %ge3A : i32 to vector<1x2048xi32>
    %ge3A_10 = arith.cmpi sge, %get3A_8, %ge3A_9 : vector<1x2048xi32>
    %get3A_11 = arith.constant 0 : index
    %get3A_12 = arith.constant 0 : index
    %get3A_13 = vector.load %arg1[%get3A_11, %get3A_12] : memref<32x2048xf32, #tpu.memory_space<vmem>>, vector<32x2048xf32>
    %jit3A = arith.constant 0.000000e+00 : f32
    %broadcast_in_dim3A = vector.shape_cast %ge3A_10 : vector<1x2048xi1> to vector<1x2048xi1>
    %broadcast_in_dim3A_14 = vector.broadcast %broadcast_in_dim3A : vector<1x2048xi1> to vector<32x2048xi1>
    %broadcast_in_dim3A_15 = vector.broadcast %jit3A : f32 to vector<32x2048xf32>
    %select_n3A = arith.select %broadcast_in_dim3A_14, %broadcast_in_dim3A_15, %get3A_13 : vector<32x2048xi1>, vector<32x2048xf32>
    %dot_general3A = arith.constant dense<0.000000e+00> : vector<2048x128xf32>
    %dot_general3A_16 = tpu.matmul %select_n3A, %slice3A_2, %dot_general3A {dimension_numbers = #tpu.dot_dimension_numbers<[0], [0], [1], [1], [0, 1, 1, 1], [], []>, transpose_lhs_hint = false} : vector<32x2048xf32>, vector<32x128xf32>, vector<2048x128xf32> -> vector<2048x128xf32>
    %iota3A = tpu.iota {dimensions = array<i32: 0>} : vector<64x2048xi32>
    %sub3A = arith.constant 999936 : i32
    %sub3A_17 = vector.broadcast %sub3A : i32 to vector<1x2048xi32>
    %sub3A_18 = arith.subi %get3A_8, %sub3A_17 : vector<1x2048xi32>
    %eq3A = vector.broadcast %sub3A_18 : vector<1x2048xi32> to vector<64x2048xi32>
    %eq3A_19 = arith.cmpi eq, %eq3A, %iota3A : vector<64x2048xi32>
    %convert_element_type3A = arith.extui %eq3A_19 : vector<64x2048xi1> to vector<64x2048xi32>
    %convert_element_type3A_20 = arith.sitofp %convert_element_type3A : vector<64x2048xi32> to vector<64x2048xf32>
    %get3A_21 = arith.constant 0 : index
    %get3A_22 = arith.constant 0 : index
    %get3A_23 = vector.load %arg7[%get3A_21, %get3A_22] : memref<64x32xf32, #tpu.memory_space<vmem>>, vector<64x32xf32>
    %dot_general3A_24 = arith.constant dense<0.000000e+00> : vector<64x128xf32>
    %dot_general3A_25 = tpu.matmul %get3A_23, %slice3A_2, %dot_general3A_24 {dimension_numbers = #tpu.dot_dimension_numbers<[1], [0], [0], [1], [0, 0, 1, 1], [], []>, transpose_lhs_hint = false} : vector<64x32xf32>, vector<32x128xf32>, vector<64x128xf32> -> vector<64x128xf32>
    %dot_general3A_26 = arith.constant dense<0.000000e+00> : vector<2048x128xf32>
    %dot_general3A_27 = tpu.matmul %convert_element_type3A_20, %dot_general3A_25, %dot_general3A_26 {dimension_numbers = #tpu.dot_dimension_numbers<[0], [0], [1], [1], [0, 1, 1, 1], [], []>, transpose_lhs_hint = false} : vector<64x2048xf32>, vector<64x128xf32>, vector<2048x128xf32> -> vector<2048x128xf32>
    %add3A = arith.addf %dot_general3A_16, %dot_general3A_27 : vector<2048x128xf32>
    %get3A_28 = arith.constant 0 : index
    %get3A_29 = arith.constant 0 : index
    %get3A_30 = vector.load %arg4[%get3A_28, %get3A_29] : memref<1x2048xi32, #tpu.memory_space<vmem>>, vector<1x2048xi32>
    %iota3A_31 = tpu.iota {dimensions = array<i32: 0>} : vector<7x2048xi32>
    %eq3A_32 = vector.broadcast %get3A_30 : vector<1x2048xi32> to vector<7x2048xi32>
    %eq3A_33 = arith.cmpi eq, %eq3A_32, %iota3A_31 : vector<7x2048xi32>
    %convert_element_type3A_34 = arith.extui %eq3A_33 : vector<7x2048xi1> to vector<7x2048xi32>
    %convert_element_type3A_35 = arith.sitofp %convert_element_type3A_34 : vector<7x2048xi32> to vector<7x2048xf32>
    %get3A_36 = arith.constant 0 : index
    %get3A_37 = arith.constant 0 : index
    %get3A_38 = vector.load %arg8[%get3A_36, %get3A_37] : memref<7x32xf32, #tpu.memory_space<vmem>>, vector<7x32xf32>
    %dot_general3A_39 = arith.constant dense<0.000000e+00> : vector<7x128xf32>
    %dot_general3A_40 = tpu.matmul %get3A_38, %slice3A, %dot_general3A_39 {dimension_numbers = #tpu.dot_dimension_numbers<[1], [0], [0], [1], [0, 0, 1, 1], [], []>, transpose_lhs_hint = false} : vector<7x32xf32>, vector<32x128xf32>, vector<7x128xf32> -> vector<7x128xf32>
    %dot_general3A_41 = arith.constant dense<0.000000e+00> : vector<2048x128xf32>
    %dot_general3A_42 = tpu.matmul %convert_element_type3A_35, %dot_general3A_40, %dot_general3A_41 {dimension_numbers = #tpu.dot_dimension_numbers<[0], [0], [1], [1], [0, 1, 1, 1], [], []>, transpose_lhs_hint = false} : vector<7x2048xf32>, vector<7x128xf32>, vector<2048x128xf32> -> vector<2048x128xf32>
    %add3A_43 = arith.addf %add3A, %dot_general3A_42 : vector<2048x128xf32>
    %get3A_44 = arith.constant 0 : index
    %get3A_45 = arith.constant 0 : index
    %get3A_46 = vector.load %arg5[%get3A_44, %get3A_45] : memref<1x2048xi32, #tpu.memory_space<vmem>>, vector<1x2048xi32>
    %iota3A_47 = tpu.iota {dimensions = array<i32: 0>} : vector<2x2048xi32>
    %eq3A_48 = vector.broadcast %get3A_46 : vector<1x2048xi32> to vector<2x2048xi32>
    %eq3A_49 = arith.cmpi eq, %eq3A_48, %iota3A_47 : vector<2x2048xi32>
    %convert_element_type3A_50 = arith.extui %eq3A_49 : vector<2x2048xi1> to vector<2x2048xi32>
    %convert_element_type3A_51 = arith.sitofp %convert_element_type3A_50 : vector<2x2048xi32> to vector<2x2048xf32>
    %get3A_52 = arith.constant 0 : index
    %get3A_53 = arith.constant 0 : index
    %get3A_54 = vector.load %arg9[%get3A_52, %get3A_53] : memref<2x32xf32, #tpu.memory_space<vmem>>, vector<2x32xf32>
    %dot_general3A_55 = arith.constant dense<0.000000e+00> : vector<2x128xf32>
    %dot_general3A_56 = tpu.matmul %get3A_54, %slice3A_3, %dot_general3A_55 {dimension_numbers = #tpu.dot_dimension_numbers<[1], [0], [0], [1], [0, 0, 1, 1], [], []>, transpose_lhs_hint = false} : vector<2x32xf32>, vector<32x128xf32>, vector<2x128xf32> -> vector<2x128xf32>
    %dot_general3A_57 = arith.constant dense<0.000000e+00> : vector<2048x128xf32>
    %dot_general3A_58 = tpu.matmul %convert_element_type3A_51, %dot_general3A_56, %dot_general3A_57 {dimension_numbers = #tpu.dot_dimension_numbers<[0], [0], [1], [1], [0, 1, 1, 1], [], []>, transpose_lhs_hint = false} : vector<2x2048xf32>, vector<2x128xf32>, vector<2048x128xf32> -> vector<2048x128xf32>
    %add3A_59 = arith.addf %add3A_43, %dot_general3A_58 : vector<2048x128xf32>
    %get3A_60 = arith.constant 0 : index
    %get3A_61 = arith.constant 0 : index
    %get3A_62 = vector.load %arg6[%get3A_60, %get3A_61] : memref<1x2048xi32, #tpu.memory_space<vmem>>, vector<1x2048xi32>
    %iota3A_63 = tpu.iota {dimensions = array<i32: 0>} : vector<21x2048xi32>
    %eq3A_64 = vector.broadcast %get3A_62 : vector<1x2048xi32> to vector<21x2048xi32>
    %eq3A_65 = arith.cmpi eq, %eq3A_64, %iota3A_63 : vector<21x2048xi32>
    %convert_element_type3A_66 = arith.extui %eq3A_65 : vector<21x2048xi1> to vector<21x2048xi32>
    %convert_element_type3A_67 = arith.sitofp %convert_element_type3A_66 : vector<21x2048xi32> to vector<21x2048xf32>
    %get3A_68 = arith.constant 0 : index
    %get3A_69 = arith.constant 0 : index
    %get3A_70 = vector.load %arg10[%get3A_68, %get3A_69] : memref<21x32xf32, #tpu.memory_space<vmem>>, vector<21x32xf32>
    %dot_general3A_71 = arith.constant dense<0.000000e+00> : vector<21x128xf32>
    %dot_general3A_72 = tpu.matmul %get3A_70, %slice3A_4, %dot_general3A_71 {dimension_numbers = #tpu.dot_dimension_numbers<[1], [0], [0], [1], [0, 0, 1, 1], [], []>, transpose_lhs_hint = false} : vector<21x32xf32>, vector<32x128xf32>, vector<21x128xf32> -> vector<21x128xf32>
    %dot_general3A_73 = arith.constant dense<0.000000e+00> : vector<2048x128xf32>
    %dot_general3A_74 = tpu.matmul %convert_element_type3A_67, %dot_general3A_72, %dot_general3A_73 {dimension_numbers = #tpu.dot_dimension_numbers<[0], [0], [1], [1], [0, 1, 1, 1], [], []>, transpose_lhs_hint = false} : vector<21x2048xf32>, vector<21x128xf32>, vector<2048x128xf32> -> vector<2048x128xf32>
    %add3A_75 = arith.addf %add3A_59, %dot_general3A_74 : vector<2048x128xf32>
    %get3A_76 = arith.constant 0 : index
    %get3A_77 = arith.constant 0 : index
    %get3A_78 = vector.load %arg2[%get3A_76, %get3A_77] : memref<18x2048xf32, #tpu.memory_space<vmem>>, vector<18x2048xf32>
    %get3A_79 = arith.constant 0 : index
    %get3A_80 = arith.constant 0 : index
    %get3A_81 = vector.load %arg11[%get3A_79, %get3A_80] : memref<18x32xf32, #tpu.memory_space<vmem>>, vector<18x32xf32>
    %dot_general3A_82 = arith.constant dense<0.000000e+00> : vector<18x128xf32>
    %dot_general3A_83 = tpu.matmul %get3A_81, %slice3A_5, %dot_general3A_82 {dimension_numbers = #tpu.dot_dimension_numbers<[1], [0], [0], [1], [0, 0, 1, 1], [], []>, transpose_lhs_hint = false} : vector<18x32xf32>, vector<32x128xf32>, vector<18x128xf32> -> vector<18x128xf32>
    %dot_general3A_84 = arith.constant dense<0.000000e+00> : vector<2048x128xf32>
    %dot_general3A_85 = tpu.matmul %get3A_78, %dot_general3A_83, %dot_general3A_84 {dimension_numbers = #tpu.dot_dimension_numbers<[0], [0], [1], [1], [0, 1, 1, 1], [], []>, transpose_lhs_hint = false} : vector<18x2048xf32>, vector<18x128xf32>, vector<2048x128xf32> -> vector<2048x128xf32>
    %add3A_86 = arith.addf %add3A_75, %dot_general3A_85 : vector<2048x128xf32>
    %get3A_87 = arith.constant 0 : index
    %get3A_88 = arith.constant 0 : index
    %get3A_89 = vector.load %arg12[%get3A_87, %get3A_88] : memref<1x32xf32, #tpu.memory_space<vmem>>, vector<1x32xf32>
    %dot_general3A_90 = arith.constant dense<0.000000e+00> : vector<1x128xf32>
    %dot_general3A_91 = tpu.matmul %get3A_89, %slice3A_5, %dot_general3A_90 {dimension_numbers = #tpu.dot_dimension_numbers<[1], [0], [0], [1], [0, 0, 1, 1], [], []>, transpose_lhs_hint = false} : vector<1x32xf32>, vector<32x128xf32>, vector<1x128xf32> -> vector<1x128xf32>
    %get3A_92 = arith.constant 0 : index
    %get3A_93 = arith.constant 0 : index
    %get3A_94 = vector.load %arg14[%get3A_92, %get3A_93] : memref<1x128xf32, #tpu.memory_space<vmem>>, vector<1x128xf32>
    %add3A_95 = arith.addf %dot_general3A_91, %get3A_94 : vector<1x128xf32>
    %add3A_96 = vector.broadcast %add3A_95 : vector<1x128xf32> to vector<2048x128xf32>
    %add3A_97 = arith.addf %add3A_86, %add3A_96 : vector<2048x128xf32>
    %max3A = arith.constant 0.000000e+00 : f32
    %max3A_98 = vector.broadcast %max3A : f32 to vector<2048x128xf32>
    %max3A_99 = arith.maximumf %add3A_97, %max3A_98 : vector<2048x128xf32>
    %get3A_100 = arith.constant 0 : index
    %get3A_101 = arith.constant 0 : index
    %get3A_102 = vector.load %arg15[%get3A_100, %get3A_101] : memref<1x128xf32, #tpu.memory_space<vmem>>, vector<1x128xf32>
    %dot_general3A_103 = arith.constant dense<0.000000e+00> : vector<1x2048xf32>
    %dot_general3A_104 = tpu.matmul %get3A_102, %max3A_99, %dot_general3A_103 {dimension_numbers = #tpu.dot_dimension_numbers<[1], [1], [0], [0], [0, 0, 1, 0], [], []>, transpose_lhs_hint = false} : vector<1x128xf32>, vector<2048x128xf32>, vector<1x2048xf32> -> vector<1x2048xf32>
    %get3A_105 = arith.constant 0 : index
    %get3A_106 = arith.constant 0 : index
    %get3A_107 = vector.load %arg16[%get3A_105, %get3A_106] : memref<1x1xf32, #tpu.memory_space<vmem>>, vector<1x1xf32>
    %add3A_108 = vector.broadcast %get3A_107 : vector<1x1xf32> to vector<1x2048xf32>
    %add3A_109 = arith.addf %dot_general3A_104, %add3A_108 : vector<1x2048xf32>
    %swap3A = arith.constant 0 : index
    %swap3A_110 = arith.constant 0 : index
    %swap3A_111 = vector.load %arg17[%swap3A, %swap3A_110] : memref<1x2048xf32, #tpu.memory_space<vmem>>, vector<1x2048xf32>
    tpu.vector_store %arg17[%swap3A, %swap3A_110], %add3A_109 {strides = array<i32>} : memref<1x2048xf32, #tpu.memory_space<vmem>>, vector<1x2048xf32>,
    return
  }
  func.func @transform_0(%arg0: i32) -> (i32, i32) {
    %c0_i32 = arith.constant 0 : i32
    %c0_i32_0 = arith.constant 0 : i32
    return %c0_i32, %arg0 : i32, i32
  }
  func.func @transform_1(%arg0: i32) -> (i32, i32) {
    %c0_i32 = arith.constant 0 : i32
    %c0_i32_0 = arith.constant 0 : i32
    return %c0_i32, %arg0 : i32, i32
  }
  func.func @transform_2(%arg0: i32) -> (i32, i32) {
    %c0_i32 = arith.constant 0 : i32
    %c0_i32_0 = arith.constant 0 : i32
    return %c0_i32, %arg0 : i32, i32
  }
  func.func @transform_3(%arg0: i32) -> (i32, i32) {
    %c0_i32 = arith.constant 0 : i32
    %c0_i32_0 = arith.constant 0 : i32
    return %c0_i32, %arg0 : i32, i32
  }
  func.func @transform_4(%arg0: i32) -> (i32, i32) {
    %c0_i32 = arith.constant 0 : i32
    %c0_i32_0 = arith.constant 0 : i32
    return %c0_i32, %arg0 : i32, i32
  }
  func.func @transform_5(%arg0: i32) -> (i32, i32) {
    %c0_i32 = arith.constant 0 : i32
    %c0_i32_0 = arith.constant 0 : i32
    return %c0_i32, %arg0 : i32, i32
  }
  func.func @transform_6(%arg0: i32) -> (i32, i32) {
    %c0_i32 = arith.constant 0 : i32
    %c0_i32_0 = arith.constant 0 : i32
    %c0_i32_1 = arith.constant 0 : i32
    return %c0_i32, %c0_i32_0 : i32, i32
  }
  func.func @transform_7(%arg0: i32) -> (i32, i32) {
    %c0_i32 = arith.constant 0 : i32
    %c0_i32_0 = arith.constant 0 : i32
    %c0_i32_1 = arith.constant 0 : i32
    return %c0_i32, %c0_i32_0 : i32, i32
  }
  func.func @transform_8(%arg0: i32) -> (i32, i32) {
    %c0_i32 = arith.constant 0 : i32
    %c0_i32_0 = arith.constant 0 : i32
    %c0_i32_1 = arith.constant 0 : i32
    return %c0_i32, %c0_i32_0 : i32, i32
  }
  func.func @transform_9(%arg0: i32) -> (i32, i32) {
    %c0_i32 = arith.constant 0 : i32
    %c0_i32_0 = arith.constant 0 : i32
    %c0_i32_1 = arith.constant 0 : i32
    return %c0_i32, %c0_i32_0 : i32, i32
  }
  func.func @transform_10(%arg0: i32) -> (i32, i32) {
    %c0_i32 = arith.constant 0 : i32
    %c0_i32_0 = arith.constant 0 : i32
    %c0_i32_1 = arith.constant 0 : i32
    return %c0_i32, %c0_i32_0 : i32, i32
  }
  func.func @transform_11(%arg0: i32) -> (i32, i32) {
    %c0_i32 = arith.constant 0 : i32
    %c0_i32_0 = arith.constant 0 : i32
    %c0_i32_1 = arith.constant 0 : i32
    return %c0_i32, %c0_i32_0 : i32, i32
  }
  func.func @transform_12(%arg0: i32) -> (i32, i32) {
    %c0_i32 = arith.constant 0 : i32
    %c0_i32_0 = arith.constant 0 : i32
    %c0_i32_1 = arith.constant 0 : i32
    return %c0_i32, %c0_i32_0 : i32, i32
  }
  func.func @transform_13(%arg0: i32) -> (i32, i32) {
    %c0_i32 = arith.constant 0 : i32
    %c0_i32_0 = arith.constant 0 : i32
    %c0_i32_1 = arith.constant 0 : i32
    return %c0_i32, %c0_i32_0 : i32, i32
  }
  func.func @transform_14(%arg0: i32) -> (i32, i32) {
    %c0_i32 = arith.constant 0 : i32
    %c0_i32_0 = arith.constant 0 : i32
    %c0_i32_1 = arith.constant 0 : i32
    return %c0_i32, %c0_i32_0 : i32, i32
  }
  func.func @transform_15(%arg0: i32) -> (i32, i32) {
    %c0_i32 = arith.constant 0 : i32
    %c0_i32_0 = arith.constant 0 : i32
    %c0_i32_1 = arith.constant 0 : i32
    return %c0_i32, %c0_i32_0 : i32, i32
  }
  func.func @transform_16(%arg0: i32) -> (i32, i32) {
    %c0_i32 = arith.constant 0 : i32
    %c0_i32_0 = arith.constant 0 : i32
    return %c0_i32, %arg0 : i32, i32
  }
}

</mosaic_0001>

<sc_bundles>
// kernel: kernel.5.cloned.1.call-start
scs
__scs_entry_jumppad:
0x0: {  	(pc) =	sbr.rel $0x88, $3  }
0x1: {  	(tag) =	ssettag $0x0;
	lr =	simm.s32 $0x1  }
0x2: {  	[smem:$0x3F92] =	sst lr;
	_ =	strace $0xD0000000  }
0x3: {  	_ = 	snop  }
0x4: {  	_ = 	snop  }
0x5: {  	_ = 	snop  }
0x6: {  	_ = 	snop  }
0x7: {  	_ = 	snop  }
__scs_overlays_trampoline_lowered:
0x8: {  	[smem:$0x3FA1] =	sst s0  }
0x9: {  	[smem:$0x3FA2] =	sst s1  }
0xa: {  	[smem:$0x3FA3] =	sst s2  }
0xb: {  	[smem:$0x3FA4] =	sst s3  }
0xc: {  	[smem:$0x3FA5] =	sst s4  }
0xd: {  	[smem:$0x3FA6] =	sst s5  }
0xe: {  	[smem:$0x3FA7] =	sst s6  }
0xf: {  	[smem:$0x3FA8] =	sst s7  }
0x10: {  	[smem:$0x3FA9] =	sst s8  }
0x11: {  	[smem:$0x3FAA] =	sst s9;
	s0 =	simm.s32 @!p0 $0x0  }
0x12: {  	s1 =	sld [smem:$0x3F90];
	s0 =	simm.s32 @p0 $0x1  }
0x13: {  	[smem:$0x3FAB] =	sst s0;
	s0 =	simm.s32 @!p1 $0x0  }
0x14: {  	s2 =	sld [smem:$0x3F8F];
	s0 =	simm.s32 @p1 $0x1  }
0x15: {  	[smem:$0x3FAC] =	sst s0;
	s0 =	simm.s32 @!p2 $0x0  }
0x16: {  	s3 =	sld [smem:$0x3FDB];
	s0 =	simm.s32 @p2 $0x1  }
0x17: {  	s4 =	simm.s32 $0x1BF5;
	[smem:$0x3FAE] =	sst s0  }
0x18: {  	s0 =	sld [smem:$0x3F91];
	_ =	swait.ge [sflag:s4], $0x0  }
0x19: {  	s7 =	sld [smem:$0x3F92]  }
0x1a: {  	s8 =	sadd.s32 $0xFFFFE003, lr  }
0x1b: {  	s9 =	sadd.s32 $0xFFFFFEF7, lr;
	s5 =	simm.s32 $0xFFFFFFFF;
	p2 =	slt.u32 s8, $0xFFFFF086  }
0x1c: {  	p1 =	slt.u32 s9, $0xF7A;
	s5 =	simm.s32 @!p2 $0x0  }
0x1d: {  	s5 =	simm.s32 @p1 $0x1;
	p0 =	seq.s32 s7, s2  }
0x1e: {  	s7 =	smul.u32 @!p0 $0xF7A, s2;
	p2 =	seq.s32 @!p0 s5, $0x0  }
0x1f: {  	s9 =	smul.u32 $0xF7A, s1;
	s8 =	simm.s32 @!p0 $0x1BF5;
	p2 =	por !p2, p0  }
0x20: {  	[sflag:s8] =	ssyncset.s32 @!p0 $0xFFFFF086;
	s6 =	sadd.s32 @!p0 s3, s7;
	s7 =	simm.s32 @!p0 $0x108  }
0x21: {  	s3 =	sadd.s32 s3, s9;
	s6 =	sadd.s32 @!p0 $0x88, s6;
	s7 =	simm.s32 @p2 $0x1082  }
0x22: {  	[simem:s7], [sflag:s8] =	dma.local @!p0 [hbm:s6], $0xF7A  }
0x23: {  	s9 =	sor.u32 $0xD0000000, s2;
	s6 =	simm.s32 $0x108;
	_ =	swait.ge @!p0 [sflag:s8], $0x0  }
0x24: {  	s3 =	sadd.s32 $0x88, s3;
	s6 =	simm.s32 @!p1 $0x1082;
	[sflag:s4] =	ssyncset.s32 $0xFFFFF086  }
0x25: {  	[simem:s6], [sflag:s4] =	dma.local [hbm:s3], $0xF7A  }
0x26: {  	[smem:$0x3F92] =	sst s1;
	(tag) =	ssettag s2;
	_ =	strace s9  }
0x27: {  	s1 =	sld [smem:$0x3FA2]  }
0x28: {  	s2 =	sld [smem:$0x3FA3]  }
0x29: {  	s4 =	sld [smem:$0x3FA5]  }
0x2a: {  	p0 =	seq.s32 s5, $0x0;
	s5 =	sld [smem:$0x3FA6]  }
0x2b: {  	s6 =	sld [smem:$0x3FA7]  }
0x2c: {  	s7 =	sld [smem:$0x3FA8]  }
0x2d: {  	s3 =	simm.s32 $0x108;
	s8 =	sld [smem:$0x3FA9]  }
0x2e: {  	s3 =	simm.s32 @!p0 $0x1082;
	s9 =	sld [smem:$0x3FAA]  }
0x2f: {  	lr =	sadd.s32 s0, s3;
	s0 =	sld [smem:$0x3FA1]  }
0x30: {  	s3 =	sld [smem:$0x3FA4]  }
0x31: {  	[smem:$0x3FAD] =	sst s10  }
0x32: {  	s10 =	sld [smem:$0x3FAB];
	_ =	sdelay $0x3  }
0x33: {  	p0 =	seq.s32 s10, $0x1;
	s10 =	sld [smem:$0x3FAD];
	_ =	sdelay $0x3  }
0x34: {  	[smem:$0x3FAD] =	sst s10  }
0x35: {  	s10 =	sld [smem:$0x3FAC];
	_ =	sdelay $0x3  }
0x36: {  	p1 =	seq.s32 s10, $0x1;
	s10 =	sld [smem:$0x3FAD];
	_ =	sdelay $0x3  }
0x37: {  	[smem:$0x3FAD] =	sst s10  }
0x38: {  	s10 =	sld [smem:$0x3FAE]  }
0x39: {  	_ = 	snop;
	(pc) =	sbr.ind lr, $3  }
0x3a: {  	_ = 	snop  }
0x3b: {  	_ = 	snop  }
0x3c: {  	p2 =	seq.s32 s10, $0x1;
	s10 =	sld [smem:$0x3FAD]  }
0x3d: {  	_ =	shalt  }
0x3e: {  	_ =	shalt  }
0x3f: {  	_ =	shalt  }
0x40: {  	_ =	shalt  }
0x41: {  	_ =	shalt  }
0x42: {  	_ =	shalt  }
0x43: {  	_ =	shalt  }
0x44: {  	_ =	shalt  }
0x45: {  	_ =	shalt  }
0x46: {  	_ =	shalt  }
0x47: {  	_ =	shalt  }
0x48: {  	_ =	shalt  }
0x49: {  	_ =	shalt  }
0x4a: {  	_ =	shalt  }
0x4b: {  	_ =	shalt  }
0x4c: {  	_ =	shalt  }
0x4d: {  	_ =	shalt  }
0x4e: {  	_ =	shalt  }
0x4f: {  	_ =	shalt  }
0x50: {  	_ =	shalt  }
0x51: {  	_ =	shalt  }
0x52: {  	_ =	shalt  }
0x53: {  	_ =	shalt  }
0x54: {  	_ =	shalt  }
0x55: {  	_ =	shalt  }
0x56: {  	_ =	shalt  }
0x57: {  	_ =	shalt  }
0x58: {  	_ =	shalt  }
0x59: {  	_ =	shalt  }
0x5a: {  	_ =	shalt  }
0x5b: {  	_ =	shalt  }
0x5c: {  	_ =	shalt  }
0x5d: {  	_ =	shalt  }
0x5e: {  	_ =	shalt  }
0x5f: {  	_ =	shalt  }
0x60: {  	_ =	shalt  }
0x61: {  	_ =	shalt  }
0x62: {  	_ =	shalt  }
0x63: {  	_ =	shalt  }
0x64: {  	_ =	shalt  }
0x65: {  	_ =	shalt  }
0x66: {  	_ =	shalt  }
0x67: {  	_ =	shalt  }
0x68: {  	_ =	shalt  }
0x69: {  	_ =	shalt  }
0x6a: {  	_ =	shalt  }
0x6b: {  	_ =	shalt  }
0x6c: {  	_ =	shalt  }
0x6d: {  	_ =	shalt  }
0x6e: {  	_ =	shalt  }
0x6f: {  	_ =	shalt  }
0x70: {  	_ =	shalt  }
0x71: {  	_ =	shalt  }
0x72: {  	_ =	shalt  }
0x73: {  	_ =	shalt  }
0x74: {  	_ =	shalt  }
0x75: {  	_ =	shalt  }
0x76: {  	_ =	shalt  }
0x77: {  	_ =	shalt  }
0x78: {  	_ =	shalt  }
0x79: {  	_ =	shalt  }
0x7a: {  	_ =	shalt  }
0x7b: {  	_ =	shalt  }
0x7c: {  	_ =	shalt  }
0x7d: {  	_ =	shalt  }
0x7e: {  	_ =	shalt  }
0x7f: {  	_ =	shalt  }
0x80: {  	_ =	shalt  }
0x81: {  	_ =	shalt  }
0x82: {  	_ =	shalt  }
0x83: {  	_ =	shalt  }
0x84: {  	_ =	shalt  }
0x85: {  	_ =	shalt  }
0x86: {  	_ =	shalt  }
0x87: {  	_ =	shalt  }
.Lfunc_end0:
.L_simem_size_0:
called_computation_lowered:
.L_overlay_start_0:
0x88: {  	s2 =	sld [smem:$0x3FD9]  }
0x89: {  	s3 =	sld [smem:$0x3FFE];
	_ =	sdelay $0x1  }
0x8a: {  	s1 =	srdreg.scid  }
0x8b: {  	s0 =	sand.u32 $0x1, s1  }
0x8c: {  	s16 =	sshll.u32 s0, $0xA;
	s2 =	sadd.s32 s3, s2  }
0x8d: {  	s2 =	sadd.s32 s2, s16  }
0x8e: {  	[smem:$0x3FB9] =	sst s2  }
0x8f: {  	_ = 	snop  }
0x90: {  	(tm) =	ssettm $0x1  }
0x91: {  	s17 =	sld [smem:$0x3FFB];
	_ =	sdelay $0x3  }
0x92: {  	_ =	strace s17  }
0x93: {  	s2 =	sld [smem:$0x3FFC];
	_ =	sdelay $0x3  }
0x94: {  	_ =	strace s2  }
0x95: {  	s2 =	sld [smem:$0x3FFD];
	_ =	sdelay $0x3  }
0x96: {  	_ =	strace s2  }
0x97: {  	_ =	strace $0x8FFFFFFF  }
0x98: {  	s18 =	sld [smem:$0x3FDB];
	_ =	sdelay $0x1  }
0x99: {  	s19 =	simm.s32 $_scs_section_size  }
0x9a: {  	s4 =	simm.s32 $_size__tile_overlayer_lowered;
	s5 =	simm.s32 $_tile_overlayer_lowered  }
0x9b: {  	s22 =	simm.s32 $0x1BFF;
	s21 =	sshll.u32 s5, $0x1;
	s2 =	sadd.s32 s19, s18  }
0x9c: {  	s6 =	simm.s32 $0x0;
	s20 =	sshll.u32 s4, $0x1;
	s4 =	sadd.s32 s21, s2  }
0x9d: {  	[timem:s6], [sflag:s22] =	dma.local [hbm:s4], s20  }
0x9e: {  	_ =	swait.ge [sflag:s22], s20  }
0x9f: {  	s3 =	ssub.s32 $0x0, s20;
	[sflag:s22] =	ssyncset.done $0x0  }
0xa0: {  	[sflag:s22] =	ssyncadd.s32 s3;
	_ =	sdelay $0x1  }
0xa1: {  	s23 =	simm.s32 $0x1B8B  }
0xa2: {  	_ =	swait.ge [sflag:s23], $0x1  }
0xa3: {  	[sflag:s23] =	ssyncset.done $0x0  }
0xa4: {  	s25 =	simm.s32 $0x1B8E;
	s24 =	sld [smem:$0x3FFE];
	[sflag:s23] =	ssyncadd.s32 $0xFFFFFFFF  }
0xa5: {  	s26 =	simm.s32 $execute0_lowered;
	[smem:$0x3FD2] =	sst s25  }
0xa6: {  	s4 =	sshll.u32 s26, $0x1;
	_ =	strace $0x80000046;
	[dreg:$0x1] =	wrdreg $0xFFFFFFFF  }
0xa7: {  	s28 =	simm.s32 $_size_execute0_lowered;
	s2 =	sadd.s32 s2, s4;
	[dreg:$0x0] =	wrdreg $0x0  }
0xa8: {  	s4 =	sshll.u32 s28, $0x1;
	[dreg:$0x2] =	wrdreg s2  }
0xa9: {  	[dreg:$0x3] =	wrdreg s4  }
0xaa: {  	[dreg:$0x4] =	wrdreg $0xC0  }
0xab: {  	_ =	task [dreg:s6], $0x5FFFF  }
0xac: {  	[dreg:$0x1] =	wrdreg $0xFFFFFFFF  }
0xad: {  	[dreg:$0x0] =	wrdreg $0x60  }
0xae: {  	[dreg:$0x2] =	wrdreg s24  }
0xaf: {  	[dreg:$0x3] =	wrdreg $0x9  }
0xb0: {  	_ =	task.clear_ibuf [dreg:s6], $0x4FFFF;
	_ =	strace $0x90000046  }
0xb1: {  	s29 =	simm.s32 $0x9;
	_ =	strace $0x80000048  }
0xb2: {  	_ =	swait.ge [sflag:s29], $0x1  }
0xb3: {  	[sflag:s29] =	ssyncadd.s32 $0xFFFFFFFF  }
0xb4: {  	_ =	strace $0x90000048  }
0xb5: {  	_ =	sfence  }
0xb6: {  	s30 =	sld [smem:$0x0];
	_ =	sdelay $0x2  }
0xb7: {  	s31 =	sshll.u32 s1, $0xD;
	s1 =	sshrl.u32 s1, $0x2  }
0xb8: {  	s3 =	sand.u32 $0x4000, s31;
	s1 =	sadd.s32 s1, s30  }
0xb9: {  	s0 =	sor.u32 s3, s0;
	s1 =	sshll.u32 s1, $0x11  }
0xba: {  	s0 =	sor.u32 s1, s0  }
0xbb: {  	s0 =	sadd.s32 $0x8F2B, s0  }
0xbc: {  	[sflag:s0] =	ssyncadd.remote.s32 $0x1  }
0xbd: {  	_ =	sfence.sel $0xFFFF  }
0xbe: {  	[dreg:$0x0] =	wrdreg $0xFFFFFFFF;
	(pc) =	sbr.abs _section_cstart, $3  }
0xbf: {  	[dreg:$0x1] =	wrdreg $0xFFFFFFFF  }
0xc0: {  	_ =	task.clear_ibuf [dreg:s6], $0x2FFFF;
	_ =	strace $0x9FFFFFFF  }
0xc1: {  	(tm) =	ssettm $0x7FFFFFFF  }
tec
execute0_lowered:
.L_overlay_start_1:
0x0: {  	(tag) =	ssettag $0x1  }
0x1: {  	s1 =	srdreg.scid;
	s0 =	stileid.u32  }
0x2: {  	s1 =	sand.u32 $0x1, s1;
	s2 =	sshll.u32 s0, $0x5  }
0x3: {  	s3 =	rddreg [dreg:$0x0];
	s5 =	sshll.u32 s1, $0x4;
	s2 =	sand.u32 $0x60, s2  }
0x4: {  	s26 =	simm.s32 $0x4080;
	s5 =	sor.u32 s5, s2;
	s2 =	simm.s32 $0x0  }
0x5: {  	s4 =	sshll.u32 s0, $0xC;
	s0 =	simm.s32 $0x100;
	[smem:$0x7FF] =	sst s2  }
0x6: {  	s4 =	sand.u32 $0xC000, s4;
	_ =	strace $0x80000047;
	[dreg:$0x4] =	wrdreg s26  }
0x7: {  	s4 =	sor.u32 s4, s5;
	s5 =	simm.s32 $0x4100;
	[dreg:$0x5] =	wrdreg s0  }
0x8: {  	s6 =	simm.s32 $0x180;
	[dreg:$0x6] =	wrdreg s5  }
0x9: {  	s7 =	simm.s32 $0x4180;
	[dreg:$0x7] =	wrdreg s6  }
0xa: {  	s8 =	simm.s32 $0x200;
	[dreg:$0x8] =	wrdreg s7  }
0xb: {  	s9 =	simm.s32 $0x4200;
	[dreg:$0x9] =	wrdreg s8  }
0xc: {  	s10 =	simm.s32 $0x280;
	[dreg:$0xa] =	wrdreg s9  }
0xd: {  	s11 =	simm.s32 $0x4280;
	[dreg:$0xb] =	wrdreg s10  }
0xe: {  	s12 =	simm.s32 $0x300;
	[dreg:$0xc] =	wrdreg s11  }
0xf: {  	s13 =	simm.s32 $0x4300;
	[dreg:$0xd] =	wrdreg s12  }
0x10: {  	s14 =	simm.s32 $0x380;
	[dreg:$0xe] =	wrdreg s13  }
0x11: {  	s15 =	simm.s32 $0x4380;
	[dreg:$0xf] =	wrdreg s14  }
0x12: {  	s16 =	simm.s32 $0x4400;
	[dreg:$0x10] =	wrdreg s15  }
0x13: {  	s17 =	simm.s32 $0x480;
	[dreg:$0x11] =	wrdreg s16  }
0x14: {  	s18 =	simm.s32 $0x4480;
	[dreg:$0x12] =	wrdreg s17  }
0x15: {  	s19 =	simm.s32 $0x500;
	[dreg:$0x13] =	wrdreg s18  }
0x16: {  	s20 =	simm.s32 $0x4500;
	[dreg:$0x14] =	wrdreg s19  }
0x17: {  	s21 =	simm.s32 $0x580;
	[dreg:$0x15] =	wrdreg s20  }
0x18: {  	s22 =	simm.s32 $0x4580;
	[dreg:$0x16] =	wrdreg s21  }
0x19: {  	s23 =	simm.s32 $0x600;
	[dreg:$0x17] =	wrdreg s22  }
0x1a: {  	s24 =	simm.s32 $0x4600;
	[dreg:$0x18] =	wrdreg s23  }
0x1b: {  	[dreg:$0x19] =	wrdreg s24;
	s26 =	simm.s32 $0x4680  }
0x1c: {  	s0 =	simm.s32 $0x700;
	[dreg:$0x1b] =	wrdreg s26  }
0x1d: {  	s5 =	simm.s32 $0x4700;
	[dreg:$0x1c] =	wrdreg s0  }
0x1e: {  	s6 =	simm.s32 $0x780;
	[dreg:$0x1d] =	wrdreg s5  }
0x1f: {  	s7 =	simm.s32 $0x4780;
	[dreg:$0x1e] =	wrdreg s6  }
0x20: {  	s8 =	simm.s32 $0x800;
	[dreg:$0x1f] =	wrdreg s7  }
0x21: {  	s9 =	simm.s32 $0x4800;
	[smem:$0x734] =	sst s8  }
0x22: {  	s10 =	simm.s32 $0x880;
	[smem:$0x735] =	sst s9  }
0x23: {  	s11 =	simm.s32 $0x4880;
	[smem:$0x736] =	sst s10  }
0x24: {  	s12 =	simm.s32 $0x900;
	[smem:$0x737] =	sst s11  }
0x25: {  	s13 =	simm.s32 $0x4900;
	[smem:$0x738] =	sst s12  }
0x26: {  	s14 =	simm.s32 $0x980;
	[smem:$0x739] =	sst s13  }
0x27: {  	s15 =	simm.s32 $0x4980;
	[smem:$0x73A] =	sst s14  }
0x28: {  	s16 =	simm.s32 $0xA00;
	[smem:$0x73B] =	sst s15  }
0x29: {  	s17 =	simm.s32 $0x4A00;
	[smem:$0x73C] =	sst s16  }
0x2a: {  	s18 =	simm.s32 $0xA80;
	[smem:$0x73D] =	sst s17  }
0x2b: {  	s19 =	simm.s32 $0x4A80;
	[smem:$0x73E] =	sst s18  }
0x2c: {  	s20 =	simm.s32 $0xB00;
	[smem:$0x73F] =	sst s19  }
0x2d: {  	s21 =	simm.s32 $0x4B00;
	[smem:$0x740] =	sst s20  }
0x2e: {  	s22 =	simm.s32 $0xB80;
	[smem:$0x741] =	sst s21  }
0x2f: {  	s23 =	simm.s32 $0x4B80;
	[smem:$0x742] =	sst s22  }
0x30: {  	s4 =	sadd.s32 s4, s3;
	s24 =	simm.s32 $0xC00;
	[smem:$0x743] =	sst s23  }
0x31: {  	s25 =	sadd.s32 $0x3D2C00, s4;
	[smem:$0x744] =	sst s24  }
0x32: {  	s4 =	sadd.s32 $0x3E2C00, s4;
	[dreg:$0x2] =	wrdreg s25  }
0x33: {  	s26 =	simm.s32 $0xC80;
	[dreg:$0x3] =	wrdreg s4  }
0x34: {  	s0 =	simm.s32 $0x4C80;
	[smem:$0x746] =	sst s26  }
0x35: {  	s5 =	simm.s32 $0xD00;
	[smem:$0x747] =	sst s0  }
0x36: {  	s6 =	simm.s32 $0x4D00;
	[smem:$0x748] =	sst s5  }
0x37: {  	s7 =	simm.s32 $0xD80;
	[smem:$0x749] =	sst s6  }
0x38: {  	s8 =	simm.s32 $0x4D80;
	[smem:$0x74A] =	sst s7  }
0x39: {  	s9 =	simm.s32 $0xE00;
	[smem:$0x74B] =	sst s8  }
0x3a: {  	s10 =	simm.s32 $0x4E00;
	[smem:$0x74C] =	sst s9  }
0x3b: {  	s11 =	simm.s32 $0xE80;
	[smem:$0x74D] =	sst s10  }
0x3c: {  	s12 =	simm.s32 $0x4E80;
	[smem:$0x74E] =	sst s11  }
0x3d: {  	s13 =	simm.s32 $0xF00;
	[smem:$0x74F] =	sst s12  }
0x3e: {  	s14 =	simm.s32 $0x4F00;
	[smem:$0x750] =	sst s13  }
0x3f: {  	s15 =	simm.s32 $0xF80;
	[smem:$0x751] =	sst s14  }
0x40: {  	s16 =	simm.s32 $0x4F80;
	[smem:$0x752] =	sst s15  }
0x41: {  	s17 =	simm.s32 $0x1000;
	[smem:$0x753] =	sst s16  }
0x42: {  	s18 =	simm.s32 $0x5000;
	[smem:$0x754] =	sst s17  }
0x43: {  	s19 =	simm.s32 $0x1080;
	[smem:$0x755] =	sst s18  }
0x44: {  	s20 =	simm.s32 $0x5080;
	[smem:$0x756] =	sst s19  }
0x45: {  	s21 =	simm.s32 $0x1100;
	[smem:$0x757] =	sst s20  }
0x46: {  	s22 =	simm.s32 $0x5100;
	[smem:$0x758] =	sst s21  }
0x47: {  	s23 =	simm.s32 $0x1180;
	[smem:$0x759] =	sst s22  }
0x48: {  	s24 =	simm.s32 $0x5180;
	[smem:$0x75A] =	sst s23  }
0x49: {  	s25 =	simm.s32 $0x680;
	[smem:$0x75B] =	sst s24  }
0x4a: {  	s26 =	simm.s32 $0x5200;
	[dreg:$0x1a] =	wrdreg s25  }
0x4b: {  	s0 =	simm.s32 $0x1280;
	[smem:$0x75D] =	sst s26  }
0x4c: {  	s5 =	simm.s32 $0x5280;
	[smem:$0x75E] =	sst s0  }
0x4d: {  	s6 =	simm.s32 $0x1300;
	[smem:$0x75F] =	sst s5  }
0x4e: {  	s7 =	simm.s32 $0x5300;
	[smem:$0x760] =	sst s6  }
0x4f: {  	s8 =	simm.s32 $0x1380;
	[smem:$0x761] =	sst s7  }
0x50: {  	s9 =	simm.s32 $0x5380;
	[smem:$0x762] =	sst s8  }
0x51: {  	s10 =	simm.s32 $0x1400;
	[smem:$0x763] =	sst s9  }
0x52: {  	s11 =	simm.s32 $0x5400;
	[smem:$0x764] =	sst s10  }
0x53: {  	s12 =	simm.s32 $0x1480;
	[smem:$0x765] =	sst s11  }
0x54: {  	s13 =	simm.s32 $0x5480;
	[smem:$0x766] =	sst s12  }
0x55: {  	s14 =	simm.s32 $0x1500;
	[smem:$0x767] =	sst s13  }
0x56: {  	s15 =	simm.s32 $0x5500;
	[smem:$0x768] =	sst s14  }
0x57: {  	s16 =	simm.s32 $0x1580;
	[smem:$0x769] =	sst s15  }
0x58: {  	s17 =	simm.s32 $0x5580;
	[smem:$0x76A] =	sst s16  }
0x59: {  	s18 =	simm.s32 $0x1600;
	[smem:$0x76B] =	sst s17  }
0x5a: {  	s19 =	simm.s32 $0x5600;
	[smem:$0x76C] =	sst s18  }
0x5b: {  	s20 =	simm.s32 $0x1680;
	[smem:$0x76D] =	sst s19  }
0x5c: {  	s21 =	simm.s32 $0x5680;
	[smem:$0x76E] =	sst s20  }
0x5d: {  	s22 =	simm.s32 $0x1700;
	[smem:$0x76F] =	sst s21  }
0x5e: {  	s23 =	simm.s32 $0x5700;
	[smem:$0x770] =	sst s22  }
0x5f: {  	s24 =	simm.s32 $0x1780;
	[smem:$0x771] =	sst s23  }
0x60: {  	s25 =	simm.s32 $0x4C00;
	[smem:$0x772] =	sst s24  }
0x61: {  	s26 =	simm.s32 $0x1800;
	[smem:$0x745] =	sst s25  }
0x62: {  	s0 =	simm.s32 $0x5800;
	[smem:$0x774] =	sst s26  }
0x63: {  	s5 =	simm.s32 $0x1880;
	[smem:$0x775] =	sst s0  }
0x64: {  	s6 =	simm.s32 $0x5880;
	[smem:$0x776] =	sst s5  }
0x65: {  	s7 =	simm.s32 $0x1900;
	[smem:$0x777] =	sst s6  }
0x66: {  	s8 =	simm.s32 $0x5900;
	[smem:$0x778] =	sst s7  }
0x67: {  	s9 =	simm.s32 $0x1980;
	[smem:$0x779] =	sst s8  }
0x68: {  	s10 =	simm.s32 $0x5980;
	[smem:$0x77A] =	sst s9  }
0x69: {  	s11 =	simm.s32 $0x1A00;
	[smem:$0x77B] =	sst s10  }
0x6a: {  	s12 =	simm.s32 $0x5A00;
	[smem:$0x77C] =	sst s11  }
0x6b: {  	s13 =	simm.s32 $0x1A80;
	[smem:$0x77D] =	sst s12  }
0x6c: {  	s14 =	simm.s32 $0x5A80;
	[smem:$0x77E] =	sst s13  }
0x6d: {  	s15 =	simm.s32 $0x1B00;
	[smem:$0x77F] =	sst s14  }
0x6e: {  	s16 =	simm.s32 $0x5B00;
	[smem:$0x780] =	sst s15  }
0x6f: {  	s17 =	simm.s32 $0x1B80;
	[smem:$0x781] =	sst s16  }
0x70: {  	s18 =	simm.s32 $0x5B80;
	[smem:$0x782] =	sst s17  }
0x71: {  	s19 =	simm.s32 $0x1C00;
	[smem:$0x783] =	sst s18  }
0x72: {  	s20 =	simm.s32 $0x5C00;
	[smem:$0x784] =	sst s19  }
0x73: {  	s21 =	simm.s32 $0x1C80;
	[smem:$0x785] =	sst s20  }
0x74: {  	s22 =	simm.s32 $0x5C80;
	[smem:$0x786] =	sst s21  }
0x75: {  	s23 =	simm.s32 $0x1D00;
	[smem:$0x787] =	sst s22  }
0x76: {  	s24 =	simm.s32 $0x5D00;
	[smem:$0x788] =	sst s23  }
0x77: {  	s25 =	simm.s32 $0x1200;
	[smem:$0x789] =	sst s24  }
0x78: {  	s26 =	simm.s32 $0x5D80;
	[smem:$0x75C] =	sst s25  }
0x79: {  	s0 =	simm.s32 $0x1E00;
	[smem:$0x78B] =	sst s26  }
0x7a: {  	s5 =	simm.s32 $0x5E00;
	[smem:$0x78C] =	sst s0  }
0x7b: {  	s6 =	simm.s32 $0x1E80;
	[smem:$0x78D] =	sst s5  }
0x7c: {  	s7 =	simm.s32 $0x5E80;
	[smem:$0x78E] =	sst s6  }
0x7d: {  	s8 =	simm.s32 $0x1F00;
	[smem:$0x78F] =	sst s7  }
0x7e: {  	s9 =	simm.s32 $0x5F00;
	[smem:$0x790] =	sst s8  }
0x7f: {  	s10 =	simm.s32 $0x1F80;
	[smem:$0x791] =	sst s9  }
0x80: {  	s11 =	simm.s32 $0x5F80;
	[smem:$0x792] =	sst s10  }
0x81: {  	s12 =	simm.s32 $0x2000;
	[smem:$0x793] =	sst s11  }
0x82: {  	s13 =	simm.s32 $0x6000;
	[smem:$0x794] =	sst s12  }
0x83: {  	s14 =	simm.s32 $0x2080;
	[smem:$0x795] =	sst s13  }
0x84: {  	s15 =	simm.s32 $0x6080;
	[smem:$0x796] =	sst s14  }
0x85: {  	s16 =	simm.s32 $0x2100;
	[smem:$0x797] =	sst s15  }
0x86: {  	s17 =	simm.s32 $0x6100;
	[smem:$0x798] =	sst s16  }
0x87: {  	s18 =	simm.s32 $0x2180;
	[smem:$0x799] =	sst s17  }
0x88: {  	s19 =	simm.s32 $0x6180;
	[smem:$0x79A] =	sst s18  }
0x89: {  	s20 =	simm.s32 $0x2200;
	[smem:$0x79B] =	sst s19  }
0x8a: {  	s21 =	simm.s32 $0x6200;
	[smem:$0x79C] =	sst s20  }
0x8b: {  	s22 =	simm.s32 $0x2280;
	[smem:$0x79D] =	sst s21  }
0x8c: {  	s23 =	simm.s32 $0x6280;
	[smem:$0x79E] =	sst s22  }
0x8d: {  	s24 =	simm.s32 $0x2300;
	[smem:$0x79F] =	sst s23  }
0x8e: {  	s25 =	simm.s32 $0x5780;
	[smem:$0x7A0] =	sst s24  }
0x8f: {  	s26 =	simm.s32 $0x2380;
	[smem:$0x773] =	sst s25  }
0x90: {  	s0 =	simm.s32 $0x6380;
	[smem:$0x7A2] =	sst s26  }
0x91: {  	s5 =	simm.s32 $0x2400;
	[smem:$0x7A3] =	sst s0  }
0x92: {  	s6 =	simm.s32 $0x6400;
	[smem:$0x7A4] =	sst s5  }
0x93: {  	s7 =	simm.s32 $0x2480;
	[smem:$0x7A5] =	sst s6  }
0x94: {  	s8 =	simm.s32 $0x6480;
	[smem:$0x7A6] =	sst s7  }
0x95: {  	s9 =	simm.s32 $0x2500;
	[smem:$0x7A7] =	sst s8  }
0x96: {  	s10 =	simm.s32 $0x6500;
	[smem:$0x7A8] =	sst s9  }
0x97: {  	s11 =	simm.s32 $0x2580;
	[smem:$0x7A9] =	sst s10  }
0x98: {  	s12 =	simm.s32 $0x6580;
	[smem:$0x7AA] =	sst s11  }
0x99: {  	s13 =	simm.s32 $0x2600;
	[smem:$0x7AB] =	sst s12  }
0x9a: {  	s14 =	simm.s32 $0x6600;
	[smem:$0x7AC] =	sst s13  }
0x9b: {  	s15 =	simm.s32 $0x2680;
	[smem:$0x7AD] =	sst s14  }
0x9c: {  	s16 =	simm.s32 $0x6680;
	[smem:$0x7AE] =	sst s15  }
0x9d: {  	s17 =	simm.s32 $0x2700;
	[smem:$0x7AF] =	sst s16  }
0x9e: {  	s18 =	simm.s32 $0x6700;
	[smem:$0x7B0] =	sst s17  }
0x9f: {  	s19 =	simm.s32 $0x2780;
	[smem:$0x7B1] =	sst s18  }
0xa0: {  	s20 =	simm.s32 $0x6780;
	[smem:$0x7B2] =	sst s19  }
0xa1: {  	s21 =	simm.s32 $0x2800;
	[smem:$0x7B3] =	sst s20  }
0xa2: {  	s22 =	simm.s32 $0x6800;
	[smem:$0x7B4] =	sst s21  }
0xa3: {  	s23 =	simm.s32 $0x2880;
	[smem:$0x7B5] =	sst s22  }
0xa4: {  	s24 =	simm.s32 $0x6880;
	[smem:$0x7B6] =	sst s23  }
0xa5: {  	s25 =	simm.s32 $0x1D80;
	[smem:$0x7B7] =	sst s24  }
0xa6: {  	s26 =	simm.s32 $0x6900;
	[smem:$0x78A] =	sst s25  }
0xa7: {  	s0 =	simm.s32 $0x2980;
	[smem:$0x7B9] =	sst s26  }
0xa8: {  	s5 =	simm.s32 $0x6980;
	[smem:$0x7BA] =	sst s0  }
0xa9: {  	s6 =	simm.s32 $0x2A00;
	[smem:$0x7BB] =	sst s5  }
0xaa: {  	s7 =	simm.s32 $0x6A00;
	[smem:$0x7BC] =	sst s6  }
0xab: {  	s8 =	simm.s32 $0x2A80;
	[smem:$0x7BD] =	sst s7  }
0xac: {  	s9 =	simm.s32 $0x6A80;
	[smem:$0x7BE] =	sst s8  }
0xad: {  	s10 =	simm.s32 $0x2B00;
	[smem:$0x7BF] =	sst s9  }
0xae: {  	s11 =	simm.s32 $0x6B00;
	[smem:$0x7C0] =	sst s10  }
0xaf: {  	s12 =	simm.s32 $0x2B80;
	[smem:$0x7C1] =	sst s11  }
0xb0: {  	s13 =	simm.s32 $0x6B80;
	[smem:$0x7C2] =	sst s12  }
0xb1: {  	s14 =	simm.s32 $0x2C00;
	[smem:$0x7C3] =	sst s13  }
0xb2: {  	s15 =	simm.s32 $0x6C00;
	[smem:$0x7C4] =	sst s14  }
0xb3: {  	s16 =	simm.s32 $0x2C80;
	[smem:$0x7C5] =	sst s15  }
0xb4: {  	s17 =	simm.s32 $0x6C80;
	[smem:$0x7C6] =	sst s16  }
0xb5: {  	s18 =	simm.s32 $0x2D00;
	[smem:$0x7C7] =	sst s17  }
0xb6: {  	s19 =	simm.s32 $0x6D00;
	[smem:$0x7C8] =	sst s18  }
0xb7: {  	s20 =	simm.s32 $0x2D80;
	[smem:$0x7C9] =	sst s19  }
0xb8: {  	s21 =	simm.s32 $0x6D80;
	[smem:$0x7CA] =	sst s20  }
0xb9: {  	s22 =	simm.s32 $0x2E00;
	[smem:$0x7CB] =	sst s21  }
0xba: {  	s23 =	simm.s32 $0x6E00;
	[smem:$0x7CC] =	sst s22  }
0xbb: {  	s24 =	simm.s32 $0x2E80;
	[smem:$0x7CD] =	sst s23  }
0xbc: {  	s25 =	simm.s32 $0x6300;
	[smem:$0x7CE] =	sst s24  }
0xbd: {  	s26 =	simm.s32 $0x2F00;
	[smem:$0x7A1] =	sst s25  }
0xbe: {  	s0 =	simm.s32 $0x6F00;
	[smem:$0x7D0] =	sst s26  }
0xbf: {  	s5 =	simm.s32 $0x2F80;
	[smem:$0x7D1] =	sst s0  }
0xc0: {  	s6 =	simm.s32 $0x6F80;
	[smem:$0x7D2] =	sst s5  }
0xc1: {  	s7 =	simm.s32 $0x3000;
	[smem:$0x7D3] =	sst s6  }
0xc2: {  	s8 =	simm.s32 $0x7000;
	[smem:$0x7D4] =	sst s7  }
0xc3: {  	s9 =	simm.s32 $0x3080;
	[smem:$0x7D5] =	sst s8  }
0xc4: {  	s10 =	simm.s32 $0x7080;
	[smem:$0x7D6] =	sst s9  }
0xc5: {  	s11 =	simm.s32 $0x3100;
	[smem:$0x7D7] =	sst s10  }
0xc6: {  	s12 =	simm.s32 $0x7100;
	[smem:$0x7D8] =	sst s11  }
0xc7: {  	s13 =	simm.s32 $0x3180;
	[smem:$0x7D9] =	sst s12  }
0xc8: {  	s14 =	simm.s32 $0x7180;
	[smem:$0x7DA] =	sst s13  }
0xc9: {  	s15 =	simm.s32 $0x3200;
	[smem:$0x7DB] =	sst s14  }
0xca: {  	s16 =	simm.s32 $0x7200;
	[smem:$0x7DC] =	sst s15  }
0xcb: {  	s17 =	simm.s32 $0x3280;
	[smem:$0x7DD] =	sst s16  }
0xcc: {  	s18 =	simm.s32 $0x7280;
	[smem:$0x7DE] =	sst s17  }
0xcd: {  	s19 =	simm.s32 $0x3300;
	[smem:$0x7DF] =	sst s18  }
0xce: {  	s20 =	simm.s32 $0x7300;
	[smem:$0x7E0] =	sst s19  }
0xcf: {  	s21 =	simm.s32 $0x3380;
	[smem:$0x7E1] =	sst s20  }
0xd0: {  	s22 =	simm.s32 $0x7380;
	[smem:$0x7E2] =	sst s21  }
0xd1: {  	s23 =	simm.s32 $0x3400;
	[smem:$0x7E3] =	sst s22  }
0xd2: {  	s24 =	simm.s32 $0x7400;
	[smem:$0x7E4] =	sst s23  }
0xd3: {  	s25 =	simm.s32 $0x2900;
	[smem:$0x7E5] =	sst s24  }
0xd4: {  	s26 =	simm.s32 $0x7480;
	[smem:$0x7B8] =	sst s25  }
0xd5: {  	s0 =	simm.s32 $0x3500;
	[smem:$0x7E7] =	sst s26  }
0xd6: {  	s5 =	simm.s32 $0x7500;
	[smem:$0x7E8] =	sst s0  }
0xd7: {  	s6 =	simm.s32 $0x3580;
	[smem:$0x7E9] =	sst s5  }
0xd8: {  	s7 =	simm.s32 $0x7580;
	[smem:$0x7EA] =	sst s6  }
0xd9: {  	s8 =	simm.s32 $0x3600;
	[smem:$0x7EB] =	sst s7  }
0xda: {  	s9 =	simm.s32 $0x7600;
	[smem:$0x7EC] =	sst s8  }
0xdb: {  	s10 =	simm.s32 $0x3680;
	[smem:$0x7ED] =	sst s9  }
0xdc: {  	s11 =	simm.s32 $0x7680;
	[smem:$0x7EE] =	sst s10  }
0xdd: {  	s12 =	simm.s32 $0x3700;
	[smem:$0x7EF] =	sst s11  }
0xde: {  	s28 =	simm.s32 $0x3F00;
	s13 =	simm.s32 $0x7700;
	[smem:$0x7F0] =	sst s12  }
0xdf: {  	s29 =	simm.s32 $0x7F00;
	s14 =	simm.s32 $0x3780;
	[smem:$0x7F1] =	sst s13  }
0xe0: {  	s30 =	simm.s32 $0x3F80;
	s15 =	simm.s32 $0x7780;
	[smem:$0x7F2] =	sst s14  }
0xe1: {  	s31 =	simm.s32 $0x7F80;
	s16 =	simm.s32 $0x3800;
	[smem:$0x7F3] =	sst s15  }
0xe2: {  	s1 =	ssub.s32 $0x2, s1;
	s17 =	simm.s32 $0x7800;
	[smem:$0x7F4] =	sst s16  }
0xe3: {  	s3 =	sadd.s32 $0x2400, s3;
	s18 =	simm.s32 $0x3880;
	[smem:$0x7F5] =	sst s17  }
0xe4: {  	s19 =	sshrl.u32 s1, $0x1;
	s20 =	simm.s32 $0x7880;
	[smem:$0x7F6] =	sst s18  }
0xe5: {  	s21 =	simm.s32 $0x3900;
	s22 =	simm.s32 $0x7900;
	[smem:$0x7F7] =	sst s20  }
0xe6: {  	s23 =	simm.s32 $0x3980;
	s24 =	simm.s32 $0x7980;
	[smem:$0x7F8] =	sst s21  }
0xe7: {  	s25 =	simm.s32 $0x6E80;
	s1 =	ssub.s32 s1, s19;
	[smem:$0x7F9] =	sst s22  }
0xe8: {  	s5 =	simm.s32 $0x80;
	s6 =	simm.s32 $0x400;
	[smem:$0x7FA] =	sst s23  }
0xe9: {  	s7 =	simm.s32 $0x2;
	[smem:$0x7FB] =	sst s24;
	s8 =	simm.s32 $0x4000  }
0xea: {  	s26 =	simm.s32 $0x7A00;
	s12 =	simm.s32 $0x7B00;
	s13 =	simm.s32 $0x3B80  }
0xeb: {  	s14 =	simm.s32 $0x7B80;
	s15 =	simm.s32 $0x3C00;
	s16 =	simm.s32 $0x7C00  }
0xec: {  	s17 =	simm.s32 $0x3C80;
	s18 =	simm.s32 $0x7C80;
	s19 =	simm.s32 $0x3D00  }
0xed: {  	s20 =	simm.s32 $0x7D00;
	s21 =	simm.s32 $0x3D80;
	s22 =	simm.s32 $0x7D80  }
0xee: {  	s23 =	simm.s32 $0x3E00;
	s24 =	simm.s32 $0x7E00;
	[smem:$0x7CF] =	sst s25  }
0xef: {  	s25 =	simm.s32 $0x3480;
	s4 =	smax.u32 s1, $0x1;
	[smem:$0x7FD] =	sst s26  }
0xf0: {  	s26 =	simm.s32 $0x7E80;
	[smem:$0x7E6] =	sst s25;
	s25 =	simm.s32 $0x3A00  }
0xf1: {  	s1 =	simm.s32 $0x1;
	[smem:$0x7FC] =	sst s25;
	s25 =	simm.s32 $0x3E80  }
.LBB2_1:
0xf2: {  	s0 =	rddreg [dreg:$0x2]  }
0xf3: {  	[tilespmem:s2], [sflag:$0x2] =	stream.strided.gather [hbm4b:s0+s5], $0x4000, s6, s5, $0x38;
	[tilespmem:$0x8000] =	vst v63  }
0xf4: {  	_ =	swait.ge [sflag:s7], $0x4000  }
0xf5: {  	s11 =	rddreg [dreg:$0x4]  }
0xf6: {  	[sflag:s7] =	ssyncset.done $0x0;
	s0 =	rddreg [dreg:$0x5]  }
0xf7: {  	s9 =	rddreg [dreg:$0x6];
	[sflag:s7] =	ssyncadd.s32 $0xFFFFC000  }
0xf8: {  	[tilespmem:s8], [sflag:$0x1] =	stream.indirect.gather [hbm4b:s3+s5], $0x1, s2, s5, $0xb8;
	[tilespmem:$0x8000] =	vst v63  }
0xf9: {  	s10 =	rddreg [dreg:$0x7]  }
0xfa: {  	[tilespmem:s11], [sflag:$0x1] =	stream.indirect.gather [hbm4b:s3+s5], $0x1, s5, s5, $0xb8;
	[tilespmem:$0x8000] =	vst v63  }
0xfb: {  	s11 =	rddreg [dreg:$0x8]  }
0xfc: {  	[tilespmem:s9], [sflag:$0x1] =	stream.indirect.gather [hbm4b:s3+s5], $0x1, s0, s5, $0xb8;
	[tilespmem:$0x8000] =	vst v63  }
0xfd: {  	s0 =	rddreg [dreg:$0x9]  }
0xfe: {  	s9 =	rddreg [dreg:$0xa]  }
0xff: {  	[tilespmem:s11], [sflag:$0x1] =	stream.indirect.gather [hbm4b:s3+s5], $0x1, s10, s5, $0xb8;
	[tilespmem:$0x8000] =	vst v63  }
0x100: {  	s10 =	rddreg [dreg:$0xb]  }
0x101: {  	s11 =	rddreg [dreg:$0xc]  }
0x102: {  	[tilespmem:s9], [sflag:$0x1] =	stream.indirect.gather [hbm4b:s3+s5], $0x1, s0, s5, $0xb8;
	[tilespmem:$0x8000] =	vst v63  }
0x103: {  	s0 =	rddreg [dreg:$0xd]  }
0x104: {  	s9 =	rddreg [dreg:$0xe]  }
0x105: {  	[tilespmem:s11], [sflag:$0x1] =	stream.indirect.gather [hbm4b:s3+s5], $0x1, s10, s5, $0xb8;
	[tilespmem:$0x8000] =	vst v63  }
0x106: {  	s10 =	rddreg [dreg:$0xf]  }
0x107: {  	s11 =	rddreg [dreg:$0x10]  }
0x108: {  	[tilespmem:s9], [sflag:$0x1] =	stream.indirect.gather [hbm4b:s3+s5], $0x1, s0, s5, $0xb8;
	[tilespmem:$0x8000] =	vst v63  }
0x109: {  	s9 =	rddreg [dreg:$0x11]  }
0x10a: {  	s0 =	rddreg [dreg:$0x12]  }
0x10b: {  	[tilespmem:s11], [sflag:$0x1] =	stream.indirect.gather [hbm4b:s3+s5], $0x1, s10, s5, $0xb8;
	[tilespmem:$0x8000] =	vst v63  }
0x10c: {  	s10 =	rddreg [dreg:$0x14]  }
0x10d: {  	s11 =	rddreg [dreg:$0x15]  }
0x10e: {  	[tilespmem:s9], [sflag:$0x1] =	stream.indirect.gather [hbm4b:s3+s5], $0x1, s6, s5, $0xb8;
	[tilespmem:$0x8000] =	vst v63  }
0x10f: {  	s9 =	rddreg [dreg:$0x13]  }
0x110: {  	[tilespmem:s9], [sflag:$0x1] =	stream.indirect.gather [hbm4b:s3+s5], $0x1, s0, s5, $0xb8;
	[tilespmem:$0x8000] =	vst v63  }
0x111: {  	s0 =	rddreg [dreg:$0x16]  }
0x112: {  	s9 =	rddreg [dreg:$0x17]  }
0x113: {  	[tilespmem:s11], [sflag:$0x1] =	stream.indirect.gather [hbm4b:s3+s5], $0x1, s10, s5, $0xb8;
	[tilespmem:$0x8000] =	vst v63  }
0x114: {  	s10 =	rddreg [dreg:$0x18]  }
0x115: {  	s11 =	rddreg [dreg:$0x19]  }
0x116: {  	[tilespmem:s9], [sflag:$0x1] =	stream.indirect.gather [hbm4b:s3+s5], $0x1, s0, s5, $0xb8;
	[tilespmem:$0x8000] =	vst v63  }
0x117: {  	s0 =	rddreg [dreg:$0x1a]  }
0x118: {  	s9 =	rddreg [dreg:$0x1b]  }
0x119: {  	[tilespmem:s11], [sflag:$0x1] =	stream.indirect.gather [hbm4b:s3+s5], $0x1, s10, s5, $0xb8;
	[tilespmem:$0x8000] =	vst v63  }
0x11a: {  	s10 =	rddreg [dreg:$0x1c]  }
0x11b: {  	s11 =	rddreg [dreg:$0x1d]  }
0x11c: {  	[tilespmem:s9], [sflag:$0x1] =	stream.indirect.gather [hbm4b:s3+s5], $0x1, s0, s5, $0xb8;
	[tilespmem:$0x8000] =	vst v63  }
0x11d: {  	s0 =	rddreg [dreg:$0x1e]  }
0x11e: {  	s9 =	rddreg [dreg:$0x1f]  }
0x11f: {  	[tilespmem:s11], [sflag:$0x1] =	stream.indirect.gather [hbm4b:s3+s5], $0x1, s10, s5, $0xb8;
	[tilespmem:$0x8000] =	vst v63  }
0x120: {  	s10 =	sld [smem:$0x734]  }
0x121: {  	s11 =	sld [smem:$0x735]  }
0x122: {  	[tilespmem:s9], [sflag:$0x1] =	stream.indirect.gather [hbm4b:s3+s5], $0x1, s0, s5, $0xb8;
	[tilespmem:$0x8000] =	vst v63  }
0x123: {  	s0 =	sld [smem:$0x736]  }
0x124: {  	s9 =	sld [smem:$0x737]  }
0x125: {  	[tilespmem:s11], [sflag:$0x1] =	stream.indirect.gather [hbm4b:s3+s5], $0x1, s10, s5, $0xb8;
	[tilespmem:$0x8000] =	vst v63  }
0x126: {  	s10 =	sld [smem:$0x738]  }
0x127: {  	s11 =	sld [smem:$0x739]  }
0x128: {  	[tilespmem:s9], [sflag:$0x1] =	stream.indirect.gather [hbm4b:s3+s5], $0x1, s0, s5, $0xb8;
	[tilespmem:$0x8000] =	vst v63  }
0x129: {  	s0 =	sld [smem:$0x73A]  }
0x12a: {  	s9 =	sld [smem:$0x73B]  }
0x12b: {  	[tilespmem:s11], [sflag:$0x1] =	stream.indirect.gather [hbm4b:s3+s5], $0x1, s10, s5, $0xb8;
	[tilespmem:$0x8000] =	vst v63  }
0x12c: {  	s10 =	sld [smem:$0x73C]  }
0x12d: {  	s11 =	sld [smem:$0x73D]  }
0x12e: {  	[tilespmem:s9], [sflag:$0x1] =	stream.indirect.gather [hbm4b:s3+s5], $0x1, s0, s5, $0xb8;
	[tilespmem:$0x8000] =	vst v63  }
0x12f: {  	s0 =	sld [smem:$0x73E]  }
0x130: {  	s9 =	sld [smem:$0x73F]  }
0x131: {  	[tilespmem:s11], [sflag:$0x1] =	stream.indirect.gather [hbm4b:s3+s5], $0x1, s10, s5, $0xb8;
	[tilespmem:$0x8000] =	vst v63  }
0x132: {  	s10 =	sld [smem:$0x740]  }
0x133: {  	s11 =	sld [smem:$0x741]  }
0x134: {  	[tilespmem:s9], [sflag:$0x1] =	stream.indirect.gather [hbm4b:s3+s5], $0x1, s0, s5, $0xb8;
	[tilespmem:$0x8000] =	vst v63  }
0x135: {  	s0 =	sld [smem:$0x742]  }
0x136: {  	s9 =	sld [smem:$0x743]  }
0x137: {  	[tilespmem:s11], [sflag:$0x1] =	stream.indirect.gather [hbm4b:s3+s5], $0x1, s10, s5, $0xb8;
	[tilespmem:$0x8000] =	vst v63  }
0x138: {  	s10 =	sld [smem:$0x744]  }
0x139: {  	s11 =	sld [smem:$0x745]  }
0x13a: {  	[tilespmem:s9], [sflag:$0x1] =	stream.indirect.gather [hbm4b:s3+s5], $0x1, s0, s5, $0xb8;
	[tilespmem:$0x8000] =	vst v63  }
0x13b: {  	s0 =	sld [smem:$0x746]  }
0x13c: {  	s9 =	sld [smem:$0x747]  }
0x13d: {  	[tilespmem:s11], [sflag:$0x1] =	stream.indirect.gather [hbm4b:s3+s5], $0x1, s10, s5, $0xb8;
	[tilespmem:$0x8000] =	vst v63  }
0x13e: {  	s10 =	sld [smem:$0x748]  }
0x13f: {  	s11 =	sld [smem:$0x749]  }
0x140: {  	[tilespmem:s9], [sflag:$0x1] =	stream.indirect.gather [hbm4b:s3+s5], $0x1, s0, s5, $0xb8;
	[tilespmem:$0x8000] =	vst v63  }
0x141: {  	s0 =	sld [smem:$0x74A]  }
0x142: {  	s9 =	sld [smem:$0x74B]  }
0x143: {  	[tilespmem:s11], [sflag:$0x1] =	stream.indirect.gather [hbm4b:s3+s5], $0x1, s10, s5, $0xb8;
	[tilespmem:$0x8000] =	vst v63  }
0x144: {  	s10 =	sld [smem:$0x74C]  }
0x145: {  	s11 =	sld [smem:$0x74D]  }
0x146: {  	[tilespmem:s9], [sflag:$0x1] =	stream.indirect.gather [hbm4b:s3+s5], $0x1, s0, s5, $0xb8;
	[tilespmem:$0x8000] =	vst v63  }
0x147: {  	s0 =	sld [smem:$0x74E]  }
0x148: {  	s9 =	sld [smem:$0x74F]  }
0x149: {  	[tilespmem:s11], [sflag:$0x1] =	stream.indirect.gather [hbm4b:s3+s5], $0x1, s10, s5, $0xb8;
	[tilespmem:$0x8000] =	vst v63  }
0x14a: {  	s10 =	sld [smem:$0x750]  }
0x14b: {  	s11 =	sld [smem:$0x751]  }
0x14c: {  	[tilespmem:s9], [sflag:$0x1] =	stream.indirect.gather [hbm4b:s3+s5], $0x1, s0, s5, $0xb8;
	[tilespmem:$0x8000] =	vst v63  }
0x14d: {  	s0 =	sld [smem:$0x752]  }
0x14e: {  	s9 =	sld [smem:$0x753]  }
0x14f: {  	[tilespmem:s11], [sflag:$0x1] =	stream.indirect.gather [hbm4b:s3+s5], $0x1, s10, s5, $0xb8;
	[tilespmem:$0x8000] =	vst v63  }
0x150: {  	s10 =	sld [smem:$0x754]  }
0x151: {  	s11 =	sld [smem:$0x755]  }
0x152: {  	[tilespmem:s9], [sflag:$0x1] =	stream.indirect.gather [hbm4b:s3+s5], $0x1, s0, s5, $0xb8;
	[tilespmem:$0x8000] =	vst v63  }
0x153: {  	s0 =	sld [smem:$0x756]  }
0x154: {  	s9 =	sld [smem:$0x757]  }
0x155: {  	[tilespmem:s11], [sflag:$0x1] =	stream.indirect.gather [hbm4b:s3+s5], $0x1, s10, s5, $0xb8;
	[tilespmem:$0x8000] =	vst v63  }
0x156: {  	s10 =	sld [smem:$0x758]  }
0x157: {  	s11 =	sld [smem:$0x759]  }
0x158: {  	[tilespmem:s9], [sflag:$0x1] =	stream.indirect.gather [hbm4b:s3+s5], $0x1, s0, s5, $0xb8;
	[tilespmem:$0x8000] =	vst v63  }
0x159: {  	s0 =	sld [smem:$0x75A]  }
0x15a: {  	s9 =	sld [smem:$0x75B]  }
0x15b: {  	[tilespmem:s11], [sflag:$0x1] =	stream.indirect.gather [hbm4b:s3+s5], $0x1, s10, s5, $0xb8;
	[tilespmem:$0x8000] =	vst v63  }
0x15c: {  	s10 =	sld [smem:$0x75C]  }
0x15d: {  	s11 =	sld [smem:$0x75D]  }
0x15e: {  	[tilespmem:s9], [sflag:$0x1] =	stream.indirect.gather [hbm4b:s3+s5], $0x1, s0, s5, $0xb8;
	[tilespmem:$0x8000] =	vst v63  }
0x15f: {  	s0 =	sld [smem:$0x75E]  }
0x160: {  	s9 =	sld [smem:$0x75F]  }
0x161: {  	[tilespmem:s11], [sflag:$0x1] =	stream.indirect.gather [hbm4b:s3+s5], $0x1, s10, s5, $0xb8;
	[tilespmem:$0x8000] =	vst v63  }
0x162: {  	s10 =	sld [smem:$0x760]  }
0x163: {  	s11 =	sld [smem:$0x761]  }
0x164: {  	[tilespmem:s9], [sflag:$0x1] =	stream.indirect.gather [hbm4b:s3+s5], $0x1, s0, s5, $0xb8;
	[tilespmem:$0x8000] =	vst v63  }
0x165: {  	s0 =	sld [smem:$0x762]  }
0x166: {  	s9 =	sld [smem:$0x763]  }
0x167: {  	[tilespmem:s11], [sflag:$0x1] =	stream.indirect.gather [hbm4b:s3+s5], $0x1, s10, s5, $0xb8;
	[tilespmem:$0x8000] =	vst v63  }
0x168: {  	s10 =	sld [smem:$0x764]  }
0x169: {  	s11 =	sld [smem:$0x765]  }
0x16a: {  	[tilespmem:s9], [sflag:$0x1] =	stream.indirect.gather [hbm4b:s3+s5], $0x1, s0, s5, $0xb8;
	[tilespmem:$0x8000] =	vst v63  }
0x16b: {  	_ = 	snop  }
0x16c: {  	[tilespmem:s11], [sflag:$0x1] =	stream.indirect.gather [hbm4b:s3+s5], $0x1, s10, s5, $0xb8;
	[tilespmem:$0x8000] =	vst v63  }
0x16d: {  	s0 =	sld [smem:$0x766]  }
0x16e: {  	s9 =	sld [smem:$0x767]  }
0x16f: {  	s10 =	sld [smem:$0x768]  }
0x170: {  	s11 =	sld [smem:$0x769]  }
0x171: {  	[tilespmem:s9], [sflag:$0x1] =	stream.indirect.gather [hbm4b:s3+s5], $0x1, s0, s5, $0xb8;
	[tilespmem:$0x8000] =	vst v63  }
0x172: {  	s0 =	sld [smem:$0x76A]  }
0x173: {  	s9 =	sld [smem:$0x76B]  }
0x174: {  	[tilespmem:s11], [sflag:$0x1] =	stream.indirect.gather [hbm4b:s3+s5], $0x1, s10, s5, $0xb8;
	[tilespmem:$0x8000] =	vst v63  }
0x175: {  	s10 =	sld [smem:$0x76C]  }
0x176: {  	s11 =	sld [smem:$0x76D]  }
0x177: {  	[tilespmem:s9], [sflag:$0x1] =	stream.indirect.gather [hbm4b:s3+s5], $0x1, s0, s5, $0xb8;
	[tilespmem:$0x8000] =	vst v63  }
0x178: {  	s0 =	sld [smem:$0x76E]  }
0x179: {  	s9 =	sld [smem:$0x76F]  }
0x17a: {  	[tilespmem:s11], [sflag:$0x1] =	stream.indirect.gather [hbm4b:s3+s5], $0x1, s10, s5, $0xb8;
	[tilespmem:$0x8000] =	vst v63  }
0x17b: {  	s10 =	sld [smem:$0x770]  }
0x17c: {  	s11 =	sld [smem:$0x771]  }
0x17d: {  	[tilespmem:s9], [sflag:$0x1] =	stream.indirect.gather [hbm4b:s3+s5], $0x1, s0, s5, $0xb8;
	[tilespmem:$0x8000] =	vst v63  }
0x17e: {  	s0 =	sld [smem:$0x772]  }
0x17f: {  	s9 =	sld [smem:$0x773]  }
0x180: {  	[tilespmem:s11], [sflag:$0x1] =	stream.indirect.gather [hbm4b:s3+s5], $0x1, s10, s5, $0xb8;
	[tilespmem:$0x8000] =	vst v63  }
0x181: {  	s10 =	sld [smem:$0x774]  }
0x182: {  	s11 =	sld [smem:$0x775]  }
0x183: {  	[tilespmem:s9], [sflag:$0x1] =	stream.indirect.gather [hbm4b:s3+s5], $0x1, s0, s5, $0xb8;
	[tilespmem:$0x8000] =	vst v63  }
0x184: {  	s0 =	sld [smem:$0x776]  }
0x185: {  	s9 =	sld [smem:$0x777]  }
0x186: {  	[tilespmem:s11], [sflag:$0x1] =	stream.indirect.gather [hbm4b:s3+s5], $0x1, s10, s5, $0xb8;
	[tilespmem:$0x8000] =	vst v63  }
0x187: {  	s10 =	sld [smem:$0x778]  }
0x188: {  	s11 =	sld [smem:$0x779]  }
0x189: {  	[tilespmem:s9], [sflag:$0x1] =	stream.indirect.gather [hbm4b:s3+s5], $0x1, s0, s5, $0xb8;
	[tilespmem:$0x8000] =	vst v63  }
0x18a: {  	s0 =	sld [smem:$0x77A]  }
0x18b: {  	s9 =	sld [smem:$0x77B]  }
0x18c: {  	[tilespmem:s11], [sflag:$0x1] =	stream.indirect.gather [hbm4b:s3+s5], $0x1, s10, s5, $0xb8;
	[tilespmem:$0x8000] =	vst v63  }
0x18d: {  	s10 =	sld [smem:$0x77C]  }
0x18e: {  	s11 =	sld [smem:$0x77D]  }
0x18f: {  	[tilespmem:s9], [sflag:$0x1] =	stream.indirect.gather [hbm4b:s3+s5], $0x1, s0, s5, $0xb8;
	[tilespmem:$0x8000] =	vst v63  }
0x190: {  	s0 =	sld [smem:$0x77E]  }
0x191: {  	s9 =	sld [smem:$0x77F]  }
0x192: {  	[tilespmem:s11], [sflag:$0x1] =	stream.indirect.gather [hbm4b:s3+s5], $0x1, s10, s5, $0xb8;
	[tilespmem:$0x8000] =	vst v63  }
0x193: {  	s10 =	sld [smem:$0x780]  }
0x194: {  	s11 =	sld [smem:$0x781]  }
0x195: {  	[tilespmem:s9], [sflag:$0x1] =	stream.indirect.gather [hbm4b:s3+s5], $0x1, s0, s5, $0xb8;
	[tilespmem:$0x8000] =	vst v63  }
0x196: {  	s0 =	sld [smem:$0x782]  }
0x197: {  	s9 =	sld [smem:$0x783]  }
0x198: {  	[tilespmem:s11], [sflag:$0x1] =	stream.indirect.gather [hbm4b:s3+s5], $0x1, s10, s5, $0xb8;
	[tilespmem:$0x8000] =	vst v63  }
0x199: {  	s10 =	sld [smem:$0x784]  }
0x19a: {  	s11 =	sld [smem:$0x785]  }
0x19b: {  	[tilespmem:s9], [sflag:$0x1] =	stream.indirect.gather [hbm4b:s3+s5], $0x1, s0, s5, $0xb8;
	[tilespmem:$0x8000] =	vst v63  }
0x19c: {  	s0 =	sld [smem:$0x786]  }
0x19d: {  	s9 =	sld [smem:$0x787]  }
0x19e: {  	[tilespmem:s11], [sflag:$0x1] =	stream.indirect.gather [hbm4b:s3+s5], $0x1, s10, s5, $0xb8;
	[tilespmem:$0x8000] =	vst v63  }
0x19f: {  	s10 =	sld [smem:$0x788]  }
0x1a0: {  	s11 =	sld [smem:$0x789]  }
0x1a1: {  	[tilespmem:s9], [sflag:$0x1] =	stream.indirect.gather [hbm4b:s3+s5], $0x1, s0, s5, $0xb8;
	[tilespmem:$0x8000] =	vst v63  }
0x1a2: {  	s0 =	sld [smem:$0x78A]  }
0x1a3: {  	s9 =	sld [smem:$0x78B]  }
0x1a4: {  	[tilespmem:s11], [sflag:$0x1] =	stream.indirect.gather [hbm4b:s3+s5], $0x1, s10, s5, $0xb8;
	[tilespmem:$0x8000] =	vst v63  }
0x1a5: {  	s10 =	sld [smem:$0x78C]  }
0x1a6: {  	s11 =	sld [smem:$0x78D]  }
0x1a7: {  	[tilespmem:s9], [sflag:$0x1] =	stream.indirect.gather [hbm4b:s3+s5], $0x1, s0, s5, $0xb8;
	[tilespmem:$0x8000] =	vst v63  }
0x1a8: {  	s0 =	sld [smem:$0x78E]  }
0x1a9: {  	s9 =	sld [smem:$0x78F]  }
0x1aa: {  	[tilespmem:s11], [sflag:$0x1] =	stream.indirect.gather [hbm4b:s3+s5], $0x1, s10, s5, $0xb8;
	[tilespmem:$0x8000] =	vst v63  }
0x1ab: {  	s10 =	sld [smem:$0x790]  }
0x1ac: {  	s11 =	sld [smem:$0x791]  }
0x1ad: {  	[tilespmem:s9], [sflag:$0x1] =	stream.indirect.gather [hbm4b:s3+s5], $0x1, s0, s5, $0xb8;
	[tilespmem:$0x8000] =	vst v63  }
0x1ae: {  	s0 =	sld [smem:$0x792]  }
0x1af: {  	s9 =	sld [smem:$0x793]  }
0x1b0: {  	[tilespmem:s11], [sflag:$0x1] =	stream.indirect.gather [hbm4b:s3+s5], $0x1, s10, s5, $0xb8;
	[tilespmem:$0x8000] =	vst v63  }
0x1b1: {  	s10 =	sld [smem:$0x794]  }
0x1b2: {  	s11 =	sld [smem:$0x795]  }
0x1b3: {  	[tilespmem:s9], [sflag:$0x1] =	stream.indirect.gather [hbm4b:s3+s5], $0x1, s0, s5, $0xb8;
	[tilespmem:$0x8000] =	vst v63  }
0x1b4: {  	s0 =	sld [smem:$0x796]  }
0x1b5: {  	s9 =	sld [smem:$0x797]  }
0x1b6: {  	[tilespmem:s11], [sflag:$0x1] =	stream.indirect.gather [hbm4b:s3+s5], $0x1, s10, s5, $0xb8;
	[tilespmem:$0x8000] =	vst v63  }
0x1b7: {  	s10 =	sld [smem:$0x798]  }
0x1b8: {  	s11 =	sld [smem:$0x799]  }
0x1b9: {  	[tilespmem:s9], [sflag:$0x1] =	stream.indirect.gather [hbm4b:s3+s5], $0x1, s0, s5, $0xb8;
	[tilespmem:$0x8000] =	vst v63  }
0x1ba: {  	s0 =	sld [smem:$0x79A]  }
0x1bb: {  	s9 =	sld [smem:$0x79B]  }
0x1bc: {  	[tilespmem:s11], [sflag:$0x1] =	stream.indirect.gather [hbm4b:s3+s5], $0x1, s10, s5, $0xb8;
	[tilespmem:$0x8000] =	vst v63  }
0x1bd: {  	s10 =	sld [smem:$0x79C]  }
0x1be: {  	s11 =	sld [smem:$0x79D]  }
0x1bf: {  	[tilespmem:s9], [sflag:$0x1] =	stream.indirect.gather [hbm4b:s3+s5], $0x1, s0, s5, $0xb8;
	[tilespmem:$0x8000] =	vst v63  }
0x1c0: {  	s0 =	sld [smem:$0x79E]  }
0x1c1: {  	s9 =	sld [smem:$0x79F]  }
0x1c2: {  	[tilespmem:s11], [sflag:$0x1] =	stream.indirect.gather [hbm4b:s3+s5], $0x1, s10, s5, $0xb8;
	[tilespmem:$0x8000] =	vst v63  }
0x1c3: {  	s10 =	sld [smem:$0x7A0]  }
0x1c4: {  	s11 =	sld [smem:$0x7A1]  }
0x1c5: {  	[tilespmem:s9], [sflag:$0x1] =	stream.indirect.gather [hbm4b:s3+s5], $0x1, s0, s5, $0xb8;
	[tilespmem:$0x8000] =	vst v63  }
0x1c6: {  	s0 =	sld [smem:$0x7A2]  }
0x1c7: {  	s9 =	sld [smem:$0x7A3]  }
0x1c8: {  	[tilespmem:s11], [sflag:$0x1] =	stream.indirect.gather [hbm4b:s3+s5], $0x1, s10, s5, $0xb8;
	[tilespmem:$0x8000] =	vst v63  }
0x1c9: {  	s10 =	sld [smem:$0x7A4]  }
0x1ca: {  	s11 =	sld [smem:$0x7A5]  }
0x1cb: {  	[tilespmem:s9], [sflag:$0x1] =	stream.indirect.gather [hbm4b:s3+s5], $0x1, s0, s5, $0xb8;
	[tilespmem:$0x8000] =	vst v63  }
0x1cc: {  	s0 =	sld [smem:$0x7A6]  }
0x1cd: {  	s9 =	sld [smem:$0x7A7]  }
0x1ce: {  	[tilespmem:s11], [sflag:$0x1] =	stream.indirect.gather [hbm4b:s3+s5], $0x1, s10, s5, $0xb8;
	[tilespmem:$0x8000] =	vst v63  }
0x1cf: {  	s10 =	sld [smem:$0x7A8]  }
0x1d0: {  	s11 =	sld [smem:$0x7A9]  }
0x1d1: {  	[tilespmem:s9], [sflag:$0x1] =	stream.indirect.gather [hbm4b:s3+s5], $0x1, s0, s5, $0xb8;
	[tilespmem:$0x8000] =	vst v63  }
0x1d2: {  	s0 =	sld [smem:$0x7AA]  }
0x1d3: {  	s9 =	sld [smem:$0x7AB]  }
0x1d4: {  	[tilespmem:s11], [sflag:$0x1] =	stream.indirect.gather [hbm4b:s3+s5], $0x1, s10, s5, $0xb8;
	[tilespmem:$0x8000] =	vst v63  }
0x1d5: {  	s10 =	sld [smem:$0x7AC]  }
0x1d6: {  	s11 =	sld [smem:$0x7AD]  }
0x1d7: {  	[tilespmem:s9], [sflag:$0x1] =	stream.indirect.gather [hbm4b:s3+s5], $0x1, s0, s5, $0xb8;
	[tilespmem:$0x8000] =	vst v63  }
0x1d8: {  	s0 =	sld [smem:$0x7AE]  }
0x1d9: {  	s9 =	sld [smem:$0x7AF]  }
0x1da: {  	[tilespmem:s11], [sflag:$0x1] =	stream.indirect.gather [hbm4b:s3+s5], $0x1, s10, s5, $0xb8;
	[tilespmem:$0x8000] =	vst v63  }
0x1db: {  	s10 =	sld [smem:$0x7B0]  }
0x1dc: {  	s11 =	sld [smem:$0x7B1]  }
0x1dd: {  	[tilespmem:s9], [sflag:$0x1] =	stream.indirect.gather [hbm4b:s3+s5], $0x1, s0, s5, $0xb8;
	[tilespmem:$0x8000] =	vst v63  }
0x1de: {  	s0 =	sld [smem:$0x7B2]  }
0x1df: {  	s9 =	sld [smem:$0x7B3]  }
0x1e0: {  	[tilespmem:s11], [sflag:$0x1] =	stream.indirect.gather [hbm4b:s3+s5], $0x1, s10, s5, $0xb8;
	[tilespmem:$0x8000] =	vst v63  }
0x1e1: {  	s10 =	sld [smem:$0x7B4]  }
0x1e2: {  	s11 =	sld [smem:$0x7B5]  }
0x1e3: {  	[tilespmem:s9], [sflag:$0x1] =	stream.indirect.gather [hbm4b:s3+s5], $0x1, s0, s5, $0xb8;
	[tilespmem:$0x8000] =	vst v63  }
0x1e4: {  	s0 =	sld [smem:$0x7B6]  }
0x1e5: {  	s9 =	sld [smem:$0x7B7]  }
0x1e6: {  	[tilespmem:s11], [sflag:$0x1] =	stream.indirect.gather [hbm4b:s3+s5], $0x1, s10, s5, $0xb8;
	[tilespmem:$0x8000] =	vst v63  }
0x1e7: {  	s10 =	sld [smem:$0x7B8]  }
0x1e8: {  	s11 =	sld [smem:$0x7B9]  }
0x1e9: {  	[tilespmem:s9], [sflag:$0x1] =	stream.indirect.gather [hbm4b:s3+s5], $0x1, s0, s5, $0xb8;
	[tilespmem:$0x8000] =	vst v63  }
0x1ea: {  	s0 =	sld [smem:$0x7BA]  }
0x1eb: {  	s9 =	sld [smem:$0x7BB]  }
0x1ec: {  	[tilespmem:s11], [sflag:$0x1] =	stream.indirect.gather [hbm4b:s3+s5], $0x1, s10, s5, $0xb8;
	[tilespmem:$0x8000] =	vst v63  }
0x1ed: {  	s10 =	sld [smem:$0x7BC]  }
0x1ee: {  	s11 =	sld [smem:$0x7BD]  }
0x1ef: {  	[tilespmem:s9], [sflag:$0x1] =	stream.indirect.gather [hbm4b:s3+s5], $0x1, s0, s5, $0xb8;
	[tilespmem:$0x8000] =	vst v63  }
0x1f0: {  	s0 =	sld [smem:$0x7BE]  }
0x1f1: {  	s9 =	sld [smem:$0x7BF]  }
0x1f2: {  	[tilespmem:s11], [sflag:$0x1] =	stream.indirect.gather [hbm4b:s3+s5], $0x1, s10, s5, $0xb8;
	[tilespmem:$0x8000] =	vst v63  }
0x1f3: {  	s10 =	sld [smem:$0x7C0]  }
0x1f4: {  	s11 =	sld [smem:$0x7C1]  }
0x1f5: {  	[tilespmem:s9], [sflag:$0x1] =	stream.indirect.gather [hbm4b:s3+s5], $0x1, s0, s5, $0xb8;
	[tilespmem:$0x8000] =	vst v63  }
0x1f6: {  	s0 =	sld [smem:$0x7C2]  }
0x1f7: {  	s9 =	sld [smem:$0x7C3]  }
0x1f8: {  	[tilespmem:s11], [sflag:$0x1] =	stream.indirect.gather [hbm4b:s3+s5], $0x1, s10, s5, $0xb8;
	[tilespmem:$0x8000] =	vst v63  }
0x1f9: {  	s10 =	sld [smem:$0x7C4]  }
0x1fa: {  	s11 =	sld [smem:$0x7C5]  }
0x1fb: {  	[tilespmem:s9], [sflag:$0x1] =	stream.indirect.gather [hbm4b:s3+s5], $0x1, s0, s5, $0xb8;
	[tilespmem:$0x8000] =	vst v63  }
0x1fc: {  	s0 =	sld [smem:$0x7C6]  }
0x1fd: {  	s9 =	sld [smem:$0x7C7]  }
0x1fe: {  	[tilespmem:s11], [sflag:$0x1] =	stream.indirect.gather [hbm4b:s3+s5], $0x1, s10, s5, $0xb8;
	[tilespmem:$0x8000] =	vst v63  }
0x1ff: {  	s10 =	sld [smem:$0x7C8]  }
0x200: {  	s11 =	sld [smem:$0x7C9]  }
0x201: {  	[tilespmem:s9], [sflag:$0x1] =	stream.indirect.gather [hbm4b:s3+s5], $0x1, s0, s5, $0xb8;
	[tilespmem:$0x8000] =	vst v63  }
0x202: {  	s0 =	sld [smem:$0x7CA]  }
0x203: {  	s9 =	sld [smem:$0x7CB]  }
0x204: {  	[tilespmem:s11], [sflag:$0x1] =	stream.indirect.gather [hbm4b:s3+s5], $0x1, s10, s5, $0xb8;
	[tilespmem:$0x8000] =	vst v63  }
0x205: {  	s10 =	sld [smem:$0x7CC]  }
0x206: {  	s11 =	sld [smem:$0x7CD]  }
0x207: {  	[tilespmem:s9], [sflag:$0x1] =	stream.indirect.gather [hbm4b:s3+s5], $0x1, s0, s5, $0xb8;
	[tilespmem:$0x8000] =	vst v63  }
0x208: {  	s0 =	sld [smem:$0x7CE]  }
0x209: {  	s9 =	sld [smem:$0x7CF]  }
0x20a: {  	[tilespmem:s11], [sflag:$0x1] =	stream.indirect.gather [hbm4b:s3+s5], $0x1, s10, s5, $0xb8;
	[tilespmem:$0x8000] =	vst v63  }
0x20b: {  	s10 =	sld [smem:$0x7D0]  }
0x20c: {  	s11 =	sld [smem:$0x7D1]  }
0x20d: {  	[tilespmem:s9], [sflag:$0x1] =	stream.indirect.gather [hbm4b:s3+s5], $0x1, s0, s5, $0xb8;
	[tilespmem:$0x8000] =	vst v63  }
0x20e: {  	s0 =	sld [smem:$0x7D2]  }
0x20f: {  	s9 =	sld [smem:$0x7D3]  }
0x210: {  	[tilespmem:s11], [sflag:$0x1] =	stream.indirect.gather [hbm4b:s3+s5], $0x1, s10, s5, $0xb8;
	[tilespmem:$0x8000] =	vst v63  }
0x211: {  	s10 =	sld [smem:$0x7D4]  }
0x212: {  	s11 =	sld [smem:$0x7D5]  }
0x213: {  	[tilespmem:s9], [sflag:$0x1] =	stream.indirect.gather [hbm4b:s3+s5], $0x1, s0, s5, $0xb8;
	[tilespmem:$0x8000] =	vst v63  }
0x214: {  	s0 =	sld [smem:$0x7D6]  }
0x215: {  	s9 =	sld [smem:$0x7D7]  }
0x216: {  	[tilespmem:s11], [sflag:$0x1] =	stream.indirect.gather [hbm4b:s3+s5], $0x1, s10, s5, $0xb8;
	[tilespmem:$0x8000] =	vst v63  }
0x217: {  	s10 =	sld [smem:$0x7D8]  }
0x218: {  	s11 =	sld [smem:$0x7D9]  }
0x219: {  	[tilespmem:s9], [sflag:$0x1] =	stream.indirect.gather [hbm4b:s3+s5], $0x1, s0, s5, $0xb8;
	[tilespmem:$0x8000] =	vst v63  }
0x21a: {  	s0 =	sld [smem:$0x7DA]  }
0x21b: {  	s9 =	sld [smem:$0x7DB]  }
0x21c: {  	[tilespmem:s11], [sflag:$0x1] =	stream.indirect.gather [hbm4b:s3+s5], $0x1, s10, s5, $0xb8;
	[tilespmem:$0x8000] =	vst v63  }
0x21d: {  	s10 =	sld [smem:$0x7DC]  }
0x21e: {  	s11 =	sld [smem:$0x7DD]  }
0x21f: {  	[tilespmem:s9], [sflag:$0x1] =	stream.indirect.gather [hbm4b:s3+s5], $0x1, s0, s5, $0xb8;
	[tilespmem:$0x8000] =	vst v63  }
0x220: {  	s0 =	sld [smem:$0x7DE]  }
0x221: {  	s9 =	sld [smem:$0x7DF]  }
0x222: {  	[tilespmem:s11], [sflag:$0x1] =	stream.indirect.gather [hbm4b:s3+s5], $0x1, s10, s5, $0xb8;
	[tilespmem:$0x8000] =	vst v63  }
0x223: {  	s10 =	sld [smem:$0x7E0]  }
0x224: {  	s11 =	sld [smem:$0x7E1]  }
0x225: {  	[tilespmem:s9], [sflag:$0x1] =	stream.indirect.gather [hbm4b:s3+s5], $0x1, s0, s5, $0xb8;
	[tilespmem:$0x8000] =	vst v63  }
0x226: {  	s0 =	sld [smem:$0x7E2]  }
0x227: {  	s9 =	sld [smem:$0x7E3]  }
0x228: {  	[tilespmem:s11], [sflag:$0x1] =	stream.indirect.gather [hbm4b:s3+s5], $0x1, s10, s5, $0xb8;
	[tilespmem:$0x8000] =	vst v63  }
0x229: {  	s10 =	sld [smem:$0x7E4]  }
0x22a: {  	s11 =	sld [smem:$0x7E5]  }
0x22b: {  	[tilespmem:s9], [sflag:$0x1] =	stream.indirect.gather [hbm4b:s3+s5], $0x1, s0, s5, $0xb8;
	[tilespmem:$0x8000] =	vst v63  }
0x22c: {  	s0 =	sld [smem:$0x7E6]  }
0x22d: {  	s9 =	sld [smem:$0x7E7]  }
0x22e: {  	[tilespmem:s11], [sflag:$0x1] =	stream.indirect.gather [hbm4b:s3+s5], $0x1, s10, s5, $0xb8;
	[tilespmem:$0x8000] =	vst v63  }
0x22f: {  	s10 =	sld [smem:$0x7E8]  }
0x230: {  	s11 =	sld [smem:$0x7E9]  }
0x231: {  	[tilespmem:s9], [sflag:$0x1] =	stream.indirect.gather [hbm4b:s3+s5], $0x1, s0, s5, $0xb8;
	[tilespmem:$0x8000] =	vst v63  }
0x232: {  	s0 =	sld [smem:$0x7EA]  }
0x233: {  	s9 =	sld [smem:$0x7EB]  }
0x234: {  	[tilespmem:s11], [sflag:$0x1] =	stream.indirect.gather [hbm4b:s3+s5], $0x1, s10, s5, $0xb8;
	[tilespmem:$0x8000] =	vst v63  }
0x235: {  	s10 =	sld [smem:$0x7EC]  }
0x236: {  	s11 =	sld [smem:$0x7ED]  }
0x237: {  	[tilespmem:s9], [sflag:$0x1] =	stream.indirect.gather [hbm4b:s3+s5], $0x1, s0, s5, $0xb8;
	[tilespmem:$0x8000] =	vst v63  }
0x238: {  	s0 =	sld [smem:$0x7EE]  }
0x239: {  	s9 =	sld [smem:$0x7EF]  }
0x23a: {  	[tilespmem:s11], [sflag:$0x1] =	stream.indirect.gather [hbm4b:s3+s5], $0x1, s10, s5, $0xb8;
	[tilespmem:$0x8000] =	vst v63  }
0x23b: {  	s10 =	sld [smem:$0x7F0]  }
0x23c: {  	s11 =	sld [smem:$0x7F1]  }
0x23d: {  	[tilespmem:s9], [sflag:$0x1] =	stream.indirect.gather [hbm4b:s3+s5], $0x1, s0, s5, $0xb8;
	[tilespmem:$0x8000] =	vst v63  }
0x23e: {  	s0 =	sld [smem:$0x7F2]  }
0x23f: {  	s9 =	sld [smem:$0x7F3]  }
0x240: {  	[tilespmem:s11], [sflag:$0x1] =	stream.indirect.gather [hbm4b:s3+s5], $0x1, s10, s5, $0xb8;
	[tilespmem:$0x8000] =	vst v63  }
0x241: {  	s10 =	sld [smem:$0x7F4]  }
0x242: {  	s11 =	sld [smem:$0x7F5]  }
0x243: {  	[tilespmem:s9], [sflag:$0x1] =	stream.indirect.gather [hbm4b:s3+s5], $0x1, s0, s5, $0xb8;
	[tilespmem:$0x8000] =	vst v63  }
0x244: {  	s0 =	sld [smem:$0x7F6]  }
0x245: {  	s9 =	sld [smem:$0x7F7]  }
0x246: {  	[tilespmem:s11], [sflag:$0x1] =	stream.indirect.gather [hbm4b:s3+s5], $0x1, s10, s5, $0xb8;
	[tilespmem:$0x8000] =	vst v63  }
0x247: {  	s10 =	sld [smem:$0x7F8]  }
0x248: {  	s11 =	sld [smem:$0x7F9]  }
0x249: {  	[tilespmem:s9], [sflag:$0x1] =	stream.indirect.gather [hbm4b:s3+s5], $0x1, s0, s5, $0xb8;
	[tilespmem:$0x8000] =	vst v63  }
0x24a: {  	s0 =	sld [smem:$0x7FA]  }
0x24b: {  	s9 =	sld [smem:$0x7FB]  }
0x24c: {  	[tilespmem:s11], [sflag:$0x1] =	stream.indirect.gather [hbm4b:s3+s5], $0x1, s10, s5, $0xb8;
	[tilespmem:$0x8000] =	vst v63  }
0x24d: {  	s10 =	sld [smem:$0x7FC]  }
0x24e: {  	s11 =	sld [smem:$0x7FD]  }
0x24f: {  	[tilespmem:s9], [sflag:$0x1] =	stream.indirect.gather [hbm4b:s3+s5], $0x1, s0, s5, $0xb8;
	[tilespmem:$0x8000] =	vst v63  }
0x250: {  	_ = 	snop  }
0x251: {  	[tilespmem:s11], [sflag:$0x1] =	stream.indirect.gather [hbm4b:s3+s5], $0x1, s10, s5, $0xb8;
	[tilespmem:$0x8000] =	vst v63  }
0x252: {  	s10 =	simm.s32 $0x3A80;
	s11 =	simm.s32 $0x7A80  }
0x253: {  	[tilespmem:s11], [sflag:$0x1] =	stream.indirect.gather [hbm4b:s3+s5], $0x1, s10, s5, $0xb8;
	[tilespmem:$0x8000] =	vst v63  }
0x254: {  	s10 =	simm.s32 $0x3B00  }
0x255: {  	[tilespmem:s12], [sflag:$0x1] =	stream.indirect.gather [hbm4b:s3+s5], $0x1, s10, s5, $0xb8;
	[tilespmem:$0x8000] =	vst v63  }
0x256: {  	_ = 	snop  }
0x257: {  	[tilespmem:s14], [sflag:$0x1] =	stream.indirect.gather [hbm4b:s3+s5], $0x1, s13, s5, $0xb8;
	[tilespmem:$0x8000] =	vst v63  }
0x258: {  	_ = 	snop  }
0x259: {  	[tilespmem:s16], [sflag:$0x1] =	stream.indirect.gather [hbm4b:s3+s5], $0x1, s15, s5, $0xb8;
	[tilespmem:$0x8000] =	vst v63  }
0x25a: {  	_ = 	snop  }
0x25b: {  	[tilespmem:s18], [sflag:$0x1] =	stream.indirect.gather [hbm4b:s3+s5], $0x1, s17, s5, $0xb8;
	[tilespmem:$0x8000] =	vst v63  }
0x25c: {  	_ = 	snop  }
0x25d: {  	[tilespmem:s20], [sflag:$0x1] =	stream.indirect.gather [hbm4b:s3+s5], $0x1, s19, s5, $0xb8;
	[tilespmem:$0x8000] =	vst v63  }
0x25e: {  	_ = 	snop  }
0x25f: {  	[tilespmem:s22], [sflag:$0x1] =	stream.indirect.gather [hbm4b:s3+s5], $0x1, s21, s5, $0xb8;
	[tilespmem:$0x8000] =	vst v63  }
0x260: {  	_ = 	snop  }
0x261: {  	[tilespmem:s24], [sflag:$0x1] =	stream.indirect.gather [hbm4b:s3+s5], $0x1, s23, s5, $0xb8;
	[tilespmem:$0x8000] =	vst v63  }
0x262: {  	_ = 	snop  }
0x263: {  	[tilespmem:s26], [sflag:$0x1] =	stream.indirect.gather [hbm4b:s3+s5], $0x1, s25, s5, $0xb8;
	[tilespmem:$0x8000] =	vst v63  }
0x264: {  	_ = 	snop  }
0x265: {  	[tilespmem:s29], [sflag:$0x1] =	stream.indirect.gather [hbm4b:s3+s5], $0x1, s28, s5, $0xb8;
	[tilespmem:$0x8000] =	vst v63  }
0x266: {  	_ = 	snop  }
0x267: {  	[tilespmem:s31], [sflag:$0x1] =	stream.indirect.gather [hbm4b:s3+s5], $0x1, s30, s5, $0xb8;
	[tilespmem:$0x8000] =	vst v63  }
0x268: {  	_ =	swait.ge [sflag:s1], $0x80  }
0x269: {  	[sflag:s1] =	ssyncset.done $0x0  }
0x26a: {  	[sflag:s1] =	ssyncadd.s32 $0xFFFFFF80  }
0x26b: {  	_ =	swait.ge [sflag:s1], $0x80  }
0x26c: {  	[sflag:s1] =	ssyncset.done $0x0  }
0x26d: {  	[sflag:s1] =	ssyncadd.s32 $0xFFFFFF80  }
0x26e: {  	_ =	swait.ge [sflag:s1], $0x80  }
0x26f: {  	[sflag:s1] =	ssyncset.done $0x0  }
0x270: {  	[sflag:s1] =	ssyncadd.s32 $0xFFFFFF80  }
0x271: {  	_ =	swait.ge [sflag:s1], $0x80  }
0x272: {  	[sflag:s1] =	ssyncset.done $0x0  }
0x273: {  	[sflag:s1] =	ssyncadd.s32 $0xFFFFFF80  }
0x274: {  	_ =	swait.ge [sflag:s1], $0x80  }
0x275: {  	[sflag:s1] =	ssyncset.done $0x0  }
0x276: {  	[sflag:s1] =	ssyncadd.s32 $0xFFFFFF80  }
0x277: {  	_ =	swait.ge [sflag:s1], $0x80  }
0x278: {  	[sflag:s1] =	ssyncset.done $0x0  }
0x279: {  	[sflag:s1] =	ssyncadd.s32 $0xFFFFFF80  }
0x27a: {  	_ =	swait.ge [sflag:s1], $0x80  }
0x27b: {  	[sflag:s1] =	ssyncset.done $0x0  }
0x27c: {  	[sflag:s1] =	ssyncadd.s32 $0xFFFFFF80  }
0x27d: {  	_ =	swait.ge [sflag:s1], $0x80  }
0x27e: {  	[sflag:s1] =	ssyncset.done $0x0  }
0x27f: {  	[sflag:s1] =	ssyncadd.s32 $0xFFFFFF80  }
0x280: {  	_ =	swait.ge [sflag:s1], $0x80  }
0x281: {  	[sflag:s1] =	ssyncset.done $0x0  }
0x282: {  	[sflag:s1] =	ssyncadd.s32 $0xFFFFFF80  }
0x283: {  	_ =	swait.ge [sflag:s1], $0x80  }
0x284: {  	[sflag:s1] =	ssyncset.done $0x0  }
0x285: {  	[sflag:s1] =	ssyncadd.s32 $0xFFFFFF80  }
0x286: {  	_ =	swait.ge [sflag:s1], $0x80  }
0x287: {  	[sflag:s1] =	ssyncset.done $0x0  }
0x288: {  	[sflag:s1] =	ssyncadd.s32 $0xFFFFFF80  }
0x289: {  	_ =	swait.ge [sflag:s1], $0x80  }
0x28a: {  	[sflag:s1] =	ssyncset.done $0x0  }
0x28b: {  	[sflag:s1] =	ssyncadd.s32 $0xFFFFFF80  }
0x28c: {  	_ =	swait.ge [sflag:s1], $0x80  }
0x28d: {  	[sflag:s1] =	ssyncset.done $0x0  }
0x28e: {  	[sflag:s1] =	ssyncadd.s32 $0xFFFFFF80  }
0x28f: {  	_ =	swait.ge [sflag:s1], $0x80  }
0x290: {  	[sflag:s1] =	ssyncset.done $0x0  }
0x291: {  	[sflag:s1] =	ssyncadd.s32 $0xFFFFFF80  }
0x292: {  	_ =	swait.ge [sflag:s1], $0x80  }
0x293: {  	[sflag:s1] =	ssyncset.done $0x0  }
0x294: {  	[sflag:s1] =	ssyncadd.s32 $0xFFFFFF80  }
0x295: {  	_ =	swait.ge [sflag:s1], $0x80  }
0x296: {  	[sflag:s1] =	ssyncset.done $0x0  }
0x297: {  	[sflag:s1] =	ssyncadd.s32 $0xFFFFFF80  }
0x298: {  	_ =	swait.ge [sflag:s1], $0x80  }
0x299: {  	[sflag:s1] =	ssyncset.done $0x0  }
0x29a: {  	[sflag:s1] =	ssyncadd.s32 $0xFFFFFF80  }
0x29b: {  	_ =	swait.ge [sflag:s1], $0x80  }
0x29c: {  	[sflag:s1] =	ssyncset.done $0x0  }
0x29d: {  	[sflag:s1] =	ssyncadd.s32 $0xFFFFFF80  }
0x29e: {  	_ =	swait.ge [sflag:s1], $0x80  }
0x29f: {  	[sflag:s1] =	ssyncset.done $0x0  }
0x2a0: {  	[sflag:s1] =	ssyncadd.s32 $0xFFFFFF80  }
0x2a1: {  	_ =	swait.ge [sflag:s1], $0x80  }
0x2a2: {  	[sflag:s1] =	ssyncset.done $0x0  }
0x2a3: {  	[sflag:s1] =	ssyncadd.s32 $0xFFFFFF80  }
0x2a4: {  	_ =	swait.ge [sflag:s1], $0x80  }
0x2a5: {  	[sflag:s1] =	ssyncset.done $0x0  }
0x2a6: {  	[sflag:s1] =	ssyncadd.s32 $0xFFFFFF80  }
0x2a7: {  	_ =	swait.ge [sflag:s1], $0x80  }
0x2a8: {  	[sflag:s1] =	ssyncset.done $0x0  }
0x2a9: {  	[sflag:s1] =	ssyncadd.s32 $0xFFFFFF80  }
0x2aa: {  	_ =	swait.ge [sflag:s1], $0x80  }
0x2ab: {  	[sflag:s1] =	ssyncset.done $0x0  }
0x2ac: {  	[sflag:s1] =	ssyncadd.s32 $0xFFFFFF80  }
0x2ad: {  	_ =	swait.ge [sflag:s1], $0x80  }
0x2ae: {  	[sflag:s1] =	ssyncset.done $0x0  }
0x2af: {  	[sflag:s1] =	ssyncadd.s32 $0xFFFFFF80  }
0x2b0: {  	_ =	swait.ge [sflag:s1], $0x80  }
0x2b1: {  	[sflag:s1] =	ssyncset.done $0x0  }
0x2b2: {  	[sflag:s1] =	ssyncadd.s32 $0xFFFFFF80  }
0x2b3: {  	_ =	swait.ge [sflag:s1], $0x80  }
0x2b4: {  	[sflag:s1] =	ssyncset.done $0x0  }
0x2b5: {  	[sflag:s1] =	ssyncadd.s32 $0xFFFFFF80  }
0x2b6: {  	_ =	swait.ge [sflag:s1], $0x80  }
0x2b7: {  	[sflag:s1] =	ssyncset.done $0x0  }
0x2b8: {  	[sflag:s1] =	ssyncadd.s32 $0xFFFFFF80  }
0x2b9: {  	_ =	swait.ge [sflag:s1], $0x80  }
0x2ba: {  	[sflag:s1] =	ssyncset.done $0x0  }
0x2bb: {  	[sflag:s1] =	ssyncadd.s32 $0xFFFFFF80  }
0x2bc: {  	_ =	swait.ge [sflag:s1], $0x80  }
0x2bd: {  	[sflag:s1] =	ssyncset.done $0x0  }
0x2be: {  	[sflag:s1] =	ssyncadd.s32 $0xFFFFFF80  }
0x2bf: {  	_ =	swait.ge [sflag:s1], $0x80  }
0x2c0: {  	[sflag:s1] =	ssyncset.done $0x0  }
0x2c1: {  	[sflag:s1] =	ssyncadd.s32 $0xFFFFFF80  }
0x2c2: {  	_ =	swait.ge [sflag:s1], $0x80  }
0x2c3: {  	[sflag:s1] =	ssyncset.done $0x0  }
0x2c4: {  	[sflag:s1] =	ssyncadd.s32 $0xFFFFFF80  }
0x2c5: {  	_ =	swait.ge [sflag:s1], $0x80  }
0x2c6: {  	[sflag:s1] =	ssyncset.done $0x0  }
0x2c7: {  	[sflag:s1] =	ssyncadd.s32 $0xFFFFFF80  }
0x2c8: {  	_ =	swait.ge [sflag:s1], $0x80  }
0x2c9: {  	[sflag:s1] =	ssyncset.done $0x0  }
0x2ca: {  	[sflag:s1] =	ssyncadd.s32 $0xFFFFFF80  }
0x2cb: {  	_ =	swait.ge [sflag:s1], $0x80  }
0x2cc: {  	[sflag:s1] =	ssyncset.done $0x0  }
0x2cd: {  	[sflag:s1] =	ssyncadd.s32 $0xFFFFFF80  }
0x2ce: {  	_ =	swait.ge [sflag:s1], $0x80  }
0x2cf: {  	[sflag:s1] =	ssyncset.done $0x0  }
0x2d0: {  	[sflag:s1] =	ssyncadd.s32 $0xFFFFFF80  }
0x2d1: {  	_ =	swait.ge [sflag:s1], $0x80  }
0x2d2: {  	[sflag:s1] =	ssyncset.done $0x0  }
0x2d3: {  	[sflag:s1] =	ssyncadd.s32 $0xFFFFFF80  }
0x2d4: {  	_ =	swait.ge [sflag:s1], $0x80  }
0x2d5: {  	[sflag:s1] =	ssyncset.done $0x0  }
0x2d6: {  	[sflag:s1] =	ssyncadd.s32 $0xFFFFFF80  }
0x2d7: {  	_ =	swait.ge [sflag:s1], $0x80  }
0x2d8: {  	[sflag:s1] =	ssyncset.done $0x0  }
0x2d9: {  	[sflag:s1] =	ssyncadd.s32 $0xFFFFFF80  }
0x2da: {  	_ =	swait.ge [sflag:s1], $0x80  }
0x2db: {  	[sflag:s1] =	ssyncset.done $0x0  }
0x2dc: {  	[sflag:s1] =	ssyncadd.s32 $0xFFFFFF80  }
0x2dd: {  	_ =	swait.ge [sflag:s1], $0x80  }
0x2de: {  	[sflag:s1] =	ssyncset.done $0x0  }
0x2df: {  	[sflag:s1] =	ssyncadd.s32 $0xFFFFFF80  }
0x2e0: {  	_ =	swait.ge [sflag:s1], $0x80  }
0x2e1: {  	[sflag:s1] =	ssyncset.done $0x0  }
0x2e2: {  	[sflag:s1] =	ssyncadd.s32 $0xFFFFFF80  }
0x2e3: {  	_ =	swait.ge [sflag:s1], $0x80  }
0x2e4: {  	[sflag:s1] =	ssyncset.done $0x0  }
0x2e5: {  	[sflag:s1] =	ssyncadd.s32 $0xFFFFFF80  }
0x2e6: {  	_ =	swait.ge [sflag:s1], $0x80  }
0x2e7: {  	[sflag:s1] =	ssyncset.done $0x0  }
0x2e8: {  	[sflag:s1] =	ssyncadd.s32 $0xFFFFFF80  }
0x2e9: {  	_ =	swait.ge [sflag:s1], $0x80  }
0x2ea: {  	[sflag:s1] =	ssyncset.done $0x0  }
0x2eb: {  	[sflag:s1] =	ssyncadd.s32 $0xFFFFFF80  }
0x2ec: {  	_ =	swait.ge [sflag:s1], $0x80  }
0x2ed: {  	[sflag:s1] =	ssyncset.done $0x0  }
0x2ee: {  	[sflag:s1] =	ssyncadd.s32 $0xFFFFFF80  }
0x2ef: {  	_ =	swait.ge [sflag:s1], $0x80  }
0x2f0: {  	[sflag:s1] =	ssyncset.done $0x0  }
0x2f1: {  	[sflag:s1] =	ssyncadd.s32 $0xFFFFFF80  }
0x2f2: {  	_ =	swait.ge [sflag:s1], $0x80  }
0x2f3: {  	[sflag:s1] =	ssyncset.done $0x0  }
0x2f4: {  	[sflag:s1] =	ssyncadd.s32 $0xFFFFFF80  }
0x2f5: {  	_ =	swait.ge [sflag:s1], $0x80  }
0x2f6: {  	[sflag:s1] =	ssyncset.done $0x0  }
0x2f7: {  	[sflag:s1] =	ssyncadd.s32 $0xFFFFFF80  }
0x2f8: {  	_ =	swait.ge [sflag:s1], $0x80  }
0x2f9: {  	[sflag:s1] =	ssyncset.done $0x0  }
0x2fa: {  	[sflag:s1] =	ssyncadd.s32 $0xFFFFFF80  }
0x2fb: {  	_ =	swait.ge [sflag:s1], $0x80  }
0x2fc: {  	[sflag:s1] =	ssyncset.done $0x0  }
0x2fd: {  	[sflag:s1] =	ssyncadd.s32 $0xFFFFFF80  }
0x2fe: {  	_ =	swait.ge [sflag:s1], $0x80  }
0x2ff: {  	[sflag:s1] =	ssyncset.done $0x0  }
0x300: {  	[sflag:s1] =	ssyncadd.s32 $0xFFFFFF80  }
0x301: {  	_ =	swait.ge [sflag:s1], $0x80  }
0x302: {  	[sflag:s1] =	ssyncset.done $0x0  }
0x303: {  	[sflag:s1] =	ssyncadd.s32 $0xFFFFFF80  }
0x304: {  	_ =	swait.ge [sflag:s1], $0x80  }
0x305: {  	[sflag:s1] =	ssyncset.done $0x0  }
0x306: {  	[sflag:s1] =	ssyncadd.s32 $0xFFFFFF80  }
0x307: {  	_ =	swait.ge [sflag:s1], $0x80  }
0x308: {  	[sflag:s1] =	ssyncset.done $0x0  }
0x309: {  	[sflag:s1] =	ssyncadd.s32 $0xFFFFFF80  }
0x30a: {  	_ =	swait.ge [sflag:s1], $0x80  }
0x30b: {  	[sflag:s1] =	ssyncset.done $0x0  }
0x30c: {  	[sflag:s1] =	ssyncadd.s32 $0xFFFFFF80  }
0x30d: {  	_ =	swait.ge [sflag:s1], $0x80  }
0x30e: {  	[sflag:s1] =	ssyncset.done $0x0  }
0x30f: {  	[sflag:s1] =	ssyncadd.s32 $0xFFFFFF80  }
0x310: {  	_ =	swait.ge [sflag:s1], $0x80  }
0x311: {  	[sflag:s1] =	ssyncset.done $0x0  }
0x312: {  	[sflag:s1] =	ssyncadd.s32 $0xFFFFFF80  }
0x313: {  	_ =	swait.ge [sflag:s1], $0x80  }
0x314: {  	[sflag:s1] =	ssyncset.done $0x0  }
0x315: {  	[sflag:s1] =	ssyncadd.s32 $0xFFFFFF80  }
0x316: {  	_ =	swait.ge [sflag:s1], $0x80  }
0x317: {  	[sflag:s1] =	ssyncset.done $0x0  }
0x318: {  	[sflag:s1] =	ssyncadd.s32 $0xFFFFFF80  }
0x319: {  	_ =	swait.ge [sflag:s1], $0x80  }
0x31a: {  	[sflag:s1] =	ssyncset.done $0x0  }
0x31b: {  	[sflag:s1] =	ssyncadd.s32 $0xFFFFFF80  }
0x31c: {  	_ =	swait.ge [sflag:s1], $0x80  }
0x31d: {  	[sflag:s1] =	ssyncset.done $0x0  }
0x31e: {  	[sflag:s1] =	ssyncadd.s32 $0xFFFFFF80  }
0x31f: {  	_ =	swait.ge [sflag:s1], $0x80  }
0x320: {  	[sflag:s1] =	ssyncset.done $0x0  }
0x321: {  	[sflag:s1] =	ssyncadd.s32 $0xFFFFFF80  }
0x322: {  	_ =	swait.ge [sflag:s1], $0x80  }
0x323: {  	[sflag:s1] =	ssyncset.done $0x0  }
0x324: {  	[sflag:s1] =	ssyncadd.s32 $0xFFFFFF80  }
0x325: {  	_ =	swait.ge [sflag:s1], $0x80  }
0x326: {  	[sflag:s1] =	ssyncset.done $0x0  }
0x327: {  	[sflag:s1] =	ssyncadd.s32 $0xFFFFFF80  }
0x328: {  	_ =	swait.ge [sflag:s1], $0x80  }
0x329: {  	[sflag:s1] =	ssyncset.done $0x0  }
0x32a: {  	[sflag:s1] =	ssyncadd.s32 $0xFFFFFF80  }
0x32b: {  	_ =	swait.ge [sflag:s1], $0x80  }
0x32c: {  	[sflag:s1] =	ssyncset.done $0x0  }
0x32d: {  	[sflag:s1] =	ssyncadd.s32 $0xFFFFFF80  }
0x32e: {  	_ =	swait.ge [sflag:s1], $0x80  }
0x32f: {  	[sflag:s1] =	ssyncset.done $0x0  }
0x330: {  	[sflag:s1] =	ssyncadd.s32 $0xFFFFFF80  }
0x331: {  	_ =	swait.ge [sflag:s1], $0x80  }
0x332: {  	[sflag:s1] =	ssyncset.done $0x0  }
0x333: {  	[sflag:s1] =	ssyncadd.s32 $0xFFFFFF80  }
0x334: {  	_ =	swait.ge [sflag:s1], $0x80  }
0x335: {  	[sflag:s1] =	ssyncset.done $0x0  }
0x336: {  	[sflag:s1] =	ssyncadd.s32 $0xFFFFFF80  }
0x337: {  	_ =	swait.ge [sflag:s1], $0x80  }
0x338: {  	[sflag:s1] =	ssyncset.done $0x0  }
0x339: {  	[sflag:s1] =	ssyncadd.s32 $0xFFFFFF80  }
0x33a: {  	_ =	swait.ge [sflag:s1], $0x80  }
0x33b: {  	[sflag:s1] =	ssyncset.done $0x0  }
0x33c: {  	[sflag:s1] =	ssyncadd.s32 $0xFFFFFF80  }
0x33d: {  	_ =	swait.ge [sflag:s1], $0x80  }
0x33e: {  	[sflag:s1] =	ssyncset.done $0x0  }
0x33f: {  	[sflag:s1] =	ssyncadd.s32 $0xFFFFFF80  }
0x340: {  	_ =	swait.ge [sflag:s1], $0x80  }
0x341: {  	[sflag:s1] =	ssyncset.done $0x0  }
0x342: {  	[sflag:s1] =	ssyncadd.s32 $0xFFFFFF80  }
0x343: {  	_ =	swait.ge [sflag:s1], $0x80  }
0x344: {  	[sflag:s1] =	ssyncset.done $0x0  }
0x345: {  	[sflag:s1] =	ssyncadd.s32 $0xFFFFFF80  }
0x346: {  	_ =	swait.ge [sflag:s1], $0x80  }
0x347: {  	[sflag:s1] =	ssyncset.done $0x0  }
0x348: {  	[sflag:s1] =	ssyncadd.s32 $0xFFFFFF80  }
0x349: {  	_ =	swait.ge [sflag:s1], $0x80  }
0x34a: {  	[sflag:s1] =	ssyncset.done $0x0  }
0x34b: {  	[sflag:s1] =	ssyncadd.s32 $0xFFFFFF80  }
0x34c: {  	_ =	swait.ge [sflag:s1], $0x80  }
0x34d: {  	[sflag:s1] =	ssyncset.done $0x0  }
0x34e: {  	[sflag:s1] =	ssyncadd.s32 $0xFFFFFF80  }
0x34f: {  	_ =	swait.ge [sflag:s1], $0x80  }
0x350: {  	[sflag:s1] =	ssyncset.done $0x0  }
0x351: {  	[sflag:s1] =	ssyncadd.s32 $0xFFFFFF80  }
0x352: {  	_ =	swait.ge [sflag:s1], $0x80  }
0x353: {  	[sflag:s1] =	ssyncset.done $0x0  }
0x354: {  	[sflag:s1] =	ssyncadd.s32 $0xFFFFFF80  }
0x355: {  	_ =	swait.ge [sflag:s1], $0x80  }
0x356: {  	[sflag:s1] =	ssyncset.done $0x0  }
0x357: {  	[sflag:s1] =	ssyncadd.s32 $0xFFFFFF80  }
0x358: {  	_ =	swait.ge [sflag:s1], $0x80  }
0x359: {  	[sflag:s1] =	ssyncset.done $0x0  }
0x35a: {  	[sflag:s1] =	ssyncadd.s32 $0xFFFFFF80  }
0x35b: {  	_ =	swait.ge [sflag:s1], $0x80  }
0x35c: {  	[sflag:s1] =	ssyncset.done $0x0  }
0x35d: {  	[sflag:s1] =	ssyncadd.s32 $0xFFFFFF80  }
0x35e: {  	_ =	swait.ge [sflag:s1], $0x80  }
0x35f: {  	[sflag:s1] =	ssyncset.done $0x0  }
0x360: {  	[sflag:s1] =	ssyncadd.s32 $0xFFFFFF80  }
0x361: {  	_ =	swait.ge [sflag:s1], $0x80  }
0x362: {  	[sflag:s1] =	ssyncset.done $0x0  }
0x363: {  	[sflag:s1] =	ssyncadd.s32 $0xFFFFFF80  }
0x364: {  	_ =	swait.ge [sflag:s1], $0x80  }
0x365: {  	[sflag:s1] =	ssyncset.done $0x0  }
0x366: {  	[sflag:s1] =	ssyncadd.s32 $0xFFFFFF80  }
0x367: {  	_ =	swait.ge [sflag:s1], $0x80  }
0x368: {  	[sflag:s1] =	ssyncset.done $0x0  }
0x369: {  	[sflag:s1] =	ssyncadd.s32 $0xFFFFFF80  }
0x36a: {  	_ =	swait.ge [sflag:s1], $0x80  }
0x36b: {  	[sflag:s1] =	ssyncset.done $0x0  }
0x36c: {  	[sflag:s1] =	ssyncadd.s32 $0xFFFFFF80  }
0x36d: {  	_ =	swait.ge [sflag:s1], $0x80  }
0x36e: {  	[sflag:s1] =	ssyncset.done $0x0  }
0x36f: {  	[sflag:s1] =	ssyncadd.s32 $0xFFFFFF80  }
0x370: {  	_ =	swait.ge [sflag:s1], $0x80  }
0x371: {  	[sflag:s1] =	ssyncset.done $0x0  }
0x372: {  	[sflag:s1] =	ssyncadd.s32 $0xFFFFFF80  }
0x373: {  	_ =	swait.ge [sflag:s1], $0x80  }
0x374: {  	[sflag:s1] =	ssyncset.done $0x0  }
0x375: {  	[sflag:s1] =	ssyncadd.s32 $0xFFFFFF80  }
0x376: {  	_ =	swait.ge [sflag:s1], $0x80  }
0x377: {  	[sflag:s1] =	ssyncset.done $0x0  }
0x378: {  	[sflag:s1] =	ssyncadd.s32 $0xFFFFFF80  }
0x379: {  	_ =	swait.ge [sflag:s1], $0x80  }
0x37a: {  	[sflag:s1] =	ssyncset.done $0x0  }
0x37b: {  	[sflag:s1] =	ssyncadd.s32 $0xFFFFFF80  }
0x37c: {  	_ =	swait.ge [sflag:s1], $0x80  }
0x37d: {  	[sflag:s1] =	ssyncset.done $0x0  }
0x37e: {  	[sflag:s1] =	ssyncadd.s32 $0xFFFFFF80  }
0x37f: {  	_ =	swait.ge [sflag:s1], $0x80  }
0x380: {  	[sflag:s1] =	ssyncset.done $0x0  }
0x381: {  	[sflag:s1] =	ssyncadd.s32 $0xFFFFFF80  }
0x382: {  	_ =	swait.ge [sflag:s1], $0x80  }
0x383: {  	[sflag:s1] =	ssyncset.done $0x0  }
0x384: {  	[sflag:s1] =	ssyncadd.s32 $0xFFFFFF80  }
0x385: {  	_ =	swait.ge [sflag:s1], $0x80  }
0x386: {  	[sflag:s1] =	ssyncset.done $0x0  }
0x387: {  	[sflag:s1] =	ssyncadd.s32 $0xFFFFFF80  }
0x388: {  	_ =	swait.ge [sflag:s1], $0x80  }
0x389: {  	[sflag:s1] =	ssyncset.done $0x0  }
0x38a: {  	[sflag:s1] =	ssyncadd.s32 $0xFFFFFF80  }
0x38b: {  	_ =	swait.ge [sflag:s1], $0x80  }
0x38c: {  	[sflag:s1] =	ssyncset.done $0x0  }
0x38d: {  	[sflag:s1] =	ssyncadd.s32 $0xFFFFFF80  }
0x38e: {  	_ =	swait.ge [sflag:s1], $0x80  }
0x38f: {  	[sflag:s1] =	ssyncset.done $0x0  }
0x390: {  	[sflag:s1] =	ssyncadd.s32 $0xFFFFFF80  }
0x391: {  	_ =	swait.ge [sflag:s1], $0x80  }
0x392: {  	[sflag:s1] =	ssyncset.done $0x0  }
0x393: {  	[sflag:s1] =	ssyncadd.s32 $0xFFFFFF80  }
0x394: {  	_ =	swait.ge [sflag:s1], $0x80  }
0x395: {  	[sflag:s1] =	ssyncset.done $0x0  }
0x396: {  	[sflag:s1] =	ssyncadd.s32 $0xFFFFFF80  }
0x397: {  	_ =	swait.ge [sflag:s1], $0x80  }
0x398: {  	[sflag:s1] =	ssyncset.done $0x0  }
0x399: {  	[sflag:s1] =	ssyncadd.s32 $0xFFFFFF80  }
0x39a: {  	_ =	swait.ge [sflag:s1], $0x80  }
0x39b: {  	[sflag:s1] =	ssyncset.done $0x0  }
0x39c: {  	[sflag:s1] =	ssyncadd.s32 $0xFFFFFF80  }
0x39d: {  	_ =	swait.ge [sflag:s1], $0x80  }
0x39e: {  	[sflag:s1] =	ssyncset.done $0x0  }
0x39f: {  	[sflag:s1] =	ssyncadd.s32 $0xFFFFFF80  }
0x3a0: {  	_ =	swait.ge [sflag:s1], $0x80  }
0x3a1: {  	[sflag:s1] =	ssyncset.done $0x0  }
0x3a2: {  	[sflag:s1] =	ssyncadd.s32 $0xFFFFFF80  }
0x3a3: {  	_ =	swait.ge [sflag:s1], $0x80  }
0x3a4: {  	[sflag:s1] =	ssyncset.done $0x0  }
0x3a5: {  	[sflag:s1] =	ssyncadd.s32 $0xFFFFFF80  }
0x3a6: {  	_ =	swait.ge [sflag:s1], $0x80  }
0x3a7: {  	[sflag:s1] =	ssyncset.done $0x0  }
0x3a8: {  	[sflag:s1] =	ssyncadd.s32 $0xFFFFFF80  }
0x3a9: {  	_ =	swait.ge [sflag:s1], $0x80  }
0x3aa: {  	[sflag:s1] =	ssyncset.done $0x0  }
0x3ab: {  	[sflag:s1] =	ssyncadd.s32 $0xFFFFFF80  }
0x3ac: {  	_ =	swait.ge [sflag:s1], $0x80  }
0x3ad: {  	[sflag:s1] =	ssyncset.done $0x0  }
0x3ae: {  	[sflag:s1] =	ssyncadd.s32 $0xFFFFFF80  }
0x3af: {  	_ =	swait.ge [sflag:s1], $0x80  }
0x3b0: {  	[sflag:s1] =	ssyncset.done $0x0  }
0x3b1: {  	[sflag:s1] =	ssyncadd.s32 $0xFFFFFF80  }
0x3b2: {  	_ =	swait.ge [sflag:s1], $0x80  }
0x3b3: {  	[sflag:s1] =	ssyncset.done $0x0  }
0x3b4: {  	[sflag:s1] =	ssyncadd.s32 $0xFFFFFF80  }
0x3b5: {  	_ =	swait.ge [sflag:s1], $0x80  }
0x3b6: {  	[sflag:s1] =	ssyncset.done $0x0  }
0x3b7: {  	[sflag:s1] =	ssyncadd.s32 $0xFFFFFF80  }
0x3b8: {  	_ =	swait.ge [sflag:s1], $0x80  }
0x3b9: {  	[sflag:s1] =	ssyncset.done $0x0  }
0x3ba: {  	[sflag:s1] =	ssyncadd.s32 $0xFFFFFF80  }
0x3bb: {  	_ =	swait.ge [sflag:s1], $0x80  }
0x3bc: {  	[sflag:s1] =	ssyncset.done $0x0  }
0x3bd: {  	[sflag:s1] =	ssyncadd.s32 $0xFFFFFF80  }
0x3be: {  	_ =	swait.ge [sflag:s1], $0x80  }
0x3bf: {  	[sflag:s1] =	ssyncset.done $0x0  }
0x3c0: {  	[sflag:s1] =	ssyncadd.s32 $0xFFFFFF80  }
0x3c1: {  	_ =	swait.ge [sflag:s1], $0x80  }
0x3c2: {  	[sflag:s1] =	ssyncset.done $0x0  }
0x3c3: {  	[sflag:s1] =	ssyncadd.s32 $0xFFFFFF80  }
0x3c4: {  	_ =	swait.ge [sflag:s1], $0x80  }
0x3c5: {  	[sflag:s1] =	ssyncset.done $0x0  }
0x3c6: {  	[sflag:s1] =	ssyncadd.s32 $0xFFFFFF80  }
0x3c7: {  	_ =	swait.ge [sflag:s1], $0x80  }
0x3c8: {  	[sflag:s1] =	ssyncset.done $0x0  }
0x3c9: {  	[sflag:s1] =	ssyncadd.s32 $0xFFFFFF80  }
0x3ca: {  	_ =	swait.ge [sflag:s1], $0x80  }
0x3cb: {  	[sflag:s1] =	ssyncset.done $0x0  }
0x3cc: {  	[sflag:s1] =	ssyncadd.s32 $0xFFFFFF80  }
0x3cd: {  	_ =	swait.ge [sflag:s1], $0x80  }
0x3ce: {  	[sflag:s1] =	ssyncset.done $0x0  }
0x3cf: {  	[sflag:s1] =	ssyncadd.s32 $0xFFFFFF80  }
0x3d0: {  	_ =	swait.ge [sflag:s1], $0x80  }
0x3d1: {  	[sflag:s1] =	ssyncset.done $0x0  }
0x3d2: {  	[sflag:s1] =	ssyncadd.s32 $0xFFFFFF80  }
0x3d3: {  	_ =	swait.ge [sflag:s1], $0x80  }
0x3d4: {  	[sflag:s1] =	ssyncset.done $0x0  }
0x3d5: {  	[sflag:s1] =	ssyncadd.s32 $0xFFFFFF80  }
0x3d6: {  	_ =	swait.ge [sflag:s1], $0x80  }
0x3d7: {  	[sflag:s1] =	ssyncset.done $0x0  }
0x3d8: {  	[sflag:s1] =	ssyncadd.s32 $0xFFFFFF80  }
0x3d9: {  	_ =	swait.ge [sflag:s1], $0x80  }
0x3da: {  	[sflag:s1] =	ssyncset.done $0x0  }
0x3db: {  	[sflag:s1] =	ssyncadd.s32 $0xFFFFFF80  }
0x3dc: {  	_ =	swait.ge [sflag:s1], $0x80  }
0x3dd: {  	[sflag:s1] =	ssyncset.done $0x0  }
0x3de: {  	[sflag:s1] =	ssyncadd.s32 $0xFFFFFF80  }
0x3df: {  	_ =	swait.ge [sflag:s1], $0x80  }
0x3e0: {  	[sflag:s1] =	ssyncset.done $0x0  }
0x3e1: {  	[sflag:s1] =	ssyncadd.s32 $0xFFFFFF80  }
0x3e2: {  	_ =	swait.ge [sflag:s1], $0x80  }
0x3e3: {  	[sflag:s1] =	ssyncset.done $0x0  }
0x3e4: {  	[sflag:s1] =	ssyncadd.s32 $0xFFFFFF80  }
0x3e5: {  	_ =	swait.ge [sflag:s1], $0x80  }
0x3e6: {  	p0 =	sne.s32 s4, $0x1;
	[sflag:s1] =	ssyncset.done $0x0  }
.Ltmp0:
0x3e7: {  	s11 =	rddreg [dreg:$0x3];
	[sflag:s1] =	ssyncadd.s32 $0xFFFFFF80;
	(pc) =	sbr.rel @p0 .LBB2_1-.Ltmp0, $4  }
0x3e8: {  	[hbm4b:s11+s5] =	stream.strided.scatter [tilespmem:s8], [sflag:$0x2], $0x4000, s6, s5, $0x38;
	[tilespmem:$0x8000] =	vst v63  }
0x3e9: {  	_ =	swait.ge [sflag:s7], $0x4000  }
0x3ea: {  	[sflag:s7] =	ssyncset.done $0x0  }
0x3eb: {  	s4 =	sadd.s32 $0xFFFFFFFF, s4;
	[sflag:s7] =	ssyncadd.s32 $0xFFFFC000  }
0x3ec: {  	_ =	sfence.sel $0x180000  }
0x3ed: {  	[bflag:$0x0] =	sbarrier.arrive $0xFFFF  }
0x3ee: {  	_ =	strace $0x90000047  }
0x3ef: {  	s0 =	stileid.u32;
	[bflag:$0x2] =	sbarrier.arrive $0xFFFF  }
0x3f0: {  	p0 =	sne.s32 s0, $0x0;
	s0 =	rddreg [dreg:$0x1]  }
0x3f1: {  	s0 =	sadd.s32 @!p0 $0x100000, s0  }
0x3f2: {  	[sflag:s0] =	ssyncadd.tile.s32 @!p0 $0x1;
	_ =	shalt  }
.Lfunc_end2:
_tile_overlayer_lowered:
.L_overlay_start_2:
0x3f3: {  	(tag) =	ssettag $0x2  }
0x3f4: {  	s0 =	rddreg [dreg:$0x0];
	s2 =	stileid.u32  }
0x3f5: {  	s1 =	rddreg [dreg:$0x1];
	p0 =	sne.s32 s2, $0x0  }
0x3f6: {  	s3 =	rddreg [dreg:$0x2];
	[bflag:$0x3] =	sbarrier.arrive $0xFFFF;
	s2 =	simm.s32 @!p0 $0x1C02  }
0x3f7: {  	[timem:s3], [sflag:s2] =	dma.local @!p0 [hbm:s0], s1  }
0x3f8: {  	s0 =	simm.s32 @!p0 $0x2  }
0x3f9: {  	_ =	swait.ge @!p0 [sflag:s0], s1  }
0x3fa: {  	s1 =	ssub.s32 @!p0 $0x0, s1;
	[sflag:s0] =	ssyncset.done @!p0 $0x0  }
0x3fb: {  	[sflag:s0] =	ssyncadd.s32 @!p0 s1  }
0x3fc: {  	[bflag:$0x3] =	sbarrier.arrive $0xFFFF  }
0x3fd: {  	_ =	shalt  }

</sc_bundles>
